<compile_context>
chip_gen: v7x
topology: tpu7x:2x2x1
jax: 0.10.2.dev20260603
libtpu: 0.0.44.dev20260713+nightly
codegen_flags: <defaults>
</compile_context>

<pallas_src>
import functools

import jax
import jax.numpy as jnp
from jax import lax
from jax.experimental import pallas as pl
from jax.experimental.pallas import tpu as pltpu
from jax.experimental.pallas import tpu_sc as plsc

NC = 2
NS = 16
K = 128
BN = 1000


def _sc_mesh():
  return plsc.VectorSubcoreMesh(core_axis_name="c", subcore_axis_name="s")


_DEG_CH = 1024


def _deg_body(npad, epad, dst_hbm, out_hbm, didx, hist):
  c = lax.axis_index("c")
  s = lax.axis_index("s")
  rpt = npad // NS
  half = epad // NC
  zero = jnp.zeros((16,), jnp.float32)
  ones16 = jnp.ones((16,), jnp.float32)
  lane = jnp.arange(16, dtype=jnp.int32)
  base = s * rpt

  def zrow(i, _):
    hist[i, :] = zero
    return 0
  lax.fori_loop(0, rpt, zrow, 0)

  def chunk(k, _):
    pltpu.sync_copy(dst_hbm.at[pl.ds(c * half + k * _DEG_CH, _DEG_CH)], didx)

    def inner(i, _):
      d = didx[pl.ds(i * 16, 16)]
      local = d - base
      m = (local >= 0) & (local < rpt)
      local = jnp.where(m, local, 0)
      plsc.addupdate_scatter(hist, [local, lane], ones16, mask=m)
      return 0
    lax.fori_loop(0, _DEG_CH // 16, inner, 0)
    return 0
  lax.fori_loop(0, half // _DEG_CH, chunk, 0)
  pltpu.sync_copy(hist, out_hbm.at[c, pl.ds(base, rpt)])


def _sc_degree(dst_p, npad, epad):
  kern = pl.kernel(
      functools.partial(_deg_body, npad, epad),
      out_type=jax.ShapeDtypeStruct((NC, npad, 16), jnp.float32),
      mesh=_sc_mesh(),
      scratch_types=[
          pltpu.VMEM((_DEG_CH,), jnp.int32),
          pltpu.VMEM((npad // NS, 16), jnp.float32),
      ],
      compiler_params=pltpu.CompilerParams(needs_layout_passes=False),
  )
  return kern(dst_p)


def _dred_body(h_ref, out_ref):
  deg = jnp.sum(h_ref[...], axis=(0, 2)) + 1.0
  dinv = lax.rsqrt(deg).reshape(-1, 1)
  out_ref[...] = jnp.broadcast_to(dinv, (dinv.shape[0], 8))


def _tc_deg_reduce(degp, npad):
  bn = 1264
  grid_spec = pl.GridSpec(
      grid=(npad // bn,),
      in_specs=[pl.BlockSpec((NC, bn, 16), lambda i: (0, i, 0))],
      out_specs=pl.BlockSpec((bn, 8), lambda i: (i, 0)),
  )
  return pl.pallas_call(
      _dred_body, grid_spec=grid_spec,
      out_shape=jax.ShapeDtypeStruct((npad, 8), jnp.float32))(degp)


def _agg_body(npad, nchunks, src_hbm, dst_hbm, t0, t1, t2, t3,
              o0, o1, o2, o3, sidx0, sidx1, didx0, didx1, rows0, rows1,
              zbuf, aggsp, sem0, sem1):
  c = lax.axis_index("c")
  s = lax.axis_index("s")
  wid = c * NS + s
  rows_per_tile = npad // NS
  zero = jnp.zeros((16,), jnp.float32)
  ebase = wid * nchunks * K
  last = nchunks - 1

  def zrow(i, _):
    for j in range(8):
      zbuf[i, pl.ds(j * 16, 16)] = zero
    return 0
  lax.fori_loop(0, K, zrow, 0)

  for tbl, out in ((t0, o0), (t1, o1), (t2, o2), (t3, o3)):
    for r in range(rows_per_tile // K):
      pltpu.sync_copy(zbuf, aggsp.at[pl.ds(s * rows_per_tile + r * K, K)])
    rem = rows_per_tile % K
    if rem:
      pltpu.sync_copy(
          zbuf.at[pl.ds(0, rem)],
          aggsp.at[pl.ds(s * rows_per_tile + (rows_per_tile // K) * K, rem)])
    plsc.subcore_barrier()

    pltpu.sync_copy(src_hbm.at[pl.ds(ebase, K)], sidx0)
    pltpu.async_copy(tbl.at[sidx0], rows0, sem0)

    def body(p, _):
      k0 = 2 * p
      k1 = 2 * p + 1
      k2 = jnp.minimum(k1 + 1, last)
      pltpu.sync_copy(src_hbm.at[pl.ds(ebase + k1 * K, K)], sidx1)
      g1 = pltpu.async_copy(tbl.at[sidx1], rows1, sem1)
      pltpu.make_async_copy(tbl.at[sidx0], rows0, sem0).wait()
      pltpu.sync_copy(dst_hbm.at[pl.ds(ebase + k0 * K, K)], didx0)
      pltpu.sync_copy(src_hbm.at[pl.ds(ebase + k2 * K, K)], sidx0)
      pltpu.async_copy(tbl.at[sidx0], rows0, sem0)
      pltpu.sync_copy(rows0, aggsp.at[didx0], add=True)
      g1.wait()
      pltpu.sync_copy(dst_hbm.at[pl.ds(ebase + k1 * K, K)], didx1)
      pltpu.sync_copy(rows1, aggsp.at[didx1], add=True)
      return 0
    lax.fori_loop(0, nchunks // 2, body, 0)
    pltpu.make_async_copy(tbl.at[sidx0], rows0, sem0).wait()
    plsc.subcore_barrier()
    pltpu.sync_copy(aggsp.at[pl.ds(s * rows_per_tile, rows_per_tile)],
                    out.at[c, pl.ds(s * rows_per_tile, rows_per_tile)])
    plsc.subcore_barrier()


def _sc_edge_agg(src_r, dst_r, tables, npad, nchunks):
  pshape = jax.ShapeDtypeStruct((NC, npad, 128), jnp.float32)
  kern = pl.kernel(
      functools.partial(_agg_body, npad, nchunks),
      out_type=[pshape] * 4,
      mesh=_sc_mesh(),
      scratch_types=[
          pltpu.VMEM((K,), jnp.int32),
          pltpu.VMEM((K,), jnp.int32),
          pltpu.VMEM((K,), jnp.int32),
          pltpu.VMEM((K,), jnp.int32),
          pltpu.VMEM((K, 128), jnp.float32),
          pltpu.VMEM((K, 128), jnp.float32),
          pltpu.VMEM((K, 128), jnp.float32),
          pltpu.VMEM_SHARED((npad, 128), jnp.float32),
          pltpu.SemaphoreType.DMA,
          pltpu.SemaphoreType.DMA,
      ],
  )
  return kern(src_r, dst_r, *tables)


def _mm1_body(x_ref, dv_ref, w_ref, *outs):
  dinv = dv_ref[:, 0:1]
  for c in range(4):
    for l in range(2):
      g = jnp.dot(x_ref[2 * c + l], w_ref[...],
                  preferred_element_type=jnp.float32)
      outs[c][:, l * 64:(l + 1) * 64] = g * dinv


def _tc_mm1(xr, dinv8, W_g1, n, npad):
  nblk = n // BN
  out = jax.ShapeDtypeStruct((npad, 128), jnp.float32)
  grid_spec = pl.GridSpec(
      grid=(nblk,),
      in_specs=[
          pl.BlockSpec((8, BN, 128), lambda i: (0, i, 0)),
          pl.BlockSpec((BN, 8), lambda i: (i, 0)),
          pl.BlockSpec((128, 64), lambda i: (0, 0)),
      ],
      out_specs=[pl.BlockSpec((BN, 128), lambda i: (i, 0))] * 4,
  )
  return pl.pallas_call(_mm1_body, grid_spec=grid_spec,
                        out_shape=[out] * 4)(xr, dinv8, W_g1)


def _mm2_body(dv_ref, p0, p1, p2, p3, t0, t1, t2, t3, b1_ref, w_ref,
              o0, o1, o2, o3):
  dinv = dv_ref[:, 0:1]
  b1rep = jnp.concatenate([b1_ref[...], b1_ref[...]], axis=1)
  ps = (p0, p1, p2, p3)
  ts = (t0, t1, t2, t3)
  outs = (o0, o1, o2, o3)
  for c in range(4):
    h1 = jax.nn.relu((ps[c][0] + ps[c][1] + ts[c][...]) * dinv + b1rep)
    for l in range(2):
      g = jnp.dot(h1[:, l * 64:(l + 1) * 64], w_ref[...],
                  preferred_element_type=jnp.float32)
      outs[c][:, l * 64:(l + 1) * 64] = g * dinv


def _tc_mm2(dinv8, parts, tabs, b_g1, W_g2, n, npad):
  nblk = n // BN
  out = jax.ShapeDtypeStruct((npad, 128), jnp.float32)
  grid_spec = pl.GridSpec(
      grid=(nblk,),
      in_specs=(
          [pl.BlockSpec((BN, 8), lambda i: (i, 0))]
          + [pl.BlockSpec((NC, BN, 128), lambda i: (0, i, 0))] * 4
          + [pl.BlockSpec((BN, 128), lambda i: (i, 0))] * 4
          + [pl.BlockSpec((1, 64), lambda i: (0, 0)),
             pl.BlockSpec((64, 64), lambda i: (0, 0))]
      ),
      out_specs=[pl.BlockSpec((BN, 128), lambda i: (i, 0))] * 4,
  )
  return pl.pallas_call(_mm2_body, grid_spec=grid_spec,
                        out_shape=[out] * 4)(
                            dinv8, *parts, *tabs, b_g1.reshape(1, 64), W_g2)


def _lstm_body(dv_ref, q0, q1, q2, q3, u0, u1, u2, u3, b2_ref,
               wih_ref, whh_ref, bsum_ref, wlin_ref, blin_ref, out_ref):
  dinv = dv_ref[:, 0:1]
  b2rep = jnp.concatenate([b2_ref[...], b2_ref[...]], axis=1)
  qs = (q0, q1, q2, q3)
  us = (u0, u1, u2, u3)
  xs = []
  for c in range(4):
    h2 = (qs[c][0] + qs[c][1] + us[c][...]) * dinv + b2rep
    xs.append(h2[:, :64])
    xs.append(h2[:, 64:])
  h = jnp.zeros((2 * BN, 64), jnp.float32)
  cc = jnp.zeros((2 * BN, 64), jnp.float32)
  wih = wih_ref[...]
  whh = whh_ref[...]
  bsum = bsum_ref[...]
  for t in range(4):
    xt = jnp.concatenate([xs[t], xs[4 + t]], axis=0)
    gates = (jnp.dot(xt, wih, preferred_element_type=jnp.float32)
             + jnp.dot(h, whh, preferred_element_type=jnp.float32) + bsum)
    i = jax.nn.sigmoid(gates[:, :64])
    f = jax.nn.sigmoid(gates[:, 64:128])
    g = jnp.tanh(gates[:, 128:192])
    o = jax.nn.sigmoid(gates[:, 192:256])
    cc = f * cc + i * g
    h = o * jnp.tanh(cc)
  res = jnp.dot(h, wlin_ref[...], preferred_element_type=jnp.float32)
  res = res + blin_ref[...]
  out_ref[...] = res.reshape(2, BN, 128)


def _tc_lstm(dinv8, parts, tabs, b_g2, W_ihT, W_hhT, bsum, W_linp, blinp, n):
  nblk = n // BN
  out = jax.ShapeDtypeStruct((2, n, 128), jnp.float32)
  grid_spec = pl.GridSpec(
      grid=(nblk,),
      in_specs=(
          [pl.BlockSpec((BN, 8), lambda i: (i, 0))]
          + [pl.BlockSpec((NC, BN, 128), lambda i: (0, i, 0))] * 4
          + [pl.BlockSpec((BN, 128), lambda i: (i, 0))] * 4
          + [pl.BlockSpec((1, 64), lambda i: (0, 0)),
             pl.BlockSpec((64, 256), lambda i: (0, 0)),
             pl.BlockSpec((64, 256), lambda i: (0, 0)),
             pl.BlockSpec((1, 256), lambda i: (0, 0)),
             pl.BlockSpec((64, 128), lambda i: (0, 0)),
             pl.BlockSpec((1, 128), lambda i: (0, 0))]
      ),
      out_specs=[pl.BlockSpec((2, BN, 128), lambda i: (0, i, 0))],
  )
  return pl.pallas_call(_lstm_body, grid_spec=grid_spec,
                        out_shape=[out])(
                            dinv8, *parts, *tabs, b_g2.reshape(1, 64),
                            W_ihT, W_hhT, bsum, W_linp, blinp)[0]


def kernel(x, W_g1, b_g1, W_g2, b_g2, W_ih, W_hh, b_ih, b_hh, W_lin, b_lin,
           edge_index):
  B, T, N, CIN = x.shape
  E = edge_index.shape[1]
  npad = ((N + 1 + 127) // 128) * 128
  lanes = NC * NS
  epad = ((E + K * lanes - 1) // (K * lanes)) * (K * lanes)
  nchunks = epad // (K * lanes)

  pad = jnp.full((epad - E,), N, dtype=jnp.int32)
  pad_dst = N + (jnp.arange(epad - E, dtype=jnp.int32) % (npad - N))
  src_p = jnp.concatenate([edge_index[0], pad])
  dst_p = jnp.concatenate([edge_index[1], pad_dst])
  xr = x.reshape(B * T, N, CIN)

  degp = _sc_degree(dst_p, npad, epad)
  dinv8 = _tc_deg_reduce(degp, npad)
  tabs1 = _tc_mm1(xr, dinv8, W_g1, N, npad)
  parts1 = _sc_edge_agg(src_p, dst_p, tabs1, npad, nchunks)
  tabs2 = _tc_mm2(dinv8, parts1, tabs1, b_g1, W_g2, N, npad)
  parts2 = _sc_edge_agg(src_p, dst_p, tabs2, npad, nchunks)

  W_linp = jnp.pad(W_lin, ((0, 0), (0, 127)))
  blinp = jnp.pad(b_lin.reshape(1, 1), ((0, 0), (0, 127)))
  bsum = (b_ih + b_hh).reshape(1, 256)
  res = _tc_lstm(dinv8, parts2, tabs2, b_g2, W_ih.T, W_hh.T, bsum,
                 W_linp, blinp, N)
  return res[:, :, :1]

# --- scband reference (transcript-rebuilt; emitter-appended) ---
"""Pipeline reference for scband-stgcn-52664888983571 (READ-ONLY COPY).

The authoritative reference and input builder live on the scoring server;
editing this copy changes nothing except your own understanding.
"""

import jax, jax.numpy as jnp
import numpy as np

N = 10000
E = 160000
B = 2
T = 4
CIN = 128
HG = 64
HL = 64
COUT = 1

def setup_inputs(seed: int = 0) -> dict:
    key = jax.random.key(seed)
    ks = jax.random.split(key, 12)
    x = jax.random.normal(ks[0], (B, T, N, CIN), dtype=jnp.float32)
    edge_index = jax.random.randint(ks[1], (2, E), 0, N, dtype=jnp.int32)
    W_g1 = jax.random.normal(ks[2], (CIN, HG), dtype=jnp.float32) / np.sqrt(CIN)
    b_g1 = jnp.zeros((HG,), jnp.float32)
    W_g2 = jax.random.normal(ks[3], (HG, HG), dtype=jnp.float32) / np.sqrt(HG)
    b_g2 = jnp.zeros((HG,), jnp.float32)
    W_ih = jax.random.normal(ks[4], (4 * HL, HG), dtype=jnp.float32) / np.sqrt(HG)
    W_hh = jax.random.normal(ks[5], (4 * HL, HL), dtype=jnp.float32) / np.sqrt(HL)
    b_ih = jnp.zeros((4 * HL,), jnp.float32)
    b_hh = jnp.zeros((4 * HL,), jnp.float32)
    W_lin = jax.random.normal(ks[6], (HL, COUT), dtype=jnp.float32) / np.sqrt(HL)
    b_lin = jnp.zeros((COUT,), jnp.float32)
    return {"x": x, "W_g1": W_g1, "b_g1": b_g1, "W_g2": W_g2, "b_g2": b_g2,
            "W_ih": W_ih, "W_hh": W_hh, "b_ih": b_ih, "b_hh": b_hh,
            "W_lin": W_lin, "b_lin": b_lin, "edge_index": edge_index}

def reference(x, W_g1, b_g1, W_g2, b_g2, W_ih, W_hh, b_ih, b_hh, W_lin, b_lin, edge_index):
    Bb, Tt, Nn, Cin = x.shape
    # GCNConv normalization with self-loops (PyG semantics)
    loop = jnp.arange(Nn, dtype=edge_index.dtype)
    src = jnp.concatenate([edge_index[0], loop])
    dst = jnp.concatenate([edge_index[1], loop])
    deg = jnp.zeros((Nn,), jnp.float32).at[dst].add(jnp.float32(1.0))
    dinv = jnp.where(deg > 0, 1.0 / jnp.sqrt(deg), 0.0).astype(jnp.float32)
    norm = dinv[src] * dinv[dst]

    def gcn(h, W, b):
        hw = h @ W  # [BT, N, H]
        msg = (hw[:, src, :] * norm[None, :, None]).astype(h.dtype)
        agg = jnp.zeros((h.shape[0], Nn, W.shape[1]), h.dtype).at[:, dst, :].add(msg)
        return agg + b

    h = x.reshape(Bb * Tt, Nn, Cin)
    h = jax.nn.relu(gcn(h, W_g1, b_g1))
    h = gcn(h, W_g2, b_g2)
    h = h.reshape(Bb, Tt, Nn, -1).transpose(0, 2, 1, 3).reshape(Bb * Nn, Tt, -1)

    Hl = W_hh.shape[1]
    BN = h.shape[0]

    def step(carry, xt):
        hprev, cprev = carry
        gates = xt @ W_ih.T + hprev @ W_hh.T + b_ih + b_hh
        i, f, g, o = jnp.split(gates, 4, axis=-1)
        i = jax.nn.sigmoid(i)
        f = jax.nn.sigmoid(f)
        g = jnp.tanh(g)
        o = jax.nn.sigmoid(o)
        c = f * cprev + i * g
        hn = o * jnp.tanh(c)
        return (hn.astype(hprev.dtype), c.astype(cprev.dtype)), hn

    init = (jnp.zeros((BN, Hl), h.dtype), jnp.zeros((BN, Hl), h.dtype))
    (hlast, _), _ = jax.lax.scan(step, init, jnp.swapaxes(h, 0, 1))
    out = hlast @ W_lin + b_lin
    return out.reshape(Bb, Nn, -1)

if __name__ == "__main__":
    import jax
    _d = setup_inputs()
    print(jax.jit(kernel)(*tuple(_d.values())))

</pallas_src>

<mosaic_0001>
#map = affine_map<(d0, d1) -> (0)>
#map1 = affine_map<(d0, d1) -> (0, 0)>
#map2 = affine_map<(d0, d1) -> (0, 0, 0)>
module attributes {stable_mosaic.version = 14 : i64} {
  func.func @_agg_body(%arg0: i32, %arg1: i32, %arg2: memref<163840xi32, #tpu.memory_space<hbm>>, %arg3: memref<163840xi32, #tpu.memory_space<hbm>>, %arg4: memref<10112x128xf32, #tpu.memory_space<hbm>>, %arg5: memref<10112x128xf32, #tpu.memory_space<hbm>>, %arg6: memref<10112x128xf32, #tpu.memory_space<hbm>>, %arg7: memref<10112x128xf32, #tpu.memory_space<hbm>>, %arg8: memref<2x10112x128xf32, #tpu.memory_space<hbm>>, %arg9: memref<2x10112x128xf32, #tpu.memory_space<hbm>>, %arg10: memref<2x10112x128xf32, #tpu.memory_space<hbm>>, %arg11: memref<2x10112x128xf32, #tpu.memory_space<hbm>>, %arg12: memref<128xi32, #tpu.memory_space<vmem>>, %arg13: memref<128xi32, #tpu.memory_space<vmem>>, %arg14: memref<128xi32, #tpu.memory_space<vmem>>, %arg15: memref<128xi32, #tpu.memory_space<vmem>>, %arg16: memref<128x128xf32, #tpu.memory_space<vmem>>, %arg17: memref<128x128xf32, #tpu.memory_space<vmem>>, %arg18: memref<128x128xf32, #tpu.memory_space<vmem>>, %arg19: memref<10112x128xf32, #tpu.memory_space<vmem_shared>>, %arg20: memref<!tpu.dma_semaphore, #tpu.memory_space<semaphore_mem>>, %arg21: memref<!tpu.dma_semaphore, #tpu.memory_space<semaphore_mem>>) attributes {dimension_semantics = [#tpu.dimension_semantics<core_parallel>, #tpu.dimension_semantics<subcore_parallel>], iteration_bounds = array<i64: 2, 16>, scalar_prefetch = 0 : i64, scratch_operands = 10 : i64, tpu.core_type = #tpu.core_type<sc_vector_subcore>, window_params = [{transform_indices = #map}, {transform_indices = #map}, {transform_indices = #map1}, {transform_indices = #map1}, {transform_indices = #map1}, {transform_indices = #map1}, {transform_indices = #map2}, {transform_indices = #map2}, {transform_indices = #map2}, {transform_indices = #map2}]} {
    %mul3A = arith.constant 16 : i32
    %mul3A_0 = arith.muli %arg0, %mul3A : i32
    %add3A = arith.addi %mul3A_0, %arg1 : i32
    %broadcast_in_dim3A = arith.constant 0.000000e+00 : f32
    %broadcast_in_dim3A_1 = vector.broadcast %broadcast_in_dim3A : f32 to vector<16xf32>
    %mul3A_2 = arith.constant 40 : i32
    %mul3A_3 = arith.muli %add3A, %mul3A_2 : i32
    %mul3A_4 = arith.constant 128 : i32
    %mul3A_5 = arith.muli %mul3A_3, %mul3A_4 : i32
    %scan3A = arith.constant 0 : i32
    %scan3A_6 = arith.constant 0 : i32
    %scan3A_7 = arith.constant 128 : i32
    %scan3A_8 = arith.addi %scan3A_6, %scan3A_7 : i32
    %scan3A_9 = arith.constant 1 : i32
    %scan3A_10 = scf.for %scan3A_169 = %scan3A_6 to %scan3A_8 step %scan3A_9 iter_args(%scan3A_170 = %scan3A) -> (i32)  : i32 {
      %swap3A = arith.index_cast %scan3A_169 : i32 to index
      %swap3A_171 = arith.constant 0 : index
      %swap3A_172 = tpu.vector_load %arg18[%swap3A, %swap3A_171] {strides = array<i32>} : memref<128x128xf32, #tpu.memory_space<vmem>>, vector<1x16xf32>,
      %swap3A_173 = vector.shape_cast %swap3A_172 : vector<1x16xf32> to vector<16xf32>
      %swap3A_174 = vector.shape_cast %broadcast_in_dim3A_1 : vector<16xf32> to vector<1x16xf32>
      tpu.vector_store %arg18[%swap3A, %swap3A_171], %swap3A_174 {strides = array<i32>} : memref<128x128xf32, #tpu.memory_space<vmem>>, vector<1x16xf32>,
      %swap3A_175 = arith.index_cast %scan3A_169 : i32 to index
      %swap3A_176 = arith.constant 16 : index
      %swap3A_177 = tpu.vector_load %arg18[%swap3A_175, %swap3A_176] {strides = array<i32>} : memref<128x128xf32, #tpu.memory_space<vmem>>, vector<1x16xf32>,
      %swap3A_178 = vector.shape_cast %swap3A_177 : vector<1x16xf32> to vector<16xf32>
      %swap3A_179 = vector.shape_cast %broadcast_in_dim3A_1 : vector<16xf32> to vector<1x16xf32>
      tpu.vector_store %arg18[%swap3A_175, %swap3A_176], %swap3A_179 {strides = array<i32>} : memref<128x128xf32, #tpu.memory_space<vmem>>, vector<1x16xf32>,
      %swap3A_180 = arith.index_cast %scan3A_169 : i32 to index
      %swap3A_181 = arith.constant 32 : index
      %swap3A_182 = tpu.vector_load %arg18[%swap3A_180, %swap3A_181] {strides = array<i32>} : memref<128x128xf32, #tpu.memory_space<vmem>>, vector<1x16xf32>,
      %swap3A_183 = vector.shape_cast %swap3A_182 : vector<1x16xf32> to vector<16xf32>
      %swap3A_184 = vector.shape_cast %broadcast_in_dim3A_1 : vector<16xf32> to vector<1x16xf32>
      tpu.vector_store %arg18[%swap3A_180, %swap3A_181], %swap3A_184 {strides = array<i32>} : memref<128x128xf32, #tpu.memory_space<vmem>>, vector<1x16xf32>,
      %swap3A_185 = arith.index_cast %scan3A_169 : i32 to index
      %swap3A_186 = arith.constant 48 : index
      %swap3A_187 = tpu.vector_load %arg18[%swap3A_185, %swap3A_186] {strides = array<i32>} : memref<128x128xf32, #tpu.memory_space<vmem>>, vector<1x16xf32>,
      %swap3A_188 = vector.shape_cast %swap3A_187 : vector<1x16xf32> to vector<16xf32>
      %swap3A_189 = vector.shape_cast %broadcast_in_dim3A_1 : vector<16xf32> to vector<1x16xf32>
      tpu.vector_store %arg18[%swap3A_185, %swap3A_186], %swap3A_189 {strides = array<i32>} : memref<128x128xf32, #tpu.memory_space<vmem>>, vector<1x16xf32>,
      %swap3A_190 = arith.index_cast %scan3A_169 : i32 to index
      %swap3A_191 = arith.constant 64 : index
      %swap3A_192 = tpu.vector_load %arg18[%swap3A_190, %swap3A_191] {strides = array<i32>} : memref<128x128xf32, #tpu.memory_space<vmem>>, vector<1x16xf32>,
      %swap3A_193 = vector.shape_cast %swap3A_192 : vector<1x16xf32> to vector<16xf32>
      %swap3A_194 = vector.shape_cast %broadcast_in_dim3A_1 : vector<16xf32> to vector<1x16xf32>
      tpu.vector_store %arg18[%swap3A_190, %swap3A_191], %swap3A_194 {strides = array<i32>} : memref<128x128xf32, #tpu.memory_space<vmem>>, vector<1x16xf32>,
      %swap3A_195 = arith.index_cast %scan3A_169 : i32 to index
      %swap3A_196 = arith.constant 80 : index
      %swap3A_197 = tpu.vector_load %arg18[%swap3A_195, %swap3A_196] {strides = array<i32>} : memref<128x128xf32, #tpu.memory_space<vmem>>, vector<1x16xf32>,
      %swap3A_198 = vector.shape_cast %swap3A_197 : vector<1x16xf32> to vector<16xf32>
      %swap3A_199 = vector.shape_cast %broadcast_in_dim3A_1 : vector<16xf32> to vector<1x16xf32>
      tpu.vector_store %arg18[%swap3A_195, %swap3A_196], %swap3A_199 {strides = array<i32>} : memref<128x128xf32, #tpu.memory_space<vmem>>, vector<1x16xf32>,
      %swap3A_200 = arith.index_cast %scan3A_169 : i32 to index
      %swap3A_201 = arith.constant 96 : index
      %swap3A_202 = tpu.vector_load %arg18[%swap3A_200, %swap3A_201] {strides = array<i32>} : memref<128x128xf32, #tpu.memory_space<vmem>>, vector<1x16xf32>,
      %swap3A_203 = vector.shape_cast %swap3A_202 : vector<1x16xf32> to vector<16xf32>
      %swap3A_204 = vector.shape_cast %broadcast_in_dim3A_1 : vector<16xf32> to vector<1x16xf32>
      tpu.vector_store %arg18[%swap3A_200, %swap3A_201], %swap3A_204 {strides = array<i32>} : memref<128x128xf32, #tpu.memory_space<vmem>>, vector<1x16xf32>,
      %swap3A_205 = arith.index_cast %scan3A_169 : i32 to index
      %swap3A_206 = arith.constant 112 : index
      %swap3A_207 = tpu.vector_load %arg18[%swap3A_205, %swap3A_206] {strides = array<i32>} : memref<128x128xf32, #tpu.memory_space<vmem>>, vector<1x16xf32>,
      %swap3A_208 = vector.shape_cast %swap3A_207 : vector<1x16xf32> to vector<16xf32>
      %swap3A_209 = vector.shape_cast %broadcast_in_dim3A_1 : vector<16xf32> to vector<1x16xf32>
      tpu.vector_store %arg18[%swap3A_205, %swap3A_206], %swap3A_209 {strides = array<i32>} : memref<128x128xf32, #tpu.memory_space<vmem>>, vector<1x16xf32>,
      %scan3A_210 = arith.constant 0 : i32
      scf.yield %scan3A_210 : i32
    }
    %scan3A_11 = arith.constant 128 : i32
    %mul3A_12 = arith.constant 632 : i32
    %mul3A_13 = arith.muli %arg1, %mul3A_12 : i32
    %add3A_14 = arith.constant 0 : i32
    %add3A_15 = arith.addi %mul3A_13, %add3A_14 : i32
    "tpu.region"() ({
      %run_scoped3A = tpu.sem_alloc : memref<!tpu.dma_semaphore, #tpu.memory_space<semaphore_mem>>
      %dma_start3A_169 = arith.constant 0 : i32
      %dma_start3A_170 = tpu.memref_slice %arg19[%add3A_15, %dma_start3A_169] : memref<10112x128xf32, #tpu.memory_space<vmem_shared>> -> memref<128x128xf32, #tpu.memory_space<vmem_shared>>
      %dma_start3A_171 = arith.constant 0 : i32
      %dma_start3A_172 = tpu.memref_slice %arg19[%add3A_15, %dma_start3A_171] : memref<10112x128xf32, #tpu.memory_space<vmem_shared>> -> memref<128x128xf32, #tpu.memory_space<vmem_shared>>
      tpu.enqueue_dma source(%arg18 : memref<128x128xf32, #tpu.memory_space<vmem>>) target(%dma_start3A_172 : memref<128x128xf32, #tpu.memory_space<vmem_shared>>) target_semaphore(%run_scoped3A : memref<!tpu.dma_semaphore, #tpu.memory_space<semaphore_mem>>)
      %dma_wait3A_173 = arith.constant 0 : i32
      %dma_wait3A_174 = tpu.memref_slice %arg19[%add3A_15, %dma_wait3A_173] : memref<10112x128xf32, #tpu.memory_space<vmem_shared>> -> memref<128x128xf32, #tpu.memory_space<vmem_shared>>
      %dma_wait3A_175 = arith.constant 0 : i32
      %dma_wait3A_176 = tpu.memref_slice %arg19[%add3A_15, %dma_wait3A_175] : memref<10112x128xf32, #tpu.memory_space<vmem_shared>> -> memref<128x128xf32, #tpu.memory_space<vmem_shared>>
      tpu.wait_dma2 semaphore(%run_scoped3A : memref<!tpu.dma_semaphore, #tpu.memory_space<semaphore_mem>>) src(%arg18 : memref<128x128xf32, #tpu.memory_space<vmem>>) dst(%dma_wait3A_176 : memref<128x128xf32, #tpu.memory_space<vmem_shared>>)
      tpu.yield
    }) : () -> ()
    %mul3A_16 = arith.constant 632 : i32
    %mul3A_17 = arith.muli %arg1, %mul3A_16 : i32
    %add3A_18 = arith.constant 128 : i32
    %add3A_19 = arith.addi %mul3A_17, %add3A_18 : i32
    "tpu.region"() ({
      %run_scoped3A = tpu.sem_alloc : memref<!tpu.dma_semaphore, #tpu.memory_space<semaphore_mem>>
      %dma_start3A_169 = arith.constant 0 : i32
      %dma_start3A_170 = tpu.memref_slice %arg19[%add3A_19, %dma_start3A_169] : memref<10112x128xf32, #tpu.memory_space<vmem_shared>> -> memref<128x128xf32, #tpu.memory_space<vmem_shared>>
      %dma_start3A_171 = arith.constant 0 : i32
      %dma_start3A_172 = tpu.memref_slice %arg19[%add3A_19, %dma_start3A_171] : memref<10112x128xf32, #tpu.memory_space<vmem_shared>> -> memref<128x128xf32, #tpu.memory_space<vmem_shared>>
      tpu.enqueue_dma source(%arg18 : memref<128x128xf32, #tpu.memory_space<vmem>>) target(%dma_start3A_172 : memref<128x128xf32, #tpu.memory_space<vmem_shared>>) target_semaphore(%run_scoped3A : memref<!tpu.dma_semaphore, #tpu.memory_space<semaphore_mem>>)
      %dma_wait3A_173 = arith.constant 0 : i32
      %dma_wait3A_174 = tpu.memref_slice %arg19[%add3A_19, %dma_wait3A_173] : memref<10112x128xf32, #tpu.memory_space<vmem_shared>> -> memref<128x128xf32, #tpu.memory_space<vmem_shared>>
      %dma_wait3A_175 = arith.constant 0 : i32
      %dma_wait3A_176 = tpu.memref_slice %arg19[%add3A_19, %dma_wait3A_175] : memref<10112x128xf32, #tpu.memory_space<vmem_shared>> -> memref<128x128xf32, #tpu.memory_space<vmem_shared>>
      tpu.wait_dma2 semaphore(%run_scoped3A : memref<!tpu.dma_semaphore, #tpu.memory_space<semaphore_mem>>) src(%arg18 : memref<128x128xf32, #tpu.memory_space<vmem>>) dst(%dma_wait3A_176 : memref<128x128xf32, #tpu.memory_space<vmem_shared>>)
      tpu.yield
    }) : () -> ()
    %mul3A_20 = arith.constant 632 : i32
    %mul3A_21 = arith.muli %arg1, %mul3A_20 : i32
    %add3A_22 = arith.constant 256 : i32
    %add3A_23 = arith.addi %mul3A_21, %add3A_22 : i32
    "tpu.region"() ({
      %run_scoped3A = tpu.sem_alloc : memref<!tpu.dma_semaphore, #tpu.memory_space<semaphore_mem>>
      %dma_start3A_169 = arith.constant 0 : i32
      %dma_start3A_170 = tpu.memref_slice %arg19[%add3A_23, %dma_start3A_169] : memref<10112x128xf32, #tpu.memory_space<vmem_shared>> -> memref<128x128xf32, #tpu.memory_space<vmem_shared>>
      %dma_start3A_171 = arith.constant 0 : i32
      %dma_start3A_172 = tpu.memref_slice %arg19[%add3A_23, %dma_start3A_171] : memref<10112x128xf32, #tpu.memory_space<vmem_shared>> -> memref<128x128xf32, #tpu.memory_space<vmem_shared>>
      tpu.enqueue_dma source(%arg18 : memref<128x128xf32, #tpu.memory_space<vmem>>) target(%dma_start3A_172 : memref<128x128xf32, #tpu.memory_space<vmem_shared>>) target_semaphore(%run_scoped3A : memref<!tpu.dma_semaphore, #tpu.memory_space<semaphore_mem>>)
      %dma_wait3A_173 = arith.constant 0 : i32
      %dma_wait3A_174 = tpu.memref_slice %arg19[%add3A_23, %dma_wait3A_173] : memref<10112x128xf32, #tpu.memory_space<vmem_shared>> -> memref<128x128xf32, #tpu.memory_space<vmem_shared>>
      %dma_wait3A_175 = arith.constant 0 : i32
      %dma_wait3A_176 = tpu.memref_slice %arg19[%add3A_23, %dma_wait3A_175] : memref<10112x128xf32, #tpu.memory_space<vmem_shared>> -> memref<128x128xf32, #tpu.memory_space<vmem_shared>>
      tpu.wait_dma2 semaphore(%run_scoped3A : memref<!tpu.dma_semaphore, #tpu.memory_space<semaphore_mem>>) src(%arg18 : memref<128x128xf32, #tpu.memory_space<vmem>>) dst(%dma_wait3A_176 : memref<128x128xf32, #tpu.memory_space<vmem_shared>>)
      tpu.yield
    }) : () -> ()
    %mul3A_24 = arith.constant 632 : i32
    %mul3A_25 = arith.muli %arg1, %mul3A_24 : i32
    %add3A_26 = arith.constant 384 : i32
    %add3A_27 = arith.addi %mul3A_25, %add3A_26 : i32
    "tpu.region"() ({
      %run_scoped3A = tpu.sem_alloc : memref<!tpu.dma_semaphore, #tpu.memory_space<semaphore_mem>>
      %dma_start3A_169 = arith.constant 0 : i32
      %dma_start3A_170 = tpu.memref_slice %arg19[%add3A_27, %dma_start3A_169] : memref<10112x128xf32, #tpu.memory_space<vmem_shared>> -> memref<128x128xf32, #tpu.memory_space<vmem_shared>>
      %dma_start3A_171 = arith.constant 0 : i32
      %dma_start3A_172 = tpu.memref_slice %arg19[%add3A_27, %dma_start3A_171] : memref<10112x128xf32, #tpu.memory_space<vmem_shared>> -> memref<128x128xf32, #tpu.memory_space<vmem_shared>>
      tpu.enqueue_dma source(%arg18 : memref<128x128xf32, #tpu.memory_space<vmem>>) target(%dma_start3A_172 : memref<128x128xf32, #tpu.memory_space<vmem_shared>>) target_semaphore(%run_scoped3A : memref<!tpu.dma_semaphore, #tpu.memory_space<semaphore_mem>>)
      %dma_wait3A_173 = arith.constant 0 : i32
      %dma_wait3A_174 = tpu.memref_slice %arg19[%add3A_27, %dma_wait3A_173] : memref<10112x128xf32, #tpu.memory_space<vmem_shared>> -> memref<128x128xf32, #tpu.memory_space<vmem_shared>>
      %dma_wait3A_175 = arith.constant 0 : i32
      %dma_wait3A_176 = tpu.memref_slice %arg19[%add3A_27, %dma_wait3A_175] : memref<10112x128xf32, #tpu.memory_space<vmem_shared>> -> memref<128x128xf32, #tpu.memory_space<vmem_shared>>
      tpu.wait_dma2 semaphore(%run_scoped3A : memref<!tpu.dma_semaphore, #tpu.memory_space<semaphore_mem>>) src(%arg18 : memref<128x128xf32, #tpu.memory_space<vmem>>) dst(%dma_wait3A_176 : memref<128x128xf32, #tpu.memory_space<vmem_shared>>)
      tpu.yield
    }) : () -> ()
    %mul3A_28 = arith.constant 632 : i32
    %mul3A_29 = arith.muli %arg1, %mul3A_28 : i32
    %add3A_30 = arith.constant 512 : i32
    %add3A_31 = arith.addi %mul3A_29, %add3A_30 : i32
    "tpu.region"() ({
      %run_scoped3A = tpu.sem_alloc : memref<!tpu.dma_semaphore, #tpu.memory_space<semaphore_mem>>
      %dma_start3A_169 = arith.constant 0 : i32
      %dma_start3A_170 = arith.constant 0 : i32
      %dma_start3A_171 = tpu.memref_slice %arg18[%dma_start3A_169, %dma_start3A_170] : memref<128x128xf32, #tpu.memory_space<vmem>> -> memref<120x128xf32, #tpu.memory_space<vmem>>
      %dma_start3A_172 = arith.constant 0 : i32
      %dma_start3A_173 = tpu.memref_slice %arg19[%add3A_31, %dma_start3A_172] : memref<10112x128xf32, #tpu.memory_space<vmem_shared>> -> memref<120x128xf32, #tpu.memory_space<vmem_shared>>
      %dma_start3A_174 = arith.constant 0 : i32
      %dma_start3A_175 = tpu.memref_slice %arg19[%add3A_31, %dma_start3A_174] : memref<10112x128xf32, #tpu.memory_space<vmem_shared>> -> memref<120x128xf32, #tpu.memory_space<vmem_shared>>
      %dma_start3A_176 = arith.constant 0 : i32
      %dma_start3A_177 = arith.constant 0 : i32
      %dma_start3A_178 = tpu.memref_slice %arg18[%dma_start3A_176, %dma_start3A_177] : memref<128x128xf32, #tpu.memory_space<vmem>> -> memref<120x128xf32, #tpu.memory_space<vmem>>
      tpu.enqueue_dma source(%dma_start3A_178 : memref<120x128xf32, #tpu.memory_space<vmem>>) target(%dma_start3A_175 : memref<120x128xf32, #tpu.memory_space<vmem_shared>>) target_semaphore(%run_scoped3A : memref<!tpu.dma_semaphore, #tpu.memory_space<semaphore_mem>>)
      %dma_wait3A_179 = arith.constant 0 : i32
      %dma_wait3A_180 = arith.constant 0 : i32
      %dma_wait3A_181 = tpu.memref_slice %arg18[%dma_wait3A_179, %dma_wait3A_180] : memref<128x128xf32, #tpu.memory_space<vmem>> -> memref<120x128xf32, #tpu.memory_space<vmem>>
      %dma_wait3A_182 = arith.constant 0 : i32
      %dma_wait3A_183 = tpu.memref_slice %arg19[%add3A_31, %dma_wait3A_182] : memref<10112x128xf32, #tpu.memory_space<vmem_shared>> -> memref<120x128xf32, #tpu.memory_space<vmem_shared>>
      %dma_wait3A_184 = arith.constant 0 : i32
      %dma_wait3A_185 = tpu.memref_slice %arg19[%add3A_31, %dma_wait3A_184] : memref<10112x128xf32, #tpu.memory_space<vmem_shared>> -> memref<120x128xf32, #tpu.memory_space<vmem_shared>>
      %dma_wait3A_186 = arith.constant 0 : i32
      %dma_wait3A_187 = arith.constant 0 : i32
      %dma_wait3A_188 = tpu.memref_slice %arg18[%dma_wait3A_186, %dma_wait3A_187] : memref<128x128xf32, #tpu.memory_space<vmem>> -> memref<120x128xf32, #tpu.memory_space<vmem>>
      tpu.wait_dma2 semaphore(%run_scoped3A : memref<!tpu.dma_semaphore, #tpu.memory_space<semaphore_mem>>) src(%dma_wait3A_188 : memref<120x128xf32, #tpu.memory_space<vmem>>) dst(%dma_wait3A_185 : memref<120x128xf32, #tpu.memory_space<vmem_shared>>)
      tpu.yield
    }) : () -> ()
    %barrier3A = arith.constant 0 : index
    tpu.barrier barrier_id(%barrier3A)
    "tpu.region"() ({
      %run_scoped3A = tpu.sem_alloc : memref<!tpu.dma_semaphore, #tpu.memory_space<semaphore_mem>>
      %dma_start3A_169 = tpu.memref_slice %arg2[%mul3A_5] : memref<163840xi32, #tpu.memory_space<hbm>> -> memref<128xi32, #tpu.memory_space<hbm>>
      %dma_start3A_170 = tpu.memref_slice %arg2[%mul3A_5] : memref<163840xi32, #tpu.memory_space<hbm>> -> memref<128xi32, #tpu.memory_space<hbm>>
      tpu.enqueue_dma source(%dma_start3A_170 : memref<128xi32, #tpu.memory_space<hbm>>) target(%arg12 : memref<128xi32, #tpu.memory_space<vmem>>) target_semaphore(%run_scoped3A : memref<!tpu.dma_semaphore, #tpu.memory_space<semaphore_mem>>)
      %dma_wait3A_171 = tpu.memref_slice %arg2[%mul3A_5] : memref<163840xi32, #tpu.memory_space<hbm>> -> memref<128xi32, #tpu.memory_space<hbm>>
      %dma_wait3A_172 = tpu.memref_slice %arg2[%mul3A_5] : memref<163840xi32, #tpu.memory_space<hbm>> -> memref<128xi32, #tpu.memory_space<hbm>>
      tpu.wait_dma2 semaphore(%run_scoped3A : memref<!tpu.dma_semaphore, #tpu.memory_space<semaphore_mem>>) src(%dma_wait3A_172 : memref<128xi32, #tpu.memory_space<hbm>>) dst(%arg12 : memref<128xi32, #tpu.memory_space<vmem>>)
      tpu.yield
    }) : () -> ()
    %dma_start3A = arith.constant 0 : i32
    %dma_start3A_32 = arith.constant 0 : i32
    %dma_start3A_33 = tpu.memref_slice %arg4[%dma_start3A, %dma_start3A_32] : memref<10112x128xf32, #tpu.memory_space<hbm>> -> memref<10112x128xf32, #tpu.memory_space<hbm>>
    tpu.enqueue_indirect_dma source(%dma_start3A_33 : memref<10112x128xf32, #tpu.memory_space<hbm>>) target(%arg16 : memref<128x128xf32, #tpu.memory_space<vmem>>) offsets(%arg12 : memref<128xi32, #tpu.memory_space<vmem>>) semaphore(%arg20 : memref<!tpu.dma_semaphore, #tpu.memory_space<semaphore_mem>>)
    %scan3A_34 = arith.constant 0 : i32
    %scan3A_35 = arith.constant 0 : i32
    %scan3A_36 = arith.constant 20 : i32
    %scan3A_37 = arith.addi %scan3A_35, %scan3A_36 : i32
    %scan3A_38 = arith.constant 1 : i32
    %scan3A_39 = scf.for %scan3A_169 = %scan3A_35 to %scan3A_37 step %scan3A_38 iter_args(%scan3A_170 = %scan3A_34) -> (i32)  : i32 {
      %mul3A_171 = arith.constant 2 : i32
      %mul3A_172 = arith.muli %mul3A_171, %scan3A_169 : i32
      %mul3A_173 = arith.constant 2 : i32
      %mul3A_174 = arith.muli %mul3A_173, %scan3A_169 : i32
      %add3A_175 = arith.constant 1 : i32
      %add3A_176 = arith.addi %mul3A_174, %add3A_175 : i32
      %add3A_177 = arith.constant 1 : i32
      %add3A_178 = arith.addi %add3A_176, %add3A_177 : i32
      %min3A = arith.constant 39 : i32
      %min3A_179 = arith.minsi %add3A_178, %min3A : i32
      %mul3A_180 = arith.constant 128 : i32
      %mul3A_181 = arith.muli %add3A_176, %mul3A_180 : i32
      %add3A_182 = arith.addi %mul3A_5, %mul3A_181 : i32
      "tpu.region"() ({
        %run_scoped3A = tpu.sem_alloc : memref<!tpu.dma_semaphore, #tpu.memory_space<semaphore_mem>>
        %dma_start3A_205 = tpu.memref_slice %arg2[%add3A_182] : memref<163840xi32, #tpu.memory_space<hbm>> -> memref<128xi32, #tpu.memory_space<hbm>>
        %dma_start3A_206 = tpu.memref_slice %arg2[%add3A_182] : memref<163840xi32, #tpu.memory_space<hbm>> -> memref<128xi32, #tpu.memory_space<hbm>>
        tpu.enqueue_dma source(%dma_start3A_206 : memref<128xi32, #tpu.memory_space<hbm>>) target(%arg13 : memref<128xi32, #tpu.memory_space<vmem>>) target_semaphore(%run_scoped3A : memref<!tpu.dma_semaphore, #tpu.memory_space<semaphore_mem>>)
        %dma_wait3A_207 = tpu.memref_slice %arg2[%add3A_182] : memref<163840xi32, #tpu.memory_space<hbm>> -> memref<128xi32, #tpu.memory_space<hbm>>
        %dma_wait3A_208 = tpu.memref_slice %arg2[%add3A_182] : memref<163840xi32, #tpu.memory_space<hbm>> -> memref<128xi32, #tpu.memory_space<hbm>>
        tpu.wait_dma2 semaphore(%run_scoped3A : memref<!tpu.dma_semaphore, #tpu.memory_space<semaphore_mem>>) src(%dma_wait3A_208 : memref<128xi32, #tpu.memory_space<hbm>>) dst(%arg13 : memref<128xi32, #tpu.memory_space<vmem>>)
        tpu.yield
      }) : () -> ()
      %dma_start3A_183 = arith.constant 0 : i32
      %dma_start3A_184 = arith.constant 0 : i32
      %dma_start3A_185 = tpu.memref_slice %arg4[%dma_start3A_183, %dma_start3A_184] : memref<10112x128xf32, #tpu.memory_space<hbm>> -> memref<10112x128xf32, #tpu.memory_space<hbm>>
      tpu.enqueue_indirect_dma source(%dma_start3A_185 : memref<10112x128xf32, #tpu.memory_space<hbm>>) target(%arg17 : memref<128x128xf32, #tpu.memory_space<vmem>>) offsets(%arg13 : memref<128xi32, #tpu.memory_space<vmem>>) semaphore(%arg21 : memref<!tpu.dma_semaphore, #tpu.memory_space<semaphore_mem>>)
      %dma_wait3A_186 = arith.constant 0 : i32
      %dma_wait3A_187 = arith.constant 0 : i32
      %dma_wait3A_188 = tpu.memref_slice %arg4[%dma_wait3A_186, %dma_wait3A_187] : memref<10112x128xf32, #tpu.memory_space<hbm>> -> memref<10112x128xf32, #tpu.memory_space<hbm>>
      tpu.wait_indirect_dma semaphore(%arg20 : memref<!tpu.dma_semaphore, #tpu.memory_space<semaphore_mem>>) src(%dma_wait3A_188 : memref<10112x128xf32, #tpu.memory_space<hbm>>) dst(%arg16 : memref<128x128xf32, #tpu.memory_space<vmem>>)
      %mul3A_189 = arith.constant 128 : i32
      %mul3A_190 = arith.muli %mul3A_172, %mul3A_189 : i32
      %add3A_191 = arith.addi %mul3A_5, %mul3A_190 : i32
      "tpu.region"() ({
        %run_scoped3A = tpu.sem_alloc : memref<!tpu.dma_semaphore, #tpu.memory_space<semaphore_mem>>
        %dma_start3A_205 = tpu.memref_slice %arg3[%add3A_191] : memref<163840xi32, #tpu.memory_space<hbm>> -> memref<128xi32, #tpu.memory_space<hbm>>
        %dma_start3A_206 = tpu.memref_slice %arg3[%add3A_191] : memref<163840xi32, #tpu.memory_space<hbm>> -> memref<128xi32, #tpu.memory_space<hbm>>
        tpu.enqueue_dma source(%dma_start3A_206 : memref<128xi32, #tpu.memory_space<hbm>>) target(%arg14 : memref<128xi32, #tpu.memory_space<vmem>>) target_semaphore(%run_scoped3A : memref<!tpu.dma_semaphore, #tpu.memory_space<semaphore_mem>>)
        %dma_wait3A_207 = tpu.memref_slice %arg3[%add3A_191] : memref<163840xi32, #tpu.memory_space<hbm>> -> memref<128xi32, #tpu.memory_space<hbm>>
        %dma_wait3A_208 = tpu.memref_slice %arg3[%add3A_191] : memref<163840xi32, #tpu.memory_space<hbm>> -> memref<128xi32, #tpu.memory_space<hbm>>
        tpu.wait_dma2 semaphore(%run_scoped3A : memref<!tpu.dma_semaphore, #tpu.memory_space<semaphore_mem>>) src(%dma_wait3A_208 : memref<128xi32, #tpu.memory_space<hbm>>) dst(%arg14 : memref<128xi32, #tpu.memory_space<vmem>>)
        tpu.yield
      }) : () -> ()
      %mul3A_192 = arith.constant 128 : i32
      %mul3A_193 = arith.muli %min3A_179, %mul3A_192 : i32
      %add3A_194 = arith.addi %mul3A_5, %mul3A_193 : i32
      "tpu.region"() ({
        %run_scoped3A = tpu.sem_alloc : memref<!tpu.dma_semaphore, #tpu.memory_space<semaphore_mem>>
        %dma_start3A_205 = tpu.memref_slice %arg2[%add3A_194] : memref<163840xi32, #tpu.memory_space<hbm>> -> memref<128xi32, #tpu.memory_space<hbm>>
        %dma_start3A_206 = tpu.memref_slice %arg2[%add3A_194] : memref<163840xi32, #tpu.memory_space<hbm>> -> memref<128xi32, #tpu.memory_space<hbm>>
        tpu.enqueue_dma source(%dma_start3A_206 : memref<128xi32, #tpu.memory_space<hbm>>) target(%arg12 : memref<128xi32, #tpu.memory_space<vmem>>) target_semaphore(%run_scoped3A : memref<!tpu.dma_semaphore, #tpu.memory_space<semaphore_mem>>)
        %dma_wait3A_207 = tpu.memref_slice %arg2[%add3A_194] : memref<163840xi32, #tpu.memory_space<hbm>> -> memref<128xi32, #tpu.memory_space<hbm>>
        %dma_wait3A_208 = tpu.memref_slice %arg2[%add3A_194] : memref<163840xi32, #tpu.memory_space<hbm>> -> memref<128xi32, #tpu.memory_space<hbm>>
        tpu.wait_dma2 semaphore(%run_scoped3A : memref<!tpu.dma_semaphore, #tpu.memory_space<semaphore_mem>>) src(%dma_wait3A_208 : memref<128xi32, #tpu.memory_space<hbm>>) dst(%arg12 : memref<128xi32, #tpu.memory_space<vmem>>)
        tpu.yield
      }) : () -> ()
      %dma_start3A_195 = arith.constant 0 : i32
      %dma_start3A_196 = arith.constant 0 : i32
      %dma_start3A_197 = tpu.memref_slice %arg4[%dma_start3A_195, %dma_start3A_196] : memref<10112x128xf32, #tpu.memory_space<hbm>> -> memref<10112x128xf32, #tpu.memory_space<hbm>>
      tpu.enqueue_indirect_dma source(%dma_start3A_197 : memref<10112x128xf32, #tpu.memory_space<hbm>>) target(%arg16 : memref<128x128xf32, #tpu.memory_space<vmem>>) offsets(%arg12 : memref<128xi32, #tpu.memory_space<vmem>>) semaphore(%arg20 : memref<!tpu.dma_semaphore, #tpu.memory_space<semaphore_mem>>)
      "tpu.region"() ({
        %run_scoped3A = tpu.sem_alloc : memref<!tpu.dma_semaphore, #tpu.memory_space<semaphore_mem>>
        %dma_start3A_205 = arith.constant 0 : i32
        %dma_start3A_206 = arith.constant 0 : i32
        %dma_start3A_207 = tpu.memref_slice %arg19[%dma_start3A_205, %dma_start3A_206] : memref<10112x128xf32, #tpu.memory_space<vmem_shared>> -> memref<10112x128xf32, #tpu.memory_space<vmem_shared>>
        tpu.enqueue_indirect_dma source(%arg16 : memref<128x128xf32, #tpu.memory_space<vmem>>) target(%dma_start3A_207 : memref<10112x128xf32, #tpu.memory_space<vmem_shared>>) offsets(%arg14 : memref<128xi32, #tpu.memory_space<vmem>>) semaphore(%run_scoped3A : memref<!tpu.dma_semaphore, #tpu.memory_space<semaphore_mem>>) {add = true}
        %dma_wait3A_208 = arith.constant 0 : i32
        %dma_wait3A_209 = arith.constant 0 : i32
        %dma_wait3A_210 = tpu.memref_slice %arg19[%dma_wait3A_208, %dma_wait3A_209] : memref<10112x128xf32, #tpu.memory_space<vmem_shared>> -> memref<10112x128xf32, #tpu.memory_space<vmem_shared>>
        tpu.wait_indirect_dma semaphore(%run_scoped3A : memref<!tpu.dma_semaphore, #tpu.memory_space<semaphore_mem>>) src(%arg16 : memref<128x128xf32, #tpu.memory_space<vmem>>) dst(%dma_wait3A_210 : memref<10112x128xf32, #tpu.memory_space<vmem_shared>>)
        tpu.yield
      }) : () -> ()
      %dma_wait3A_198 = arith.constant 0 : i32
      %dma_wait3A_199 = arith.constant 0 : i32
      %dma_wait3A_200 = tpu.memref_slice %arg4[%dma_wait3A_198, %dma_wait3A_199] : memref<10112x128xf32, #tpu.memory_space<hbm>> -> memref<10112x128xf32, #tpu.memory_space<hbm>>
      tpu.wait_indirect_dma semaphore(%arg21 : memref<!tpu.dma_semaphore, #tpu.memory_space<semaphore_mem>>) src(%dma_wait3A_200 : memref<10112x128xf32, #tpu.memory_space<hbm>>) dst(%arg17 : memref<128x128xf32, #tpu.memory_space<vmem>>)
      %mul3A_201 = arith.constant 128 : i32
      %mul3A_202 = arith.muli %add3A_176, %mul3A_201 : i32
      %add3A_203 = arith.addi %mul3A_5, %mul3A_202 : i32
      "tpu.region"() ({
        %run_scoped3A = tpu.sem_alloc : memref<!tpu.dma_semaphore, #tpu.memory_space<semaphore_mem>>
        %dma_start3A_205 = tpu.memref_slice %arg3[%add3A_203] : memref<163840xi32, #tpu.memory_space<hbm>> -> memref<128xi32, #tpu.memory_space<hbm>>
        %dma_start3A_206 = tpu.memref_slice %arg3[%add3A_203] : memref<163840xi32, #tpu.memory_space<hbm>> -> memref<128xi32, #tpu.memory_space<hbm>>
        tpu.enqueue_dma source(%dma_start3A_206 : memref<128xi32, #tpu.memory_space<hbm>>) target(%arg15 : memref<128xi32, #tpu.memory_space<vmem>>) target_semaphore(%run_scoped3A : memref<!tpu.dma_semaphore, #tpu.memory_space<semaphore_mem>>)
        %dma_wait3A_207 = tpu.memref_slice %arg3[%add3A_203] : memref<163840xi32, #tpu.memory_space<hbm>> -> memref<128xi32, #tpu.memory_space<hbm>>
        %dma_wait3A_208 = tpu.memref_slice %arg3[%add3A_203] : memref<163840xi32, #tpu.memory_space<hbm>> -> memref<128xi32, #tpu.memory_space<hbm>>
        tpu.wait_dma2 semaphore(%run_scoped3A : memref<!tpu.dma_semaphore, #tpu.memory_space<semaphore_mem>>) src(%dma_wait3A_208 : memref<128xi32, #tpu.memory_space<hbm>>) dst(%arg15 : memref<128xi32, #tpu.memory_space<vmem>>)
        tpu.yield
      }) : () -> ()
      "tpu.region"() ({
        %run_scoped3A = tpu.sem_alloc : memref<!tpu.dma_semaphore, #tpu.memory_space<semaphore_mem>>
        %dma_start3A_205 = arith.constant 0 : i32
        %dma_start3A_206 = arith.constant 0 : i32
        %dma_start3A_207 = tpu.memref_slice %arg19[%dma_start3A_205, %dma_start3A_206] : memref<10112x128xf32, #tpu.memory_space<vmem_shared>> -> memref<10112x128xf32, #tpu.memory_space<vmem_shared>>
        tpu.enqueue_indirect_dma source(%arg17 : memref<128x128xf32, #tpu.memory_space<vmem>>) target(%dma_start3A_207 : memref<10112x128xf32, #tpu.memory_space<vmem_shared>>) offsets(%arg15 : memref<128xi32, #tpu.memory_space<vmem>>) semaphore(%run_scoped3A : memref<!tpu.dma_semaphore, #tpu.memory_space<semaphore_mem>>) {add = true}
        %dma_wait3A_208 = arith.constant 0 : i32
        %dma_wait3A_209 = arith.constant 0 : i32
        %dma_wait3A_210 = tpu.memref_slice %arg19[%dma_wait3A_208, %dma_wait3A_209] : memref<10112x128xf32, #tpu.memory_space<vmem_shared>> -> memref<10112x128xf32, #tpu.memory_space<vmem_shared>>
        tpu.wait_indirect_dma semaphore(%run_scoped3A : memref<!tpu.dma_semaphore, #tpu.memory_space<semaphore_mem>>) src(%arg17 : memref<128x128xf32, #tpu.memory_space<vmem>>) dst(%dma_wait3A_210 : memref<10112x128xf32, #tpu.memory_space<vmem_shared>>)
        tpu.yield
      }) : () -> ()
      %scan3A_204 = arith.constant 0 : i32
      scf.yield %scan3A_204 : i32
    }
    %scan3A_40 = arith.constant 20 : i32
    %dma_wait3A = arith.constant 0 : i32
    %dma_wait3A_41 = arith.constant 0 : i32
    %dma_wait3A_42 = tpu.memref_slice %arg4[%dma_wait3A, %dma_wait3A_41] : memref<10112x128xf32, #tpu.memory_space<hbm>> -> memref<10112x128xf32, #tpu.memory_space<hbm>>
    tpu.wait_indirect_dma semaphore(%arg20 : memref<!tpu.dma_semaphore, #tpu.memory_space<semaphore_mem>>) src(%dma_wait3A_42 : memref<10112x128xf32, #tpu.memory_space<hbm>>) dst(%arg16 : memref<128x128xf32, #tpu.memory_space<vmem>>)
    %barrier3A_43 = arith.constant 0 : index
    tpu.barrier barrier_id(%barrier3A_43)
    %mul3A_44 = arith.constant 632 : i32
    %mul3A_45 = arith.muli %arg1, %mul3A_44 : i32
    %mul3A_46 = arith.constant 632 : i32
    %mul3A_47 = arith.muli %arg1, %mul3A_46 : i32
    "tpu.region"() ({
      %run_scoped3A = tpu.sem_alloc : memref<!tpu.dma_semaphore, #tpu.memory_space<semaphore_mem>>
      %dma_start3A_169 = arith.constant 0 : i32
      %dma_start3A_170 = tpu.memref_slice %arg8[%arg0, %mul3A_47, %dma_start3A_169] : memref<2x10112x128xf32, #tpu.memory_space<hbm>> -> memref<1x632x128xf32, #tpu.memory_space<hbm>>
      %dma_start3A_171 = tpu.memref_squeeze %dma_start3A_170 : memref<1x632x128xf32, #tpu.memory_space<hbm>> -> memref<632x128xf32, #tpu.memory_space<hbm>>
      %dma_start3A_172 = arith.constant 0 : i32
      %dma_start3A_173 = tpu.memref_slice %arg19[%mul3A_45, %dma_start3A_172] : memref<10112x128xf32, #tpu.memory_space<vmem_shared>> -> memref<632x128xf32, #tpu.memory_space<vmem_shared>>
      tpu.enqueue_dma source(%dma_start3A_173 : memref<632x128xf32, #tpu.memory_space<vmem_shared>>) target(%dma_start3A_171 : memref<632x128xf32, #tpu.memory_space<hbm>>) target_semaphore(%run_scoped3A : memref<!tpu.dma_semaphore, #tpu.memory_space<semaphore_mem>>)
      %dma_wait3A_174 = arith.constant 0 : i32
      %dma_wait3A_175 = tpu.memref_slice %arg8[%arg0, %mul3A_47, %dma_wait3A_174] : memref<2x10112x128xf32, #tpu.memory_space<hbm>> -> memref<1x632x128xf32, #tpu.memory_space<hbm>>
      %dma_wait3A_176 = tpu.memref_squeeze %dma_wait3A_175 : memref<1x632x128xf32, #tpu.memory_space<hbm>> -> memref<632x128xf32, #tpu.memory_space<hbm>>
      %dma_wait3A_177 = arith.constant 0 : i32
      %dma_wait3A_178 = tpu.memref_slice %arg19[%mul3A_45, %dma_wait3A_177] : memref<10112x128xf32, #tpu.memory_space<vmem_shared>> -> memref<632x128xf32, #tpu.memory_space<vmem_shared>>
      tpu.wait_dma2 semaphore(%run_scoped3A : memref<!tpu.dma_semaphore, #tpu.memory_space<semaphore_mem>>) src(%dma_wait3A_178 : memref<632x128xf32, #tpu.memory_space<vmem_shared>>) dst(%dma_wait3A_176 : memref<632x128xf32, #tpu.memory_space<hbm>>)
      tpu.yield
    }) : () -> ()
    %barrier3A_48 = arith.constant 0 : index
    tpu.barrier barrier_id(%barrier3A_48)
    %mul3A_49 = arith.constant 632 : i32
    %mul3A_50 = arith.muli %arg1, %mul3A_49 : i32
    %add3A_51 = arith.constant 0 : i32
    %add3A_52 = arith.addi %mul3A_50, %add3A_51 : i32
    "tpu.region"() ({
      %run_scoped3A = tpu.sem_alloc : memref<!tpu.dma_semaphore, #tpu.memory_space<semaphore_mem>>
      %dma_start3A_169 = arith.constant 0 : i32
      %dma_start3A_170 = tpu.memref_slice %arg19[%add3A_52, %dma_start3A_169] : memref<10112x128xf32, #tpu.memory_space<vmem_shared>> -> memref<128x128xf32, #tpu.memory_space<vmem_shared>>
      %dma_start3A_171 = arith.constant 0 : i32
      %dma_start3A_172 = tpu.memref_slice %arg19[%add3A_52, %dma_start3A_171] : memref<10112x128xf32, #tpu.memory_space<vmem_shared>> -> memref<128x128xf32, #tpu.memory_space<vmem_shared>>
      tpu.enqueue_dma source(%arg18 : memref<128x128xf32, #tpu.memory_space<vmem>>) target(%dma_start3A_172 : memref<128x128xf32, #tpu.memory_space<vmem_shared>>) target_semaphore(%run_scoped3A : memref<!tpu.dma_semaphore, #tpu.memory_space<semaphore_mem>>)
      %dma_wait3A_173 = arith.constant 0 : i32
      %dma_wait3A_174 = tpu.memref_slice %arg19[%add3A_52, %dma_wait3A_173] : memref<10112x128xf32, #tpu.memory_space<vmem_shared>> -> memref<128x128xf32, #tpu.memory_space<vmem_shared>>
      %dma_wait3A_175 = arith.constant 0 : i32
      %dma_wait3A_176 = tpu.memref_slice %arg19[%add3A_52, %dma_wait3A_175] : memref<10112x128xf32, #tpu.memory_space<vmem_shared>> -> memref<128x128xf32, #tpu.memory_space<vmem_shared>>
      tpu.wait_dma2 semaphore(%run_scoped3A : memref<!tpu.dma_semaphore, #tpu.memory_space<semaphore_mem>>) src(%arg18 : memref<128x128xf32, #tpu.memory_space<vmem>>) dst(%dma_wait3A_176 : memref<128x128xf32, #tpu.memory_space<vmem_shared>>)
      tpu.yield
    }) : () -> ()
    %mul3A_53 = arith.constant 632 : i32
    %mul3A_54 = arith.muli %arg1, %mul3A_53 : i32
    %add3A_55 = arith.constant 128 : i32
    %add3A_56 = arith.addi %mul3A_54, %add3A_55 : i32
    "tpu.region"() ({
      %run_scoped3A = tpu.sem_alloc : memref<!tpu.dma_semaphore, #tpu.memory_space<semaphore_mem>>
      %dma_start3A_169 = arith.constant 0 : i32
      %dma_start3A_170 = tpu.memref_slice %arg19[%add3A_56, %dma_start3A_169] : memref<10112x128xf32, #tpu.memory_space<vmem_shared>> -> memref<128x128xf32, #tpu.memory_space<vmem_shared>>
      %dma_start3A_171 = arith.constant 0 : i32
      %dma_start3A_172 = tpu.memref_slice %arg19[%add3A_56, %dma_start3A_171] : memref<10112x128xf32, #tpu.memory_space<vmem_shared>> -> memref<128x128xf32, #tpu.memory_space<vmem_shared>>
      tpu.enqueue_dma source(%arg18 : memref<128x128xf32, #tpu.memory_space<vmem>>) target(%dma_start3A_172 : memref<128x128xf32, #tpu.memory_space<vmem_shared>>) target_semaphore(%run_scoped3A : memref<!tpu.dma_semaphore, #tpu.memory_space<semaphore_mem>>)
      %dma_wait3A_173 = arith.constant 0 : i32
      %dma_wait3A_174 = tpu.memref_slice %arg19[%add3A_56, %dma_wait3A_173] : memref<10112x128xf32, #tpu.memory_space<vmem_shared>> -> memref<128x128xf32, #tpu.memory_space<vmem_shared>>
      %dma_wait3A_175 = arith.constant 0 : i32
      %dma_wait3A_176 = tpu.memref_slice %arg19[%add3A_56, %dma_wait3A_175] : memref<10112x128xf32, #tpu.memory_space<vmem_shared>> -> memref<128x128xf32, #tpu.memory_space<vmem_shared>>
      tpu.wait_dma2 semaphore(%run_scoped3A : memref<!tpu.dma_semaphore, #tpu.memory_space<semaphore_mem>>) src(%arg18 : memref<128x128xf32, #tpu.memory_space<vmem>>) dst(%dma_wait3A_176 : memref<128x128xf32, #tpu.memory_space<vmem_shared>>)
      tpu.yield
    }) : () -> ()
    %mul3A_57 = arith.constant 632 : i32
    %mul3A_58 = arith.muli %arg1, %mul3A_57 : i32
    %add3A_59 = arith.constant 256 : i32
    %add3A_60 = arith.addi %mul3A_58, %add3A_59 : i32
    "tpu.region"() ({
      %run_scoped3A = tpu.sem_alloc : memref<!tpu.dma_semaphore, #tpu.memory_space<semaphore_mem>>
      %dma_start3A_169 = arith.constant 0 : i32
      %dma_start3A_170 = tpu.memref_slice %arg19[%add3A_60, %dma_start3A_169] : memref<10112x128xf32, #tpu.memory_space<vmem_shared>> -> memref<128x128xf32, #tpu.memory_space<vmem_shared>>
      %dma_start3A_171 = arith.constant 0 : i32
      %dma_start3A_172 = tpu.memref_slice %arg19[%add3A_60, %dma_start3A_171] : memref<10112x128xf32, #tpu.memory_space<vmem_shared>> -> memref<128x128xf32, #tpu.memory_space<vmem_shared>>
      tpu.enqueue_dma source(%arg18 : memref<128x128xf32, #tpu.memory_space<vmem>>) target(%dma_start3A_172 : memref<128x128xf32, #tpu.memory_space<vmem_shared>>) target_semaphore(%run_scoped3A : memref<!tpu.dma_semaphore, #tpu.memory_space<semaphore_mem>>)
      %dma_wait3A_173 = arith.constant 0 : i32
      %dma_wait3A_174 = tpu.memref_slice %arg19[%add3A_60, %dma_wait3A_173] : memref<10112x128xf32, #tpu.memory_space<vmem_shared>> -> memref<128x128xf32, #tpu.memory_space<vmem_shared>>
      %dma_wait3A_175 = arith.constant 0 : i32
      %dma_wait3A_176 = tpu.memref_slice %arg19[%add3A_60, %dma_wait3A_175] : memref<10112x128xf32, #tpu.memory_space<vmem_shared>> -> memref<128x128xf32, #tpu.memory_space<vmem_shared>>
      tpu.wait_dma2 semaphore(%run_scoped3A : memref<!tpu.dma_semaphore, #tpu.memory_space<semaphore_mem>>) src(%arg18 : memref<128x128xf32, #tpu.memory_space<vmem>>) dst(%dma_wait3A_176 : memref<128x128xf32, #tpu.memory_space<vmem_shared>>)
      tpu.yield
    }) : () -> ()
    %mul3A_61 = arith.constant 632 : i32
    %mul3A_62 = arith.muli %arg1, %mul3A_61 : i32
    %add3A_63 = arith.constant 384 : i32
    %add3A_64 = arith.addi %mul3A_62, %add3A_63 : i32
    "tpu.region"() ({
      %run_scoped3A = tpu.sem_alloc : memref<!tpu.dma_semaphore, #tpu.memory_space<semaphore_mem>>
      %dma_start3A_169 = arith.constant 0 : i32
      %dma_start3A_170 = tpu.memref_slice %arg19[%add3A_64, %dma_start3A_169] : memref<10112x128xf32, #tpu.memory_space<vmem_shared>> -> memref<128x128xf32, #tpu.memory_space<vmem_shared>>
      %dma_start3A_171 = arith.constant 0 : i32
      %dma_start3A_172 = tpu.memref_slice %arg19[%add3A_64, %dma_start3A_171] : memref<10112x128xf32, #tpu.memory_space<vmem_shared>> -> memref<128x128xf32, #tpu.memory_space<vmem_shared>>
      tpu.enqueue_dma source(%arg18 : memref<128x128xf32, #tpu.memory_space<vmem>>) target(%dma_start3A_172 : memref<128x128xf32, #tpu.memory_space<vmem_shared>>) target_semaphore(%run_scoped3A : memref<!tpu.dma_semaphore, #tpu.memory_space<semaphore_mem>>)
      %dma_wait3A_173 = arith.constant 0 : i32
      %dma_wait3A_174 = tpu.memref_slice %arg19[%add3A_64, %dma_wait3A_173] : memref<10112x128xf32, #tpu.memory_space<vmem_shared>> -> memref<128x128xf32, #tpu.memory_space<vmem_shared>>
      %dma_wait3A_175 = arith.constant 0 : i32
      %dma_wait3A_176 = tpu.memref_slice %arg19[%add3A_64, %dma_wait3A_175] : memref<10112x128xf32, #tpu.memory_space<vmem_shared>> -> memref<128x128xf32, #tpu.memory_space<vmem_shared>>
      tpu.wait_dma2 semaphore(%run_scoped3A : memref<!tpu.dma_semaphore, #tpu.memory_space<semaphore_mem>>) src(%arg18 : memref<128x128xf32, #tpu.memory_space<vmem>>) dst(%dma_wait3A_176 : memref<128x128xf32, #tpu.memory_space<vmem_shared>>)
      tpu.yield
    }) : () -> ()
    %mul3A_65 = arith.constant 632 : i32
    %mul3A_66 = arith.muli %arg1, %mul3A_65 : i32
    %add3A_67 = arith.constant 512 : i32
    %add3A_68 = arith.addi %mul3A_66, %add3A_67 : i32
    "tpu.region"() ({
      %run_scoped3A = tpu.sem_alloc : memref<!tpu.dma_semaphore, #tpu.memory_space<semaphore_mem>>
      %dma_start3A_169 = arith.constant 0 : i32
      %dma_start3A_170 = arith.constant 0 : i32
      %dma_start3A_171 = tpu.memref_slice %arg18[%dma_start3A_169, %dma_start3A_170] : memref<128x128xf32, #tpu.memory_space<vmem>> -> memref<120x128xf32, #tpu.memory_space<vmem>>
      %dma_start3A_172 = arith.constant 0 : i32
      %dma_start3A_173 = tpu.memref_slice %arg19[%add3A_68, %dma_start3A_172] : memref<10112x128xf32, #tpu.memory_space<vmem_shared>> -> memref<120x128xf32, #tpu.memory_space<vmem_shared>>
      %dma_start3A_174 = arith.constant 0 : i32
      %dma_start3A_175 = tpu.memref_slice %arg19[%add3A_68, %dma_start3A_174] : memref<10112x128xf32, #tpu.memory_space<vmem_shared>> -> memref<120x128xf32, #tpu.memory_space<vmem_shared>>
      %dma_start3A_176 = arith.constant 0 : i32
      %dma_start3A_177 = arith.constant 0 : i32
      %dma_start3A_178 = tpu.memref_slice %arg18[%dma_start3A_176, %dma_start3A_177] : memref<128x128xf32, #tpu.memory_space<vmem>> -> memref<120x128xf32, #tpu.memory_space<vmem>>
      tpu.enqueue_dma source(%dma_start3A_178 : memref<120x128xf32, #tpu.memory_space<vmem>>) target(%dma_start3A_175 : memref<120x128xf32, #tpu.memory_space<vmem_shared>>) target_semaphore(%run_scoped3A : memref<!tpu.dma_semaphore, #tpu.memory_space<semaphore_mem>>)
      %dma_wait3A_179 = arith.constant 0 : i32
      %dma_wait3A_180 = arith.constant 0 : i32
      %dma_wait3A_181 = tpu.memref_slice %arg18[%dma_wait3A_179, %dma_wait3A_180] : memref<128x128xf32, #tpu.memory_space<vmem>> -> memref<120x128xf32, #tpu.memory_space<vmem>>
      %dma_wait3A_182 = arith.constant 0 : i32
      %dma_wait3A_183 = tpu.memref_slice %arg19[%add3A_68, %dma_wait3A_182] : memref<10112x128xf32, #tpu.memory_space<vmem_shared>> -> memref<120x128xf32, #tpu.memory_space<vmem_shared>>
      %dma_wait3A_184 = arith.constant 0 : i32
      %dma_wait3A_185 = tpu.memref_slice %arg19[%add3A_68, %dma_wait3A_184] : memref<10112x128xf32, #tpu.memory_space<vmem_shared>> -> memref<120x128xf32, #tpu.memory_space<vmem_shared>>
      %dma_wait3A_186 = arith.constant 0 : i32
      %dma_wait3A_187 = arith.constant 0 : i32
      %dma_wait3A_188 = tpu.memref_slice %arg18[%dma_wait3A_186, %dma_wait3A_187] : memref<128x128xf32, #tpu.memory_space<vmem>> -> memref<120x128xf32, #tpu.memory_space<vmem>>
      tpu.wait_dma2 semaphore(%run_scoped3A : memref<!tpu.dma_semaphore, #tpu.memory_space<semaphore_mem>>) src(%dma_wait3A_188 : memref<120x128xf32, #tpu.memory_space<vmem>>) dst(%dma_wait3A_185 : memref<120x128xf32, #tpu.memory_space<vmem_shared>>)
      tpu.yield
    }) : () -> ()
    %barrier3A_69 = arith.constant 0 : index
    tpu.barrier barrier_id(%barrier3A_69)
    "tpu.region"() ({
      %run_scoped3A = tpu.sem_alloc : memref<!tpu.dma_semaphore, #tpu.memory_space<semaphore_mem>>
      %dma_start3A_169 = tpu.memref_slice %arg2[%mul3A_5] : memref<163840xi32, #tpu.memory_space<hbm>> -> memref<128xi32, #tpu.memory_space<hbm>>
      %dma_start3A_170 = tpu.memref_slice %arg2[%mul3A_5] : memref<163840xi32, #tpu.memory_space<hbm>> -> memref<128xi32, #tpu.memory_space<hbm>>
      tpu.enqueue_dma source(%dma_start3A_170 : memref<128xi32, #tpu.memory_space<hbm>>) target(%arg12 : memref<128xi32, #tpu.memory_space<vmem>>) target_semaphore(%run_scoped3A : memref<!tpu.dma_semaphore, #tpu.memory_space<semaphore_mem>>)
      %dma_wait3A_171 = tpu.memref_slice %arg2[%mul3A_5] : memref<163840xi32, #tpu.memory_space<hbm>> -> memref<128xi32, #tpu.memory_space<hbm>>
      %dma_wait3A_172 = tpu.memref_slice %arg2[%mul3A_5] : memref<163840xi32, #tpu.memory_space<hbm>> -> memref<128xi32, #tpu.memory_space<hbm>>
      tpu.wait_dma2 semaphore(%run_scoped3A : memref<!tpu.dma_semaphore, #tpu.memory_space<semaphore_mem>>) src(%dma_wait3A_172 : memref<128xi32, #tpu.memory_space<hbm>>) dst(%arg12 : memref<128xi32, #tpu.memory_space<vmem>>)
      tpu.yield
    }) : () -> ()
    %dma_start3A_70 = arith.constant 0 : i32
    %dma_start3A_71 = arith.constant 0 : i32
    %dma_start3A_72 = tpu.memref_slice %arg5[%dma_start3A_70, %dma_start3A_71] : memref<10112x128xf32, #tpu.memory_space<hbm>> -> memref<10112x128xf32, #tpu.memory_space<hbm>>
    tpu.enqueue_indirect_dma source(%dma_start3A_72 : memref<10112x128xf32, #tpu.memory_space<hbm>>) target(%arg16 : memref<128x128xf32, #tpu.memory_space<vmem>>) offsets(%arg12 : memref<128xi32, #tpu.memory_space<vmem>>) semaphore(%arg20 : memref<!tpu.dma_semaphore, #tpu.memory_space<semaphore_mem>>)
    %scan3A_73 = arith.constant 0 : i32
    %scan3A_74 = arith.constant 0 : i32
    %scan3A_75 = arith.constant 20 : i32
    %scan3A_76 = arith.addi %scan3A_74, %scan3A_75 : i32
    %scan3A_77 = arith.constant 1 : i32
    %scan3A_78 = scf.for %scan3A_169 = %scan3A_74 to %scan3A_76 step %scan3A_77 iter_args(%scan3A_170 = %scan3A_73) -> (i32)  : i32 {
      %mul3A_171 = arith.constant 2 : i32
      %mul3A_172 = arith.muli %mul3A_171, %scan3A_169 : i32
      %mul3A_173 = arith.constant 2 : i32
      %mul3A_174 = arith.muli %mul3A_173, %scan3A_169 : i32
      %add3A_175 = arith.constant 1 : i32
      %add3A_176 = arith.addi %mul3A_174, %add3A_175 : i32
      %add3A_177 = arith.constant 1 : i32
      %add3A_178 = arith.addi %add3A_176, %add3A_177 : i32
      %min3A = arith.constant 39 : i32
      %min3A_179 = arith.minsi %add3A_178, %min3A : i32
      %mul3A_180 = arith.constant 128 : i32
      %mul3A_181 = arith.muli %add3A_176, %mul3A_180 : i32
      %add3A_182 = arith.addi %mul3A_5, %mul3A_181 : i32
      "tpu.region"() ({
        %run_scoped3A = tpu.sem_alloc : memref<!tpu.dma_semaphore, #tpu.memory_space<semaphore_mem>>
        %dma_start3A_205 = tpu.memref_slice %arg2[%add3A_182] : memref<163840xi32, #tpu.memory_space<hbm>> -> memref<128xi32, #tpu.memory_space<hbm>>
        %dma_start3A_206 = tpu.memref_slice %arg2[%add3A_182] : memref<163840xi32, #tpu.memory_space<hbm>> -> memref<128xi32, #tpu.memory_space<hbm>>
        tpu.enqueue_dma source(%dma_start3A_206 : memref<128xi32, #tpu.memory_space<hbm>>) target(%arg13 : memref<128xi32, #tpu.memory_space<vmem>>) target_semaphore(%run_scoped3A : memref<!tpu.dma_semaphore, #tpu.memory_space<semaphore_mem>>)
        %dma_wait3A_207 = tpu.memref_slice %arg2[%add3A_182] : memref<163840xi32, #tpu.memory_space<hbm>> -> memref<128xi32, #tpu.memory_space<hbm>>
        %dma_wait3A_208 = tpu.memref_slice %arg2[%add3A_182] : memref<163840xi32, #tpu.memory_space<hbm>> -> memref<128xi32, #tpu.memory_space<hbm>>
        tpu.wait_dma2 semaphore(%run_scoped3A : memref<!tpu.dma_semaphore, #tpu.memory_space<semaphore_mem>>) src(%dma_wait3A_208 : memref<128xi32, #tpu.memory_space<hbm>>) dst(%arg13 : memref<128xi32, #tpu.memory_space<vmem>>)
        tpu.yield
      }) : () -> ()
      %dma_start3A_183 = arith.constant 0 : i32
      %dma_start3A_184 = arith.constant 0 : i32
      %dma_start3A_185 = tpu.memref_slice %arg5[%dma_start3A_183, %dma_start3A_184] : memref<10112x128xf32, #tpu.memory_space<hbm>> -> memref<10112x128xf32, #tpu.memory_space<hbm>>
      tpu.enqueue_indirect_dma source(%dma_start3A_185 : memref<10112x128xf32, #tpu.memory_space<hbm>>) target(%arg17 : memref<128x128xf32, #tpu.memory_space<vmem>>) offsets(%arg13 : memref<128xi32, #tpu.memory_space<vmem>>) semaphore(%arg21 : memref<!tpu.dma_semaphore, #tpu.memory_space<semaphore_mem>>)
      %dma_wait3A_186 = arith.constant 0 : i32
      %dma_wait3A_187 = arith.constant 0 : i32
      %dma_wait3A_188 = tpu.memref_slice %arg5[%dma_wait3A_186, %dma_wait3A_187] : memref<10112x128xf32, #tpu.memory_space<hbm>> -> memref<10112x128xf32, #tpu.memory_space<hbm>>
      tpu.wait_indirect_dma semaphore(%arg20 : memref<!tpu.dma_semaphore, #tpu.memory_space<semaphore_mem>>) src(%dma_wait3A_188 : memref<10112x128xf32, #tpu.memory_space<hbm>>) dst(%arg16 : memref<128x128xf32, #tpu.memory_space<vmem>>)
      %mul3A_189 = arith.constant 128 : i32
      %mul3A_190 = arith.muli %mul3A_172, %mul3A_189 : i32
      %add3A_191 = arith.addi %mul3A_5, %mul3A_190 : i32
      "tpu.region"() ({
        %run_scoped3A = tpu.sem_alloc : memref<!tpu.dma_semaphore, #tpu.memory_space<semaphore_mem>>
        %dma_start3A_205 = tpu.memref_slice %arg3[%add3A_191] : memref<163840xi32, #tpu.memory_space<hbm>> -> memref<128xi32, #tpu.memory_space<hbm>>
        %dma_start3A_206 = tpu.memref_slice %arg3[%add3A_191] : memref<163840xi32, #tpu.memory_space<hbm>> -> memref<128xi32, #tpu.memory_space<hbm>>
        tpu.enqueue_dma source(%dma_start3A_206 : memref<128xi32, #tpu.memory_space<hbm>>) target(%arg14 : memref<128xi32, #tpu.memory_space<vmem>>) target_semaphore(%run_scoped3A : memref<!tpu.dma_semaphore, #tpu.memory_space<semaphore_mem>>)
        %dma_wait3A_207 = tpu.memref_slice %arg3[%add3A_191] : memref<163840xi32, #tpu.memory_space<hbm>> -> memref<128xi32, #tpu.memory_space<hbm>>
        %dma_wait3A_208 = tpu.memref_slice %arg3[%add3A_191] : memref<163840xi32, #tpu.memory_space<hbm>> -> memref<128xi32, #tpu.memory_space<hbm>>
        tpu.wait_dma2 semaphore(%run_scoped3A : memref<!tpu.dma_semaphore, #tpu.memory_space<semaphore_mem>>) src(%dma_wait3A_208 : memref<128xi32, #tpu.memory_space<hbm>>) dst(%arg14 : memref<128xi32, #tpu.memory_space<vmem>>)
        tpu.yield
      }) : () -> ()
      %mul3A_192 = arith.constant 128 : i32
      %mul3A_193 = arith.muli %min3A_179, %mul3A_192 : i32
      %add3A_194 = arith.addi %mul3A_5, %mul3A_193 : i32
      "tpu.region"() ({
        %run_scoped3A = tpu.sem_alloc : memref<!tpu.dma_semaphore, #tpu.memory_space<semaphore_mem>>
        %dma_start3A_205 = tpu.memref_slice %arg2[%add3A_194] : memref<163840xi32, #tpu.memory_space<hbm>> -> memref<128xi32, #tpu.memory_space<hbm>>
        %dma_start3A_206 = tpu.memref_slice %arg2[%add3A_194] : memref<163840xi32, #tpu.memory_space<hbm>> -> memref<128xi32, #tpu.memory_space<hbm>>
        tpu.enqueue_dma source(%dma_start3A_206 : memref<128xi32, #tpu.memory_space<hbm>>) target(%arg12 : memref<128xi32, #tpu.memory_space<vmem>>) target_semaphore(%run_scoped3A : memref<!tpu.dma_semaphore, #tpu.memory_space<semaphore_mem>>)
        %dma_wait3A_207 = tpu.memref_slice %arg2[%add3A_194] : memref<163840xi32, #tpu.memory_space<hbm>> -> memref<128xi32, #tpu.memory_space<hbm>>
        %dma_wait3A_208 = tpu.memref_slice %arg2[%add3A_194] : memref<163840xi32, #tpu.memory_space<hbm>> -> memref<128xi32, #tpu.memory_space<hbm>>
        tpu.wait_dma2 semaphore(%run_scoped3A : memref<!tpu.dma_semaphore, #tpu.memory_space<semaphore_mem>>) src(%dma_wait3A_208 : memref<128xi32, #tpu.memory_space<hbm>>) dst(%arg12 : memref<128xi32, #tpu.memory_space<vmem>>)
        tpu.yield
      }) : () -> ()
      %dma_start3A_195 = arith.constant 0 : i32
      %dma_start3A_196 = arith.constant 0 : i32
      %dma_start3A_197 = tpu.memref_slice %arg5[%dma_start3A_195, %dma_start3A_196] : memref<10112x128xf32, #tpu.memory_space<hbm>> -> memref<10112x128xf32, #tpu.memory_space<hbm>>
      tpu.enqueue_indirect_dma source(%dma_start3A_197 : memref<10112x128xf32, #tpu.memory_space<hbm>>) target(%arg16 : memref<128x128xf32, #tpu.memory_space<vmem>>) offsets(%arg12 : memref<128xi32, #tpu.memory_space<vmem>>) semaphore(%arg20 : memref<!tpu.dma_semaphore, #tpu.memory_space<semaphore_mem>>)
      "tpu.region"() ({
        %run_scoped3A = tpu.sem_alloc : memref<!tpu.dma_semaphore, #tpu.memory_space<semaphore_mem>>
        %dma_start3A_205 = arith.constant 0 : i32
        %dma_start3A_206 = arith.constant 0 : i32
        %dma_start3A_207 = tpu.memref_slice %arg19[%dma_start3A_205, %dma_start3A_206] : memref<10112x128xf32, #tpu.memory_space<vmem_shared>> -> memref<10112x128xf32, #tpu.memory_space<vmem_shared>>
        tpu.enqueue_indirect_dma source(%arg16 : memref<128x128xf32, #tpu.memory_space<vmem>>) target(%dma_start3A_207 : memref<10112x128xf32, #tpu.memory_space<vmem_shared>>) offsets(%arg14 : memref<128xi32, #tpu.memory_space<vmem>>) semaphore(%run_scoped3A : memref<!tpu.dma_semaphore, #tpu.memory_space<semaphore_mem>>) {add = true}
        %dma_wait3A_208 = arith.constant 0 : i32
        %dma_wait3A_209 = arith.constant 0 : i32
        %dma_wait3A_210 = tpu.memref_slice %arg19[%dma_wait3A_208, %dma_wait3A_209] : memref<10112x128xf32, #tpu.memory_space<vmem_shared>> -> memref<10112x128xf32, #tpu.memory_space<vmem_shared>>
        tpu.wait_indirect_dma semaphore(%run_scoped3A : memref<!tpu.dma_semaphore, #tpu.memory_space<semaphore_mem>>) src(%arg16 : memref<128x128xf32, #tpu.memory_space<vmem>>) dst(%dma_wait3A_210 : memref<10112x128xf32, #tpu.memory_space<vmem_shared>>)
        tpu.yield
      }) : () -> ()
      %dma_wait3A_198 = arith.constant 0 : i32
      %dma_wait3A_199 = arith.constant 0 : i32
      %dma_wait3A_200 = tpu.memref_slice %arg5[%dma_wait3A_198, %dma_wait3A_199] : memref<10112x128xf32, #tpu.memory_space<hbm>> -> memref<10112x128xf32, #tpu.memory_space<hbm>>
      tpu.wait_indirect_dma semaphore(%arg21 : memref<!tpu.dma_semaphore, #tpu.memory_space<semaphore_mem>>) src(%dma_wait3A_200 : memref<10112x128xf32, #tpu.memory_space<hbm>>) dst(%arg17 : memref<128x128xf32, #tpu.memory_space<vmem>>)
      %mul3A_201 = arith.constant 128 : i32
      %mul3A_202 = arith.muli %add3A_176, %mul3A_201 : i32
      %add3A_203 = arith.addi %mul3A_5, %mul3A_202 : i32
      "tpu.region"() ({
        %run_scoped3A = tpu.sem_alloc : memref<!tpu.dma_semaphore, #tpu.memory_space<semaphore_mem>>
        %dma_start3A_205 = tpu.memref_slice %arg3[%add3A_203] : memref<163840xi32, #tpu.memory_space<hbm>> -> memref<128xi32, #tpu.memory_space<hbm>>
        %dma_start3A_206 = tpu.memref_slice %arg3[%add3A_203] : memref<163840xi32, #tpu.memory_space<hbm>> -> memref<128xi32, #tpu.memory_space<hbm>>
        tpu.enqueue_dma source(%dma_start3A_206 : memref<128xi32, #tpu.memory_space<hbm>>) target(%arg15 : memref<128xi32, #tpu.memory_space<vmem>>) target_semaphore(%run_scoped3A : memref<!tpu.dma_semaphore, #tpu.memory_space<semaphore_mem>>)
        %dma_wait3A_207 = tpu.memref_slice %arg3[%add3A_203] : memref<163840xi32, #tpu.memory_space<hbm>> -> memref<128xi32, #tpu.memory_space<hbm>>
        %dma_wait3A_208 = tpu.memref_slice %arg3[%add3A_203] : memref<163840xi32, #tpu.memory_space<hbm>> -> memref<128xi32, #tpu.memory_space<hbm>>
        tpu.wait_dma2 semaphore(%run_scoped3A : memref<!tpu.dma_semaphore, #tpu.memory_space<semaphore_mem>>) src(%dma_wait3A_208 : memref<128xi32, #tpu.memory_space<hbm>>) dst(%arg15 : memref<128xi32, #tpu.memory_space<vmem>>)
        tpu.yield
      }) : () -> ()
      "tpu.region"() ({
        %run_scoped3A = tpu.sem_alloc : memref<!tpu.dma_semaphore, #tpu.memory_space<semaphore_mem>>
        %dma_start3A_205 = arith.constant 0 : i32
        %dma_start3A_206 = arith.constant 0 : i32
        %dma_start3A_207 = tpu.memref_slice %arg19[%dma_start3A_205, %dma_start3A_206] : memref<10112x128xf32, #tpu.memory_space<vmem_shared>> -> memref<10112x128xf32, #tpu.memory_space<vmem_shared>>
        tpu.enqueue_indirect_dma source(%arg17 : memref<128x128xf32, #tpu.memory_space<vmem>>) target(%dma_start3A_207 : memref<10112x128xf32, #tpu.memory_space<vmem_shared>>) offsets(%arg15 : memref<128xi32, #tpu.memory_space<vmem>>) semaphore(%run_scoped3A : memref<!tpu.dma_semaphore, #tpu.memory_space<semaphore_mem>>) {add = true}
        %dma_wait3A_208 = arith.constant 0 : i32
        %dma_wait3A_209 = arith.constant 0 : i32
        %dma_wait3A_210 = tpu.memref_slice %arg19[%dma_wait3A_208, %dma_wait3A_209] : memref<10112x128xf32, #tpu.memory_space<vmem_shared>> -> memref<10112x128xf32, #tpu.memory_space<vmem_shared>>
        tpu.wait_indirect_dma semaphore(%run_scoped3A : memref<!tpu.dma_semaphore, #tpu.memory_space<semaphore_mem>>) src(%arg17 : memref<128x128xf32, #tpu.memory_space<vmem>>) dst(%dma_wait3A_210 : memref<10112x128xf32, #tpu.memory_space<vmem_shared>>)
        tpu.yield
      }) : () -> ()
      %scan3A_204 = arith.constant 0 : i32
      scf.yield %scan3A_204 : i32
    }
    %scan3A_79 = arith.constant 20 : i32
    %dma_wait3A_80 = arith.constant 0 : i32
    %dma_wait3A_81 = arith.constant 0 : i32
    %dma_wait3A_82 = tpu.memref_slice %arg5[%dma_wait3A_80, %dma_wait3A_81] : memref<10112x128xf32, #tpu.memory_space<hbm>> -> memref<10112x128xf32, #tpu.memory_space<hbm>>
    tpu.wait_indirect_dma semaphore(%arg20 : memref<!tpu.dma_semaphore, #tpu.memory_space<semaphore_mem>>) src(%dma_wait3A_82 : memref<10112x128xf32, #tpu.memory_space<hbm>>) dst(%arg16 : memref<128x128xf32, #tpu.memory_space<vmem>>)
    %barrier3A_83 = arith.constant 0 : index
    tpu.barrier barrier_id(%barrier3A_83)
    %mul3A_84 = arith.constant 632 : i32
    %mul3A_85 = arith.muli %arg1, %mul3A_84 : i32
    %mul3A_86 = arith.constant 632 : i32
    %mul3A_87 = arith.muli %arg1, %mul3A_86 : i32
    "tpu.region"() ({
      %run_scoped3A = tpu.sem_alloc : memref<!tpu.dma_semaphore, #tpu.memory_space<semaphore_mem>>
      %dma_start3A_169 = arith.constant 0 : i32
      %dma_start3A_170 = tpu.memref_slice %arg9[%arg0, %mul3A_87, %dma_start3A_169] : memref<2x10112x128xf32, #tpu.memory_space<hbm>> -> memref<1x632x128xf32, #tpu.memory_space<hbm>>
      %dma_start3A_171 = tpu.memref_squeeze %dma_start3A_170 : memref<1x632x128xf32, #tpu.memory_space<hbm>> -> memref<632x128xf32, #tpu.memory_space<hbm>>
      %dma_start3A_172 = arith.constant 0 : i32
      %dma_start3A_173 = tpu.memref_slice %arg19[%mul3A_85, %dma_start3A_172] : memref<10112x128xf32, #tpu.memory_space<vmem_shared>> -> memref<632x128xf32, #tpu.memory_space<vmem_shared>>
      tpu.enqueue_dma source(%dma_start3A_173 : memref<632x128xf32, #tpu.memory_space<vmem_shared>>) target(%dma_start3A_171 : memref<632x128xf32, #tpu.memory_space<hbm>>) target_semaphore(%run_scoped3A : memref<!tpu.dma_semaphore, #tpu.memory_space<semaphore_mem>>)
      %dma_wait3A_174 = arith.constant 0 : i32
      %dma_wait3A_175 = tpu.memref_slice %arg9[%arg0, %mul3A_87, %dma_wait3A_174] : memref<2x10112x128xf32, #tpu.memory_space<hbm>> -> memref<1x632x128xf32, #tpu.memory_space<hbm>>
      %dma_wait3A_176 = tpu.memref_squeeze %dma_wait3A_175 : memref<1x632x128xf32, #tpu.memory_space<hbm>> -> memref<632x128xf32, #tpu.memory_space<hbm>>
      %dma_wait3A_177 = arith.constant 0 : i32
      %dma_wait3A_178 = tpu.memref_slice %arg19[%mul3A_85, %dma_wait3A_177] : memref<10112x128xf32, #tpu.memory_space<vmem_shared>> -> memref<632x128xf32, #tpu.memory_space<vmem_shared>>
      tpu.wait_dma2 semaphore(%run_scoped3A : memref<!tpu.dma_semaphore, #tpu.memory_space<semaphore_mem>>) src(%dma_wait3A_178 : memref<632x128xf32, #tpu.memory_space<vmem_shared>>) dst(%dma_wait3A_176 : memref<632x128xf32, #tpu.memory_space<hbm>>)
      tpu.yield
    }) : () -> ()
    %barrier3A_88 = arith.constant 0 : index
    tpu.barrier barrier_id(%barrier3A_88)
    %mul3A_89 = arith.constant 632 : i32
    %mul3A_90 = arith.muli %arg1, %mul3A_89 : i32
    %add3A_91 = arith.constant 0 : i32
    %add3A_92 = arith.addi %mul3A_90, %add3A_91 : i32
    "tpu.region"() ({
      %run_scoped3A = tpu.sem_alloc : memref<!tpu.dma_semaphore, #tpu.memory_space<semaphore_mem>>
      %dma_start3A_169 = arith.constant 0 : i32
      %dma_start3A_170 = tpu.memref_slice %arg19[%add3A_92, %dma_start3A_169] : memref<10112x128xf32, #tpu.memory_space<vmem_shared>> -> memref<128x128xf32, #tpu.memory_space<vmem_shared>>
      %dma_start3A_171 = arith.constant 0 : i32
      %dma_start3A_172 = tpu.memref_slice %arg19[%add3A_92, %dma_start3A_171] : memref<10112x128xf32, #tpu.memory_space<vmem_shared>> -> memref<128x128xf32, #tpu.memory_space<vmem_shared>>
      tpu.enqueue_dma source(%arg18 : memref<128x128xf32, #tpu.memory_space<vmem>>) target(%dma_start3A_172 : memref<128x128xf32, #tpu.memory_space<vmem_shared>>) target_semaphore(%run_scoped3A : memref<!tpu.dma_semaphore, #tpu.memory_space<semaphore_mem>>)
      %dma_wait3A_173 = arith.constant 0 : i32
      %dma_wait3A_174 = tpu.memref_slice %arg19[%add3A_92, %dma_wait3A_173] : memref<10112x128xf32, #tpu.memory_space<vmem_shared>> -> memref<128x128xf32, #tpu.memory_space<vmem_shared>>
      %dma_wait3A_175 = arith.constant 0 : i32
      %dma_wait3A_176 = tpu.memref_slice %arg19[%add3A_92, %dma_wait3A_175] : memref<10112x128xf32, #tpu.memory_space<vmem_shared>> -> memref<128x128xf32, #tpu.memory_space<vmem_shared>>
      tpu.wait_dma2 semaphore(%run_scoped3A : memref<!tpu.dma_semaphore, #tpu.memory_space<semaphore_mem>>) src(%arg18 : memref<128x128xf32, #tpu.memory_space<vmem>>) dst(%dma_wait3A_176 : memref<128x128xf32, #tpu.memory_space<vmem_shared>>)
      tpu.yield
    }) : () -> ()
    %mul3A_93 = arith.constant 632 : i32
    %mul3A_94 = arith.muli %arg1, %mul3A_93 : i32
    %add3A_95 = arith.constant 128 : i32
    %add3A_96 = arith.addi %mul3A_94, %add3A_95 : i32
    "tpu.region"() ({
      %run_scoped3A = tpu.sem_alloc : memref<!tpu.dma_semaphore, #tpu.memory_space<semaphore_mem>>
      %dma_start3A_169 = arith.constant 0 : i32
      %dma_start3A_170 = tpu.memref_slice %arg19[%add3A_96, %dma_start3A_169] : memref<10112x128xf32, #tpu.memory_space<vmem_shared>> -> memref<128x128xf32, #tpu.memory_space<vmem_shared>>
      %dma_start3A_171 = arith.constant 0 : i32
      %dma_start3A_172 = tpu.memref_slice %arg19[%add3A_96, %dma_start3A_171] : memref<10112x128xf32, #tpu.memory_space<vmem_shared>> -> memref<128x128xf32, #tpu.memory_space<vmem_shared>>
      tpu.enqueue_dma source(%arg18 : memref<128x128xf32, #tpu.memory_space<vmem>>) target(%dma_start3A_172 : memref<128x128xf32, #tpu.memory_space<vmem_shared>>) target_semaphore(%run_scoped3A : memref<!tpu.dma_semaphore, #tpu.memory_space<semaphore_mem>>)
      %dma_wait3A_173 = arith.constant 0 : i32
      %dma_wait3A_174 = tpu.memref_slice %arg19[%add3A_96, %dma_wait3A_173] : memref<10112x128xf32, #tpu.memory_space<vmem_shared>> -> memref<128x128xf32, #tpu.memory_space<vmem_shared>>
      %dma_wait3A_175 = arith.constant 0 : i32
      %dma_wait3A_176 = tpu.memref_slice %arg19[%add3A_96, %dma_wait3A_175] : memref<10112x128xf32, #tpu.memory_space<vmem_shared>> -> memref<128x128xf32, #tpu.memory_space<vmem_shared>>
      tpu.wait_dma2 semaphore(%run_scoped3A : memref<!tpu.dma_semaphore, #tpu.memory_space<semaphore_mem>>) src(%arg18 : memref<128x128xf32, #tpu.memory_space<vmem>>) dst(%dma_wait3A_176 : memref<128x128xf32, #tpu.memory_space<vmem_shared>>)
      tpu.yield
    }) : () -> ()
    %mul3A_97 = arith.constant 632 : i32
    %mul3A_98 = arith.muli %arg1, %mul3A_97 : i32
    %add3A_99 = arith.constant 256 : i32
    %add3A_100 = arith.addi %mul3A_98, %add3A_99 : i32
    "tpu.region"() ({
      %run_scoped3A = tpu.sem_alloc : memref<!tpu.dma_semaphore, #tpu.memory_space<semaphore_mem>>
      %dma_start3A_169 = arith.constant 0 : i32
      %dma_start3A_170 = tpu.memref_slice %arg19[%add3A_100, %dma_start3A_169] : memref<10112x128xf32, #tpu.memory_space<vmem_shared>> -> memref<128x128xf32, #tpu.memory_space<vmem_shared>>
      %dma_start3A_171 = arith.constant 0 : i32
      %dma_start3A_172 = tpu.memref_slice %arg19[%add3A_100, %dma_start3A_171] : memref<10112x128xf32, #tpu.memory_space<vmem_shared>> -> memref<128x128xf32, #tpu.memory_space<vmem_shared>>
      tpu.enqueue_dma source(%arg18 : memref<128x128xf32, #tpu.memory_space<vmem>>) target(%dma_start3A_172 : memref<128x128xf32, #tpu.memory_space<vmem_shared>>) target_semaphore(%run_scoped3A : memref<!tpu.dma_semaphore, #tpu.memory_space<semaphore_mem>>)
      %dma_wait3A_173 = arith.constant 0 : i32
      %dma_wait3A_174 = tpu.memref_slice %arg19[%add3A_100, %dma_wait3A_173] : memref<10112x128xf32, #tpu.memory_space<vmem_shared>> -> memref<128x128xf32, #tpu.memory_space<vmem_shared>>
      %dma_wait3A_175 = arith.constant 0 : i32
      %dma_wait3A_176 = tpu.memref_slice %arg19[%add3A_100, %dma_wait3A_175] : memref<10112x128xf32, #tpu.memory_space<vmem_shared>> -> memref<128x128xf32, #tpu.memory_space<vmem_shared>>
      tpu.wait_dma2 semaphore(%run_scoped3A : memref<!tpu.dma_semaphore, #tpu.memory_space<semaphore_mem>>) src(%arg18 : memref<128x128xf32, #tpu.memory_space<vmem>>) dst(%dma_wait3A_176 : memref<128x128xf32, #tpu.memory_space<vmem_shared>>)
      tpu.yield
    }) : () -> ()
    %mul3A_101 = arith.constant 632 : i32
    %mul3A_102 = arith.muli %arg1, %mul3A_101 : i32
    %add3A_103 = arith.constant 384 : i32
    %add3A_104 = arith.addi %mul3A_102, %add3A_103 : i32
    "tpu.region"() ({
      %run_scoped3A = tpu.sem_alloc : memref<!tpu.dma_semaphore, #tpu.memory_space<semaphore_mem>>
      %dma_start3A_169 = arith.constant 0 : i32
      %dma_start3A_170 = tpu.memref_slice %arg19[%add3A_104, %dma_start3A_169] : memref<10112x128xf32, #tpu.memory_space<vmem_shared>> -> memref<128x128xf32, #tpu.memory_space<vmem_shared>>
      %dma_start3A_171 = arith.constant 0 : i32
      %dma_start3A_172 = tpu.memref_slice %arg19[%add3A_104, %dma_start3A_171] : memref<10112x128xf32, #tpu.memory_space<vmem_shared>> -> memref<128x128xf32, #tpu.memory_space<vmem_shared>>
      tpu.enqueue_dma source(%arg18 : memref<128x128xf32, #tpu.memory_space<vmem>>) target(%dma_start3A_172 : memref<128x128xf32, #tpu.memory_space<vmem_shared>>) target_semaphore(%run_scoped3A : memref<!tpu.dma_semaphore, #tpu.memory_space<semaphore_mem>>)
      %dma_wait3A_173 = arith.constant 0 : i32
      %dma_wait3A_174 = tpu.memref_slice %arg19[%add3A_104, %dma_wait3A_173] : memref<10112x128xf32, #tpu.memory_space<vmem_shared>> -> memref<128x128xf32, #tpu.memory_space<vmem_shared>>
      %dma_wait3A_175 = arith.constant 0 : i32
      %dma_wait3A_176 = tpu.memref_slice %arg19[%add3A_104, %dma_wait3A_175] : memref<10112x128xf32, #tpu.memory_space<vmem_shared>> -> memref<128x128xf32, #tpu.memory_space<vmem_shared>>
      tpu.wait_dma2 semaphore(%run_scoped3A : memref<!tpu.dma_semaphore, #tpu.memory_space<semaphore_mem>>) src(%arg18 : memref<128x128xf32, #tpu.memory_space<vmem>>) dst(%dma_wait3A_176 : memref<128x128xf32, #tpu.memory_space<vmem_shared>>)
      tpu.yield
    }) : () -> ()
    %mul3A_105 = arith.constant 632 : i32
    %mul3A_106 = arith.muli %arg1, %mul3A_105 : i32
    %add3A_107 = arith.constant 512 : i32
    %add3A_108 = arith.addi %mul3A_106, %add3A_107 : i32
    "tpu.region"() ({
      %run_scoped3A = tpu.sem_alloc : memref<!tpu.dma_semaphore, #tpu.memory_space<semaphore_mem>>
      %dma_start3A_169 = arith.constant 0 : i32
      %dma_start3A_170 = arith.constant 0 : i32
      %dma_start3A_171 = tpu.memref_slice %arg18[%dma_start3A_169, %dma_start3A_170] : memref<128x128xf32, #tpu.memory_space<vmem>> -> memref<120x128xf32, #tpu.memory_space<vmem>>
      %dma_start3A_172 = arith.constant 0 : i32
      %dma_start3A_173 = tpu.memref_slice %arg19[%add3A_108, %dma_start3A_172] : memref<10112x128xf32, #tpu.memory_space<vmem_shared>> -> memref<120x128xf32, #tpu.memory_space<vmem_shared>>
      %dma_start3A_174 = arith.constant 0 : i32
      %dma_start3A_175 = tpu.memref_slice %arg19[%add3A_108, %dma_start3A_174] : memref<10112x128xf32, #tpu.memory_space<vmem_shared>> -> memref<120x128xf32, #tpu.memory_space<vmem_shared>>
      %dma_start3A_176 = arith.constant 0 : i32
      %dma_start3A_177 = arith.constant 0 : i32
      %dma_start3A_178 = tpu.memref_slice %arg18[%dma_start3A_176, %dma_start3A_177] : memref<128x128xf32, #tpu.memory_space<vmem>> -> memref<120x128xf32, #tpu.memory_space<vmem>>
      tpu.enqueue_dma source(%dma_start3A_178 : memref<120x128xf32, #tpu.memory_space<vmem>>) target(%dma_start3A_175 : memref<120x128xf32, #tpu.memory_space<vmem_shared>>) target_semaphore(%run_scoped3A : memref<!tpu.dma_semaphore, #tpu.memory_space<semaphore_mem>>)
      %dma_wait3A_179 = arith.constant 0 : i32
      %dma_wait3A_180 = arith.constant 0 : i32
      %dma_wait3A_181 = tpu.memref_slice %arg18[%dma_wait3A_179, %dma_wait3A_180] : memref<128x128xf32, #tpu.memory_space<vmem>> -> memref<120x128xf32, #tpu.memory_space<vmem>>
      %dma_wait3A_182 = arith.constant 0 : i32
      %dma_wait3A_183 = tpu.memref_slice %arg19[%add3A_108, %dma_wait3A_182] : memref<10112x128xf32, #tpu.memory_space<vmem_shared>> -> memref<120x128xf32, #tpu.memory_space<vmem_shared>>
      %dma_wait3A_184 = arith.constant 0 : i32
      %dma_wait3A_185 = tpu.memref_slice %arg19[%add3A_108, %dma_wait3A_184] : memref<10112x128xf32, #tpu.memory_space<vmem_shared>> -> memref<120x128xf32, #tpu.memory_space<vmem_shared>>
      %dma_wait3A_186 = arith.constant 0 : i32
      %dma_wait3A_187 = arith.constant 0 : i32
      %dma_wait3A_188 = tpu.memref_slice %arg18[%dma_wait3A_186, %dma_wait3A_187] : memref<128x128xf32, #tpu.memory_space<vmem>> -> memref<120x128xf32, #tpu.memory_space<vmem>>
      tpu.wait_dma2 semaphore(%run_scoped3A : memref<!tpu.dma_semaphore, #tpu.memory_space<semaphore_mem>>) src(%dma_wait3A_188 : memref<120x128xf32, #tpu.memory_space<vmem>>) dst(%dma_wait3A_185 : memref<120x128xf32, #tpu.memory_space<vmem_shared>>)
      tpu.yield
    }) : () -> ()
    %barrier3A_109 = arith.constant 0 : index
    tpu.barrier barrier_id(%barrier3A_109)
    "tpu.region"() ({
      %run_scoped3A = tpu.sem_alloc : memref<!tpu.dma_semaphore, #tpu.memory_space<semaphore_mem>>
      %dma_start3A_169 = tpu.memref_slice %arg2[%mul3A_5] : memref<163840xi32, #tpu.memory_space<hbm>> -> memref<128xi32, #tpu.memory_space<hbm>>
      %dma_start3A_170 = tpu.memref_slice %arg2[%mul3A_5] : memref<163840xi32, #tpu.memory_space<hbm>> -> memref<128xi32, #tpu.memory_space<hbm>>
      tpu.enqueue_dma source(%dma_start3A_170 : memref<128xi32, #tpu.memory_space<hbm>>) target(%arg12 : memref<128xi32, #tpu.memory_space<vmem>>) target_semaphore(%run_scoped3A : memref<!tpu.dma_semaphore, #tpu.memory_space<semaphore_mem>>)
      %dma_wait3A_171 = tpu.memref_slice %arg2[%mul3A_5] : memref<163840xi32, #tpu.memory_space<hbm>> -> memref<128xi32, #tpu.memory_space<hbm>>
      %dma_wait3A_172 = tpu.memref_slice %arg2[%mul3A_5] : memref<163840xi32, #tpu.memory_space<hbm>> -> memref<128xi32, #tpu.memory_space<hbm>>
      tpu.wait_dma2 semaphore(%run_scoped3A : memref<!tpu.dma_semaphore, #tpu.memory_space<semaphore_mem>>) src(%dma_wait3A_172 : memref<128xi32, #tpu.memory_space<hbm>>) dst(%arg12 : memref<128xi32, #tpu.memory_space<vmem>>)
      tpu.yield
    }) : () -> ()
    %dma_start3A_110 = arith.constant 0 : i32
    %dma_start3A_111 = arith.constant 0 : i32
    %dma_start3A_112 = tpu.memref_slice %arg6[%dma_start3A_110, %dma_start3A_111] : memref<10112x128xf32, #tpu.memory_space<hbm>> -> memref<10112x128xf32, #tpu.memory_space<hbm>>
    tpu.enqueue_indirect_dma source(%dma_start3A_112 : memref<10112x128xf32, #tpu.memory_space<hbm>>) target(%arg16 : memref<128x128xf32, #tpu.memory_space<vmem>>) offsets(%arg12 : memref<128xi32, #tpu.memory_space<vmem>>) semaphore(%arg20 : memref<!tpu.dma_semaphore, #tpu.memory_space<semaphore_mem>>)
    %scan3A_113 = arith.constant 0 : i32
    %scan3A_114 = arith.constant 0 : i32
    %scan3A_115 = arith.constant 20 : i32
    %scan3A_116 = arith.addi %scan3A_114, %scan3A_115 : i32
    %scan3A_117 = arith.constant 1 : i32
    %scan3A_118 = scf.for %scan3A_169 = %scan3A_114 to %scan3A_116 step %scan3A_117 iter_args(%scan3A_170 = %scan3A_113) -> (i32)  : i32 {
      %mul3A_171 = arith.constant 2 : i32
      %mul3A_172 = arith.muli %mul3A_171, %scan3A_169 : i32
      %mul3A_173 = arith.constant 2 : i32
      %mul3A_174 = arith.muli %mul3A_173, %scan3A_169 : i32
      %add3A_175 = arith.constant 1 : i32
      %add3A_176 = arith.addi %mul3A_174, %add3A_175 : i32
      %add3A_177 = arith.constant 1 : i32
      %add3A_178 = arith.addi %add3A_176, %add3A_177 : i32
      %min3A = arith.constant 39 : i32
      %min3A_179 = arith.minsi %add3A_178, %min3A : i32
      %mul3A_180 = arith.constant 128 : i32
      %mul3A_181 = arith.muli %add3A_176, %mul3A_180 : i32
      %add3A_182 = arith.addi %mul3A_5, %mul3A_181 : i32
      "tpu.region"() ({
        %run_scoped3A = tpu.sem_alloc : memref<!tpu.dma_semaphore, #tpu.memory_space<semaphore_mem>>
        %dma_start3A_205 = tpu.memref_slice %arg2[%add3A_182] : memref<163840xi32, #tpu.memory_space<hbm>> -> memref<128xi32, #tpu.memory_space<hbm>>
        %dma_start3A_206 = tpu.memref_slice %arg2[%add3A_182] : memref<163840xi32, #tpu.memory_space<hbm>> -> memref<128xi32, #tpu.memory_space<hbm>>
        tpu.enqueue_dma source(%dma_start3A_206 : memref<128xi32, #tpu.memory_space<hbm>>) target(%arg13 : memref<128xi32, #tpu.memory_space<vmem>>) target_semaphore(%run_scoped3A : memref<!tpu.dma_semaphore, #tpu.memory_space<semaphore_mem>>)
        %dma_wait3A_207 = tpu.memref_slice %arg2[%add3A_182] : memref<163840xi32, #tpu.memory_space<hbm>> -> memref<128xi32, #tpu.memory_space<hbm>>
        %dma_wait3A_208 = tpu.memref_slice %arg2[%add3A_182] : memref<163840xi32, #tpu.memory_space<hbm>> -> memref<128xi32, #tpu.memory_space<hbm>>
        tpu.wait_dma2 semaphore(%run_scoped3A : memref<!tpu.dma_semaphore, #tpu.memory_space<semaphore_mem>>) src(%dma_wait3A_208 : memref<128xi32, #tpu.memory_space<hbm>>) dst(%arg13 : memref<128xi32, #tpu.memory_space<vmem>>)
        tpu.yield
      }) : () -> ()
      %dma_start3A_183 = arith.constant 0 : i32
      %dma_start3A_184 = arith.constant 0 : i32
      %dma_start3A_185 = tpu.memref_slice %arg6[%dma_start3A_183, %dma_start3A_184] : memref<10112x128xf32, #tpu.memory_space<hbm>> -> memref<10112x128xf32, #tpu.memory_space<hbm>>
      tpu.enqueue_indirect_dma source(%dma_start3A_185 : memref<10112x128xf32, #tpu.memory_space<hbm>>) target(%arg17 : memref<128x128xf32, #tpu.memory_space<vmem>>) offsets(%arg13 : memref<128xi32, #tpu.memory_space<vmem>>) semaphore(%arg21 : memref<!tpu.dma_semaphore, #tpu.memory_space<semaphore_mem>>)
      %dma_wait3A_186 = arith.constant 0 : i32
      %dma_wait3A_187 = arith.constant 0 : i32
      %dma_wait3A_188 = tpu.memref_slice %arg6[%dma_wait3A_186, %dma_wait3A_187] : memref<10112x128xf32, #tpu.memory_space<hbm>> -> memref<10112x128xf32, #tpu.memory_space<hbm>>
      tpu.wait_indirect_dma semaphore(%arg20 : memref<!tpu.dma_semaphore, #tpu.memory_space<semaphore_mem>>) src(%dma_wait3A_188 : memref<10112x128xf32, #tpu.memory_space<hbm>>) dst(%arg16 : memref<128x128xf32, #tpu.memory_space<vmem>>)
      %mul3A_189 = arith.constant 128 : i32
      %mul3A_190 = arith.muli %mul3A_172, %mul3A_189 : i32
      %add3A_191 = arith.addi %mul3A_5, %mul3A_190 : i32
      "tpu.region"() ({
        %run_scoped3A = tpu.sem_alloc : memref<!tpu.dma_semaphore, #tpu.memory_space<semaphore_mem>>
        %dma_start3A_205 = tpu.memref_slice %arg3[%add3A_191] : memref<163840xi32, #tpu.memory_space<hbm>> -> memref<128xi32, #tpu.memory_space<hbm>>
        %dma_start3A_206 = tpu.memref_slice %arg3[%add3A_191] : memref<163840xi32, #tpu.memory_space<hbm>> -> memref<128xi32, #tpu.memory_space<hbm>>
        tpu.enqueue_dma source(%dma_start3A_206 : memref<128xi32, #tpu.memory_space<hbm>>) target(%arg14 : memref<128xi32, #tpu.memory_space<vmem>>) target_semaphore(%run_scoped3A : memref<!tpu.dma_semaphore, #tpu.memory_space<semaphore_mem>>)
        %dma_wait3A_207 = tpu.memref_slice %arg3[%add3A_191] : memref<163840xi32, #tpu.memory_space<hbm>> -> memref<128xi32, #tpu.memory_space<hbm>>
        %dma_wait3A_208 = tpu.memref_slice %arg3[%add3A_191] : memref<163840xi32, #tpu.memory_space<hbm>> -> memref<128xi32, #tpu.memory_space<hbm>>
        tpu.wait_dma2 semaphore(%run_scoped3A : memref<!tpu.dma_semaphore, #tpu.memory_space<semaphore_mem>>) src(%dma_wait3A_208 : memref<128xi32, #tpu.memory_space<hbm>>) dst(%arg14 : memref<128xi32, #tpu.memory_space<vmem>>)
        tpu.yield
      }) : () -> ()
      %mul3A_192 = arith.constant 128 : i32
      %mul3A_193 = arith.muli %min3A_179, %mul3A_192 : i32
      %add3A_194 = arith.addi %mul3A_5, %mul3A_193 : i32
      "tpu.region"() ({
        %run_scoped3A = tpu.sem_alloc : memref<!tpu.dma_semaphore, #tpu.memory_space<semaphore_mem>>
        %dma_start3A_205 = tpu.memref_slice %arg2[%add3A_194] : memref<163840xi32, #tpu.memory_space<hbm>> -> memref<128xi32, #tpu.memory_space<hbm>>
        %dma_start3A_206 = tpu.memref_slice %arg2[%add3A_194] : memref<163840xi32, #tpu.memory_space<hbm>> -> memref<128xi32, #tpu.memory_space<hbm>>
        tpu.enqueue_dma source(%dma_start3A_206 : memref<128xi32, #tpu.memory_space<hbm>>) target(%arg12 : memref<128xi32, #tpu.memory_space<vmem>>) target_semaphore(%run_scoped3A : memref<!tpu.dma_semaphore, #tpu.memory_space<semaphore_mem>>)
        %dma_wait3A_207 = tpu.memref_slice %arg2[%add3A_194] : memref<163840xi32, #tpu.memory_space<hbm>> -> memref<128xi32, #tpu.memory_space<hbm>>
        %dma_wait3A_208 = tpu.memref_slice %arg2[%add3A_194] : memref<163840xi32, #tpu.memory_space<hbm>> -> memref<128xi32, #tpu.memory_space<hbm>>
        tpu.wait_dma2 semaphore(%run_scoped3A : memref<!tpu.dma_semaphore, #tpu.memory_space<semaphore_mem>>) src(%dma_wait3A_208 : memref<128xi32, #tpu.memory_space<hbm>>) dst(%arg12 : memref<128xi32, #tpu.memory_space<vmem>>)
        tpu.yield
      }) : () -> ()
      %dma_start3A_195 = arith.constant 0 : i32
      %dma_start3A_196 = arith.constant 0 : i32
      %dma_start3A_197 = tpu.memref_slice %arg6[%dma_start3A_195, %dma_start3A_196] : memref<10112x128xf32, #tpu.memory_space<hbm>> -> memref<10112x128xf32, #tpu.memory_space<hbm>>
      tpu.enqueue_indirect_dma source(%dma_start3A_197 : memref<10112x128xf32, #tpu.memory_space<hbm>>) target(%arg16 : memref<128x128xf32, #tpu.memory_space<vmem>>) offsets(%arg12 : memref<128xi32, #tpu.memory_space<vmem>>) semaphore(%arg20 : memref<!tpu.dma_semaphore, #tpu.memory_space<semaphore_mem>>)
      "tpu.region"() ({
        %run_scoped3A = tpu.sem_alloc : memref<!tpu.dma_semaphore, #tpu.memory_space<semaphore_mem>>
        %dma_start3A_205 = arith.constant 0 : i32
        %dma_start3A_206 = arith.constant 0 : i32
        %dma_start3A_207 = tpu.memref_slice %arg19[%dma_start3A_205, %dma_start3A_206] : memref<10112x128xf32, #tpu.memory_space<vmem_shared>> -> memref<10112x128xf32, #tpu.memory_space<vmem_shared>>
        tpu.enqueue_indirect_dma source(%arg16 : memref<128x128xf32, #tpu.memory_space<vmem>>) target(%dma_start3A_207 : memref<10112x128xf32, #tpu.memory_space<vmem_shared>>) offsets(%arg14 : memref<128xi32, #tpu.memory_space<vmem>>) semaphore(%run_scoped3A : memref<!tpu.dma_semaphore, #tpu.memory_space<semaphore_mem>>) {add = true}
        %dma_wait3A_208 = arith.constant 0 : i32
        %dma_wait3A_209 = arith.constant 0 : i32
        %dma_wait3A_210 = tpu.memref_slice %arg19[%dma_wait3A_208, %dma_wait3A_209] : memref<10112x128xf32, #tpu.memory_space<vmem_shared>> -> memref<10112x128xf32, #tpu.memory_space<vmem_shared>>
        tpu.wait_indirect_dma semaphore(%run_scoped3A : memref<!tpu.dma_semaphore, #tpu.memory_space<semaphore_mem>>) src(%arg16 : memref<128x128xf32, #tpu.memory_space<vmem>>) dst(%dma_wait3A_210 : memref<10112x128xf32, #tpu.memory_space<vmem_shared>>)
        tpu.yield
      }) : () -> ()
      %dma_wait3A_198 = arith.constant 0 : i32
      %dma_wait3A_199 = arith.constant 0 : i32
      %dma_wait3A_200 = tpu.memref_slice %arg6[%dma_wait3A_198, %dma_wait3A_199] : memref<10112x128xf32, #tpu.memory_space<hbm>> -> memref<10112x128xf32, #tpu.memory_space<hbm>>
      tpu.wait_indirect_dma semaphore(%arg21 : memref<!tpu.dma_semaphore, #tpu.memory_space<semaphore_mem>>) src(%dma_wait3A_200 : memref<10112x128xf32, #tpu.memory_space<hbm>>) dst(%arg17 : memref<128x128xf32, #tpu.memory_space<vmem>>)
      %mul3A_201 = arith.constant 128 : i32
      %mul3A_202 = arith.muli %add3A_176, %mul3A_201 : i32
      %add3A_203 = arith.addi %mul3A_5, %mul3A_202 : i32
      "tpu.region"() ({
        %run_scoped3A = tpu.sem_alloc : memref<!tpu.dma_semaphore, #tpu.memory_space<semaphore_mem>>
        %dma_start3A_205 = tpu.memref_slice %arg3[%add3A_203] : memref<163840xi32, #tpu.memory_space<hbm>> -> memref<128xi32, #tpu.memory_space<hbm>>
        %dma_start3A_206 = tpu.memref_slice %arg3[%add3A_203] : memref<163840xi32, #tpu.memory_space<hbm>> -> memref<128xi32, #tpu.memory_space<hbm>>
        tpu.enqueue_dma source(%dma_start3A_206 : memref<128xi32, #tpu.memory_space<hbm>>) target(%arg15 : memref<128xi32, #tpu.memory_space<vmem>>) target_semaphore(%run_scoped3A : memref<!tpu.dma_semaphore, #tpu.memory_space<semaphore_mem>>)
        %dma_wait3A_207 = tpu.memref_slice %arg3[%add3A_203] : memref<163840xi32, #tpu.memory_space<hbm>> -> memref<128xi32, #tpu.memory_space<hbm>>
        %dma_wait3A_208 = tpu.memref_slice %arg3[%add3A_203] : memref<163840xi32, #tpu.memory_space<hbm>> -> memref<128xi32, #tpu.memory_space<hbm>>
        tpu.wait_dma2 semaphore(%run_scoped3A : memref<!tpu.dma_semaphore, #tpu.memory_space<semaphore_mem>>) src(%dma_wait3A_208 : memref<128xi32, #tpu.memory_space<hbm>>) dst(%arg15 : memref<128xi32, #tpu.memory_space<vmem>>)
        tpu.yield
      }) : () -> ()
      "tpu.region"() ({
        %run_scoped3A = tpu.sem_alloc : memref<!tpu.dma_semaphore, #tpu.memory_space<semaphore_mem>>
        %dma_start3A_205 = arith.constant 0 : i32
        %dma_start3A_206 = arith.constant 0 : i32
        %dma_start3A_207 = tpu.memref_slice %arg19[%dma_start3A_205, %dma_start3A_206] : memref<10112x128xf32, #tpu.memory_space<vmem_shared>> -> memref<10112x128xf32, #tpu.memory_space<vmem_shared>>
        tpu.enqueue_indirect_dma source(%arg17 : memref<128x128xf32, #tpu.memory_space<vmem>>) target(%dma_start3A_207 : memref<10112x128xf32, #tpu.memory_space<vmem_shared>>) offsets(%arg15 : memref<128xi32, #tpu.memory_space<vmem>>) semaphore(%run_scoped3A : memref<!tpu.dma_semaphore, #tpu.memory_space<semaphore_mem>>) {add = true}
        %dma_wait3A_208 = arith.constant 0 : i32
        %dma_wait3A_209 = arith.constant 0 : i32
        %dma_wait3A_210 = tpu.memref_slice %arg19[%dma_wait3A_208, %dma_wait3A_209] : memref<10112x128xf32, #tpu.memory_space<vmem_shared>> -> memref<10112x128xf32, #tpu.memory_space<vmem_shared>>
        tpu.wait_indirect_dma semaphore(%run_scoped3A : memref<!tpu.dma_semaphore, #tpu.memory_space<semaphore_mem>>) src(%arg17 : memref<128x128xf32, #tpu.memory_space<vmem>>) dst(%dma_wait3A_210 : memref<10112x128xf32, #tpu.memory_space<vmem_shared>>)
        tpu.yield
      }) : () -> ()
      %scan3A_204 = arith.constant 0 : i32
      scf.yield %scan3A_204 : i32
    }
    %scan3A_119 = arith.constant 20 : i32
    %dma_wait3A_120 = arith.constant 0 : i32
    %dma_wait3A_121 = arith.constant 0 : i32
    %dma_wait3A_122 = tpu.memref_slice %arg6[%dma_wait3A_120, %dma_wait3A_121] : memref<10112x128xf32, #tpu.memory_space<hbm>> -> memref<10112x128xf32, #tpu.memory_space<hbm>>
    tpu.wait_indirect_dma semaphore(%arg20 : memref<!tpu.dma_semaphore, #tpu.memory_space<semaphore_mem>>) src(%dma_wait3A_122 : memref<10112x128xf32, #tpu.memory_space<hbm>>) dst(%arg16 : memref<128x128xf32, #tpu.memory_space<vmem>>)
    %barrier3A_123 = arith.constant 0 : index
    tpu.barrier barrier_id(%barrier3A_123)
    %mul3A_124 = arith.constant 632 : i32
    %mul3A_125 = arith.muli %arg1, %mul3A_124 : i32
    %mul3A_126 = arith.constant 632 : i32
    %mul3A_127 = arith.muli %arg1, %mul3A_126 : i32
    "tpu.region"() ({
      %run_scoped3A = tpu.sem_alloc : memref<!tpu.dma_semaphore, #tpu.memory_space<semaphore_mem>>
      %dma_start3A_169 = arith.constant 0 : i32
      %dma_start3A_170 = tpu.memref_slice %arg10[%arg0, %mul3A_127, %dma_start3A_169] : memref<2x10112x128xf32, #tpu.memory_space<hbm>> -> memref<1x632x128xf32, #tpu.memory_space<hbm>>
      %dma_start3A_171 = tpu.memref_squeeze %dma_start3A_170 : memref<1x632x128xf32, #tpu.memory_space<hbm>> -> memref<632x128xf32, #tpu.memory_space<hbm>>
      %dma_start3A_172 = arith.constant 0 : i32
      %dma_start3A_173 = tpu.memref_slice %arg19[%mul3A_125, %dma_start3A_172] : memref<10112x128xf32, #tpu.memory_space<vmem_shared>> -> memref<632x128xf32, #tpu.memory_space<vmem_shared>>
      tpu.enqueue_dma source(%dma_start3A_173 : memref<632x128xf32, #tpu.memory_space<vmem_shared>>) target(%dma_start3A_171 : memref<632x128xf32, #tpu.memory_space<hbm>>) target_semaphore(%run_scoped3A : memref<!tpu.dma_semaphore, #tpu.memory_space<semaphore_mem>>)
      %dma_wait3A_174 = arith.constant 0 : i32
      %dma_wait3A_175 = tpu.memref_slice %arg10[%arg0, %mul3A_127, %dma_wait3A_174] : memref<2x10112x128xf32, #tpu.memory_space<hbm>> -> memref<1x632x128xf32, #tpu.memory_space<hbm>>
      %dma_wait3A_176 = tpu.memref_squeeze %dma_wait3A_175 : memref<1x632x128xf32, #tpu.memory_space<hbm>> -> memref<632x128xf32, #tpu.memory_space<hbm>>
      %dma_wait3A_177 = arith.constant 0 : i32
      %dma_wait3A_178 = tpu.memref_slice %arg19[%mul3A_125, %dma_wait3A_177] : memref<10112x128xf32, #tpu.memory_space<vmem_shared>> -> memref<632x128xf32, #tpu.memory_space<vmem_shared>>
      tpu.wait_dma2 semaphore(%run_scoped3A : memref<!tpu.dma_semaphore, #tpu.memory_space<semaphore_mem>>) src(%dma_wait3A_178 : memref<632x128xf32, #tpu.memory_space<vmem_shared>>) dst(%dma_wait3A_176 : memref<632x128xf32, #tpu.memory_space<hbm>>)
      tpu.yield
    }) : () -> ()
    %barrier3A_128 = arith.constant 0 : index
    tpu.barrier barrier_id(%barrier3A_128)
    %mul3A_129 = arith.constant 632 : i32
    %mul3A_130 = arith.muli %arg1, %mul3A_129 : i32
    %add3A_131 = arith.constant 0 : i32
    %add3A_132 = arith.addi %mul3A_130, %add3A_131 : i32
    "tpu.region"() ({
      %run_scoped3A = tpu.sem_alloc : memref<!tpu.dma_semaphore, #tpu.memory_space<semaphore_mem>>
      %dma_start3A_169 = arith.constant 0 : i32
      %dma_start3A_170 = tpu.memref_slice %arg19[%add3A_132, %dma_start3A_169] : memref<10112x128xf32, #tpu.memory_space<vmem_shared>> -> memref<128x128xf32, #tpu.memory_space<vmem_shared>>
      %dma_start3A_171 = arith.constant 0 : i32
      %dma_start3A_172 = tpu.memref_slice %arg19[%add3A_132, %dma_start3A_171] : memref<10112x128xf32, #tpu.memory_space<vmem_shared>> -> memref<128x128xf32, #tpu.memory_space<vmem_shared>>
      tpu.enqueue_dma source(%arg18 : memref<128x128xf32, #tpu.memory_space<vmem>>) target(%dma_start3A_172 : memref<128x128xf32, #tpu.memory_space<vmem_shared>>) target_semaphore(%run_scoped3A : memref<!tpu.dma_semaphore, #tpu.memory_space<semaphore_mem>>)
      %dma_wait3A_173 = arith.constant 0 : i32
      %dma_wait3A_174 = tpu.memref_slice %arg19[%add3A_132, %dma_wait3A_173] : memref<10112x128xf32, #tpu.memory_space<vmem_shared>> -> memref<128x128xf32, #tpu.memory_space<vmem_shared>>
      %dma_wait3A_175 = arith.constant 0 : i32
      %dma_wait3A_176 = tpu.memref_slice %arg19[%add3A_132, %dma_wait3A_175] : memref<10112x128xf32, #tpu.memory_space<vmem_shared>> -> memref<128x128xf32, #tpu.memory_space<vmem_shared>>
      tpu.wait_dma2 semaphore(%run_scoped3A : memref<!tpu.dma_semaphore, #tpu.memory_space<semaphore_mem>>) src(%arg18 : memref<128x128xf32, #tpu.memory_space<vmem>>) dst(%dma_wait3A_176 : memref<128x128xf32, #tpu.memory_space<vmem_shared>>)
      tpu.yield
    }) : () -> ()
    %mul3A_133 = arith.constant 632 : i32
    %mul3A_134 = arith.muli %arg1, %mul3A_133 : i32
    %add3A_135 = arith.constant 128 : i32
    %add3A_136 = arith.addi %mul3A_134, %add3A_135 : i32
    "tpu.region"() ({
      %run_scoped3A = tpu.sem_alloc : memref<!tpu.dma_semaphore, #tpu.memory_space<semaphore_mem>>
      %dma_start3A_169 = arith.constant 0 : i32
      %dma_start3A_170 = tpu.memref_slice %arg19[%add3A_136, %dma_start3A_169] : memref<10112x128xf32, #tpu.memory_space<vmem_shared>> -> memref<128x128xf32, #tpu.memory_space<vmem_shared>>
      %dma_start3A_171 = arith.constant 0 : i32
      %dma_start3A_172 = tpu.memref_slice %arg19[%add3A_136, %dma_start3A_171] : memref<10112x128xf32, #tpu.memory_space<vmem_shared>> -> memref<128x128xf32, #tpu.memory_space<vmem_shared>>
      tpu.enqueue_dma source(%arg18 : memref<128x128xf32, #tpu.memory_space<vmem>>) target(%dma_start3A_172 : memref<128x128xf32, #tpu.memory_space<vmem_shared>>) target_semaphore(%run_scoped3A : memref<!tpu.dma_semaphore, #tpu.memory_space<semaphore_mem>>)
      %dma_wait3A_173 = arith.constant 0 : i32
      %dma_wait3A_174 = tpu.memref_slice %arg19[%add3A_136, %dma_wait3A_173] : memref<10112x128xf32, #tpu.memory_space<vmem_shared>> -> memref<128x128xf32, #tpu.memory_space<vmem_shared>>
      %dma_wait3A_175 = arith.constant 0 : i32
      %dma_wait3A_176 = tpu.memref_slice %arg19[%add3A_136, %dma_wait3A_175] : memref<10112x128xf32, #tpu.memory_space<vmem_shared>> -> memref<128x128xf32, #tpu.memory_space<vmem_shared>>
      tpu.wait_dma2 semaphore(%run_scoped3A : memref<!tpu.dma_semaphore, #tpu.memory_space<semaphore_mem>>) src(%arg18 : memref<128x128xf32, #tpu.memory_space<vmem>>) dst(%dma_wait3A_176 : memref<128x128xf32, #tpu.memory_space<vmem_shared>>)
      tpu.yield
    }) : () -> ()
    %mul3A_137 = arith.constant 632 : i32
    %mul3A_138 = arith.muli %arg1, %mul3A_137 : i32
    %add3A_139 = arith.constant 256 : i32
    %add3A_140 = arith.addi %mul3A_138, %add3A_139 : i32
    "tpu.region"() ({
      %run_scoped3A = tpu.sem_alloc : memref<!tpu.dma_semaphore, #tpu.memory_space<semaphore_mem>>
      %dma_start3A_169 = arith.constant 0 : i32
      %dma_start3A_170 = tpu.memref_slice %arg19[%add3A_140, %dma_start3A_169] : memref<10112x128xf32, #tpu.memory_space<vmem_shared>> -> memref<128x128xf32, #tpu.memory_space<vmem_shared>>
      %dma_start3A_171 = arith.constant 0 : i32
      %dma_start3A_172 = tpu.memref_slice %arg19[%add3A_140, %dma_start3A_171] : memref<10112x128xf32, #tpu.memory_space<vmem_shared>> -> memref<128x128xf32, #tpu.memory_space<vmem_shared>>
      tpu.enqueue_dma source(%arg18 : memref<128x128xf32, #tpu.memory_space<vmem>>) target(%dma_start3A_172 : memref<128x128xf32, #tpu.memory_space<vmem_shared>>) target_semaphore(%run_scoped3A : memref<!tpu.dma_semaphore, #tpu.memory_space<semaphore_mem>>)
      %dma_wait3A_173 = arith.constant 0 : i32
      %dma_wait3A_174 = tpu.memref_slice %arg19[%add3A_140, %dma_wait3A_173] : memref<10112x128xf32, #tpu.memory_space<vmem_shared>> -> memref<128x128xf32, #tpu.memory_space<vmem_shared>>
      %dma_wait3A_175 = arith.constant 0 : i32
      %dma_wait3A_176 = tpu.memref_slice %arg19[%add3A_140, %dma_wait3A_175] : memref<10112x128xf32, #tpu.memory_space<vmem_shared>> -> memref<128x128xf32, #tpu.memory_space<vmem_shared>>
      tpu.wait_dma2 semaphore(%run_scoped3A : memref<!tpu.dma_semaphore, #tpu.memory_space<semaphore_mem>>) src(%arg18 : memref<128x128xf32, #tpu.memory_space<vmem>>) dst(%dma_wait3A_176 : memref<128x128xf32, #tpu.memory_space<vmem_shared>>)
      tpu.yield
    }) : () -> ()
    %mul3A_141 = arith.constant 632 : i32
    %mul3A_142 = arith.muli %arg1, %mul3A_141 : i32
    %add3A_143 = arith.constant 384 : i32
    %add3A_144 = arith.addi %mul3A_142, %add3A_143 : i32
    "tpu.region"() ({
      %run_scoped3A = tpu.sem_alloc : memref<!tpu.dma_semaphore, #tpu.memory_space<semaphore_mem>>
      %dma_start3A_169 = arith.constant 0 : i32
      %dma_start3A_170 = tpu.memref_slice %arg19[%add3A_144, %dma_start3A_169] : memref<10112x128xf32, #tpu.memory_space<vmem_shared>> -> memref<128x128xf32, #tpu.memory_space<vmem_shared>>
      %dma_start3A_171 = arith.constant 0 : i32
      %dma_start3A_172 = tpu.memref_slice %arg19[%add3A_144, %dma_start3A_171] : memref<10112x128xf32, #tpu.memory_space<vmem_shared>> -> memref<128x128xf32, #tpu.memory_space<vmem_shared>>
      tpu.enqueue_dma source(%arg18 : memref<128x128xf32, #tpu.memory_space<vmem>>) target(%dma_start3A_172 : memref<128x128xf32, #tpu.memory_space<vmem_shared>>) target_semaphore(%run_scoped3A : memref<!tpu.dma_semaphore, #tpu.memory_space<semaphore_mem>>)
      %dma_wait3A_173 = arith.constant 0 : i32
      %dma_wait3A_174 = tpu.memref_slice %arg19[%add3A_144, %dma_wait3A_173] : memref<10112x128xf32, #tpu.memory_space<vmem_shared>> -> memref<128x128xf32, #tpu.memory_space<vmem_shared>>
      %dma_wait3A_175 = arith.constant 0 : i32
      %dma_wait3A_176 = tpu.memref_slice %arg19[%add3A_144, %dma_wait3A_175] : memref<10112x128xf32, #tpu.memory_space<vmem_shared>> -> memref<128x128xf32, #tpu.memory_space<vmem_shared>>
      tpu.wait_dma2 semaphore(%run_scoped3A : memref<!tpu.dma_semaphore, #tpu.memory_space<semaphore_mem>>) src(%arg18 : memref<128x128xf32, #tpu.memory_space<vmem>>) dst(%dma_wait3A_176 : memref<128x128xf32, #tpu.memory_space<vmem_shared>>)
      tpu.yield
    }) : () -> ()
    %mul3A_145 = arith.constant 632 : i32
    %mul3A_146 = arith.muli %arg1, %mul3A_145 : i32
    %add3A_147 = arith.constant 512 : i32
    %add3A_148 = arith.addi %mul3A_146, %add3A_147 : i32
    "tpu.region"() ({
      %run_scoped3A = tpu.sem_alloc : memref<!tpu.dma_semaphore, #tpu.memory_space<semaphore_mem>>
      %dma_start3A_169 = arith.constant 0 : i32
      %dma_start3A_170 = arith.constant 0 : i32
      %dma_start3A_171 = tpu.memref_slice %arg18[%dma_start3A_169, %dma_start3A_170] : memref<128x128xf32, #tpu.memory_space<vmem>> -> memref<120x128xf32, #tpu.memory_space<vmem>>
      %dma_start3A_172 = arith.constant 0 : i32
      %dma_start3A_173 = tpu.memref_slice %arg19[%add3A_148, %dma_start3A_172] : memref<10112x128xf32, #tpu.memory_space<vmem_shared>> -> memref<120x128xf32, #tpu.memory_space<vmem_shared>>
      %dma_start3A_174 = arith.constant 0 : i32
      %dma_start3A_175 = tpu.memref_slice %arg19[%add3A_148, %dma_start3A_174] : memref<10112x128xf32, #tpu.memory_space<vmem_shared>> -> memref<120x128xf32, #tpu.memory_space<vmem_shared>>
      %dma_start3A_176 = arith.constant 0 : i32
      %dma_start3A_177 = arith.constant 0 : i32
      %dma_start3A_178 = tpu.memref_slice %arg18[%dma_start3A_176, %dma_start3A_177] : memref<128x128xf32, #tpu.memory_space<vmem>> -> memref<120x128xf32, #tpu.memory_space<vmem>>
      tpu.enqueue_dma source(%dma_start3A_178 : memref<120x128xf32, #tpu.memory_space<vmem>>) target(%dma_start3A_175 : memref<120x128xf32, #tpu.memory_space<vmem_shared>>) target_semaphore(%run_scoped3A : memref<!tpu.dma_semaphore, #tpu.memory_space<semaphore_mem>>)
      %dma_wait3A_179 = arith.constant 0 : i32
      %dma_wait3A_180 = arith.constant 0 : i32
      %dma_wait3A_181 = tpu.memref_slice %arg18[%dma_wait3A_179, %dma_wait3A_180] : memref<128x128xf32, #tpu.memory_space<vmem>> -> memref<120x128xf32, #tpu.memory_space<vmem>>
      %dma_wait3A_182 = arith.constant 0 : i32
      %dma_wait3A_183 = tpu.memref_slice %arg19[%add3A_148, %dma_wait3A_182] : memref<10112x128xf32, #tpu.memory_space<vmem_shared>> -> memref<120x128xf32, #tpu.memory_space<vmem_shared>>
      %dma_wait3A_184 = arith.constant 0 : i32
      %dma_wait3A_185 = tpu.memref_slice %arg19[%add3A_148, %dma_wait3A_184] : memref<10112x128xf32, #tpu.memory_space<vmem_shared>> -> memref<120x128xf32, #tpu.memory_space<vmem_shared>>
      %dma_wait3A_186 = arith.constant 0 : i32
      %dma_wait3A_187 = arith.constant 0 : i32
      %dma_wait3A_188 = tpu.memref_slice %arg18[%dma_wait3A_186, %dma_wait3A_187] : memref<128x128xf32, #tpu.memory_space<vmem>> -> memref<120x128xf32, #tpu.memory_space<vmem>>
      tpu.wait_dma2 semaphore(%run_scoped3A : memref<!tpu.dma_semaphore, #tpu.memory_space<semaphore_mem>>) src(%dma_wait3A_188 : memref<120x128xf32, #tpu.memory_space<vmem>>) dst(%dma_wait3A_185 : memref<120x128xf32, #tpu.memory_space<vmem_shared>>)
      tpu.yield
    }) : () -> ()
    %barrier3A_149 = arith.constant 0 : index
    tpu.barrier barrier_id(%barrier3A_149)
    "tpu.region"() ({
      %run_scoped3A = tpu.sem_alloc : memref<!tpu.dma_semaphore, #tpu.memory_space<semaphore_mem>>
      %dma_start3A_169 = tpu.memref_slice %arg2[%mul3A_5] : memref<163840xi32, #tpu.memory_space<hbm>> -> memref<128xi32, #tpu.memory_space<hbm>>
      %dma_start3A_170 = tpu.memref_slice %arg2[%mul3A_5] : memref<163840xi32, #tpu.memory_space<hbm>> -> memref<128xi32, #tpu.memory_space<hbm>>
      tpu.enqueue_dma source(%dma_start3A_170 : memref<128xi32, #tpu.memory_space<hbm>>) target(%arg12 : memref<128xi32, #tpu.memory_space<vmem>>) target_semaphore(%run_scoped3A : memref<!tpu.dma_semaphore, #tpu.memory_space<semaphore_mem>>)
      %dma_wait3A_171 = tpu.memref_slice %arg2[%mul3A_5] : memref<163840xi32, #tpu.memory_space<hbm>> -> memref<128xi32, #tpu.memory_space<hbm>>
      %dma_wait3A_172 = tpu.memref_slice %arg2[%mul3A_5] : memref<163840xi32, #tpu.memory_space<hbm>> -> memref<128xi32, #tpu.memory_space<hbm>>
      tpu.wait_dma2 semaphore(%run_scoped3A : memref<!tpu.dma_semaphore, #tpu.memory_space<semaphore_mem>>) src(%dma_wait3A_172 : memref<128xi32, #tpu.memory_space<hbm>>) dst(%arg12 : memref<128xi32, #tpu.memory_space<vmem>>)
      tpu.yield
    }) : () -> ()
    %dma_start3A_150 = arith.constant 0 : i32
    %dma_start3A_151 = arith.constant 0 : i32
    %dma_start3A_152 = tpu.memref_slice %arg7[%dma_start3A_150, %dma_start3A_151] : memref<10112x128xf32, #tpu.memory_space<hbm>> -> memref<10112x128xf32, #tpu.memory_space<hbm>>
    tpu.enqueue_indirect_dma source(%dma_start3A_152 : memref<10112x128xf32, #tpu.memory_space<hbm>>) target(%arg16 : memref<128x128xf32, #tpu.memory_space<vmem>>) offsets(%arg12 : memref<128xi32, #tpu.memory_space<vmem>>) semaphore(%arg20 : memref<!tpu.dma_semaphore, #tpu.memory_space<semaphore_mem>>)
    %scan3A_153 = arith.constant 0 : i32
    %scan3A_154 = arith.constant 0 : i32
    %scan3A_155 = arith.constant 20 : i32
    %scan3A_156 = arith.addi %scan3A_154, %scan3A_155 : i32
    %scan3A_157 = arith.constant 1 : i32
    %scan3A_158 = scf.for %scan3A_169 = %scan3A_154 to %scan3A_156 step %scan3A_157 iter_args(%scan3A_170 = %scan3A_153) -> (i32)  : i32 {
      %mul3A_171 = arith.constant 2 : i32
      %mul3A_172 = arith.muli %mul3A_171, %scan3A_169 : i32
      %mul3A_173 = arith.constant 2 : i32
      %mul3A_174 = arith.muli %mul3A_173, %scan3A_169 : i32
      %add3A_175 = arith.constant 1 : i32
      %add3A_176 = arith.addi %mul3A_174, %add3A_175 : i32
      %add3A_177 = arith.constant 1 : i32
      %add3A_178 = arith.addi %add3A_176, %add3A_177 : i32
      %min3A = arith.constant 39 : i32
      %min3A_179 = arith.minsi %add3A_178, %min3A : i32
      %mul3A_180 = arith.constant 128 : i32
      %mul3A_181 = arith.muli %add3A_176, %mul3A_180 : i32
      %add3A_182 = arith.addi %mul3A_5, %mul3A_181 : i32
      "tpu.region"() ({
        %run_scoped3A = tpu.sem_alloc : memref<!tpu.dma_semaphore, #tpu.memory_space<semaphore_mem>>
        %dma_start3A_205 = tpu.memref_slice %arg2[%add3A_182] : memref<163840xi32, #tpu.memory_space<hbm>> -> memref<128xi32, #tpu.memory_space<hbm>>
        %dma_start3A_206 = tpu.memref_slice %arg2[%add3A_182] : memref<163840xi32, #tpu.memory_space<hbm>> -> memref<128xi32, #tpu.memory_space<hbm>>
        tpu.enqueue_dma source(%dma_start3A_206 : memref<128xi32, #tpu.memory_space<hbm>>) target(%arg13 : memref<128xi32, #tpu.memory_space<vmem>>) target_semaphore(%run_scoped3A : memref<!tpu.dma_semaphore, #tpu.memory_space<semaphore_mem>>)
        %dma_wait3A_207 = tpu.memref_slice %arg2[%add3A_182] : memref<163840xi32, #tpu.memory_space<hbm>> -> memref<128xi32, #tpu.memory_space<hbm>>
        %dma_wait3A_208 = tpu.memref_slice %arg2[%add3A_182] : memref<163840xi32, #tpu.memory_space<hbm>> -> memref<128xi32, #tpu.memory_space<hbm>>
        tpu.wait_dma2 semaphore(%run_scoped3A : memref<!tpu.dma_semaphore, #tpu.memory_space<semaphore_mem>>) src(%dma_wait3A_208 : memref<128xi32, #tpu.memory_space<hbm>>) dst(%arg13 : memref<128xi32, #tpu.memory_space<vmem>>)
        tpu.yield
      }) : () -> ()
      %dma_start3A_183 = arith.constant 0 : i32
      %dma_start3A_184 = arith.constant 0 : i32
      %dma_start3A_185 = tpu.memref_slice %arg7[%dma_start3A_183, %dma_start3A_184] : memref<10112x128xf32, #tpu.memory_space<hbm>> -> memref<10112x128xf32, #tpu.memory_space<hbm>>
      tpu.enqueue_indirect_dma source(%dma_start3A_185 : memref<10112x128xf32, #tpu.memory_space<hbm>>) target(%arg17 : memref<128x128xf32, #tpu.memory_space<vmem>>) offsets(%arg13 : memref<128xi32, #tpu.memory_space<vmem>>) semaphore(%arg21 : memref<!tpu.dma_semaphore, #tpu.memory_space<semaphore_mem>>)
      %dma_wait3A_186 = arith.constant 0 : i32
      %dma_wait3A_187 = arith.constant 0 : i32
      %dma_wait3A_188 = tpu.memref_slice %arg7[%dma_wait3A_186, %dma_wait3A_187] : memref<10112x128xf32, #tpu.memory_space<hbm>> -> memref<10112x128xf32, #tpu.memory_space<hbm>>
      tpu.wait_indirect_dma semaphore(%arg20 : memref<!tpu.dma_semaphore, #tpu.memory_space<semaphore_mem>>) src(%dma_wait3A_188 : memref<10112x128xf32, #tpu.memory_space<hbm>>) dst(%arg16 : memref<128x128xf32, #tpu.memory_space<vmem>>)
      %mul3A_189 = arith.constant 128 : i32
      %mul3A_190 = arith.muli %mul3A_172, %mul3A_189 : i32
      %add3A_191 = arith.addi %mul3A_5, %mul3A_190 : i32
      "tpu.region"() ({
        %run_scoped3A = tpu.sem_alloc : memref<!tpu.dma_semaphore, #tpu.memory_space<semaphore_mem>>
        %dma_start3A_205 = tpu.memref_slice %arg3[%add3A_191] : memref<163840xi32, #tpu.memory_space<hbm>> -> memref<128xi32, #tpu.memory_space<hbm>>
        %dma_start3A_206 = tpu.memref_slice %arg3[%add3A_191] : memref<163840xi32, #tpu.memory_space<hbm>> -> memref<128xi32, #tpu.memory_space<hbm>>
        tpu.enqueue_dma source(%dma_start3A_206 : memref<128xi32, #tpu.memory_space<hbm>>) target(%arg14 : memref<128xi32, #tpu.memory_space<vmem>>) target_semaphore(%run_scoped3A : memref<!tpu.dma_semaphore, #tpu.memory_space<semaphore_mem>>)
        %dma_wait3A_207 = tpu.memref_slice %arg3[%add3A_191] : memref<163840xi32, #tpu.memory_space<hbm>> -> memref<128xi32, #tpu.memory_space<hbm>>
        %dma_wait3A_208 = tpu.memref_slice %arg3[%add3A_191] : memref<163840xi32, #tpu.memory_space<hbm>> -> memref<128xi32, #tpu.memory_space<hbm>>
        tpu.wait_dma2 semaphore(%run_scoped3A : memref<!tpu.dma_semaphore, #tpu.memory_space<semaphore_mem>>) src(%dma_wait3A_208 : memref<128xi32, #tpu.memory_space<hbm>>) dst(%arg14 : memref<128xi32, #tpu.memory_space<vmem>>)
        tpu.yield
      }) : () -> ()
      %mul3A_192 = arith.constant 128 : i32
      %mul3A_193 = arith.muli %min3A_179, %mul3A_192 : i32
      %add3A_194 = arith.addi %mul3A_5, %mul3A_193 : i32
      "tpu.region"() ({
        %run_scoped3A = tpu.sem_alloc : memref<!tpu.dma_semaphore, #tpu.memory_space<semaphore_mem>>
        %dma_start3A_205 = tpu.memref_slice %arg2[%add3A_194] : memref<163840xi32, #tpu.memory_space<hbm>> -> memref<128xi32, #tpu.memory_space<hbm>>
        %dma_start3A_206 = tpu.memref_slice %arg2[%add3A_194] : memref<163840xi32, #tpu.memory_space<hbm>> -> memref<128xi32, #tpu.memory_space<hbm>>
        tpu.enqueue_dma source(%dma_start3A_206 : memref<128xi32, #tpu.memory_space<hbm>>) target(%arg12 : memref<128xi32, #tpu.memory_space<vmem>>) target_semaphore(%run_scoped3A : memref<!tpu.dma_semaphore, #tpu.memory_space<semaphore_mem>>)
        %dma_wait3A_207 = tpu.memref_slice %arg2[%add3A_194] : memref<163840xi32, #tpu.memory_space<hbm>> -> memref<128xi32, #tpu.memory_space<hbm>>
        %dma_wait3A_208 = tpu.memref_slice %arg2[%add3A_194] : memref<163840xi32, #tpu.memory_space<hbm>> -> memref<128xi32, #tpu.memory_space<hbm>>
        tpu.wait_dma2 semaphore(%run_scoped3A : memref<!tpu.dma_semaphore, #tpu.memory_space<semaphore_mem>>) src(%dma_wait3A_208 : memref<128xi32, #tpu.memory_space<hbm>>) dst(%arg12 : memref<128xi32, #tpu.memory_space<vmem>>)
        tpu.yield
      }) : () -> ()
      %dma_start3A_195 = arith.constant 0 : i32
      %dma_start3A_196 = arith.constant 0 : i32
      %dma_start3A_197 = tpu.memref_slice %arg7[%dma_start3A_195, %dma_start3A_196] : memref<10112x128xf32, #tpu.memory_space<hbm>> -> memref<10112x128xf32, #tpu.memory_space<hbm>>
      tpu.enqueue_indirect_dma source(%dma_start3A_197 : memref<10112x128xf32, #tpu.memory_space<hbm>>) target(%arg16 : memref<128x128xf32, #tpu.memory_space<vmem>>) offsets(%arg12 : memref<128xi32, #tpu.memory_space<vmem>>) semaphore(%arg20 : memref<!tpu.dma_semaphore, #tpu.memory_space<semaphore_mem>>)
      "tpu.region"() ({
        %run_scoped3A = tpu.sem_alloc : memref<!tpu.dma_semaphore, #tpu.memory_space<semaphore_mem>>
        %dma_start3A_205 = arith.constant 0 : i32
        %dma_start3A_206 = arith.constant 0 : i32
        %dma_start3A_207 = tpu.memref_slice %arg19[%dma_start3A_205, %dma_start3A_206] : memref<10112x128xf32, #tpu.memory_space<vmem_shared>> -> memref<10112x128xf32, #tpu.memory_space<vmem_shared>>
        tpu.enqueue_indirect_dma source(%arg16 : memref<128x128xf32, #tpu.memory_space<vmem>>) target(%dma_start3A_207 : memref<10112x128xf32, #tpu.memory_space<vmem_shared>>) offsets(%arg14 : memref<128xi32, #tpu.memory_space<vmem>>) semaphore(%run_scoped3A : memref<!tpu.dma_semaphore, #tpu.memory_space<semaphore_mem>>) {add = true}
        %dma_wait3A_208 = arith.constant 0 : i32
        %dma_wait3A_209 = arith.constant 0 : i32
        %dma_wait3A_210 = tpu.memref_slice %arg19[%dma_wait3A_208, %dma_wait3A_209] : memref<10112x128xf32, #tpu.memory_space<vmem_shared>> -> memref<10112x128xf32, #tpu.memory_space<vmem_shared>>
        tpu.wait_indirect_dma semaphore(%run_scoped3A : memref<!tpu.dma_semaphore, #tpu.memory_space<semaphore_mem>>) src(%arg16 : memref<128x128xf32, #tpu.memory_space<vmem>>) dst(%dma_wait3A_210 : memref<10112x128xf32, #tpu.memory_space<vmem_shared>>)
        tpu.yield
      }) : () -> ()
      %dma_wait3A_198 = arith.constant 0 : i32
      %dma_wait3A_199 = arith.constant 0 : i32
      %dma_wait3A_200 = tpu.memref_slice %arg7[%dma_wait3A_198, %dma_wait3A_199] : memref<10112x128xf32, #tpu.memory_space<hbm>> -> memref<10112x128xf32, #tpu.memory_space<hbm>>
      tpu.wait_indirect_dma semaphore(%arg21 : memref<!tpu.dma_semaphore, #tpu.memory_space<semaphore_mem>>) src(%dma_wait3A_200 : memref<10112x128xf32, #tpu.memory_space<hbm>>) dst(%arg17 : memref<128x128xf32, #tpu.memory_space<vmem>>)
      %mul3A_201 = arith.constant 128 : i32
      %mul3A_202 = arith.muli %add3A_176, %mul3A_201 : i32
      %add3A_203 = arith.addi %mul3A_5, %mul3A_202 : i32
      "tpu.region"() ({
        %run_scoped3A = tpu.sem_alloc : memref<!tpu.dma_semaphore, #tpu.memory_space<semaphore_mem>>
        %dma_start3A_205 = tpu.memref_slice %arg3[%add3A_203] : memref<163840xi32, #tpu.memory_space<hbm>> -> memref<128xi32, #tpu.memory_space<hbm>>
        %dma_start3A_206 = tpu.memref_slice %arg3[%add3A_203] : memref<163840xi32, #tpu.memory_space<hbm>> -> memref<128xi32, #tpu.memory_space<hbm>>
        tpu.enqueue_dma source(%dma_start3A_206 : memref<128xi32, #tpu.memory_space<hbm>>) target(%arg15 : memref<128xi32, #tpu.memory_space<vmem>>) target_semaphore(%run_scoped3A : memref<!tpu.dma_semaphore, #tpu.memory_space<semaphore_mem>>)
        %dma_wait3A_207 = tpu.memref_slice %arg3[%add3A_203] : memref<163840xi32, #tpu.memory_space<hbm>> -> memref<128xi32, #tpu.memory_space<hbm>>
        %dma_wait3A_208 = tpu.memref_slice %arg3[%add3A_203] : memref<163840xi32, #tpu.memory_space<hbm>> -> memref<128xi32, #tpu.memory_space<hbm>>
        tpu.wait_dma2 semaphore(%run_scoped3A : memref<!tpu.dma_semaphore, #tpu.memory_space<semaphore_mem>>) src(%dma_wait3A_208 : memref<128xi32, #tpu.memory_space<hbm>>) dst(%arg15 : memref<128xi32, #tpu.memory_space<vmem>>)
        tpu.yield
      }) : () -> ()
      "tpu.region"() ({
        %run_scoped3A = tpu.sem_alloc : memref<!tpu.dma_semaphore, #tpu.memory_space<semaphore_mem>>
        %dma_start3A_205 = arith.constant 0 : i32
        %dma_start3A_206 = arith.constant 0 : i32
        %dma_start3A_207 = tpu.memref_slice %arg19[%dma_start3A_205, %dma_start3A_206] : memref<10112x128xf32, #tpu.memory_space<vmem_shared>> -> memref<10112x128xf32, #tpu.memory_space<vmem_shared>>
        tpu.enqueue_indirect_dma source(%arg17 : memref<128x128xf32, #tpu.memory_space<vmem>>) target(%dma_start3A_207 : memref<10112x128xf32, #tpu.memory_space<vmem_shared>>) offsets(%arg15 : memref<128xi32, #tpu.memory_space<vmem>>) semaphore(%run_scoped3A : memref<!tpu.dma_semaphore, #tpu.memory_space<semaphore_mem>>) {add = true}
        %dma_wait3A_208 = arith.constant 0 : i32
        %dma_wait3A_209 = arith.constant 0 : i32
        %dma_wait3A_210 = tpu.memref_slice %arg19[%dma_wait3A_208, %dma_wait3A_209] : memref<10112x128xf32, #tpu.memory_space<vmem_shared>> -> memref<10112x128xf32, #tpu.memory_space<vmem_shared>>
        tpu.wait_indirect_dma semaphore(%run_scoped3A : memref<!tpu.dma_semaphore, #tpu.memory_space<semaphore_mem>>) src(%arg17 : memref<128x128xf32, #tpu.memory_space<vmem>>) dst(%dma_wait3A_210 : memref<10112x128xf32, #tpu.memory_space<vmem_shared>>)
        tpu.yield
      }) : () -> ()
      %scan3A_204 = arith.constant 0 : i32
      scf.yield %scan3A_204 : i32
    }
    %scan3A_159 = arith.constant 20 : i32
    %dma_wait3A_160 = arith.constant 0 : i32
    %dma_wait3A_161 = arith.constant 0 : i32
    %dma_wait3A_162 = tpu.memref_slice %arg7[%dma_wait3A_160, %dma_wait3A_161] : memref<10112x128xf32, #tpu.memory_space<hbm>> -> memref<10112x128xf32, #tpu.memory_space<hbm>>
    tpu.wait_indirect_dma semaphore(%arg20 : memref<!tpu.dma_semaphore, #tpu.memory_space<semaphore_mem>>) src(%dma_wait3A_162 : memref<10112x128xf32, #tpu.memory_space<hbm>>) dst(%arg16 : memref<128x128xf32, #tpu.memory_space<vmem>>)
    %barrier3A_163 = arith.constant 0 : index
    tpu.barrier barrier_id(%barrier3A_163)
    %mul3A_164 = arith.constant 632 : i32
    %mul3A_165 = arith.muli %arg1, %mul3A_164 : i32
    %mul3A_166 = arith.constant 632 : i32
    %mul3A_167 = arith.muli %arg1, %mul3A_166 : i32
    "tpu.region"() ({
      %run_scoped3A = tpu.sem_alloc : memref<!tpu.dma_semaphore, #tpu.memory_space<semaphore_mem>>
      %dma_start3A_169 = arith.constant 0 : i32
      %dma_start3A_170 = tpu.memref_slice %arg11[%arg0, %mul3A_167, %dma_start3A_169] : memref<2x10112x128xf32, #tpu.memory_space<hbm>> -> memref<1x632x128xf32, #tpu.memory_space<hbm>>
      %dma_start3A_171 = tpu.memref_squeeze %dma_start3A_170 : memref<1x632x128xf32, #tpu.memory_space<hbm>> -> memref<632x128xf32, #tpu.memory_space<hbm>>
      %dma_start3A_172 = arith.constant 0 : i32
      %dma_start3A_173 = tpu.memref_slice %arg19[%mul3A_165, %dma_start3A_172] : memref<10112x128xf32, #tpu.memory_space<vmem_shared>> -> memref<632x128xf32, #tpu.memory_space<vmem_shared>>
      tpu.enqueue_dma source(%dma_start3A_173 : memref<632x128xf32, #tpu.memory_space<vmem_shared>>) target(%dma_start3A_171 : memref<632x128xf32, #tpu.memory_space<hbm>>) target_semaphore(%run_scoped3A : memref<!tpu.dma_semaphore, #tpu.memory_space<semaphore_mem>>)
      %dma_wait3A_174 = arith.constant 0 : i32
      %dma_wait3A_175 = tpu.memref_slice %arg11[%arg0, %mul3A_167, %dma_wait3A_174] : memref<2x10112x128xf32, #tpu.memory_space<hbm>> -> memref<1x632x128xf32, #tpu.memory_space<hbm>>
      %dma_wait3A_176 = tpu.memref_squeeze %dma_wait3A_175 : memref<1x632x128xf32, #tpu.memory_space<hbm>> -> memref<632x128xf32, #tpu.memory_space<hbm>>
      %dma_wait3A_177 = arith.constant 0 : i32
      %dma_wait3A_178 = tpu.memref_slice %arg19[%mul3A_165, %dma_wait3A_177] : memref<10112x128xf32, #tpu.memory_space<vmem_shared>> -> memref<632x128xf32, #tpu.memory_space<vmem_shared>>
      tpu.wait_dma2 semaphore(%run_scoped3A : memref<!tpu.dma_semaphore, #tpu.memory_space<semaphore_mem>>) src(%dma_wait3A_178 : memref<632x128xf32, #tpu.memory_space<vmem_shared>>) dst(%dma_wait3A_176 : memref<632x128xf32, #tpu.memory_space<hbm>>)
      tpu.yield
    }) : () -> ()
    %barrier3A_168 = arith.constant 0 : index
    tpu.barrier barrier_id(%barrier3A_168)
    return
  }
}

#map = affine_map<(d0, d1) -> (0)>
#map1 = affine_map<(d0, d1) -> (0, 0, 0)>
module attributes {stable_mosaic.version = 14 : i64} {
  func.func @_deg_body(%arg0: i32, %arg1: i32, %arg2: memref<163840xi32, #tpu.memory_space<hbm>>, %arg3: memref<2x10112x16xf32, #tpu.memory_space<hbm>>, %arg4: memref<1024xi32, #tpu.memory_space<vmem>>, %arg5: memref<632x16xf32, #tpu.memory_space<vmem>>) attributes {dimension_semantics = [#tpu.dimension_semantics<core_parallel>, #tpu.dimension_semantics<subcore_parallel>], iteration_bounds = array<i64: 2, 16>, scalar_prefetch = 0 : i64, scratch_operands = 2 : i64, tpu.core_type = #tpu.core_type<sc_vector_subcore>, window_params = [{transform_indices = #map}, {transform_indices = #map1}]} {
    %broadcast_in_dim3A = arith.constant 0.000000e+00 : f32
    %broadcast_in_dim3A_0 = vector.broadcast %broadcast_in_dim3A : f32 to vector<16xf32>
    %broadcast_in_dim3A_1 = arith.constant 1.000000e+00 : f32
    %broadcast_in_dim3A_2 = vector.broadcast %broadcast_in_dim3A_1 : f32 to vector<16xf32>
    %iota3A = tpu.iota {dimensions = array<i32: 0>} : vector<16xi32>
    %mul3A = arith.constant 632 : i32
    %mul3A_3 = arith.muli %arg1, %mul3A : i32
    %scan3A = arith.constant 0 : i32
    %scan3A_4 = arith.constant 0 : i32
    %scan3A_5 = arith.constant 632 : i32
    %scan3A_6 = arith.addi %scan3A_4, %scan3A_5 : i32
    %scan3A_7 = arith.constant 1 : i32
    %scan3A_8 = scf.for %scan3A_17 = %scan3A_4 to %scan3A_6 step %scan3A_7 iter_args(%scan3A_18 = %scan3A) -> (i32)  : i32 {
      %swap3A = arith.index_cast %scan3A_17 : i32 to index
      %swap3A_19 = arith.constant 0 : index
      %swap3A_20 = tpu.vector_load %arg5[%swap3A, %swap3A_19] {strides = array<i32>} : memref<632x16xf32, #tpu.memory_space<vmem>>, vector<16xf32>,
      tpu.vector_store %arg5[%swap3A, %swap3A_19], %broadcast_in_dim3A_0 {strides = array<i32>} : memref<632x16xf32, #tpu.memory_space<vmem>>, vector<16xf32>,
      %scan3A_21 = arith.constant 0 : i32
      scf.yield %scan3A_21 : i32
    }
    %scan3A_9 = arith.constant 632 : i32
    %scan3A_10 = arith.constant 0 : i32
    %scan3A_11 = arith.constant 0 : i32
    %scan3A_12 = arith.constant 80 : i32
    %scan3A_13 = arith.addi %scan3A_11, %scan3A_12 : i32
    %scan3A_14 = arith.constant 1 : i32
    %scan3A_15 = scf.for %scan3A_17 = %scan3A_11 to %scan3A_13 step %scan3A_14 iter_args(%scan3A_18 = %scan3A_10) -> (i32)  : i32 {
      %mul3A_19 = arith.constant 81920 : i32
      %mul3A_20 = arith.muli %arg0, %mul3A_19 : i32
      %mul3A_21 = arith.constant 1024 : i32
      %mul3A_22 = arith.muli %scan3A_17, %mul3A_21 : i32
      %add3A = arith.addi %mul3A_20, %mul3A_22 : i32
      "tpu.region"() ({
        %run_scoped3A = tpu.sem_alloc : memref<!tpu.dma_semaphore, #tpu.memory_space<semaphore_mem>>
        %dma_start3A = tpu.memref_slice %arg2[%add3A] : memref<163840xi32, #tpu.memory_space<hbm>> -> memref<1024xi32, #tpu.memory_space<hbm>>
        %dma_start3A_31 = tpu.memref_slice %arg2[%add3A] : memref<163840xi32, #tpu.memory_space<hbm>> -> memref<1024xi32, #tpu.memory_space<hbm>>
        tpu.enqueue_dma source(%dma_start3A_31 : memref<1024xi32, #tpu.memory_space<hbm>>) target(%arg4 : memref<1024xi32, #tpu.memory_space<vmem>>) target_semaphore(%run_scoped3A : memref<!tpu.dma_semaphore, #tpu.memory_space<semaphore_mem>>)
        %dma_wait3A = tpu.memref_slice %arg2[%add3A] : memref<163840xi32, #tpu.memory_space<hbm>> -> memref<1024xi32, #tpu.memory_space<hbm>>
        %dma_wait3A_32 = tpu.memref_slice %arg2[%add3A] : memref<163840xi32, #tpu.memory_space<hbm>> -> memref<1024xi32, #tpu.memory_space<hbm>>
        tpu.wait_dma2 semaphore(%run_scoped3A : memref<!tpu.dma_semaphore, #tpu.memory_space<semaphore_mem>>) src(%dma_wait3A_32 : memref<1024xi32, #tpu.memory_space<hbm>>) dst(%arg4 : memref<1024xi32, #tpu.memory_space<vmem>>)
        tpu.yield
      }) : () -> ()
      %scan3A_23 = arith.constant 0 : i32
      %scan3A_24 = arith.constant 0 : i32
      %scan3A_25 = arith.constant 64 : i32
      %scan3A_26 = arith.addi %scan3A_24, %scan3A_25 : i32
      %scan3A_27 = arith.constant 1 : i32
      %scan3A_28 = scf.for %scan3A_31 = %scan3A_24 to %scan3A_26 step %scan3A_27 iter_args(%scan3A_32 = %scan3A_23) -> (i32)  : i32 {
        %mul3A_33 = arith.constant 16 : i32
        %mul3A_34 = arith.muli %scan3A_31, %mul3A_33 : i32
        %get3A = arith.index_cast %mul3A_34 : i32 to index
        %get3A_35 = tpu.vector_load %arg4[%get3A] {strides = array<i32>} : memref<1024xi32, #tpu.memory_space<vmem>>, vector<16xi32>,
        %sub3A = vector.broadcast %mul3A_3 : i32 to vector<16xi32>
        %sub3A_36 = arith.subi %get3A_35, %sub3A : vector<16xi32>
        %ge3A = arith.constant 0 : i32
        %ge3A_37 = vector.broadcast %ge3A : i32 to vector<16xi32>
        %ge3A_38 = arith.cmpi sge, %sub3A_36, %ge3A_37 : vector<16xi32>
        %lt3A = arith.constant 632 : i32
        %lt3A_39 = vector.broadcast %lt3A : i32 to vector<16xi32>
        %lt3A_40 = arith.cmpi slt, %sub3A_36, %lt3A_39 : vector<16xi32>
        %and3A = arith.andi %ge3A_38, %lt3A_40 : vector<16xi1>
        %jit3A = arith.constant 0 : i32
        %broadcast_in_dim3A_41 = vector.broadcast %jit3A : i32 to vector<16xi32>
        %select_n3A = arith.select %and3A, %sub3A_36, %broadcast_in_dim3A_41 : vector<16xi1>, vector<16xi32>
        tpu.vector_store_idx %arg5[%select_n3A, %iota3A], %broadcast_in_dim3A_2 masked %and3A {add = true} : memref<632x16xf32, #tpu.memory_space<vmem>>[vector<16xi32>, vector<16xi32>], vector<16xf32>, vector<16xi1>
        %scan3A_42 = arith.constant 0 : i32
        scf.yield %scan3A_42 : i32
      }
      %scan3A_29 = arith.constant 64 : i32
      %scan3A_30 = arith.constant 0 : i32
      scf.yield %scan3A_30 : i32
    }
    %scan3A_16 = arith.constant 80 : i32
    "tpu.region"() ({
      %run_scoped3A = tpu.sem_alloc : memref<!tpu.dma_semaphore, #tpu.memory_space<semaphore_mem>>
      %dma_start3A = arith.constant 0 : i32
      %dma_start3A_17 = tpu.memref_slice %arg3[%arg0, %mul3A_3, %dma_start3A] : memref<2x10112x16xf32, #tpu.memory_space<hbm>> -> memref<1x632x16xf32, #tpu.memory_space<hbm>>
      %dma_start3A_18 = tpu.memref_squeeze %dma_start3A_17 : memref<1x632x16xf32, #tpu.memory_space<hbm>> -> memref<632x16xf32, #tpu.memory_space<hbm>>
      %dma_start3A_19 = arith.constant 0 : i32
      %dma_start3A_20 = tpu.memref_slice %arg3[%arg0, %mul3A_3, %dma_start3A_19] : memref<2x10112x16xf32, #tpu.memory_space<hbm>> -> memref<1x632x16xf32, #tpu.memory_space<hbm>>
      %dma_start3A_21 = tpu.memref_squeeze %dma_start3A_20 : memref<1x632x16xf32, #tpu.memory_space<hbm>> -> memref<632x16xf32, #tpu.memory_space<hbm>>
      tpu.enqueue_dma source(%arg5 : memref<632x16xf32, #tpu.memory_space<vmem>>) target(%dma_start3A_21 : memref<632x16xf32, #tpu.memory_space<hbm>>) target_semaphore(%run_scoped3A : memref<!tpu.dma_semaphore, #tpu.memory_space<semaphore_mem>>)
      %dma_wait3A = arith.constant 0 : i32
      %dma_wait3A_22 = tpu.memref_slice %arg3[%arg0, %mul3A_3, %dma_wait3A] : memref<2x10112x16xf32, #tpu.memory_space<hbm>> -> memref<1x632x16xf32, #tpu.memory_space<hbm>>
      %dma_wait3A_23 = tpu.memref_squeeze %dma_wait3A_22 : memref<1x632x16xf32, #tpu.memory_space<hbm>> -> memref<632x16xf32, #tpu.memory_space<hbm>>
      %dma_wait3A_24 = arith.constant 0 : i32
      %dma_wait3A_25 = tpu.memref_slice %arg3[%arg0, %mul3A_3, %dma_wait3A_24] : memref<2x10112x16xf32, #tpu.memory_space<hbm>> -> memref<1x632x16xf32, #tpu.memory_space<hbm>>
      %dma_wait3A_26 = tpu.memref_squeeze %dma_wait3A_25 : memref<1x632x16xf32, #tpu.memory_space<hbm>> -> memref<632x16xf32, #tpu.memory_space<hbm>>
      tpu.wait_dma2 semaphore(%run_scoped3A : memref<!tpu.dma_semaphore, #tpu.memory_space<semaphore_mem>>) src(%arg5 : memref<632x16xf32, #tpu.memory_space<vmem>>) dst(%dma_wait3A_26 : memref<632x16xf32, #tpu.memory_space<hbm>>)
      tpu.yield
    }) : () -> ()
    return
  }
}

#map = affine_map<(d0, d1) -> (0)>
#map1 = affine_map<(d0, d1) -> (0, 0)>
#map2 = affine_map<(d0, d1) -> (0, 0, 0)>
module attributes {stable_mosaic.version = 14 : i64} {
  func.func @_agg_body(%arg0: i32, %arg1: i32, %arg2: memref<163840xi32, #tpu.memory_space<hbm>>, %arg3: memref<163840xi32, #tpu.memory_space<hbm>>, %arg4: memref<10112x128xf32, #tpu.memory_space<hbm>>, %arg5: memref<10112x128xf32, #tpu.memory_space<hbm>>, %arg6: memref<10112x128xf32, #tpu.memory_space<hbm>>, %arg7: memref<10112x128xf32, #tpu.memory_space<hbm>>, %arg8: memref<2x10112x128xf32, #tpu.memory_space<hbm>>, %arg9: memref<2x10112x128xf32, #tpu.memory_space<hbm>>, %arg10: memref<2x10112x128xf32, #tpu.memory_space<hbm>>, %arg11: memref<2x10112x128xf32, #tpu.memory_space<hbm>>, %arg12: memref<128xi32, #tpu.memory_space<vmem>>, %arg13: memref<128xi32, #tpu.memory_space<vmem>>, %arg14: memref<128xi32, #tpu.memory_space<vmem>>, %arg15: memref<128xi32, #tpu.memory_space<vmem>>, %arg16: memref<128x128xf32, #tpu.memory_space<vmem>>, %arg17: memref<128x128xf32, #tpu.memory_space<vmem>>, %arg18: memref<128x128xf32, #tpu.memory_space<vmem>>, %arg19: memref<10112x128xf32, #tpu.memory_space<vmem_shared>>, %arg20: memref<!tpu.dma_semaphore, #tpu.memory_space<semaphore_mem>>, %arg21: memref<!tpu.dma_semaphore, #tpu.memory_space<semaphore_mem>>) attributes {dimension_semantics = [#tpu.dimension_semantics<core_parallel>, #tpu.dimension_semantics<subcore_parallel>], iteration_bounds = array<i64: 2, 16>, scalar_prefetch = 0 : i64, scratch_operands = 10 : i64, tpu.core_type = #tpu.core_type<sc_vector_subcore>, window_params = [{transform_indices = #map}, {transform_indices = #map}, {transform_indices = #map1}, {transform_indices = #map1}, {transform_indices = #map1}, {transform_indices = #map1}, {transform_indices = #map2}, {transform_indices = #map2}, {transform_indices = #map2}, {transform_indices = #map2}]} {
    %mul3A = arith.constant 16 : i32
    %mul3A_0 = arith.muli %arg0, %mul3A : i32
    %add3A = arith.addi %mul3A_0, %arg1 : i32
    %broadcast_in_dim3A = arith.constant 0.000000e+00 : f32
    %broadcast_in_dim3A_1 = vector.broadcast %broadcast_in_dim3A : f32 to vector<16xf32>
    %mul3A_2 = arith.constant 40 : i32
    %mul3A_3 = arith.muli %add3A, %mul3A_2 : i32
    %mul3A_4 = arith.constant 128 : i32
    %mul3A_5 = arith.muli %mul3A_3, %mul3A_4 : i32
    %scan3A = arith.constant 0 : i32
    %scan3A_6 = arith.constant 0 : i32
    %scan3A_7 = arith.constant 128 : i32
    %scan3A_8 = arith.addi %scan3A_6, %scan3A_7 : i32
    %scan3A_9 = arith.constant 1 : i32
    %scan3A_10 = scf.for %scan3A_169 = %scan3A_6 to %scan3A_8 step %scan3A_9 iter_args(%scan3A_170 = %scan3A) -> (i32)  : i32 {
      %swap3A = arith.index_cast %scan3A_169 : i32 to index
      %swap3A_171 = arith.constant 0 : index
      %swap3A_172 = tpu.vector_load %arg18[%swap3A, %swap3A_171] {strides = array<i32>} : memref<128x128xf32, #tpu.memory_space<vmem>>, vector<1x16xf32>,
      %swap3A_173 = vector.shape_cast %swap3A_172 : vector<1x16xf32> to vector<16xf32>
      %swap3A_174 = vector.shape_cast %broadcast_in_dim3A_1 : vector<16xf32> to vector<1x16xf32>
      tpu.vector_store %arg18[%swap3A, %swap3A_171], %swap3A_174 {strides = array<i32>} : memref<128x128xf32, #tpu.memory_space<vmem>>, vector<1x16xf32>,
      %swap3A_175 = arith.index_cast %scan3A_169 : i32 to index
      %swap3A_176 = arith.constant 16 : index
      %swap3A_177 = tpu.vector_load %arg18[%swap3A_175, %swap3A_176] {strides = array<i32>} : memref<128x128xf32, #tpu.memory_space<vmem>>, vector<1x16xf32>,
      %swap3A_178 = vector.shape_cast %swap3A_177 : vector<1x16xf32> to vector<16xf32>
      %swap3A_179 = vector.shape_cast %broadcast_in_dim3A_1 : vector<16xf32> to vector<1x16xf32>
      tpu.vector_store %arg18[%swap3A_175, %swap3A_176], %swap3A_179 {strides = array<i32>} : memref<128x128xf32, #tpu.memory_space<vmem>>, vector<1x16xf32>,
      %swap3A_180 = arith.index_cast %scan3A_169 : i32 to index
      %swap3A_181 = arith.constant 32 : index
      %swap3A_182 = tpu.vector_load %arg18[%swap3A_180, %swap3A_181] {strides = array<i32>} : memref<128x128xf32, #tpu.memory_space<vmem>>, vector<1x16xf32>,
      %swap3A_183 = vector.shape_cast %swap3A_182 : vector<1x16xf32> to vector<16xf32>
      %swap3A_184 = vector.shape_cast %broadcast_in_dim3A_1 : vector<16xf32> to vector<1x16xf32>
      tpu.vector_store %arg18[%swap3A_180, %swap3A_181], %swap3A_184 {strides = array<i32>} : memref<128x128xf32, #tpu.memory_space<vmem>>, vector<1x16xf32>,
      %swap3A_185 = arith.index_cast %scan3A_169 : i32 to index
      %swap3A_186 = arith.constant 48 : index
      %swap3A_187 = tpu.vector_load %arg18[%swap3A_185, %swap3A_186] {strides = array<i32>} : memref<128x128xf32, #tpu.memory_space<vmem>>, vector<1x16xf32>,
      %swap3A_188 = vector.shape_cast %swap3A_187 : vector<1x16xf32> to vector<16xf32>
      %swap3A_189 = vector.shape_cast %broadcast_in_dim3A_1 : vector<16xf32> to vector<1x16xf32>
      tpu.vector_store %arg18[%swap3A_185, %swap3A_186], %swap3A_189 {strides = array<i32>} : memref<128x128xf32, #tpu.memory_space<vmem>>, vector<1x16xf32>,
      %swap3A_190 = arith.index_cast %scan3A_169 : i32 to index
      %swap3A_191 = arith.constant 64 : index
      %swap3A_192 = tpu.vector_load %arg18[%swap3A_190, %swap3A_191] {strides = array<i32>} : memref<128x128xf32, #tpu.memory_space<vmem>>, vector<1x16xf32>,
      %swap3A_193 = vector.shape_cast %swap3A_192 : vector<1x16xf32> to vector<16xf32>
      %swap3A_194 = vector.shape_cast %broadcast_in_dim3A_1 : vector<16xf32> to vector<1x16xf32>
      tpu.vector_store %arg18[%swap3A_190, %swap3A_191], %swap3A_194 {strides = array<i32>} : memref<128x128xf32, #tpu.memory_space<vmem>>, vector<1x16xf32>,
      %swap3A_195 = arith.index_cast %scan3A_169 : i32 to index
      %swap3A_196 = arith.constant 80 : index
      %swap3A_197 = tpu.vector_load %arg18[%swap3A_195, %swap3A_196] {strides = array<i32>} : memref<128x128xf32, #tpu.memory_space<vmem>>, vector<1x16xf32>,
      %swap3A_198 = vector.shape_cast %swap3A_197 : vector<1x16xf32> to vector<16xf32>
      %swap3A_199 = vector.shape_cast %broadcast_in_dim3A_1 : vector<16xf32> to vector<1x16xf32>
      tpu.vector_store %arg18[%swap3A_195, %swap3A_196], %swap3A_199 {strides = array<i32>} : memref<128x128xf32, #tpu.memory_space<vmem>>, vector<1x16xf32>,
      %swap3A_200 = arith.index_cast %scan3A_169 : i32 to index
      %swap3A_201 = arith.constant 96 : index
      %swap3A_202 = tpu.vector_load %arg18[%swap3A_200, %swap3A_201] {strides = array<i32>} : memref<128x128xf32, #tpu.memory_space<vmem>>, vector<1x16xf32>,
      %swap3A_203 = vector.shape_cast %swap3A_202 : vector<1x16xf32> to vector<16xf32>
      %swap3A_204 = vector.shape_cast %broadcast_in_dim3A_1 : vector<16xf32> to vector<1x16xf32>
      tpu.vector_store %arg18[%swap3A_200, %swap3A_201], %swap3A_204 {strides = array<i32>} : memref<128x128xf32, #tpu.memory_space<vmem>>, vector<1x16xf32>,
      %swap3A_205 = arith.index_cast %scan3A_169 : i32 to index
      %swap3A_206 = arith.constant 112 : index
      %swap3A_207 = tpu.vector_load %arg18[%swap3A_205, %swap3A_206] {strides = array<i32>} : memref<128x128xf32, #tpu.memory_space<vmem>>, vector<1x16xf32>,
      %swap3A_208 = vector.shape_cast %swap3A_207 : vector<1x16xf32> to vector<16xf32>
      %swap3A_209 = vector.shape_cast %broadcast_in_dim3A_1 : vector<16xf32> to vector<1x16xf32>
      tpu.vector_store %arg18[%swap3A_205, %swap3A_206], %swap3A_209 {strides = array<i32>} : memref<128x128xf32, #tpu.memory_space<vmem>>, vector<1x16xf32>,
      %scan3A_210 = arith.constant 0 : i32
      scf.yield %scan3A_210 : i32
    }
    %scan3A_11 = arith.constant 128 : i32
    %mul3A_12 = arith.constant 632 : i32
    %mul3A_13 = arith.muli %arg1, %mul3A_12 : i32
    %add3A_14 = arith.constant 0 : i32
    %add3A_15 = arith.addi %mul3A_13, %add3A_14 : i32
    "tpu.region"() ({
      %run_scoped3A = tpu.sem_alloc : memref<!tpu.dma_semaphore, #tpu.memory_space<semaphore_mem>>
      %dma_start3A_169 = arith.constant 0 : i32
      %dma_start3A_170 = tpu.memref_slice %arg19[%add3A_15, %dma_start3A_169] : memref<10112x128xf32, #tpu.memory_space<vmem_shared>> -> memref<128x128xf32, #tpu.memory_space<vmem_shared>>
      %dma_start3A_171 = arith.constant 0 : i32
      %dma_start3A_172 = tpu.memref_slice %arg19[%add3A_15, %dma_start3A_171] : memref<10112x128xf32, #tpu.memory_space<vmem_shared>> -> memref<128x128xf32, #tpu.memory_space<vmem_shared>>
      tpu.enqueue_dma source(%arg18 : memref<128x128xf32, #tpu.memory_space<vmem>>) target(%dma_start3A_172 : memref<128x128xf32, #tpu.memory_space<vmem_shared>>) target_semaphore(%run_scoped3A : memref<!tpu.dma_semaphore, #tpu.memory_space<semaphore_mem>>)
      %dma_wait3A_173 = arith.constant 0 : i32
      %dma_wait3A_174 = tpu.memref_slice %arg19[%add3A_15, %dma_wait3A_173] : memref<10112x128xf32, #tpu.memory_space<vmem_shared>> -> memref<128x128xf32, #tpu.memory_space<vmem_shared>>
      %dma_wait3A_175 = arith.constant 0 : i32
      %dma_wait3A_176 = tpu.memref_slice %arg19[%add3A_15, %dma_wait3A_175] : memref<10112x128xf32, #tpu.memory_space<vmem_shared>> -> memref<128x128xf32, #tpu.memory_space<vmem_shared>>
      tpu.wait_dma2 semaphore(%run_scoped3A : memref<!tpu.dma_semaphore, #tpu.memory_space<semaphore_mem>>) src(%arg18 : memref<128x128xf32, #tpu.memory_space<vmem>>) dst(%dma_wait3A_176 : memref<128x128xf32, #tpu.memory_space<vmem_shared>>)
      tpu.yield
    }) : () -> ()
    %mul3A_16 = arith.constant 632 : i32
    %mul3A_17 = arith.muli %arg1, %mul3A_16 : i32
    %add3A_18 = arith.constant 128 : i32
    %add3A_19 = arith.addi %mul3A_17, %add3A_18 : i32
    "tpu.region"() ({
      %run_scoped3A = tpu.sem_alloc : memref<!tpu.dma_semaphore, #tpu.memory_space<semaphore_mem>>
      %dma_start3A_169 = arith.constant 0 : i32
      %dma_start3A_170 = tpu.memref_slice %arg19[%add3A_19, %dma_start3A_169] : memref<10112x128xf32, #tpu.memory_space<vmem_shared>> -> memref<128x128xf32, #tpu.memory_space<vmem_shared>>
      %dma_start3A_171 = arith.constant 0 : i32
      %dma_start3A_172 = tpu.memref_slice %arg19[%add3A_19, %dma_start3A_171] : memref<10112x128xf32, #tpu.memory_space<vmem_shared>> -> memref<128x128xf32, #tpu.memory_space<vmem_shared>>
      tpu.enqueue_dma source(%arg18 : memref<128x128xf32, #tpu.memory_space<vmem>>) target(%dma_start3A_172 : memref<128x128xf32, #tpu.memory_space<vmem_shared>>) target_semaphore(%run_scoped3A : memref<!tpu.dma_semaphore, #tpu.memory_space<semaphore_mem>>)
      %dma_wait3A_173 = arith.constant 0 : i32
      %dma_wait3A_174 = tpu.memref_slice %arg19[%add3A_19, %dma_wait3A_173] : memref<10112x128xf32, #tpu.memory_space<vmem_shared>> -> memref<128x128xf32, #tpu.memory_space<vmem_shared>>
      %dma_wait3A_175 = arith.constant 0 : i32
      %dma_wait3A_176 = tpu.memref_slice %arg19[%add3A_19, %dma_wait3A_175] : memref<10112x128xf32, #tpu.memory_space<vmem_shared>> -> memref<128x128xf32, #tpu.memory_space<vmem_shared>>
      tpu.wait_dma2 semaphore(%run_scoped3A : memref<!tpu.dma_semaphore, #tpu.memory_space<semaphore_mem>>) src(%arg18 : memref<128x128xf32, #tpu.memory_space<vmem>>) dst(%dma_wait3A_176 : memref<128x128xf32, #tpu.memory_space<vmem_shared>>)
      tpu.yield
    }) : () -> ()
    %mul3A_20 = arith.constant 632 : i32
    %mul3A_21 = arith.muli %arg1, %mul3A_20 : i32
    %add3A_22 = arith.constant 256 : i32
    %add3A_23 = arith.addi %mul3A_21, %add3A_22 : i32
    "tpu.region"() ({
      %run_scoped3A = tpu.sem_alloc : memref<!tpu.dma_semaphore, #tpu.memory_space<semaphore_mem>>
      %dma_start3A_169 = arith.constant 0 : i32
      %dma_start3A_170 = tpu.memref_slice %arg19[%add3A_23, %dma_start3A_169] : memref<10112x128xf32, #tpu.memory_space<vmem_shared>> -> memref<128x128xf32, #tpu.memory_space<vmem_shared>>
      %dma_start3A_171 = arith.constant 0 : i32
      %dma_start3A_172 = tpu.memref_slice %arg19[%add3A_23, %dma_start3A_171] : memref<10112x128xf32, #tpu.memory_space<vmem_shared>> -> memref<128x128xf32, #tpu.memory_space<vmem_shared>>
      tpu.enqueue_dma source(%arg18 : memref<128x128xf32, #tpu.memory_space<vmem>>) target(%dma_start3A_172 : memref<128x128xf32, #tpu.memory_space<vmem_shared>>) target_semaphore(%run_scoped3A : memref<!tpu.dma_semaphore, #tpu.memory_space<semaphore_mem>>)
      %dma_wait3A_173 = arith.constant 0 : i32
      %dma_wait3A_174 = tpu.memref_slice %arg19[%add3A_23, %dma_wait3A_173] : memref<10112x128xf32, #tpu.memory_space<vmem_shared>> -> memref<128x128xf32, #tpu.memory_space<vmem_shared>>
      %dma_wait3A_175 = arith.constant 0 : i32
      %dma_wait3A_176 = tpu.memref_slice %arg19[%add3A_23, %dma_wait3A_175] : memref<10112x128xf32, #tpu.memory_space<vmem_shared>> -> memref<128x128xf32, #tpu.memory_space<vmem_shared>>
      tpu.wait_dma2 semaphore(%run_scoped3A : memref<!tpu.dma_semaphore, #tpu.memory_space<semaphore_mem>>) src(%arg18 : memref<128x128xf32, #tpu.memory_space<vmem>>) dst(%dma_wait3A_176 : memref<128x128xf32, #tpu.memory_space<vmem_shared>>)
      tpu.yield
    }) : () -> ()
    %mul3A_24 = arith.constant 632 : i32
    %mul3A_25 = arith.muli %arg1, %mul3A_24 : i32
    %add3A_26 = arith.constant 384 : i32
    %add3A_27 = arith.addi %mul3A_25, %add3A_26 : i32
    "tpu.region"() ({
      %run_scoped3A = tpu.sem_alloc : memref<!tpu.dma_semaphore, #tpu.memory_space<semaphore_mem>>
      %dma_start3A_169 = arith.constant 0 : i32
      %dma_start3A_170 = tpu.memref_slice %arg19[%add3A_27, %dma_start3A_169] : memref<10112x128xf32, #tpu.memory_space<vmem_shared>> -> memref<128x128xf32, #tpu.memory_space<vmem_shared>>
      %dma_start3A_171 = arith.constant 0 : i32
      %dma_start3A_172 = tpu.memref_slice %arg19[%add3A_27, %dma_start3A_171] : memref<10112x128xf32, #tpu.memory_space<vmem_shared>> -> memref<128x128xf32, #tpu.memory_space<vmem_shared>>
      tpu.enqueue_dma source(%arg18 : memref<128x128xf32, #tpu.memory_space<vmem>>) target(%dma_start3A_172 : memref<128x128xf32, #tpu.memory_space<vmem_shared>>) target_semaphore(%run_scoped3A : memref<!tpu.dma_semaphore, #tpu.memory_space<semaphore_mem>>)
      %dma_wait3A_173 = arith.constant 0 : i32
      %dma_wait3A_174 = tpu.memref_slice %arg19[%add3A_27, %dma_wait3A_173] : memref<10112x128xf32, #tpu.memory_space<vmem_shared>> -> memref<128x128xf32, #tpu.memory_space<vmem_shared>>
      %dma_wait3A_175 = arith.constant 0 : i32
      %dma_wait3A_176 = tpu.memref_slice %arg19[%add3A_27, %dma_wait3A_175] : memref<10112x128xf32, #tpu.memory_space<vmem_shared>> -> memref<128x128xf32, #tpu.memory_space<vmem_shared>>
      tpu.wait_dma2 semaphore(%run_scoped3A : memref<!tpu.dma_semaphore, #tpu.memory_space<semaphore_mem>>) src(%arg18 : memref<128x128xf32, #tpu.memory_space<vmem>>) dst(%dma_wait3A_176 : memref<128x128xf32, #tpu.memory_space<vmem_shared>>)
      tpu.yield
    }) : () -> ()
    %mul3A_28 = arith.constant 632 : i32
    %mul3A_29 = arith.muli %arg1, %mul3A_28 : i32
    %add3A_30 = arith.constant 512 : i32
    %add3A_31 = arith.addi %mul3A_29, %add3A_30 : i32
    "tpu.region"() ({
      %run_scoped3A = tpu.sem_alloc : memref<!tpu.dma_semaphore, #tpu.memory_space<semaphore_mem>>
      %dma_start3A_169 = arith.constant 0 : i32
      %dma_start3A_170 = arith.constant 0 : i32
      %dma_start3A_171 = tpu.memref_slice %arg18[%dma_start3A_169, %dma_start3A_170] : memref<128x128xf32, #tpu.memory_space<vmem>> -> memref<120x128xf32, #tpu.memory_space<vmem>>
      %dma_start3A_172 = arith.constant 0 : i32
      %dma_start3A_173 = tpu.memref_slice %arg19[%add3A_31, %dma_start3A_172] : memref<10112x128xf32, #tpu.memory_space<vmem_shared>> -> memref<120x128xf32, #tpu.memory_space<vmem_shared>>
      %dma_start3A_174 = arith.constant 0 : i32
      %dma_start3A_175 = tpu.memref_slice %arg19[%add3A_31, %dma_start3A_174] : memref<10112x128xf32, #tpu.memory_space<vmem_shared>> -> memref<120x128xf32, #tpu.memory_space<vmem_shared>>
      %dma_start3A_176 = arith.constant 0 : i32
      %dma_start3A_177 = arith.constant 0 : i32
      %dma_start3A_178 = tpu.memref_slice %arg18[%dma_start3A_176, %dma_start3A_177] : memref<128x128xf32, #tpu.memory_space<vmem>> -> memref<120x128xf32, #tpu.memory_space<vmem>>
      tpu.enqueue_dma source(%dma_start3A_178 : memref<120x128xf32, #tpu.memory_space<vmem>>) target(%dma_start3A_175 : memref<120x128xf32, #tpu.memory_space<vmem_shared>>) target_semaphore(%run_scoped3A : memref<!tpu.dma_semaphore, #tpu.memory_space<semaphore_mem>>)
      %dma_wait3A_179 = arith.constant 0 : i32
      %dma_wait3A_180 = arith.constant 0 : i32
      %dma_wait3A_181 = tpu.memref_slice %arg18[%dma_wait3A_179, %dma_wait3A_180] : memref<128x128xf32, #tpu.memory_space<vmem>> -> memref<120x128xf32, #tpu.memory_space<vmem>>
      %dma_wait3A_182 = arith.constant 0 : i32
      %dma_wait3A_183 = tpu.memref_slice %arg19[%add3A_31, %dma_wait3A_182] : memref<10112x128xf32, #tpu.memory_space<vmem_shared>> -> memref<120x128xf32, #tpu.memory_space<vmem_shared>>
      %dma_wait3A_184 = arith.constant 0 : i32
      %dma_wait3A_185 = tpu.memref_slice %arg19[%add3A_31, %dma_wait3A_184] : memref<10112x128xf32, #tpu.memory_space<vmem_shared>> -> memref<120x128xf32, #tpu.memory_space<vmem_shared>>
      %dma_wait3A_186 = arith.constant 0 : i32
      %dma_wait3A_187 = arith.constant 0 : i32
      %dma_wait3A_188 = tpu.memref_slice %arg18[%dma_wait3A_186, %dma_wait3A_187] : memref<128x128xf32, #tpu.memory_space<vmem>> -> memref<120x128xf32, #tpu.memory_space<vmem>>
      tpu.wait_dma2 semaphore(%run_scoped3A : memref<!tpu.dma_semaphore, #tpu.memory_space<semaphore_mem>>) src(%dma_wait3A_188 : memref<120x128xf32, #tpu.memory_space<vmem>>) dst(%dma_wait3A_185 : memref<120x128xf32, #tpu.memory_space<vmem_shared>>)
      tpu.yield
    }) : () -> ()
    %barrier3A = arith.constant 0 : index
    tpu.barrier barrier_id(%barrier3A)
    "tpu.region"() ({
      %run_scoped3A = tpu.sem_alloc : memref<!tpu.dma_semaphore, #tpu.memory_space<semaphore_mem>>
      %dma_start3A_169 = tpu.memref_slice %arg2[%mul3A_5] : memref<163840xi32, #tpu.memory_space<hbm>> -> memref<128xi32, #tpu.memory_space<hbm>>
      %dma_start3A_170 = tpu.memref_slice %arg2[%mul3A_5] : memref<163840xi32, #tpu.memory_space<hbm>> -> memref<128xi32, #tpu.memory_space<hbm>>
      tpu.enqueue_dma source(%dma_start3A_170 : memref<128xi32, #tpu.memory_space<hbm>>) target(%arg12 : memref<128xi32, #tpu.memory_space<vmem>>) target_semaphore(%run_scoped3A : memref<!tpu.dma_semaphore, #tpu.memory_space<semaphore_mem>>)
      %dma_wait3A_171 = tpu.memref_slice %arg2[%mul3A_5] : memref<163840xi32, #tpu.memory_space<hbm>> -> memref<128xi32, #tpu.memory_space<hbm>>
      %dma_wait3A_172 = tpu.memref_slice %arg2[%mul3A_5] : memref<163840xi32, #tpu.memory_space<hbm>> -> memref<128xi32, #tpu.memory_space<hbm>>
      tpu.wait_dma2 semaphore(%run_scoped3A : memref<!tpu.dma_semaphore, #tpu.memory_space<semaphore_mem>>) src(%dma_wait3A_172 : memref<128xi32, #tpu.memory_space<hbm>>) dst(%arg12 : memref<128xi32, #tpu.memory_space<vmem>>)
      tpu.yield
    }) : () -> ()
    %dma_start3A = arith.constant 0 : i32
    %dma_start3A_32 = arith.constant 0 : i32
    %dma_start3A_33 = tpu.memref_slice %arg4[%dma_start3A, %dma_start3A_32] : memref<10112x128xf32, #tpu.memory_space<hbm>> -> memref<10112x128xf32, #tpu.memory_space<hbm>>
    tpu.enqueue_indirect_dma source(%dma_start3A_33 : memref<10112x128xf32, #tpu.memory_space<hbm>>) target(%arg16 : memref<128x128xf32, #tpu.memory_space<vmem>>) offsets(%arg12 : memref<128xi32, #tpu.memory_space<vmem>>) semaphore(%arg20 : memref<!tpu.dma_semaphore, #tpu.memory_space<semaphore_mem>>)
    %scan3A_34 = arith.constant 0 : i32
    %scan3A_35 = arith.constant 0 : i32
    %scan3A_36 = arith.constant 20 : i32
    %scan3A_37 = arith.addi %scan3A_35, %scan3A_36 : i32
    %scan3A_38 = arith.constant 1 : i32
    %scan3A_39 = scf.for %scan3A_169 = %scan3A_35 to %scan3A_37 step %scan3A_38 iter_args(%scan3A_170 = %scan3A_34) -> (i32)  : i32 {
      %mul3A_171 = arith.constant 2 : i32
      %mul3A_172 = arith.muli %mul3A_171, %scan3A_169 : i32
      %mul3A_173 = arith.constant 2 : i32
      %mul3A_174 = arith.muli %mul3A_173, %scan3A_169 : i32
      %add3A_175 = arith.constant 1 : i32
      %add3A_176 = arith.addi %mul3A_174, %add3A_175 : i32
      %add3A_177 = arith.constant 1 : i32
      %add3A_178 = arith.addi %add3A_176, %add3A_177 : i32
      %min3A = arith.constant 39 : i32
      %min3A_179 = arith.minsi %add3A_178, %min3A : i32
      %mul3A_180 = arith.constant 128 : i32
      %mul3A_181 = arith.muli %add3A_176, %mul3A_180 : i32
      %add3A_182 = arith.addi %mul3A_5, %mul3A_181 : i32
      "tpu.region"() ({
        %run_scoped3A = tpu.sem_alloc : memref<!tpu.dma_semaphore, #tpu.memory_space<semaphore_mem>>
        %dma_start3A_205 = tpu.memref_slice %arg2[%add3A_182] : memref<163840xi32, #tpu.memory_space<hbm>> -> memref<128xi32, #tpu.memory_space<hbm>>
        %dma_start3A_206 = tpu.memref_slice %arg2[%add3A_182] : memref<163840xi32, #tpu.memory_space<hbm>> -> memref<128xi32, #tpu.memory_space<hbm>>
        tpu.enqueue_dma source(%dma_start3A_206 : memref<128xi32, #tpu.memory_space<hbm>>) target(%arg13 : memref<128xi32, #tpu.memory_space<vmem>>) target_semaphore(%run_scoped3A : memref<!tpu.dma_semaphore, #tpu.memory_space<semaphore_mem>>)
        %dma_wait3A_207 = tpu.memref_slice %arg2[%add3A_182] : memref<163840xi32, #tpu.memory_space<hbm>> -> memref<128xi32, #tpu.memory_space<hbm>>
        %dma_wait3A_208 = tpu.memref_slice %arg2[%add3A_182] : memref<163840xi32, #tpu.memory_space<hbm>> -> memref<128xi32, #tpu.memory_space<hbm>>
        tpu.wait_dma2 semaphore(%run_scoped3A : memref<!tpu.dma_semaphore, #tpu.memory_space<semaphore_mem>>) src(%dma_wait3A_208 : memref<128xi32, #tpu.memory_space<hbm>>) dst(%arg13 : memref<128xi32, #tpu.memory_space<vmem>>)
        tpu.yield
      }) : () -> ()
      %dma_start3A_183 = arith.constant 0 : i32
      %dma_start3A_184 = arith.constant 0 : i32
      %dma_start3A_185 = tpu.memref_slice %arg4[%dma_start3A_183, %dma_start3A_184] : memref<10112x128xf32, #tpu.memory_space<hbm>> -> memref<10112x128xf32, #tpu.memory_space<hbm>>
      tpu.enqueue_indirect_dma source(%dma_start3A_185 : memref<10112x128xf32, #tpu.memory_space<hbm>>) target(%arg17 : memref<128x128xf32, #tpu.memory_space<vmem>>) offsets(%arg13 : memref<128xi32, #tpu.memory_space<vmem>>) semaphore(%arg21 : memref<!tpu.dma_semaphore, #tpu.memory_space<semaphore_mem>>)
      %dma_wait3A_186 = arith.constant 0 : i32
      %dma_wait3A_187 = arith.constant 0 : i32
      %dma_wait3A_188 = tpu.memref_slice %arg4[%dma_wait3A_186, %dma_wait3A_187] : memref<10112x128xf32, #tpu.memory_space<hbm>> -> memref<10112x128xf32, #tpu.memory_space<hbm>>
      tpu.wait_indirect_dma semaphore(%arg20 : memref<!tpu.dma_semaphore, #tpu.memory_space<semaphore_mem>>) src(%dma_wait3A_188 : memref<10112x128xf32, #tpu.memory_space<hbm>>) dst(%arg16 : memref<128x128xf32, #tpu.memory_space<vmem>>)
      %mul3A_189 = arith.constant 128 : i32
      %mul3A_190 = arith.muli %mul3A_172, %mul3A_189 : i32
      %add3A_191 = arith.addi %mul3A_5, %mul3A_190 : i32
      "tpu.region"() ({
        %run_scoped3A = tpu.sem_alloc : memref<!tpu.dma_semaphore, #tpu.memory_space<semaphore_mem>>
        %dma_start3A_205 = tpu.memref_slice %arg3[%add3A_191] : memref<163840xi32, #tpu.memory_space<hbm>> -> memref<128xi32, #tpu.memory_space<hbm>>
        %dma_start3A_206 = tpu.memref_slice %arg3[%add3A_191] : memref<163840xi32, #tpu.memory_space<hbm>> -> memref<128xi32, #tpu.memory_space<hbm>>
        tpu.enqueue_dma source(%dma_start3A_206 : memref<128xi32, #tpu.memory_space<hbm>>) target(%arg14 : memref<128xi32, #tpu.memory_space<vmem>>) target_semaphore(%run_scoped3A : memref<!tpu.dma_semaphore, #tpu.memory_space<semaphore_mem>>)
        %dma_wait3A_207 = tpu.memref_slice %arg3[%add3A_191] : memref<163840xi32, #tpu.memory_space<hbm>> -> memref<128xi32, #tpu.memory_space<hbm>>
        %dma_wait3A_208 = tpu.memref_slice %arg3[%add3A_191] : memref<163840xi32, #tpu.memory_space<hbm>> -> memref<128xi32, #tpu.memory_space<hbm>>
        tpu.wait_dma2 semaphore(%run_scoped3A : memref<!tpu.dma_semaphore, #tpu.memory_space<semaphore_mem>>) src(%dma_wait3A_208 : memref<128xi32, #tpu.memory_space<hbm>>) dst(%arg14 : memref<128xi32, #tpu.memory_space<vmem>>)
        tpu.yield
      }) : () -> ()
      %mul3A_192 = arith.constant 128 : i32
      %mul3A_193 = arith.muli %min3A_179, %mul3A_192 : i32
      %add3A_194 = arith.addi %mul3A_5, %mul3A_193 : i32
      "tpu.region"() ({
        %run_scoped3A = tpu.sem_alloc : memref<!tpu.dma_semaphore, #tpu.memory_space<semaphore_mem>>
        %dma_start3A_205 = tpu.memref_slice %arg2[%add3A_194] : memref<163840xi32, #tpu.memory_space<hbm>> -> memref<128xi32, #tpu.memory_space<hbm>>
        %dma_start3A_206 = tpu.memref_slice %arg2[%add3A_194] : memref<163840xi32, #tpu.memory_space<hbm>> -> memref<128xi32, #tpu.memory_space<hbm>>
        tpu.enqueue_dma source(%dma_start3A_206 : memref<128xi32, #tpu.memory_space<hbm>>) target(%arg12 : memref<128xi32, #tpu.memory_space<vmem>>) target_semaphore(%run_scoped3A : memref<!tpu.dma_semaphore, #tpu.memory_space<semaphore_mem>>)
        %dma_wait3A_207 = tpu.memref_slice %arg2[%add3A_194] : memref<163840xi32, #tpu.memory_space<hbm>> -> memref<128xi32, #tpu.memory_space<hbm>>
        %dma_wait3A_208 = tpu.memref_slice %arg2[%add3A_194] : memref<163840xi32, #tpu.memory_space<hbm>> -> memref<128xi32, #tpu.memory_space<hbm>>
        tpu.wait_dma2 semaphore(%run_scoped3A : memref<!tpu.dma_semaphore, #tpu.memory_space<semaphore_mem>>) src(%dma_wait3A_208 : memref<128xi32, #tpu.memory_space<hbm>>) dst(%arg12 : memref<128xi32, #tpu.memory_space<vmem>>)
        tpu.yield
      }) : () -> ()
      %dma_start3A_195 = arith.constant 0 : i32
      %dma_start3A_196 = arith.constant 0 : i32
      %dma_start3A_197 = tpu.memref_slice %arg4[%dma_start3A_195, %dma_start3A_196] : memref<10112x128xf32, #tpu.memory_space<hbm>> -> memref<10112x128xf32, #tpu.memory_space<hbm>>
      tpu.enqueue_indirect_dma source(%dma_start3A_197 : memref<10112x128xf32, #tpu.memory_space<hbm>>) target(%arg16 : memref<128x128xf32, #tpu.memory_space<vmem>>) offsets(%arg12 : memref<128xi32, #tpu.memory_space<vmem>>) semaphore(%arg20 : memref<!tpu.dma_semaphore, #tpu.memory_space<semaphore_mem>>)
      "tpu.region"() ({
        %run_scoped3A = tpu.sem_alloc : memref<!tpu.dma_semaphore, #tpu.memory_space<semaphore_mem>>
        %dma_start3A_205 = arith.constant 0 : i32
        %dma_start3A_206 = arith.constant 0 : i32
        %dma_start3A_207 = tpu.memref_slice %arg19[%dma_start3A_205, %dma_start3A_206] : memref<10112x128xf32, #tpu.memory_space<vmem_shared>> -> memref<10112x128xf32, #tpu.memory_space<vmem_shared>>
        tpu.enqueue_indirect_dma source(%arg16 : memref<128x128xf32, #tpu.memory_space<vmem>>) target(%dma_start3A_207 : memref<10112x128xf32, #tpu.memory_space<vmem_shared>>) offsets(%arg14 : memref<128xi32, #tpu.memory_space<vmem>>) semaphore(%run_scoped3A : memref<!tpu.dma_semaphore, #tpu.memory_space<semaphore_mem>>) {add = true}
        %dma_wait3A_208 = arith.constant 0 : i32
        %dma_wait3A_209 = arith.constant 0 : i32
        %dma_wait3A_210 = tpu.memref_slice %arg19[%dma_wait3A_208, %dma_wait3A_209] : memref<10112x128xf32, #tpu.memory_space<vmem_shared>> -> memref<10112x128xf32, #tpu.memory_space<vmem_shared>>
        tpu.wait_indirect_dma semaphore(%run_scoped3A : memref<!tpu.dma_semaphore, #tpu.memory_space<semaphore_mem>>) src(%arg16 : memref<128x128xf32, #tpu.memory_space<vmem>>) dst(%dma_wait3A_210 : memref<10112x128xf32, #tpu.memory_space<vmem_shared>>)
        tpu.yield
      }) : () -> ()
      %dma_wait3A_198 = arith.constant 0 : i32
      %dma_wait3A_199 = arith.constant 0 : i32
      %dma_wait3A_200 = tpu.memref_slice %arg4[%dma_wait3A_198, %dma_wait3A_199] : memref<10112x128xf32, #tpu.memory_space<hbm>> -> memref<10112x128xf32, #tpu.memory_space<hbm>>
      tpu.wait_indirect_dma semaphore(%arg21 : memref<!tpu.dma_semaphore, #tpu.memory_space<semaphore_mem>>) src(%dma_wait3A_200 : memref<10112x128xf32, #tpu.memory_space<hbm>>) dst(%arg17 : memref<128x128xf32, #tpu.memory_space<vmem>>)
      %mul3A_201 = arith.constant 128 : i32
      %mul3A_202 = arith.muli %add3A_176, %mul3A_201 : i32
      %add3A_203 = arith.addi %mul3A_5, %mul3A_202 : i32
      "tpu.region"() ({
        %run_scoped3A = tpu.sem_alloc : memref<!tpu.dma_semaphore, #tpu.memory_space<semaphore_mem>>
        %dma_start3A_205 = tpu.memref_slice %arg3[%add3A_203] : memref<163840xi32, #tpu.memory_space<hbm>> -> memref<128xi32, #tpu.memory_space<hbm>>
        %dma_start3A_206 = tpu.memref_slice %arg3[%add3A_203] : memref<163840xi32, #tpu.memory_space<hbm>> -> memref<128xi32, #tpu.memory_space<hbm>>
        tpu.enqueue_dma source(%dma_start3A_206 : memref<128xi32, #tpu.memory_space<hbm>>) target(%arg15 : memref<128xi32, #tpu.memory_space<vmem>>) target_semaphore(%run_scoped3A : memref<!tpu.dma_semaphore, #tpu.memory_space<semaphore_mem>>)
        %dma_wait3A_207 = tpu.memref_slice %arg3[%add3A_203] : memref<163840xi32, #tpu.memory_space<hbm>> -> memref<128xi32, #tpu.memory_space<hbm>>
        %dma_wait3A_208 = tpu.memref_slice %arg3[%add3A_203] : memref<163840xi32, #tpu.memory_space<hbm>> -> memref<128xi32, #tpu.memory_space<hbm>>
        tpu.wait_dma2 semaphore(%run_scoped3A : memref<!tpu.dma_semaphore, #tpu.memory_space<semaphore_mem>>) src(%dma_wait3A_208 : memref<128xi32, #tpu.memory_space<hbm>>) dst(%arg15 : memref<128xi32, #tpu.memory_space<vmem>>)
        tpu.yield
      }) : () -> ()
      "tpu.region"() ({
        %run_scoped3A = tpu.sem_alloc : memref<!tpu.dma_semaphore, #tpu.memory_space<semaphore_mem>>
        %dma_start3A_205 = arith.constant 0 : i32
        %dma_start3A_206 = arith.constant 0 : i32
        %dma_start3A_207 = tpu.memref_slice %arg19[%dma_start3A_205, %dma_start3A_206] : memref<10112x128xf32, #tpu.memory_space<vmem_shared>> -> memref<10112x128xf32, #tpu.memory_space<vmem_shared>>
        tpu.enqueue_indirect_dma source(%arg17 : memref<128x128xf32, #tpu.memory_space<vmem>>) target(%dma_start3A_207 : memref<10112x128xf32, #tpu.memory_space<vmem_shared>>) offsets(%arg15 : memref<128xi32, #tpu.memory_space<vmem>>) semaphore(%run_scoped3A : memref<!tpu.dma_semaphore, #tpu.memory_space<semaphore_mem>>) {add = true}
        %dma_wait3A_208 = arith.constant 0 : i32
        %dma_wait3A_209 = arith.constant 0 : i32
        %dma_wait3A_210 = tpu.memref_slice %arg19[%dma_wait3A_208, %dma_wait3A_209] : memref<10112x128xf32, #tpu.memory_space<vmem_shared>> -> memref<10112x128xf32, #tpu.memory_space<vmem_shared>>
        tpu.wait_indirect_dma semaphore(%run_scoped3A : memref<!tpu.dma_semaphore, #tpu.memory_space<semaphore_mem>>) src(%arg17 : memref<128x128xf32, #tpu.memory_space<vmem>>) dst(%dma_wait3A_210 : memref<10112x128xf32, #tpu.memory_space<vmem_shared>>)
        tpu.yield
      }) : () -> ()
      %scan3A_204 = arith.constant 0 : i32
      scf.yield %scan3A_204 : i32
    }
    %scan3A_40 = arith.constant 20 : i32
    %dma_wait3A = arith.constant 0 : i32
    %dma_wait3A_41 = arith.constant 0 : i32
    %dma_wait3A_42 = tpu.memref_slice %arg4[%dma_wait3A, %dma_wait3A_41] : memref<10112x128xf32, #tpu.memory_space<hbm>> -> memref<10112x128xf32, #tpu.memory_space<hbm>>
    tpu.wait_indirect_dma semaphore(%arg20 : memref<!tpu.dma_semaphore, #tpu.memory_space<semaphore_mem>>) src(%dma_wait3A_42 : memref<10112x128xf32, #tpu.memory_space<hbm>>) dst(%arg16 : memref<128x128xf32, #tpu.memory_space<vmem>>)
    %barrier3A_43 = arith.constant 0 : index
    tpu.barrier barrier_id(%barrier3A_43)
    %mul3A_44 = arith.constant 632 : i32
    %mul3A_45 = arith.muli %arg1, %mul3A_44 : i32
    %mul3A_46 = arith.constant 632 : i32
    %mul3A_47 = arith.muli %arg1, %mul3A_46 : i32
    "tpu.region"() ({
      %run_scoped3A = tpu.sem_alloc : memref<!tpu.dma_semaphore, #tpu.memory_space<semaphore_mem>>
      %dma_start3A_169 = arith.constant 0 : i32
      %dma_start3A_170 = tpu.memref_slice %arg8[%arg0, %mul3A_47, %dma_start3A_169] : memref<2x10112x128xf32, #tpu.memory_space<hbm>> -> memref<1x632x128xf32, #tpu.memory_space<hbm>>
      %dma_start3A_171 = tpu.memref_squeeze %dma_start3A_170 : memref<1x632x128xf32, #tpu.memory_space<hbm>> -> memref<632x128xf32, #tpu.memory_space<hbm>>
      %dma_start3A_172 = arith.constant 0 : i32
      %dma_start3A_173 = tpu.memref_slice %arg19[%mul3A_45, %dma_start3A_172] : memref<10112x128xf32, #tpu.memory_space<vmem_shared>> -> memref<632x128xf32, #tpu.memory_space<vmem_shared>>
      tpu.enqueue_dma source(%dma_start3A_173 : memref<632x128xf32, #tpu.memory_space<vmem_shared>>) target(%dma_start3A_171 : memref<632x128xf32, #tpu.memory_space<hbm>>) target_semaphore(%run_scoped3A : memref<!tpu.dma_semaphore, #tpu.memory_space<semaphore_mem>>)
      %dma_wait3A_174 = arith.constant 0 : i32
      %dma_wait3A_175 = tpu.memref_slice %arg8[%arg0, %mul3A_47, %dma_wait3A_174] : memref<2x10112x128xf32, #tpu.memory_space<hbm>> -> memref<1x632x128xf32, #tpu.memory_space<hbm>>
      %dma_wait3A_176 = tpu.memref_squeeze %dma_wait3A_175 : memref<1x632x128xf32, #tpu.memory_space<hbm>> -> memref<632x128xf32, #tpu.memory_space<hbm>>
      %dma_wait3A_177 = arith.constant 0 : i32
      %dma_wait3A_178 = tpu.memref_slice %arg19[%mul3A_45, %dma_wait3A_177] : memref<10112x128xf32, #tpu.memory_space<vmem_shared>> -> memref<632x128xf32, #tpu.memory_space<vmem_shared>>
      tpu.wait_dma2 semaphore(%run_scoped3A : memref<!tpu.dma_semaphore, #tpu.memory_space<semaphore_mem>>) src(%dma_wait3A_178 : memref<632x128xf32, #tpu.memory_space<vmem_shared>>) dst(%dma_wait3A_176 : memref<632x128xf32, #tpu.memory_space<hbm>>)
      tpu.yield
    }) : () -> ()
    %barrier3A_48 = arith.constant 0 : index
    tpu.barrier barrier_id(%barrier3A_48)
    %mul3A_49 = arith.constant 632 : i32
    %mul3A_50 = arith.muli %arg1, %mul3A_49 : i32
    %add3A_51 = arith.constant 0 : i32
    %add3A_52 = arith.addi %mul3A_50, %add3A_51 : i32
    "tpu.region"() ({
      %run_scoped3A = tpu.sem_alloc : memref<!tpu.dma_semaphore, #tpu.memory_space<semaphore_mem>>
      %dma_start3A_169 = arith.constant 0 : i32
      %dma_start3A_170 = tpu.memref_slice %arg19[%add3A_52, %dma_start3A_169] : memref<10112x128xf32, #tpu.memory_space<vmem_shared>> -> memref<128x128xf32, #tpu.memory_space<vmem_shared>>
      %dma_start3A_171 = arith.constant 0 : i32
      %dma_start3A_172 = tpu.memref_slice %arg19[%add3A_52, %dma_start3A_171] : memref<10112x128xf32, #tpu.memory_space<vmem_shared>> -> memref<128x128xf32, #tpu.memory_space<vmem_shared>>
      tpu.enqueue_dma source(%arg18 : memref<128x128xf32, #tpu.memory_space<vmem>>) target(%dma_start3A_172 : memref<128x128xf32, #tpu.memory_space<vmem_shared>>) target_semaphore(%run_scoped3A : memref<!tpu.dma_semaphore, #tpu.memory_space<semaphore_mem>>)
      %dma_wait3A_173 = arith.constant 0 : i32
      %dma_wait3A_174 = tpu.memref_slice %arg19[%add3A_52, %dma_wait3A_173] : memref<10112x128xf32, #tpu.memory_space<vmem_shared>> -> memref<128x128xf32, #tpu.memory_space<vmem_shared>>
      %dma_wait3A_175 = arith.constant 0 : i32
      %dma_wait3A_176 = tpu.memref_slice %arg19[%add3A_52, %dma_wait3A_175] : memref<10112x128xf32, #tpu.memory_space<vmem_shared>> -> memref<128x128xf32, #tpu.memory_space<vmem_shared>>
      tpu.wait_dma2 semaphore(%run_scoped3A : memref<!tpu.dma_semaphore, #tpu.memory_space<semaphore_mem>>) src(%arg18 : memref<128x128xf32, #tpu.memory_space<vmem>>) dst(%dma_wait3A_176 : memref<128x128xf32, #tpu.memory_space<vmem_shared>>)
      tpu.yield
    }) : () -> ()
    %mul3A_53 = arith.constant 632 : i32
    %mul3A_54 = arith.muli %arg1, %mul3A_53 : i32
    %add3A_55 = arith.constant 128 : i32
    %add3A_56 = arith.addi %mul3A_54, %add3A_55 : i32
    "tpu.region"() ({
      %run_scoped3A = tpu.sem_alloc : memref<!tpu.dma_semaphore, #tpu.memory_space<semaphore_mem>>
      %dma_start3A_169 = arith.constant 0 : i32
      %dma_start3A_170 = tpu.memref_slice %arg19[%add3A_56, %dma_start3A_169] : memref<10112x128xf32, #tpu.memory_space<vmem_shared>> -> memref<128x128xf32, #tpu.memory_space<vmem_shared>>
      %dma_start3A_171 = arith.constant 0 : i32
      %dma_start3A_172 = tpu.memref_slice %arg19[%add3A_56, %dma_start3A_171] : memref<10112x128xf32, #tpu.memory_space<vmem_shared>> -> memref<128x128xf32, #tpu.memory_space<vmem_shared>>
      tpu.enqueue_dma source(%arg18 : memref<128x128xf32, #tpu.memory_space<vmem>>) target(%dma_start3A_172 : memref<128x128xf32, #tpu.memory_space<vmem_shared>>) target_semaphore(%run_scoped3A : memref<!tpu.dma_semaphore, #tpu.memory_space<semaphore_mem>>)
      %dma_wait3A_173 = arith.constant 0 : i32
      %dma_wait3A_174 = tpu.memref_slice %arg19[%add3A_56, %dma_wait3A_173] : memref<10112x128xf32, #tpu.memory_space<vmem_shared>> -> memref<128x128xf32, #tpu.memory_space<vmem_shared>>
      %dma_wait3A_175 = arith.constant 0 : i32
      %dma_wait3A_176 = tpu.memref_slice %arg19[%add3A_56, %dma_wait3A_175] : memref<10112x128xf32, #tpu.memory_space<vmem_shared>> -> memref<128x128xf32, #tpu.memory_space<vmem_shared>>
      tpu.wait_dma2 semaphore(%run_scoped3A : memref<!tpu.dma_semaphore, #tpu.memory_space<semaphore_mem>>) src(%arg18 : memref<128x128xf32, #tpu.memory_space<vmem>>) dst(%dma_wait3A_176 : memref<128x128xf32, #tpu.memory_space<vmem_shared>>)
      tpu.yield
    }) : () -> ()
    %mul3A_57 = arith.constant 632 : i32
    %mul3A_58 = arith.muli %arg1, %mul3A_57 : i32
    %add3A_59 = arith.constant 256 : i32
    %add3A_60 = arith.addi %mul3A_58, %add3A_59 : i32
    "tpu.region"() ({
      %run_scoped3A = tpu.sem_alloc : memref<!tpu.dma_semaphore, #tpu.memory_space<semaphore_mem>>
      %dma_start3A_169 = arith.constant 0 : i32
      %dma_start3A_170 = tpu.memref_slice %arg19[%add3A_60, %dma_start3A_169] : memref<10112x128xf32, #tpu.memory_space<vmem_shared>> -> memref<128x128xf32, #tpu.memory_space<vmem_shared>>
      %dma_start3A_171 = arith.constant 0 : i32
      %dma_start3A_172 = tpu.memref_slice %arg19[%add3A_60, %dma_start3A_171] : memref<10112x128xf32, #tpu.memory_space<vmem_shared>> -> memref<128x128xf32, #tpu.memory_space<vmem_shared>>
      tpu.enqueue_dma source(%arg18 : memref<128x128xf32, #tpu.memory_space<vmem>>) target(%dma_start3A_172 : memref<128x128xf32, #tpu.memory_space<vmem_shared>>) target_semaphore(%run_scoped3A : memref<!tpu.dma_semaphore, #tpu.memory_space<semaphore_mem>>)
      %dma_wait3A_173 = arith.constant 0 : i32
      %dma_wait3A_174 = tpu.memref_slice %arg19[%add3A_60, %dma_wait3A_173] : memref<10112x128xf32, #tpu.memory_space<vmem_shared>> -> memref<128x128xf32, #tpu.memory_space<vmem_shared>>
      %dma_wait3A_175 = arith.constant 0 : i32
      %dma_wait3A_176 = tpu.memref_slice %arg19[%add3A_60, %dma_wait3A_175] : memref<10112x128xf32, #tpu.memory_space<vmem_shared>> -> memref<128x128xf32, #tpu.memory_space<vmem_shared>>
      tpu.wait_dma2 semaphore(%run_scoped3A : memref<!tpu.dma_semaphore, #tpu.memory_space<semaphore_mem>>) src(%arg18 : memref<128x128xf32, #tpu.memory_space<vmem>>) dst(%dma_wait3A_176 : memref<128x128xf32, #tpu.memory_space<vmem_shared>>)
      tpu.yield
    }) : () -> ()
    %mul3A_61 = arith.constant 632 : i32
    %mul3A_62 = arith.muli %arg1, %mul3A_61 : i32
    %add3A_63 = arith.constant 384 : i32
    %add3A_64 = arith.addi %mul3A_62, %add3A_63 : i32
    "tpu.region"() ({
      %run_scoped3A = tpu.sem_alloc : memref<!tpu.dma_semaphore, #tpu.memory_space<semaphore_mem>>
      %dma_start3A_169 = arith.constant 0 : i32
      %dma_start3A_170 = tpu.memref_slice %arg19[%add3A_64, %dma_start3A_169] : memref<10112x128xf32, #tpu.memory_space<vmem_shared>> -> memref<128x128xf32, #tpu.memory_space<vmem_shared>>
      %dma_start3A_171 = arith.constant 0 : i32
      %dma_start3A_172 = tpu.memref_slice %arg19[%add3A_64, %dma_start3A_171] : memref<10112x128xf32, #tpu.memory_space<vmem_shared>> -> memref<128x128xf32, #tpu.memory_space<vmem_shared>>
      tpu.enqueue_dma source(%arg18 : memref<128x128xf32, #tpu.memory_space<vmem>>) target(%dma_start3A_172 : memref<128x128xf32, #tpu.memory_space<vmem_shared>>) target_semaphore(%run_scoped3A : memref<!tpu.dma_semaphore, #tpu.memory_space<semaphore_mem>>)
      %dma_wait3A_173 = arith.constant 0 : i32
      %dma_wait3A_174 = tpu.memref_slice %arg19[%add3A_64, %dma_wait3A_173] : memref<10112x128xf32, #tpu.memory_space<vmem_shared>> -> memref<128x128xf32, #tpu.memory_space<vmem_shared>>
      %dma_wait3A_175 = arith.constant 0 : i32
      %dma_wait3A_176 = tpu.memref_slice %arg19[%add3A_64, %dma_wait3A_175] : memref<10112x128xf32, #tpu.memory_space<vmem_shared>> -> memref<128x128xf32, #tpu.memory_space<vmem_shared>>
      tpu.wait_dma2 semaphore(%run_scoped3A : memref<!tpu.dma_semaphore, #tpu.memory_space<semaphore_mem>>) src(%arg18 : memref<128x128xf32, #tpu.memory_space<vmem>>) dst(%dma_wait3A_176 : memref<128x128xf32, #tpu.memory_space<vmem_shared>>)
      tpu.yield
    }) : () -> ()
    %mul3A_65 = arith.constant 632 : i32
    %mul3A_66 = arith.muli %arg1, %mul3A_65 : i32
    %add3A_67 = arith.constant 512 : i32
    %add3A_68 = arith.addi %mul3A_66, %add3A_67 : i32
    "tpu.region"() ({
      %run_scoped3A = tpu.sem_alloc : memref<!tpu.dma_semaphore, #tpu.memory_space<semaphore_mem>>
      %dma_start3A_169 = arith.constant 0 : i32
      %dma_start3A_170 = arith.constant 0 : i32
      %dma_start3A_171 = tpu.memref_slice %arg18[%dma_start3A_169, %dma_start3A_170] : memref<128x128xf32, #tpu.memory_space<vmem>> -> memref<120x128xf32, #tpu.memory_space<vmem>>
      %dma_start3A_172 = arith.constant 0 : i32
      %dma_start3A_173 = tpu.memref_slice %arg19[%add3A_68, %dma_start3A_172] : memref<10112x128xf32, #tpu.memory_space<vmem_shared>> -> memref<120x128xf32, #tpu.memory_space<vmem_shared>>
      %dma_start3A_174 = arith.constant 0 : i32
      %dma_start3A_175 = tpu.memref_slice %arg19[%add3A_68, %dma_start3A_174] : memref<10112x128xf32, #tpu.memory_space<vmem_shared>> -> memref<120x128xf32, #tpu.memory_space<vmem_shared>>
      %dma_start3A_176 = arith.constant 0 : i32
      %dma_start3A_177 = arith.constant 0 : i32
      %dma_start3A_178 = tpu.memref_slice %arg18[%dma_start3A_176, %dma_start3A_177] : memref<128x128xf32, #tpu.memory_space<vmem>> -> memref<120x128xf32, #tpu.memory_space<vmem>>
      tpu.enqueue_dma source(%dma_start3A_178 : memref<120x128xf32, #tpu.memory_space<vmem>>) target(%dma_start3A_175 : memref<120x128xf32, #tpu.memory_space<vmem_shared>>) target_semaphore(%run_scoped3A : memref<!tpu.dma_semaphore, #tpu.memory_space<semaphore_mem>>)
      %dma_wait3A_179 = arith.constant 0 : i32
      %dma_wait3A_180 = arith.constant 0 : i32
      %dma_wait3A_181 = tpu.memref_slice %arg18[%dma_wait3A_179, %dma_wait3A_180] : memref<128x128xf32, #tpu.memory_space<vmem>> -> memref<120x128xf32, #tpu.memory_space<vmem>>
      %dma_wait3A_182 = arith.constant 0 : i32
      %dma_wait3A_183 = tpu.memref_slice %arg19[%add3A_68, %dma_wait3A_182] : memref<10112x128xf32, #tpu.memory_space<vmem_shared>> -> memref<120x128xf32, #tpu.memory_space<vmem_shared>>
      %dma_wait3A_184 = arith.constant 0 : i32
      %dma_wait3A_185 = tpu.memref_slice %arg19[%add3A_68, %dma_wait3A_184] : memref<10112x128xf32, #tpu.memory_space<vmem_shared>> -> memref<120x128xf32, #tpu.memory_space<vmem_shared>>
      %dma_wait3A_186 = arith.constant 0 : i32
      %dma_wait3A_187 = arith.constant 0 : i32
      %dma_wait3A_188 = tpu.memref_slice %arg18[%dma_wait3A_186, %dma_wait3A_187] : memref<128x128xf32, #tpu.memory_space<vmem>> -> memref<120x128xf32, #tpu.memory_space<vmem>>
      tpu.wait_dma2 semaphore(%run_scoped3A : memref<!tpu.dma_semaphore, #tpu.memory_space<semaphore_mem>>) src(%dma_wait3A_188 : memref<120x128xf32, #tpu.memory_space<vmem>>) dst(%dma_wait3A_185 : memref<120x128xf32, #tpu.memory_space<vmem_shared>>)
      tpu.yield
    }) : () -> ()
    %barrier3A_69 = arith.constant 0 : index
    tpu.barrier barrier_id(%barrier3A_69)
    "tpu.region"() ({
      %run_scoped3A = tpu.sem_alloc : memref<!tpu.dma_semaphore, #tpu.memory_space<semaphore_mem>>
      %dma_start3A_169 = tpu.memref_slice %arg2[%mul3A_5] : memref<163840xi32, #tpu.memory_space<hbm>> -> memref<128xi32, #tpu.memory_space<hbm>>
      %dma_start3A_170 = tpu.memref_slice %arg2[%mul3A_5] : memref<163840xi32, #tpu.memory_space<hbm>> -> memref<128xi32, #tpu.memory_space<hbm>>
      tpu.enqueue_dma source(%dma_start3A_170 : memref<128xi32, #tpu.memory_space<hbm>>) target(%arg12 : memref<128xi32, #tpu.memory_space<vmem>>) target_semaphore(%run_scoped3A : memref<!tpu.dma_semaphore, #tpu.memory_space<semaphore_mem>>)
      %dma_wait3A_171 = tpu.memref_slice %arg2[%mul3A_5] : memref<163840xi32, #tpu.memory_space<hbm>> -> memref<128xi32, #tpu.memory_space<hbm>>
      %dma_wait3A_172 = tpu.memref_slice %arg2[%mul3A_5] : memref<163840xi32, #tpu.memory_space<hbm>> -> memref<128xi32, #tpu.memory_space<hbm>>
      tpu.wait_dma2 semaphore(%run_scoped3A : memref<!tpu.dma_semaphore, #tpu.memory_space<semaphore_mem>>) src(%dma_wait3A_172 : memref<128xi32, #tpu.memory_space<hbm>>) dst(%arg12 : memref<128xi32, #tpu.memory_space<vmem>>)
      tpu.yield
    }) : () -> ()
    %dma_start3A_70 = arith.constant 0 : i32
    %dma_start3A_71 = arith.constant 0 : i32
    %dma_start3A_72 = tpu.memref_slice %arg5[%dma_start3A_70, %dma_start3A_71] : memref<10112x128xf32, #tpu.memory_space<hbm>> -> memref<10112x128xf32, #tpu.memory_space<hbm>>
    tpu.enqueue_indirect_dma source(%dma_start3A_72 : memref<10112x128xf32, #tpu.memory_space<hbm>>) target(%arg16 : memref<128x128xf32, #tpu.memory_space<vmem>>) offsets(%arg12 : memref<128xi32, #tpu.memory_space<vmem>>) semaphore(%arg20 : memref<!tpu.dma_semaphore, #tpu.memory_space<semaphore_mem>>)
    %scan3A_73 = arith.constant 0 : i32
    %scan3A_74 = arith.constant 0 : i32
    %scan3A_75 = arith.constant 20 : i32
    %scan3A_76 = arith.addi %scan3A_74, %scan3A_75 : i32
    %scan3A_77 = arith.constant 1 : i32
    %scan3A_78 = scf.for %scan3A_169 = %scan3A_74 to %scan3A_76 step %scan3A_77 iter_args(%scan3A_170 = %scan3A_73) -> (i32)  : i32 {
      %mul3A_171 = arith.constant 2 : i32
      %mul3A_172 = arith.muli %mul3A_171, %scan3A_169 : i32
      %mul3A_173 = arith.constant 2 : i32
      %mul3A_174 = arith.muli %mul3A_173, %scan3A_169 : i32
      %add3A_175 = arith.constant 1 : i32
      %add3A_176 = arith.addi %mul3A_174, %add3A_175 : i32
      %add3A_177 = arith.constant 1 : i32
      %add3A_178 = arith.addi %add3A_176, %add3A_177 : i32
      %min3A = arith.constant 39 : i32
      %min3A_179 = arith.minsi %add3A_178, %min3A : i32
      %mul3A_180 = arith.constant 128 : i32
      %mul3A_181 = arith.muli %add3A_176, %mul3A_180 : i32
      %add3A_182 = arith.addi %mul3A_5, %mul3A_181 : i32
      "tpu.region"() ({
        %run_scoped3A = tpu.sem_alloc : memref<!tpu.dma_semaphore, #tpu.memory_space<semaphore_mem>>
        %dma_start3A_205 = tpu.memref_slice %arg2[%add3A_182] : memref<163840xi32, #tpu.memory_space<hbm>> -> memref<128xi32, #tpu.memory_space<hbm>>
        %dma_start3A_206 = tpu.memref_slice %arg2[%add3A_182] : memref<163840xi32, #tpu.memory_space<hbm>> -> memref<128xi32, #tpu.memory_space<hbm>>
        tpu.enqueue_dma source(%dma_start3A_206 : memref<128xi32, #tpu.memory_space<hbm>>) target(%arg13 : memref<128xi32, #tpu.memory_space<vmem>>) target_semaphore(%run_scoped3A : memref<!tpu.dma_semaphore, #tpu.memory_space<semaphore_mem>>)
        %dma_wait3A_207 = tpu.memref_slice %arg2[%add3A_182] : memref<163840xi32, #tpu.memory_space<hbm>> -> memref<128xi32, #tpu.memory_space<hbm>>
        %dma_wait3A_208 = tpu.memref_slice %arg2[%add3A_182] : memref<163840xi32, #tpu.memory_space<hbm>> -> memref<128xi32, #tpu.memory_space<hbm>>
        tpu.wait_dma2 semaphore(%run_scoped3A : memref<!tpu.dma_semaphore, #tpu.memory_space<semaphore_mem>>) src(%dma_wait3A_208 : memref<128xi32, #tpu.memory_space<hbm>>) dst(%arg13 : memref<128xi32, #tpu.memory_space<vmem>>)
        tpu.yield
      }) : () -> ()
      %dma_start3A_183 = arith.constant 0 : i32
      %dma_start3A_184 = arith.constant 0 : i32
      %dma_start3A_185 = tpu.memref_slice %arg5[%dma_start3A_183, %dma_start3A_184] : memref<10112x128xf32, #tpu.memory_space<hbm>> -> memref<10112x128xf32, #tpu.memory_space<hbm>>
      tpu.enqueue_indirect_dma source(%dma_start3A_185 : memref<10112x128xf32, #tpu.memory_space<hbm>>) target(%arg17 : memref<128x128xf32, #tpu.memory_space<vmem>>) offsets(%arg13 : memref<128xi32, #tpu.memory_space<vmem>>) semaphore(%arg21 : memref<!tpu.dma_semaphore, #tpu.memory_space<semaphore_mem>>)
      %dma_wait3A_186 = arith.constant 0 : i32
      %dma_wait3A_187 = arith.constant 0 : i32
      %dma_wait3A_188 = tpu.memref_slice %arg5[%dma_wait3A_186, %dma_wait3A_187] : memref<10112x128xf32, #tpu.memory_space<hbm>> -> memref<10112x128xf32, #tpu.memory_space<hbm>>
      tpu.wait_indirect_dma semaphore(%arg20 : memref<!tpu.dma_semaphore, #tpu.memory_space<semaphore_mem>>) src(%dma_wait3A_188 : memref<10112x128xf32, #tpu.memory_space<hbm>>) dst(%arg16 : memref<128x128xf32, #tpu.memory_space<vmem>>)
      %mul3A_189 = arith.constant 128 : i32
      %mul3A_190 = arith.muli %mul3A_172, %mul3A_189 : i32
      %add3A_191 = arith.addi %mul3A_5, %mul3A_190 : i32
      "tpu.region"() ({
        %run_scoped3A = tpu.sem_alloc : memref<!tpu.dma_semaphore, #tpu.memory_space<semaphore_mem>>
        %dma_start3A_205 = tpu.memref_slice %arg3[%add3A_191] : memref<163840xi32, #tpu.memory_space<hbm>> -> memref<128xi32, #tpu.memory_space<hbm>>
        %dma_start3A_206 = tpu.memref_slice %arg3[%add3A_191] : memref<163840xi32, #tpu.memory_space<hbm>> -> memref<128xi32, #tpu.memory_space<hbm>>
        tpu.enqueue_dma source(%dma_start3A_206 : memref<128xi32, #tpu.memory_space<hbm>>) target(%arg14 : memref<128xi32, #tpu.memory_space<vmem>>) target_semaphore(%run_scoped3A : memref<!tpu.dma_semaphore, #tpu.memory_space<semaphore_mem>>)
        %dma_wait3A_207 = tpu.memref_slice %arg3[%add3A_191] : memref<163840xi32, #tpu.memory_space<hbm>> -> memref<128xi32, #tpu.memory_space<hbm>>
        %dma_wait3A_208 = tpu.memref_slice %arg3[%add3A_191] : memref<163840xi32, #tpu.memory_space<hbm>> -> memref<128xi32, #tpu.memory_space<hbm>>
        tpu.wait_dma2 semaphore(%run_scoped3A : memref<!tpu.dma_semaphore, #tpu.memory_space<semaphore_mem>>) src(%dma_wait3A_208 : memref<128xi32, #tpu.memory_space<hbm>>) dst(%arg14 : memref<128xi32, #tpu.memory_space<vmem>>)
        tpu.yield
      }) : () -> ()
      %mul3A_192 = arith.constant 128 : i32
      %mul3A_193 = arith.muli %min3A_179, %mul3A_192 : i32
      %add3A_194 = arith.addi %mul3A_5, %mul3A_193 : i32
      "tpu.region"() ({
        %run_scoped3A = tpu.sem_alloc : memref<!tpu.dma_semaphore, #tpu.memory_space<semaphore_mem>>
        %dma_start3A_205 = tpu.memref_slice %arg2[%add3A_194] : memref<163840xi32, #tpu.memory_space<hbm>> -> memref<128xi32, #tpu.memory_space<hbm>>
        %dma_start3A_206 = tpu.memref_slice %arg2[%add3A_194] : memref<163840xi32, #tpu.memory_space<hbm>> -> memref<128xi32, #tpu.memory_space<hbm>>
        tpu.enqueue_dma source(%dma_start3A_206 : memref<128xi32, #tpu.memory_space<hbm>>) target(%arg12 : memref<128xi32, #tpu.memory_space<vmem>>) target_semaphore(%run_scoped3A : memref<!tpu.dma_semaphore, #tpu.memory_space<semaphore_mem>>)
        %dma_wait3A_207 = tpu.memref_slice %arg2[%add3A_194] : memref<163840xi32, #tpu.memory_space<hbm>> -> memref<128xi32, #tpu.memory_space<hbm>>
        %dma_wait3A_208 = tpu.memref_slice %arg2[%add3A_194] : memref<163840xi32, #tpu.memory_space<hbm>> -> memref<128xi32, #tpu.memory_space<hbm>>
        tpu.wait_dma2 semaphore(%run_scoped3A : memref<!tpu.dma_semaphore, #tpu.memory_space<semaphore_mem>>) src(%dma_wait3A_208 : memref<128xi32, #tpu.memory_space<hbm>>) dst(%arg12 : memref<128xi32, #tpu.memory_space<vmem>>)
        tpu.yield
      }) : () -> ()
      %dma_start3A_195 = arith.constant 0 : i32
      %dma_start3A_196 = arith.constant 0 : i32
      %dma_start3A_197 = tpu.memref_slice %arg5[%dma_start3A_195, %dma_start3A_196] : memref<10112x128xf32, #tpu.memory_space<hbm>> -> memref<10112x128xf32, #tpu.memory_space<hbm>>
      tpu.enqueue_indirect_dma source(%dma_start3A_197 : memref<10112x128xf32, #tpu.memory_space<hbm>>) target(%arg16 : memref<128x128xf32, #tpu.memory_space<vmem>>) offsets(%arg12 : memref<128xi32, #tpu.memory_space<vmem>>) semaphore(%arg20 : memref<!tpu.dma_semaphore, #tpu.memory_space<semaphore_mem>>)
      "tpu.region"() ({
        %run_scoped3A = tpu.sem_alloc : memref<!tpu.dma_semaphore, #tpu.memory_space<semaphore_mem>>
        %dma_start3A_205 = arith.constant 0 : i32
        %dma_start3A_206 = arith.constant 0 : i32
        %dma_start3A_207 = tpu.memref_slice %arg19[%dma_start3A_205, %dma_start3A_206] : memref<10112x128xf32, #tpu.memory_space<vmem_shared>> -> memref<10112x128xf32, #tpu.memory_space<vmem_shared>>
        tpu.enqueue_indirect_dma source(%arg16 : memref<128x128xf32, #tpu.memory_space<vmem>>) target(%dma_start3A_207 : memref<10112x128xf32, #tpu.memory_space<vmem_shared>>) offsets(%arg14 : memref<128xi32, #tpu.memory_space<vmem>>) semaphore(%run_scoped3A : memref<!tpu.dma_semaphore, #tpu.memory_space<semaphore_mem>>) {add = true}
        %dma_wait3A_208 = arith.constant 0 : i32
        %dma_wait3A_209 = arith.constant 0 : i32
        %dma_wait3A_210 = tpu.memref_slice %arg19[%dma_wait3A_208, %dma_wait3A_209] : memref<10112x128xf32, #tpu.memory_space<vmem_shared>> -> memref<10112x128xf32, #tpu.memory_space<vmem_shared>>
        tpu.wait_indirect_dma semaphore(%run_scoped3A : memref<!tpu.dma_semaphore, #tpu.memory_space<semaphore_mem>>) src(%arg16 : memref<128x128xf32, #tpu.memory_space<vmem>>) dst(%dma_wait3A_210 : memref<10112x128xf32, #tpu.memory_space<vmem_shared>>)
        tpu.yield
      }) : () -> ()
      %dma_wait3A_198 = arith.constant 0 : i32
      %dma_wait3A_199 = arith.constant 0 : i32
      %dma_wait3A_200 = tpu.memref_slice %arg5[%dma_wait3A_198, %dma_wait3A_199] : memref<10112x128xf32, #tpu.memory_space<hbm>> -> memref<10112x128xf32, #tpu.memory_space<hbm>>
      tpu.wait_indirect_dma semaphore(%arg21 : memref<!tpu.dma_semaphore, #tpu.memory_space<semaphore_mem>>) src(%dma_wait3A_200 : memref<10112x128xf32, #tpu.memory_space<hbm>>) dst(%arg17 : memref<128x128xf32, #tpu.memory_space<vmem>>)
      %mul3A_201 = arith.constant 128 : i32
      %mul3A_202 = arith.muli %add3A_176, %mul3A_201 : i32
      %add3A_203 = arith.addi %mul3A_5, %mul3A_202 : i32
      "tpu.region"() ({
        %run_scoped3A = tpu.sem_alloc : memref<!tpu.dma_semaphore, #tpu.memory_space<semaphore_mem>>
        %dma_start3A_205 = tpu.memref_slice %arg3[%add3A_203] : memref<163840xi32, #tpu.memory_space<hbm>> -> memref<128xi32, #tpu.memory_space<hbm>>
        %dma_start3A_206 = tpu.memref_slice %arg3[%add3A_203] : memref<163840xi32, #tpu.memory_space<hbm>> -> memref<128xi32, #tpu.memory_space<hbm>>
        tpu.enqueue_dma source(%dma_start3A_206 : memref<128xi32, #tpu.memory_space<hbm>>) target(%arg15 : memref<128xi32, #tpu.memory_space<vmem>>) target_semaphore(%run_scoped3A : memref<!tpu.dma_semaphore, #tpu.memory_space<semaphore_mem>>)
        %dma_wait3A_207 = tpu.memref_slice %arg3[%add3A_203] : memref<163840xi32, #tpu.memory_space<hbm>> -> memref<128xi32, #tpu.memory_space<hbm>>
        %dma_wait3A_208 = tpu.memref_slice %arg3[%add3A_203] : memref<163840xi32, #tpu.memory_space<hbm>> -> memref<128xi32, #tpu.memory_space<hbm>>
        tpu.wait_dma2 semaphore(%run_scoped3A : memref<!tpu.dma_semaphore, #tpu.memory_space<semaphore_mem>>) src(%dma_wait3A_208 : memref<128xi32, #tpu.memory_space<hbm>>) dst(%arg15 : memref<128xi32, #tpu.memory_space<vmem>>)
        tpu.yield
      }) : () -> ()
      "tpu.region"() ({
        %run_scoped3A = tpu.sem_alloc : memref<!tpu.dma_semaphore, #tpu.memory_space<semaphore_mem>>
        %dma_start3A_205 = arith.constant 0 : i32
        %dma_start3A_206 = arith.constant 0 : i32
        %dma_start3A_207 = tpu.memref_slice %arg19[%dma_start3A_205, %dma_start3A_206] : memref<10112x128xf32, #tpu.memory_space<vmem_shared>> -> memref<10112x128xf32, #tpu.memory_space<vmem_shared>>
        tpu.enqueue_indirect_dma source(%arg17 : memref<128x128xf32, #tpu.memory_space<vmem>>) target(%dma_start3A_207 : memref<10112x128xf32, #tpu.memory_space<vmem_shared>>) offsets(%arg15 : memref<128xi32, #tpu.memory_space<vmem>>) semaphore(%run_scoped3A : memref<!tpu.dma_semaphore, #tpu.memory_space<semaphore_mem>>) {add = true}
        %dma_wait3A_208 = arith.constant 0 : i32
        %dma_wait3A_209 = arith.constant 0 : i32
        %dma_wait3A_210 = tpu.memref_slice %arg19[%dma_wait3A_208, %dma_wait3A_209] : memref<10112x128xf32, #tpu.memory_space<vmem_shared>> -> memref<10112x128xf32, #tpu.memory_space<vmem_shared>>
        tpu.wait_indirect_dma semaphore(%run_scoped3A : memref<!tpu.dma_semaphore, #tpu.memory_space<semaphore_mem>>) src(%arg17 : memref<128x128xf32, #tpu.memory_space<vmem>>) dst(%dma_wait3A_210 : memref<10112x128xf32, #tpu.memory_space<vmem_shared>>)
        tpu.yield
      }) : () -> ()
      %scan3A_204 = arith.constant 0 : i32
      scf.yield %scan3A_204 : i32
    }
    %scan3A_79 = arith.constant 20 : i32
    %dma_wait3A_80 = arith.constant 0 : i32
    %dma_wait3A_81 = arith.constant 0 : i32
    %dma_wait3A_82 = tpu.memref_slice %arg5[%dma_wait3A_80, %dma_wait3A_81] : memref<10112x128xf32, #tpu.memory_space<hbm>> -> memref<10112x128xf32, #tpu.memory_space<hbm>>
    tpu.wait_indirect_dma semaphore(%arg20 : memref<!tpu.dma_semaphore, #tpu.memory_space<semaphore_mem>>) src(%dma_wait3A_82 : memref<10112x128xf32, #tpu.memory_space<hbm>>) dst(%arg16 : memref<128x128xf32, #tpu.memory_space<vmem>>)
    %barrier3A_83 = arith.constant 0 : index
    tpu.barrier barrier_id(%barrier3A_83)
    %mul3A_84 = arith.constant 632 : i32
    %mul3A_85 = arith.muli %arg1, %mul3A_84 : i32
    %mul3A_86 = arith.constant 632 : i32
    %mul3A_87 = arith.muli %arg1, %mul3A_86 : i32
    "tpu.region"() ({
      %run_scoped3A = tpu.sem_alloc : memref<!tpu.dma_semaphore, #tpu.memory_space<semaphore_mem>>
      %dma_start3A_169 = arith.constant 0 : i32
      %dma_start3A_170 = tpu.memref_slice %arg9[%arg0, %mul3A_87, %dma_start3A_169] : memref<2x10112x128xf32, #tpu.memory_space<hbm>> -> memref<1x632x128xf32, #tpu.memory_space<hbm>>
      %dma_start3A_171 = tpu.memref_squeeze %dma_start3A_170 : memref<1x632x128xf32, #tpu.memory_space<hbm>> -> memref<632x128xf32, #tpu.memory_space<hbm>>
      %dma_start3A_172 = arith.constant 0 : i32
      %dma_start3A_173 = tpu.memref_slice %arg19[%mul3A_85, %dma_start3A_172] : memref<10112x128xf32, #tpu.memory_space<vmem_shared>> -> memref<632x128xf32, #tpu.memory_space<vmem_shared>>
      tpu.enqueue_dma source(%dma_start3A_173 : memref<632x128xf32, #tpu.memory_space<vmem_shared>>) target(%dma_start3A_171 : memref<632x128xf32, #tpu.memory_space<hbm>>) target_semaphore(%run_scoped3A : memref<!tpu.dma_semaphore, #tpu.memory_space<semaphore_mem>>)
      %dma_wait3A_174 = arith.constant 0 : i32
      %dma_wait3A_175 = tpu.memref_slice %arg9[%arg0, %mul3A_87, %dma_wait3A_174] : memref<2x10112x128xf32, #tpu.memory_space<hbm>> -> memref<1x632x128xf32, #tpu.memory_space<hbm>>
      %dma_wait3A_176 = tpu.memref_squeeze %dma_wait3A_175 : memref<1x632x128xf32, #tpu.memory_space<hbm>> -> memref<632x128xf32, #tpu.memory_space<hbm>>
      %dma_wait3A_177 = arith.constant 0 : i32
      %dma_wait3A_178 = tpu.memref_slice %arg19[%mul3A_85, %dma_wait3A_177] : memref<10112x128xf32, #tpu.memory_space<vmem_shared>> -> memref<632x128xf32, #tpu.memory_space<vmem_shared>>
      tpu.wait_dma2 semaphore(%run_scoped3A : memref<!tpu.dma_semaphore, #tpu.memory_space<semaphore_mem>>) src(%dma_wait3A_178 : memref<632x128xf32, #tpu.memory_space<vmem_shared>>) dst(%dma_wait3A_176 : memref<632x128xf32, #tpu.memory_space<hbm>>)
      tpu.yield
    }) : () -> ()
    %barrier3A_88 = arith.constant 0 : index
    tpu.barrier barrier_id(%barrier3A_88)
    %mul3A_89 = arith.constant 632 : i32
    %mul3A_90 = arith.muli %arg1, %mul3A_89 : i32
    %add3A_91 = arith.constant 0 : i32
    %add3A_92 = arith.addi %mul3A_90, %add3A_91 : i32
    "tpu.region"() ({
      %run_scoped3A = tpu.sem_alloc : memref<!tpu.dma_semaphore, #tpu.memory_space<semaphore_mem>>
      %dma_start3A_169 = arith.constant 0 : i32
      %dma_start3A_170 = tpu.memref_slice %arg19[%add3A_92, %dma_start3A_169] : memref<10112x128xf32, #tpu.memory_space<vmem_shared>> -> memref<128x128xf32, #tpu.memory_space<vmem_shared>>
      %dma_start3A_171 = arith.constant 0 : i32
      %dma_start3A_172 = tpu.memref_slice %arg19[%add3A_92, %dma_start3A_171] : memref<10112x128xf32, #tpu.memory_space<vmem_shared>> -> memref<128x128xf32, #tpu.memory_space<vmem_shared>>
      tpu.enqueue_dma source(%arg18 : memref<128x128xf32, #tpu.memory_space<vmem>>) target(%dma_start3A_172 : memref<128x128xf32, #tpu.memory_space<vmem_shared>>) target_semaphore(%run_scoped3A : memref<!tpu.dma_semaphore, #tpu.memory_space<semaphore_mem>>)
      %dma_wait3A_173 = arith.constant 0 : i32
      %dma_wait3A_174 = tpu.memref_slice %arg19[%add3A_92, %dma_wait3A_173] : memref<10112x128xf32, #tpu.memory_space<vmem_shared>> -> memref<128x128xf32, #tpu.memory_space<vmem_shared>>
      %dma_wait3A_175 = arith.constant 0 : i32
      %dma_wait3A_176 = tpu.memref_slice %arg19[%add3A_92, %dma_wait3A_175] : memref<10112x128xf32, #tpu.memory_space<vmem_shared>> -> memref<128x128xf32, #tpu.memory_space<vmem_shared>>
      tpu.wait_dma2 semaphore(%run_scoped3A : memref<!tpu.dma_semaphore, #tpu.memory_space<semaphore_mem>>) src(%arg18 : memref<128x128xf32, #tpu.memory_space<vmem>>) dst(%dma_wait3A_176 : memref<128x128xf32, #tpu.memory_space<vmem_shared>>)
      tpu.yield
    }) : () -> ()
    %mul3A_93 = arith.constant 632 : i32
    %mul3A_94 = arith.muli %arg1, %mul3A_93 : i32
    %add3A_95 = arith.constant 128 : i32
    %add3A_96 = arith.addi %mul3A_94, %add3A_95 : i32
    "tpu.region"() ({
      %run_scoped3A = tpu.sem_alloc : memref<!tpu.dma_semaphore, #tpu.memory_space<semaphore_mem>>
      %dma_start3A_169 = arith.constant 0 : i32
      %dma_start3A_170 = tpu.memref_slice %arg19[%add3A_96, %dma_start3A_169] : memref<10112x128xf32, #tpu.memory_space<vmem_shared>> -> memref<128x128xf32, #tpu.memory_space<vmem_shared>>
      %dma_start3A_171 = arith.constant 0 : i32
      %dma_start3A_172 = tpu.memref_slice %arg19[%add3A_96, %dma_start3A_171] : memref<10112x128xf32, #tpu.memory_space<vmem_shared>> -> memref<128x128xf32, #tpu.memory_space<vmem_shared>>
      tpu.enqueue_dma source(%arg18 : memref<128x128xf32, #tpu.memory_space<vmem>>) target(%dma_start3A_172 : memref<128x128xf32, #tpu.memory_space<vmem_shared>>) target_semaphore(%run_scoped3A : memref<!tpu.dma_semaphore, #tpu.memory_space<semaphore_mem>>)
      %dma_wait3A_173 = arith.constant 0 : i32
      %dma_wait3A_174 = tpu.memref_slice %arg19[%add3A_96, %dma_wait3A_173] : memref<10112x128xf32, #tpu.memory_space<vmem_shared>> -> memref<128x128xf32, #tpu.memory_space<vmem_shared>>
      %dma_wait3A_175 = arith.constant 0 : i32
      %dma_wait3A_176 = tpu.memref_slice %arg19[%add3A_96, %dma_wait3A_175] : memref<10112x128xf32, #tpu.memory_space<vmem_shared>> -> memref<128x128xf32, #tpu.memory_space<vmem_shared>>
      tpu.wait_dma2 semaphore(%run_scoped3A : memref<!tpu.dma_semaphore, #tpu.memory_space<semaphore_mem>>) src(%arg18 : memref<128x128xf32, #tpu.memory_space<vmem>>) dst(%dma_wait3A_176 : memref<128x128xf32, #tpu.memory_space<vmem_shared>>)
      tpu.yield
    }) : () -> ()
    %mul3A_97 = arith.constant 632 : i32
    %mul3A_98 = arith.muli %arg1, %mul3A_97 : i32
    %add3A_99 = arith.constant 256 : i32
    %add3A_100 = arith.addi %mul3A_98, %add3A_99 : i32
    "tpu.region"() ({
      %run_scoped3A = tpu.sem_alloc : memref<!tpu.dma_semaphore, #tpu.memory_space<semaphore_mem>>
      %dma_start3A_169 = arith.constant 0 : i32
      %dma_start3A_170 = tpu.memref_slice %arg19[%add3A_100, %dma_start3A_169] : memref<10112x128xf32, #tpu.memory_space<vmem_shared>> -> memref<128x128xf32, #tpu.memory_space<vmem_shared>>
      %dma_start3A_171 = arith.constant 0 : i32
      %dma_start3A_172 = tpu.memref_slice %arg19[%add3A_100, %dma_start3A_171] : memref<10112x128xf32, #tpu.memory_space<vmem_shared>> -> memref<128x128xf32, #tpu.memory_space<vmem_shared>>
      tpu.enqueue_dma source(%arg18 : memref<128x128xf32, #tpu.memory_space<vmem>>) target(%dma_start3A_172 : memref<128x128xf32, #tpu.memory_space<vmem_shared>>) target_semaphore(%run_scoped3A : memref<!tpu.dma_semaphore, #tpu.memory_space<semaphore_mem>>)
      %dma_wait3A_173 = arith.constant 0 : i32
      %dma_wait3A_174 = tpu.memref_slice %arg19[%add3A_100, %dma_wait3A_173] : memref<10112x128xf32, #tpu.memory_space<vmem_shared>> -> memref<128x128xf32, #tpu.memory_space<vmem_shared>>
      %dma_wait3A_175 = arith.constant 0 : i32
      %dma_wait3A_176 = tpu.memref_slice %arg19[%add3A_100, %dma_wait3A_175] : memref<10112x128xf32, #tpu.memory_space<vmem_shared>> -> memref<128x128xf32, #tpu.memory_space<vmem_shared>>
      tpu.wait_dma2 semaphore(%run_scoped3A : memref<!tpu.dma_semaphore, #tpu.memory_space<semaphore_mem>>) src(%arg18 : memref<128x128xf32, #tpu.memory_space<vmem>>) dst(%dma_wait3A_176 : memref<128x128xf32, #tpu.memory_space<vmem_shared>>)
      tpu.yield
    }) : () -> ()
    %mul3A_101 = arith.constant 632 : i32
    %mul3A_102 = arith.muli %arg1, %mul3A_101 : i32
    %add3A_103 = arith.constant 384 : i32
    %add3A_104 = arith.addi %mul3A_102, %add3A_103 : i32
    "tpu.region"() ({
      %run_scoped3A = tpu.sem_alloc : memref<!tpu.dma_semaphore, #tpu.memory_space<semaphore_mem>>
      %dma_start3A_169 = arith.constant 0 : i32
      %dma_start3A_170 = tpu.memref_slice %arg19[%add3A_104, %dma_start3A_169] : memref<10112x128xf32, #tpu.memory_space<vmem_shared>> -> memref<128x128xf32, #tpu.memory_space<vmem_shared>>
      %dma_start3A_171 = arith.constant 0 : i32
      %dma_start3A_172 = tpu.memref_slice %arg19[%add3A_104, %dma_start3A_171] : memref<10112x128xf32, #tpu.memory_space<vmem_shared>> -> memref<128x128xf32, #tpu.memory_space<vmem_shared>>
      tpu.enqueue_dma source(%arg18 : memref<128x128xf32, #tpu.memory_space<vmem>>) target(%dma_start3A_172 : memref<128x128xf32, #tpu.memory_space<vmem_shared>>) target_semaphore(%run_scoped3A : memref<!tpu.dma_semaphore, #tpu.memory_space<semaphore_mem>>)
      %dma_wait3A_173 = arith.constant 0 : i32
      %dma_wait3A_174 = tpu.memref_slice %arg19[%add3A_104, %dma_wait3A_173] : memref<10112x128xf32, #tpu.memory_space<vmem_shared>> -> memref<128x128xf32, #tpu.memory_space<vmem_shared>>
      %dma_wait3A_175 = arith.constant 0 : i32
      %dma_wait3A_176 = tpu.memref_slice %arg19[%add3A_104, %dma_wait3A_175] : memref<10112x128xf32, #tpu.memory_space<vmem_shared>> -> memref<128x128xf32, #tpu.memory_space<vmem_shared>>
      tpu.wait_dma2 semaphore(%run_scoped3A : memref<!tpu.dma_semaphore, #tpu.memory_space<semaphore_mem>>) src(%arg18 : memref<128x128xf32, #tpu.memory_space<vmem>>) dst(%dma_wait3A_176 : memref<128x128xf32, #tpu.memory_space<vmem_shared>>)
      tpu.yield
    }) : () -> ()
    %mul3A_105 = arith.constant 632 : i32
    %mul3A_106 = arith.muli %arg1, %mul3A_105 : i32
    %add3A_107 = arith.constant 512 : i32
    %add3A_108 = arith.addi %mul3A_106, %add3A_107 : i32
    "tpu.region"() ({
      %run_scoped3A = tpu.sem_alloc : memref<!tpu.dma_semaphore, #tpu.memory_space<semaphore_mem>>
      %dma_start3A_169 = arith.constant 0 : i32
      %dma_start3A_170 = arith.constant 0 : i32
      %dma_start3A_171 = tpu.memref_slice %arg18[%dma_start3A_169, %dma_start3A_170] : memref<128x128xf32, #tpu.memory_space<vmem>> -> memref<120x128xf32, #tpu.memory_space<vmem>>
      %dma_start3A_172 = arith.constant 0 : i32
      %dma_start3A_173 = tpu.memref_slice %arg19[%add3A_108, %dma_start3A_172] : memref<10112x128xf32, #tpu.memory_space<vmem_shared>> -> memref<120x128xf32, #tpu.memory_space<vmem_shared>>
      %dma_start3A_174 = arith.constant 0 : i32
      %dma_start3A_175 = tpu.memref_slice %arg19[%add3A_108, %dma_start3A_174] : memref<10112x128xf32, #tpu.memory_space<vmem_shared>> -> memref<120x128xf32, #tpu.memory_space<vmem_shared>>
      %dma_start3A_176 = arith.constant 0 : i32
      %dma_start3A_177 = arith.constant 0 : i32
      %dma_start3A_178 = tpu.memref_slice %arg18[%dma_start3A_176, %dma_start3A_177] : memref<128x128xf32, #tpu.memory_space<vmem>> -> memref<120x128xf32, #tpu.memory_space<vmem>>
      tpu.enqueue_dma source(%dma_start3A_178 : memref<120x128xf32, #tpu.memory_space<vmem>>) target(%dma_start3A_175 : memref<120x128xf32, #tpu.memory_space<vmem_shared>>) target_semaphore(%run_scoped3A : memref<!tpu.dma_semaphore, #tpu.memory_space<semaphore_mem>>)
      %dma_wait3A_179 = arith.constant 0 : i32
      %dma_wait3A_180 = arith.constant 0 : i32
      %dma_wait3A_181 = tpu.memref_slice %arg18[%dma_wait3A_179, %dma_wait3A_180] : memref<128x128xf32, #tpu.memory_space<vmem>> -> memref<120x128xf32, #tpu.memory_space<vmem>>
      %dma_wait3A_182 = arith.constant 0 : i32
      %dma_wait3A_183 = tpu.memref_slice %arg19[%add3A_108, %dma_wait3A_182] : memref<10112x128xf32, #tpu.memory_space<vmem_shared>> -> memref<120x128xf32, #tpu.memory_space<vmem_shared>>
      %dma_wait3A_184 = arith.constant 0 : i32
      %dma_wait3A_185 = tpu.memref_slice %arg19[%add3A_108, %dma_wait3A_184] : memref<10112x128xf32, #tpu.memory_space<vmem_shared>> -> memref<120x128xf32, #tpu.memory_space<vmem_shared>>
      %dma_wait3A_186 = arith.constant 0 : i32
      %dma_wait3A_187 = arith.constant 0 : i32
      %dma_wait3A_188 = tpu.memref_slice %arg18[%dma_wait3A_186, %dma_wait3A_187] : memref<128x128xf32, #tpu.memory_space<vmem>> -> memref<120x128xf32, #tpu.memory_space<vmem>>
      tpu.wait_dma2 semaphore(%run_scoped3A : memref<!tpu.dma_semaphore, #tpu.memory_space<semaphore_mem>>) src(%dma_wait3A_188 : memref<120x128xf32, #tpu.memory_space<vmem>>) dst(%dma_wait3A_185 : memref<120x128xf32, #tpu.memory_space<vmem_shared>>)
      tpu.yield
    }) : () -> ()
    %barrier3A_109 = arith.constant 0 : index
    tpu.barrier barrier_id(%barrier3A_109)
    "tpu.region"() ({
      %run_scoped3A = tpu.sem_alloc : memref<!tpu.dma_semaphore, #tpu.memory_space<semaphore_mem>>
      %dma_start3A_169 = tpu.memref_slice %arg2[%mul3A_5] : memref<163840xi32, #tpu.memory_space<hbm>> -> memref<128xi32, #tpu.memory_space<hbm>>
      %dma_start3A_170 = tpu.memref_slice %arg2[%mul3A_5] : memref<163840xi32, #tpu.memory_space<hbm>> -> memref<128xi32, #tpu.memory_space<hbm>>
      tpu.enqueue_dma source(%dma_start3A_170 : memref<128xi32, #tpu.memory_space<hbm>>) target(%arg12 : memref<128xi32, #tpu.memory_space<vmem>>) target_semaphore(%run_scoped3A : memref<!tpu.dma_semaphore, #tpu.memory_space<semaphore_mem>>)
      %dma_wait3A_171 = tpu.memref_slice %arg2[%mul3A_5] : memref<163840xi32, #tpu.memory_space<hbm>> -> memref<128xi32, #tpu.memory_space<hbm>>
      %dma_wait3A_172 = tpu.memref_slice %arg2[%mul3A_5] : memref<163840xi32, #tpu.memory_space<hbm>> -> memref<128xi32, #tpu.memory_space<hbm>>
      tpu.wait_dma2 semaphore(%run_scoped3A : memref<!tpu.dma_semaphore, #tpu.memory_space<semaphore_mem>>) src(%dma_wait3A_172 : memref<128xi32, #tpu.memory_space<hbm>>) dst(%arg12 : memref<128xi32, #tpu.memory_space<vmem>>)
      tpu.yield
    }) : () -> ()
    %dma_start3A_110 = arith.constant 0 : i32
    %dma_start3A_111 = arith.constant 0 : i32
    %dma_start3A_112 = tpu.memref_slice %arg6[%dma_start3A_110, %dma_start3A_111] : memref<10112x128xf32, #tpu.memory_space<hbm>> -> memref<10112x128xf32, #tpu.memory_space<hbm>>
    tpu.enqueue_indirect_dma source(%dma_start3A_112 : memref<10112x128xf32, #tpu.memory_space<hbm>>) target(%arg16 : memref<128x128xf32, #tpu.memory_space<vmem>>) offsets(%arg12 : memref<128xi32, #tpu.memory_space<vmem>>) semaphore(%arg20 : memref<!tpu.dma_semaphore, #tpu.memory_space<semaphore_mem>>)
    %scan3A_113 = arith.constant 0 : i32
    %scan3A_114 = arith.constant 0 : i32
    %scan3A_115 = arith.constant 20 : i32
    %scan3A_116 = arith.addi %scan3A_114, %scan3A_115 : i32
    %scan3A_117 = arith.constant 1 : i32
    %scan3A_118 = scf.for %scan3A_169 = %scan3A_114 to %scan3A_116 step %scan3A_117 iter_args(%scan3A_170 = %scan3A_113) -> (i32)  : i32 {
      %mul3A_171 = arith.constant 2 : i32
      %mul3A_172 = arith.muli %mul3A_171, %scan3A_169 : i32
      %mul3A_173 = arith.constant 2 : i32
      %mul3A_174 = arith.muli %mul3A_173, %scan3A_169 : i32
      %add3A_175 = arith.constant 1 : i32
      %add3A_176 = arith.addi %mul3A_174, %add3A_175 : i32
      %add3A_177 = arith.constant 1 : i32
      %add3A_178 = arith.addi %add3A_176, %add3A_177 : i32
      %min3A = arith.constant 39 : i32
      %min3A_179 = arith.minsi %add3A_178, %min3A : i32
      %mul3A_180 = arith.constant 128 : i32
      %mul3A_181 = arith.muli %add3A_176, %mul3A_180 : i32
      %add3A_182 = arith.addi %mul3A_5, %mul3A_181 : i32
      "tpu.region"() ({
        %run_scoped3A = tpu.sem_alloc : memref<!tpu.dma_semaphore, #tpu.memory_space<semaphore_mem>>
        %dma_start3A_205 = tpu.memref_slice %arg2[%add3A_182] : memref<163840xi32, #tpu.memory_space<hbm>> -> memref<128xi32, #tpu.memory_space<hbm>>
        %dma_start3A_206 = tpu.memref_slice %arg2[%add3A_182] : memref<163840xi32, #tpu.memory_space<hbm>> -> memref<128xi32, #tpu.memory_space<hbm>>
        tpu.enqueue_dma source(%dma_start3A_206 : memref<128xi32, #tpu.memory_space<hbm>>) target(%arg13 : memref<128xi32, #tpu.memory_space<vmem>>) target_semaphore(%run_scoped3A : memref<!tpu.dma_semaphore, #tpu.memory_space<semaphore_mem>>)
        %dma_wait3A_207 = tpu.memref_slice %arg2[%add3A_182] : memref<163840xi32, #tpu.memory_space<hbm>> -> memref<128xi32, #tpu.memory_space<hbm>>
        %dma_wait3A_208 = tpu.memref_slice %arg2[%add3A_182] : memref<163840xi32, #tpu.memory_space<hbm>> -> memref<128xi32, #tpu.memory_space<hbm>>
        tpu.wait_dma2 semaphore(%run_scoped3A : memref<!tpu.dma_semaphore, #tpu.memory_space<semaphore_mem>>) src(%dma_wait3A_208 : memref<128xi32, #tpu.memory_space<hbm>>) dst(%arg13 : memref<128xi32, #tpu.memory_space<vmem>>)
        tpu.yield
      }) : () -> ()
      %dma_start3A_183 = arith.constant 0 : i32
      %dma_start3A_184 = arith.constant 0 : i32
      %dma_start3A_185 = tpu.memref_slice %arg6[%dma_start3A_183, %dma_start3A_184] : memref<10112x128xf32, #tpu.memory_space<hbm>> -> memref<10112x128xf32, #tpu.memory_space<hbm>>
      tpu.enqueue_indirect_dma source(%dma_start3A_185 : memref<10112x128xf32, #tpu.memory_space<hbm>>) target(%arg17 : memref<128x128xf32, #tpu.memory_space<vmem>>) offsets(%arg13 : memref<128xi32, #tpu.memory_space<vmem>>) semaphore(%arg21 : memref<!tpu.dma_semaphore, #tpu.memory_space<semaphore_mem>>)
      %dma_wait3A_186 = arith.constant 0 : i32
      %dma_wait3A_187 = arith.constant 0 : i32
      %dma_wait3A_188 = tpu.memref_slice %arg6[%dma_wait3A_186, %dma_wait3A_187] : memref<10112x128xf32, #tpu.memory_space<hbm>> -> memref<10112x128xf32, #tpu.memory_space<hbm>>
      tpu.wait_indirect_dma semaphore(%arg20 : memref<!tpu.dma_semaphore, #tpu.memory_space<semaphore_mem>>) src(%dma_wait3A_188 : memref<10112x128xf32, #tpu.memory_space<hbm>>) dst(%arg16 : memref<128x128xf32, #tpu.memory_space<vmem>>)
      %mul3A_189 = arith.constant 128 : i32
      %mul3A_190 = arith.muli %mul3A_172, %mul3A_189 : i32
      %add3A_191 = arith.addi %mul3A_5, %mul3A_190 : i32
      "tpu.region"() ({
        %run_scoped3A = tpu.sem_alloc : memref<!tpu.dma_semaphore, #tpu.memory_space<semaphore_mem>>
        %dma_start3A_205 = tpu.memref_slice %arg3[%add3A_191] : memref<163840xi32, #tpu.memory_space<hbm>> -> memref<128xi32, #tpu.memory_space<hbm>>
        %dma_start3A_206 = tpu.memref_slice %arg3[%add3A_191] : memref<163840xi32, #tpu.memory_space<hbm>> -> memref<128xi32, #tpu.memory_space<hbm>>
        tpu.enqueue_dma source(%dma_start3A_206 : memref<128xi32, #tpu.memory_space<hbm>>) target(%arg14 : memref<128xi32, #tpu.memory_space<vmem>>) target_semaphore(%run_scoped3A : memref<!tpu.dma_semaphore, #tpu.memory_space<semaphore_mem>>)
        %dma_wait3A_207 = tpu.memref_slice %arg3[%add3A_191] : memref<163840xi32, #tpu.memory_space<hbm>> -> memref<128xi32, #tpu.memory_space<hbm>>
        %dma_wait3A_208 = tpu.memref_slice %arg3[%add3A_191] : memref<163840xi32, #tpu.memory_space<hbm>> -> memref<128xi32, #tpu.memory_space<hbm>>
        tpu.wait_dma2 semaphore(%run_scoped3A : memref<!tpu.dma_semaphore, #tpu.memory_space<semaphore_mem>>) src(%dma_wait3A_208 : memref<128xi32, #tpu.memory_space<hbm>>) dst(%arg14 : memref<128xi32, #tpu.memory_space<vmem>>)
        tpu.yield
      }) : () -> ()
      %mul3A_192 = arith.constant 128 : i32
      %mul3A_193 = arith.muli %min3A_179, %mul3A_192 : i32
      %add3A_194 = arith.addi %mul3A_5, %mul3A_193 : i32
      "tpu.region"() ({
        %run_scoped3A = tpu.sem_alloc : memref<!tpu.dma_semaphore, #tpu.memory_space<semaphore_mem>>
        %dma_start3A_205 = tpu.memref_slice %arg2[%add3A_194] : memref<163840xi32, #tpu.memory_space<hbm>> -> memref<128xi32, #tpu.memory_space<hbm>>
        %dma_start3A_206 = tpu.memref_slice %arg2[%add3A_194] : memref<163840xi32, #tpu.memory_space<hbm>> -> memref<128xi32, #tpu.memory_space<hbm>>
        tpu.enqueue_dma source(%dma_start3A_206 : memref<128xi32, #tpu.memory_space<hbm>>) target(%arg12 : memref<128xi32, #tpu.memory_space<vmem>>) target_semaphore(%run_scoped3A : memref<!tpu.dma_semaphore, #tpu.memory_space<semaphore_mem>>)
        %dma_wait3A_207 = tpu.memref_slice %arg2[%add3A_194] : memref<163840xi32, #tpu.memory_space<hbm>> -> memref<128xi32, #tpu.memory_space<hbm>>
        %dma_wait3A_208 = tpu.memref_slice %arg2[%add3A_194] : memref<163840xi32, #tpu.memory_space<hbm>> -> memref<128xi32, #tpu.memory_space<hbm>>
        tpu.wait_dma2 semaphore(%run_scoped3A : memref<!tpu.dma_semaphore, #tpu.memory_space<semaphore_mem>>) src(%dma_wait3A_208 : memref<128xi32, #tpu.memory_space<hbm>>) dst(%arg12 : memref<128xi32, #tpu.memory_space<vmem>>)
        tpu.yield
      }) : () -> ()
      %dma_start3A_195 = arith.constant 0 : i32
      %dma_start3A_196 = arith.constant 0 : i32
      %dma_start3A_197 = tpu.memref_slice %arg6[%dma_start3A_195, %dma_start3A_196] : memref<10112x128xf32, #tpu.memory_space<hbm>> -> memref<10112x128xf32, #tpu.memory_space<hbm>>
      tpu.enqueue_indirect_dma source(%dma_start3A_197 : memref<10112x128xf32, #tpu.memory_space<hbm>>) target(%arg16 : memref<128x128xf32, #tpu.memory_space<vmem>>) offsets(%arg12 : memref<128xi32, #tpu.memory_space<vmem>>) semaphore(%arg20 : memref<!tpu.dma_semaphore, #tpu.memory_space<semaphore_mem>>)
      "tpu.region"() ({
        %run_scoped3A = tpu.sem_alloc : memref<!tpu.dma_semaphore, #tpu.memory_space<semaphore_mem>>
        %dma_start3A_205 = arith.constant 0 : i32
        %dma_start3A_206 = arith.constant 0 : i32
        %dma_start3A_207 = tpu.memref_slice %arg19[%dma_start3A_205, %dma_start3A_206] : memref<10112x128xf32, #tpu.memory_space<vmem_shared>> -> memref<10112x128xf32, #tpu.memory_space<vmem_shared>>
        tpu.enqueue_indirect_dma source(%arg16 : memref<128x128xf32, #tpu.memory_space<vmem>>) target(%dma_start3A_207 : memref<10112x128xf32, #tpu.memory_space<vmem_shared>>) offsets(%arg14 : memref<128xi32, #tpu.memory_space<vmem>>) semaphore(%run_scoped3A : memref<!tpu.dma_semaphore, #tpu.memory_space<semaphore_mem>>) {add = true}
        %dma_wait3A_208 = arith.constant 0 : i32
        %dma_wait3A_209 = arith.constant 0 : i32
        %dma_wait3A_210 = tpu.memref_slice %arg19[%dma_wait3A_208, %dma_wait3A_209] : memref<10112x128xf32, #tpu.memory_space<vmem_shared>> -> memref<10112x128xf32, #tpu.memory_space<vmem_shared>>
        tpu.wait_indirect_dma semaphore(%run_scoped3A : memref<!tpu.dma_semaphore, #tpu.memory_space<semaphore_mem>>) src(%arg16 : memref<128x128xf32, #tpu.memory_space<vmem>>) dst(%dma_wait3A_210 : memref<10112x128xf32, #tpu.memory_space<vmem_shared>>)
        tpu.yield
      }) : () -> ()
      %dma_wait3A_198 = arith.constant 0 : i32
      %dma_wait3A_199 = arith.constant 0 : i32
      %dma_wait3A_200 = tpu.memref_slice %arg6[%dma_wait3A_198, %dma_wait3A_199] : memref<10112x128xf32, #tpu.memory_space<hbm>> -> memref<10112x128xf32, #tpu.memory_space<hbm>>
      tpu.wait_indirect_dma semaphore(%arg21 : memref<!tpu.dma_semaphore, #tpu.memory_space<semaphore_mem>>) src(%dma_wait3A_200 : memref<10112x128xf32, #tpu.memory_space<hbm>>) dst(%arg17 : memref<128x128xf32, #tpu.memory_space<vmem>>)
      %mul3A_201 = arith.constant 128 : i32
      %mul3A_202 = arith.muli %add3A_176, %mul3A_201 : i32
      %add3A_203 = arith.addi %mul3A_5, %mul3A_202 : i32
      "tpu.region"() ({
        %run_scoped3A = tpu.sem_alloc : memref<!tpu.dma_semaphore, #tpu.memory_space<semaphore_mem>>
        %dma_start3A_205 = tpu.memref_slice %arg3[%add3A_203] : memref<163840xi32, #tpu.memory_space<hbm>> -> memref<128xi32, #tpu.memory_space<hbm>>
        %dma_start3A_206 = tpu.memref_slice %arg3[%add3A_203] : memref<163840xi32, #tpu.memory_space<hbm>> -> memref<128xi32, #tpu.memory_space<hbm>>
        tpu.enqueue_dma source(%dma_start3A_206 : memref<128xi32, #tpu.memory_space<hbm>>) target(%arg15 : memref<128xi32, #tpu.memory_space<vmem>>) target_semaphore(%run_scoped3A : memref<!tpu.dma_semaphore, #tpu.memory_space<semaphore_mem>>)
        %dma_wait3A_207 = tpu.memref_slice %arg3[%add3A_203] : memref<163840xi32, #tpu.memory_space<hbm>> -> memref<128xi32, #tpu.memory_space<hbm>>
        %dma_wait3A_208 = tpu.memref_slice %arg3[%add3A_203] : memref<163840xi32, #tpu.memory_space<hbm>> -> memref<128xi32, #tpu.memory_space<hbm>>
        tpu.wait_dma2 semaphore(%run_scoped3A : memref<!tpu.dma_semaphore, #tpu.memory_space<semaphore_mem>>) src(%dma_wait3A_208 : memref<128xi32, #tpu.memory_space<hbm>>) dst(%arg15 : memref<128xi32, #tpu.memory_space<vmem>>)
        tpu.yield
      }) : () -> ()
      "tpu.region"() ({
        %run_scoped3A = tpu.sem_alloc : memref<!tpu.dma_semaphore, #tpu.memory_space<semaphore_mem>>
        %dma_start3A_205 = arith.constant 0 : i32
        %dma_start3A_206 = arith.constant 0 : i32
        %dma_start3A_207 = tpu.memref_slice %arg19[%dma_start3A_205, %dma_start3A_206] : memref<10112x128xf32, #tpu.memory_space<vmem_shared>> -> memref<10112x128xf32, #tpu.memory_space<vmem_shared>>
        tpu.enqueue_indirect_dma source(%arg17 : memref<128x128xf32, #tpu.memory_space<vmem>>) target(%dma_start3A_207 : memref<10112x128xf32, #tpu.memory_space<vmem_shared>>) offsets(%arg15 : memref<128xi32, #tpu.memory_space<vmem>>) semaphore(%run_scoped3A : memref<!tpu.dma_semaphore, #tpu.memory_space<semaphore_mem>>) {add = true}
        %dma_wait3A_208 = arith.constant 0 : i32
        %dma_wait3A_209 = arith.constant 0 : i32
        %dma_wait3A_210 = tpu.memref_slice %arg19[%dma_wait3A_208, %dma_wait3A_209] : memref<10112x128xf32, #tpu.memory_space<vmem_shared>> -> memref<10112x128xf32, #tpu.memory_space<vmem_shared>>
        tpu.wait_indirect_dma semaphore(%run_scoped3A : memref<!tpu.dma_semaphore, #tpu.memory_space<semaphore_mem>>) src(%arg17 : memref<128x128xf32, #tpu.memory_space<vmem>>) dst(%dma_wait3A_210 : memref<10112x128xf32, #tpu.memory_space<vmem_shared>>)
        tpu.yield
      }) : () -> ()
      %scan3A_204 = arith.constant 0 : i32
      scf.yield %scan3A_204 : i32
    }
    %scan3A_119 = arith.constant 20 : i32
    %dma_wait3A_120 = arith.constant 0 : i32
    %dma_wait3A_121 = arith.constant 0 : i32
    %dma_wait3A_122 = tpu.memref_slice %arg6[%dma_wait3A_120, %dma_wait3A_121] : memref<10112x128xf32, #tpu.memory_space<hbm>> -> memref<10112x128xf32, #tpu.memory_space<hbm>>
    tpu.wait_indirect_dma semaphore(%arg20 : memref<!tpu.dma_semaphore, #tpu.memory_space<semaphore_mem>>) src(%dma_wait3A_122 : memref<10112x128xf32, #tpu.memory_space<hbm>>) dst(%arg16 : memref<128x128xf32, #tpu.memory_space<vmem>>)
    %barrier3A_123 = arith.constant 0 : index
    tpu.barrier barrier_id(%barrier3A_123)
    %mul3A_124 = arith.constant 632 : i32
    %mul3A_125 = arith.muli %arg1, %mul3A_124 : i32
    %mul3A_126 = arith.constant 632 : i32
    %mul3A_127 = arith.muli %arg1, %mul3A_126 : i32
    "tpu.region"() ({
      %run_scoped3A = tpu.sem_alloc : memref<!tpu.dma_semaphore, #tpu.memory_space<semaphore_mem>>
      %dma_start3A_169 = arith.constant 0 : i32
      %dma_start3A_170 = tpu.memref_slice %arg10[%arg0, %mul3A_127, %dma_start3A_169] : memref<2x10112x128xf32, #tpu.memory_space<hbm>> -> memref<1x632x128xf32, #tpu.memory_space<hbm>>
      %dma_start3A_171 = tpu.memref_squeeze %dma_start3A_170 : memref<1x632x128xf32, #tpu.memory_space<hbm>> -> memref<632x128xf32, #tpu.memory_space<hbm>>
      %dma_start3A_172 = arith.constant 0 : i32
      %dma_start3A_173 = tpu.memref_slice %arg19[%mul3A_125, %dma_start3A_172] : memref<10112x128xf32, #tpu.memory_space<vmem_shared>> -> memref<632x128xf32, #tpu.memory_space<vmem_shared>>
      tpu.enqueue_dma source(%dma_start3A_173 : memref<632x128xf32, #tpu.memory_space<vmem_shared>>) target(%dma_start3A_171 : memref<632x128xf32, #tpu.memory_space<hbm>>) target_semaphore(%run_scoped3A : memref<!tpu.dma_semaphore, #tpu.memory_space<semaphore_mem>>)
      %dma_wait3A_174 = arith.constant 0 : i32
      %dma_wait3A_175 = tpu.memref_slice %arg10[%arg0, %mul3A_127, %dma_wait3A_174] : memref<2x10112x128xf32, #tpu.memory_space<hbm>> -> memref<1x632x128xf32, #tpu.memory_space<hbm>>
      %dma_wait3A_176 = tpu.memref_squeeze %dma_wait3A_175 : memref<1x632x128xf32, #tpu.memory_space<hbm>> -> memref<632x128xf32, #tpu.memory_space<hbm>>
      %dma_wait3A_177 = arith.constant 0 : i32
      %dma_wait3A_178 = tpu.memref_slice %arg19[%mul3A_125, %dma_wait3A_177] : memref<10112x128xf32, #tpu.memory_space<vmem_shared>> -> memref<632x128xf32, #tpu.memory_space<vmem_shared>>
      tpu.wait_dma2 semaphore(%run_scoped3A : memref<!tpu.dma_semaphore, #tpu.memory_space<semaphore_mem>>) src(%dma_wait3A_178 : memref<632x128xf32, #tpu.memory_space<vmem_shared>>) dst(%dma_wait3A_176 : memref<632x128xf32, #tpu.memory_space<hbm>>)
      tpu.yield
    }) : () -> ()
    %barrier3A_128 = arith.constant 0 : index
    tpu.barrier barrier_id(%barrier3A_128)
    %mul3A_129 = arith.constant 632 : i32
    %mul3A_130 = arith.muli %arg1, %mul3A_129 : i32
    %add3A_131 = arith.constant 0 : i32
    %add3A_132 = arith.addi %mul3A_130, %add3A_131 : i32
    "tpu.region"() ({
      %run_scoped3A = tpu.sem_alloc : memref<!tpu.dma_semaphore, #tpu.memory_space<semaphore_mem>>
      %dma_start3A_169 = arith.constant 0 : i32
      %dma_start3A_170 = tpu.memref_slice %arg19[%add3A_132, %dma_start3A_169] : memref<10112x128xf32, #tpu.memory_space<vmem_shared>> -> memref<128x128xf32, #tpu.memory_space<vmem_shared>>
      %dma_start3A_171 = arith.constant 0 : i32
      %dma_start3A_172 = tpu.memref_slice %arg19[%add3A_132, %dma_start3A_171] : memref<10112x128xf32, #tpu.memory_space<vmem_shared>> -> memref<128x128xf32, #tpu.memory_space<vmem_shared>>
      tpu.enqueue_dma source(%arg18 : memref<128x128xf32, #tpu.memory_space<vmem>>) target(%dma_start3A_172 : memref<128x128xf32, #tpu.memory_space<vmem_shared>>) target_semaphore(%run_scoped3A : memref<!tpu.dma_semaphore, #tpu.memory_space<semaphore_mem>>)
      %dma_wait3A_173 = arith.constant 0 : i32
      %dma_wait3A_174 = tpu.memref_slice %arg19[%add3A_132, %dma_wait3A_173] : memref<10112x128xf32, #tpu.memory_space<vmem_shared>> -> memref<128x128xf32, #tpu.memory_space<vmem_shared>>
      %dma_wait3A_175 = arith.constant 0 : i32
      %dma_wait3A_176 = tpu.memref_slice %arg19[%add3A_132, %dma_wait3A_175] : memref<10112x128xf32, #tpu.memory_space<vmem_shared>> -> memref<128x128xf32, #tpu.memory_space<vmem_shared>>
      tpu.wait_dma2 semaphore(%run_scoped3A : memref<!tpu.dma_semaphore, #tpu.memory_space<semaphore_mem>>) src(%arg18 : memref<128x128xf32, #tpu.memory_space<vmem>>) dst(%dma_wait3A_176 : memref<128x128xf32, #tpu.memory_space<vmem_shared>>)
      tpu.yield
    }) : () -> ()
    %mul3A_133 = arith.constant 632 : i32
    %mul3A_134 = arith.muli %arg1, %mul3A_133 : i32
    %add3A_135 = arith.constant 128 : i32
    %add3A_136 = arith.addi %mul3A_134, %add3A_135 : i32
    "tpu.region"() ({
      %run_scoped3A = tpu.sem_alloc : memref<!tpu.dma_semaphore, #tpu.memory_space<semaphore_mem>>
      %dma_start3A_169 = arith.constant 0 : i32
      %dma_start3A_170 = tpu.memref_slice %arg19[%add3A_136, %dma_start3A_169] : memref<10112x128xf32, #tpu.memory_space<vmem_shared>> -> memref<128x128xf32, #tpu.memory_space<vmem_shared>>
      %dma_start3A_171 = arith.constant 0 : i32
      %dma_start3A_172 = tpu.memref_slice %arg19[%add3A_136, %dma_start3A_171] : memref<10112x128xf32, #tpu.memory_space<vmem_shared>> -> memref<128x128xf32, #tpu.memory_space<vmem_shared>>
      tpu.enqueue_dma source(%arg18 : memref<128x128xf32, #tpu.memory_space<vmem>>) target(%dma_start3A_172 : memref<128x128xf32, #tpu.memory_space<vmem_shared>>) target_semaphore(%run_scoped3A : memref<!tpu.dma_semaphore, #tpu.memory_space<semaphore_mem>>)
      %dma_wait3A_173 = arith.constant 0 : i32
      %dma_wait3A_174 = tpu.memref_slice %arg19[%add3A_136, %dma_wait3A_173] : memref<10112x128xf32, #tpu.memory_space<vmem_shared>> -> memref<128x128xf32, #tpu.memory_space<vmem_shared>>
      %dma_wait3A_175 = arith.constant 0 : i32
      %dma_wait3A_176 = tpu.memref_slice %arg19[%add3A_136, %dma_wait3A_175] : memref<10112x128xf32, #tpu.memory_space<vmem_shared>> -> memref<128x128xf32, #tpu.memory_space<vmem_shared>>
      tpu.wait_dma2 semaphore(%run_scoped3A : memref<!tpu.dma_semaphore, #tpu.memory_space<semaphore_mem>>) src(%arg18 : memref<128x128xf32, #tpu.memory_space<vmem>>) dst(%dma_wait3A_176 : memref<128x128xf32, #tpu.memory_space<vmem_shared>>)
      tpu.yield
    }) : () -> ()
    %mul3A_137 = arith.constant 632 : i32
    %mul3A_138 = arith.muli %arg1, %mul3A_137 : i32
    %add3A_139 = arith.constant 256 : i32
    %add3A_140 = arith.addi %mul3A_138, %add3A_139 : i32
    "tpu.region"() ({
      %run_scoped3A = tpu.sem_alloc : memref<!tpu.dma_semaphore, #tpu.memory_space<semaphore_mem>>
      %dma_start3A_169 = arith.constant 0 : i32
      %dma_start3A_170 = tpu.memref_slice %arg19[%add3A_140, %dma_start3A_169] : memref<10112x128xf32, #tpu.memory_space<vmem_shared>> -> memref<128x128xf32, #tpu.memory_space<vmem_shared>>
      %dma_start3A_171 = arith.constant 0 : i32
      %dma_start3A_172 = tpu.memref_slice %arg19[%add3A_140, %dma_start3A_171] : memref<10112x128xf32, #tpu.memory_space<vmem_shared>> -> memref<128x128xf32, #tpu.memory_space<vmem_shared>>
      tpu.enqueue_dma source(%arg18 : memref<128x128xf32, #tpu.memory_space<vmem>>) target(%dma_start3A_172 : memref<128x128xf32, #tpu.memory_space<vmem_shared>>) target_semaphore(%run_scoped3A : memref<!tpu.dma_semaphore, #tpu.memory_space<semaphore_mem>>)
      %dma_wait3A_173 = arith.constant 0 : i32
      %dma_wait3A_174 = tpu.memref_slice %arg19[%add3A_140, %dma_wait3A_173] : memref<10112x128xf32, #tpu.memory_space<vmem_shared>> -> memref<128x128xf32, #tpu.memory_space<vmem_shared>>
      %dma_wait3A_175 = arith.constant 0 : i32
      %dma_wait3A_176 = tpu.memref_slice %arg19[%add3A_140, %dma_wait3A_175] : memref<10112x128xf32, #tpu.memory_space<vmem_shared>> -> memref<128x128xf32, #tpu.memory_space<vmem_shared>>
      tpu.wait_dma2 semaphore(%run_scoped3A : memref<!tpu.dma_semaphore, #tpu.memory_space<semaphore_mem>>) src(%arg18 : memref<128x128xf32, #tpu.memory_space<vmem>>) dst(%dma_wait3A_176 : memref<128x128xf32, #tpu.memory_space<vmem_shared>>)
      tpu.yield
    }) : () -> ()
    %mul3A_141 = arith.constant 632 : i32
    %mul3A_142 = arith.muli %arg1, %mul3A_141 : i32
    %add3A_143 = arith.constant 384 : i32
    %add3A_144 = arith.addi %mul3A_142, %add3A_143 : i32
    "tpu.region"() ({
      %run_scoped3A = tpu.sem_alloc : memref<!tpu.dma_semaphore, #tpu.memory_space<semaphore_mem>>
      %dma_start3A_169 = arith.constant 0 : i32
      %dma_start3A_170 = tpu.memref_slice %arg19[%add3A_144, %dma_start3A_169] : memref<10112x128xf32, #tpu.memory_space<vmem_shared>> -> memref<128x128xf32, #tpu.memory_space<vmem_shared>>
      %dma_start3A_171 = arith.constant 0 : i32
      %dma_start3A_172 = tpu.memref_slice %arg19[%add3A_144, %dma_start3A_171] : memref<10112x128xf32, #tpu.memory_space<vmem_shared>> -> memref<128x128xf32, #tpu.memory_space<vmem_shared>>
      tpu.enqueue_dma source(%arg18 : memref<128x128xf32, #tpu.memory_space<vmem>>) target(%dma_start3A_172 : memref<128x128xf32, #tpu.memory_space<vmem_shared>>) target_semaphore(%run_scoped3A : memref<!tpu.dma_semaphore, #tpu.memory_space<semaphore_mem>>)
      %dma_wait3A_173 = arith.constant 0 : i32
      %dma_wait3A_174 = tpu.memref_slice %arg19[%add3A_144, %dma_wait3A_173] : memref<10112x128xf32, #tpu.memory_space<vmem_shared>> -> memref<128x128xf32, #tpu.memory_space<vmem_shared>>
      %dma_wait3A_175 = arith.constant 0 : i32
      %dma_wait3A_176 = tpu.memref_slice %arg19[%add3A_144, %dma_wait3A_175] : memref<10112x128xf32, #tpu.memory_space<vmem_shared>> -> memref<128x128xf32, #tpu.memory_space<vmem_shared>>
      tpu.wait_dma2 semaphore(%run_scoped3A : memref<!tpu.dma_semaphore, #tpu.memory_space<semaphore_mem>>) src(%arg18 : memref<128x128xf32, #tpu.memory_space<vmem>>) dst(%dma_wait3A_176 : memref<128x128xf32, #tpu.memory_space<vmem_shared>>)
      tpu.yield
    }) : () -> ()
    %mul3A_145 = arith.constant 632 : i32
    %mul3A_146 = arith.muli %arg1, %mul3A_145 : i32
    %add3A_147 = arith.constant 512 : i32
    %add3A_148 = arith.addi %mul3A_146, %add3A_147 : i32
    "tpu.region"() ({
      %run_scoped3A = tpu.sem_alloc : memref<!tpu.dma_semaphore, #tpu.memory_space<semaphore_mem>>
      %dma_start3A_169 = arith.constant 0 : i32
      %dma_start3A_170 = arith.constant 0 : i32
      %dma_start3A_171 = tpu.memref_slice %arg18[%dma_start3A_169, %dma_start3A_170] : memref<128x128xf32, #tpu.memory_space<vmem>> -> memref<120x128xf32, #tpu.memory_space<vmem>>
      %dma_start3A_172 = arith.constant 0 : i32
      %dma_start3A_173 = tpu.memref_slice %arg19[%add3A_148, %dma_start3A_172] : memref<10112x128xf32, #tpu.memory_space<vmem_shared>> -> memref<120x128xf32, #tpu.memory_space<vmem_shared>>
      %dma_start3A_174 = arith.constant 0 : i32
      %dma_start3A_175 = tpu.memref_slice %arg19[%add3A_148, %dma_start3A_174] : memref<10112x128xf32, #tpu.memory_space<vmem_shared>> -> memref<120x128xf32, #tpu.memory_space<vmem_shared>>
      %dma_start3A_176 = arith.constant 0 : i32
      %dma_start3A_177 = arith.constant 0 : i32
      %dma_start3A_178 = tpu.memref_slice %arg18[%dma_start3A_176, %dma_start3A_177] : memref<128x128xf32, #tpu.memory_space<vmem>> -> memref<120x128xf32, #tpu.memory_space<vmem>>
      tpu.enqueue_dma source(%dma_start3A_178 : memref<120x128xf32, #tpu.memory_space<vmem>>) target(%dma_start3A_175 : memref<120x128xf32, #tpu.memory_space<vmem_shared>>) target_semaphore(%run_scoped3A : memref<!tpu.dma_semaphore, #tpu.memory_space<semaphore_mem>>)
      %dma_wait3A_179 = arith.constant 0 : i32
      %dma_wait3A_180 = arith.constant 0 : i32
      %dma_wait3A_181 = tpu.memref_slice %arg18[%dma_wait3A_179, %dma_wait3A_180] : memref<128x128xf32, #tpu.memory_space<vmem>> -> memref<120x128xf32, #tpu.memory_space<vmem>>
      %dma_wait3A_182 = arith.constant 0 : i32
      %dma_wait3A_183 = tpu.memref_slice %arg19[%add3A_148, %dma_wait3A_182] : memref<10112x128xf32, #tpu.memory_space<vmem_shared>> -> memref<120x128xf32, #tpu.memory_space<vmem_shared>>
      %dma_wait3A_184 = arith.constant 0 : i32
      %dma_wait3A_185 = tpu.memref_slice %arg19[%add3A_148, %dma_wait3A_184] : memref<10112x128xf32, #tpu.memory_space<vmem_shared>> -> memref<120x128xf32, #tpu.memory_space<vmem_shared>>
      %dma_wait3A_186 = arith.constant 0 : i32
      %dma_wait3A_187 = arith.constant 0 : i32
      %dma_wait3A_188 = tpu.memref_slice %arg18[%dma_wait3A_186, %dma_wait3A_187] : memref<128x128xf32, #tpu.memory_space<vmem>> -> memref<120x128xf32, #tpu.memory_space<vmem>>
      tpu.wait_dma2 semaphore(%run_scoped3A : memref<!tpu.dma_semaphore, #tpu.memory_space<semaphore_mem>>) src(%dma_wait3A_188 : memref<120x128xf32, #tpu.memory_space<vmem>>) dst(%dma_wait3A_185 : memref<120x128xf32, #tpu.memory_space<vmem_shared>>)
      tpu.yield
    }) : () -> ()
    %barrier3A_149 = arith.constant 0 : index
    tpu.barrier barrier_id(%barrier3A_149)
    "tpu.region"() ({
      %run_scoped3A = tpu.sem_alloc : memref<!tpu.dma_semaphore, #tpu.memory_space<semaphore_mem>>
      %dma_start3A_169 = tpu.memref_slice %arg2[%mul3A_5] : memref<163840xi32, #tpu.memory_space<hbm>> -> memref<128xi32, #tpu.memory_space<hbm>>
      %dma_start3A_170 = tpu.memref_slice %arg2[%mul3A_5] : memref<163840xi32, #tpu.memory_space<hbm>> -> memref<128xi32, #tpu.memory_space<hbm>>
      tpu.enqueue_dma source(%dma_start3A_170 : memref<128xi32, #tpu.memory_space<hbm>>) target(%arg12 : memref<128xi32, #tpu.memory_space<vmem>>) target_semaphore(%run_scoped3A : memref<!tpu.dma_semaphore, #tpu.memory_space<semaphore_mem>>)
      %dma_wait3A_171 = tpu.memref_slice %arg2[%mul3A_5] : memref<163840xi32, #tpu.memory_space<hbm>> -> memref<128xi32, #tpu.memory_space<hbm>>
      %dma_wait3A_172 = tpu.memref_slice %arg2[%mul3A_5] : memref<163840xi32, #tpu.memory_space<hbm>> -> memref<128xi32, #tpu.memory_space<hbm>>
      tpu.wait_dma2 semaphore(%run_scoped3A : memref<!tpu.dma_semaphore, #tpu.memory_space<semaphore_mem>>) src(%dma_wait3A_172 : memref<128xi32, #tpu.memory_space<hbm>>) dst(%arg12 : memref<128xi32, #tpu.memory_space<vmem>>)
      tpu.yield
    }) : () -> ()
    %dma_start3A_150 = arith.constant 0 : i32
    %dma_start3A_151 = arith.constant 0 : i32
    %dma_start3A_152 = tpu.memref_slice %arg7[%dma_start3A_150, %dma_start3A_151] : memref<10112x128xf32, #tpu.memory_space<hbm>> -> memref<10112x128xf32, #tpu.memory_space<hbm>>
    tpu.enqueue_indirect_dma source(%dma_start3A_152 : memref<10112x128xf32, #tpu.memory_space<hbm>>) target(%arg16 : memref<128x128xf32, #tpu.memory_space<vmem>>) offsets(%arg12 : memref<128xi32, #tpu.memory_space<vmem>>) semaphore(%arg20 : memref<!tpu.dma_semaphore, #tpu.memory_space<semaphore_mem>>)
    %scan3A_153 = arith.constant 0 : i32
    %scan3A_154 = arith.constant 0 : i32
    %scan3A_155 = arith.constant 20 : i32
    %scan3A_156 = arith.addi %scan3A_154, %scan3A_155 : i32
    %scan3A_157 = arith.constant 1 : i32
    %scan3A_158 = scf.for %scan3A_169 = %scan3A_154 to %scan3A_156 step %scan3A_157 iter_args(%scan3A_170 = %scan3A_153) -> (i32)  : i32 {
      %mul3A_171 = arith.constant 2 : i32
      %mul3A_172 = arith.muli %mul3A_171, %scan3A_169 : i32
      %mul3A_173 = arith.constant 2 : i32
      %mul3A_174 = arith.muli %mul3A_173, %scan3A_169 : i32
      %add3A_175 = arith.constant 1 : i32
      %add3A_176 = arith.addi %mul3A_174, %add3A_175 : i32
      %add3A_177 = arith.constant 1 : i32
      %add3A_178 = arith.addi %add3A_176, %add3A_177 : i32
      %min3A = arith.constant 39 : i32
      %min3A_179 = arith.minsi %add3A_178, %min3A : i32
      %mul3A_180 = arith.constant 128 : i32
      %mul3A_181 = arith.muli %add3A_176, %mul3A_180 : i32
      %add3A_182 = arith.addi %mul3A_5, %mul3A_181 : i32
      "tpu.region"() ({
        %run_scoped3A = tpu.sem_alloc : memref<!tpu.dma_semaphore, #tpu.memory_space<semaphore_mem>>
        %dma_start3A_205 = tpu.memref_slice %arg2[%add3A_182] : memref<163840xi32, #tpu.memory_space<hbm>> -> memref<128xi32, #tpu.memory_space<hbm>>
        %dma_start3A_206 = tpu.memref_slice %arg2[%add3A_182] : memref<163840xi32, #tpu.memory_space<hbm>> -> memref<128xi32, #tpu.memory_space<hbm>>
        tpu.enqueue_dma source(%dma_start3A_206 : memref<128xi32, #tpu.memory_space<hbm>>) target(%arg13 : memref<128xi32, #tpu.memory_space<vmem>>) target_semaphore(%run_scoped3A : memref<!tpu.dma_semaphore, #tpu.memory_space<semaphore_mem>>)
        %dma_wait3A_207 = tpu.memref_slice %arg2[%add3A_182] : memref<163840xi32, #tpu.memory_space<hbm>> -> memref<128xi32, #tpu.memory_space<hbm>>
        %dma_wait3A_208 = tpu.memref_slice %arg2[%add3A_182] : memref<163840xi32, #tpu.memory_space<hbm>> -> memref<128xi32, #tpu.memory_space<hbm>>
        tpu.wait_dma2 semaphore(%run_scoped3A : memref<!tpu.dma_semaphore, #tpu.memory_space<semaphore_mem>>) src(%dma_wait3A_208 : memref<128xi32, #tpu.memory_space<hbm>>) dst(%arg13 : memref<128xi32, #tpu.memory_space<vmem>>)
        tpu.yield
      }) : () -> ()
      %dma_start3A_183 = arith.constant 0 : i32
      %dma_start3A_184 = arith.constant 0 : i32
      %dma_start3A_185 = tpu.memref_slice %arg7[%dma_start3A_183, %dma_start3A_184] : memref<10112x128xf32, #tpu.memory_space<hbm>> -> memref<10112x128xf32, #tpu.memory_space<hbm>>
      tpu.enqueue_indirect_dma source(%dma_start3A_185 : memref<10112x128xf32, #tpu.memory_space<hbm>>) target(%arg17 : memref<128x128xf32, #tpu.memory_space<vmem>>) offsets(%arg13 : memref<128xi32, #tpu.memory_space<vmem>>) semaphore(%arg21 : memref<!tpu.dma_semaphore, #tpu.memory_space<semaphore_mem>>)
      %dma_wait3A_186 = arith.constant 0 : i32
      %dma_wait3A_187 = arith.constant 0 : i32
      %dma_wait3A_188 = tpu.memref_slice %arg7[%dma_wait3A_186, %dma_wait3A_187] : memref<10112x128xf32, #tpu.memory_space<hbm>> -> memref<10112x128xf32, #tpu.memory_space<hbm>>
      tpu.wait_indirect_dma semaphore(%arg20 : memref<!tpu.dma_semaphore, #tpu.memory_space<semaphore_mem>>) src(%dma_wait3A_188 : memref<10112x128xf32, #tpu.memory_space<hbm>>) dst(%arg16 : memref<128x128xf32, #tpu.memory_space<vmem>>)
      %mul3A_189 = arith.constant 128 : i32
      %mul3A_190 = arith.muli %mul3A_172, %mul3A_189 : i32
      %add3A_191 = arith.addi %mul3A_5, %mul3A_190 : i32
      "tpu.region"() ({
        %run_scoped3A = tpu.sem_alloc : memref<!tpu.dma_semaphore, #tpu.memory_space<semaphore_mem>>
        %dma_start3A_205 = tpu.memref_slice %arg3[%add3A_191] : memref<163840xi32, #tpu.memory_space<hbm>> -> memref<128xi32, #tpu.memory_space<hbm>>
        %dma_start3A_206 = tpu.memref_slice %arg3[%add3A_191] : memref<163840xi32, #tpu.memory_space<hbm>> -> memref<128xi32, #tpu.memory_space<hbm>>
        tpu.enqueue_dma source(%dma_start3A_206 : memref<128xi32, #tpu.memory_space<hbm>>) target(%arg14 : memref<128xi32, #tpu.memory_space<vmem>>) target_semaphore(%run_scoped3A : memref<!tpu.dma_semaphore, #tpu.memory_space<semaphore_mem>>)
        %dma_wait3A_207 = tpu.memref_slice %arg3[%add3A_191] : memref<163840xi32, #tpu.memory_space<hbm>> -> memref<128xi32, #tpu.memory_space<hbm>>
        %dma_wait3A_208 = tpu.memref_slice %arg3[%add3A_191] : memref<163840xi32, #tpu.memory_space<hbm>> -> memref<128xi32, #tpu.memory_space<hbm>>
        tpu.wait_dma2 semaphore(%run_scoped3A : memref<!tpu.dma_semaphore, #tpu.memory_space<semaphore_mem>>) src(%dma_wait3A_208 : memref<128xi32, #tpu.memory_space<hbm>>) dst(%arg14 : memref<128xi32, #tpu.memory_space<vmem>>)
        tpu.yield
      }) : () -> ()
      %mul3A_192 = arith.constant 128 : i32
      %mul3A_193 = arith.muli %min3A_179, %mul3A_192 : i32
      %add3A_194 = arith.addi %mul3A_5, %mul3A_193 : i32
      "tpu.region"() ({
        %run_scoped3A = tpu.sem_alloc : memref<!tpu.dma_semaphore, #tpu.memory_space<semaphore_mem>>
        %dma_start3A_205 = tpu.memref_slice %arg2[%add3A_194] : memref<163840xi32, #tpu.memory_space<hbm>> -> memref<128xi32, #tpu.memory_space<hbm>>
        %dma_start3A_206 = tpu.memref_slice %arg2[%add3A_194] : memref<163840xi32, #tpu.memory_space<hbm>> -> memref<128xi32, #tpu.memory_space<hbm>>
        tpu.enqueue_dma source(%dma_start3A_206 : memref<128xi32, #tpu.memory_space<hbm>>) target(%arg12 : memref<128xi32, #tpu.memory_space<vmem>>) target_semaphore(%run_scoped3A : memref<!tpu.dma_semaphore, #tpu.memory_space<semaphore_mem>>)
        %dma_wait3A_207 = tpu.memref_slice %arg2[%add3A_194] : memref<163840xi32, #tpu.memory_space<hbm>> -> memref<128xi32, #tpu.memory_space<hbm>>
        %dma_wait3A_208 = tpu.memref_slice %arg2[%add3A_194] : memref<163840xi32, #tpu.memory_space<hbm>> -> memref<128xi32, #tpu.memory_space<hbm>>
        tpu.wait_dma2 semaphore(%run_scoped3A : memref<!tpu.dma_semaphore, #tpu.memory_space<semaphore_mem>>) src(%dma_wait3A_208 : memref<128xi32, #tpu.memory_space<hbm>>) dst(%arg12 : memref<128xi32, #tpu.memory_space<vmem>>)
        tpu.yield
      }) : () -> ()
      %dma_start3A_195 = arith.constant 0 : i32
      %dma_start3A_196 = arith.constant 0 : i32
      %dma_start3A_197 = tpu.memref_slice %arg7[%dma_start3A_195, %dma_start3A_196] : memref<10112x128xf32, #tpu.memory_space<hbm>> -> memref<10112x128xf32, #tpu.memory_space<hbm>>
      tpu.enqueue_indirect_dma source(%dma_start3A_197 : memref<10112x128xf32, #tpu.memory_space<hbm>>) target(%arg16 : memref<128x128xf32, #tpu.memory_space<vmem>>) offsets(%arg12 : memref<128xi32, #tpu.memory_space<vmem>>) semaphore(%arg20 : memref<!tpu.dma_semaphore, #tpu.memory_space<semaphore_mem>>)
      "tpu.region"() ({
        %run_scoped3A = tpu.sem_alloc : memref<!tpu.dma_semaphore, #tpu.memory_space<semaphore_mem>>
        %dma_start3A_205 = arith.constant 0 : i32
        %dma_start3A_206 = arith.constant 0 : i32
        %dma_start3A_207 = tpu.memref_slice %arg19[%dma_start3A_205, %dma_start3A_206] : memref<10112x128xf32, #tpu.memory_space<vmem_shared>> -> memref<10112x128xf32, #tpu.memory_space<vmem_shared>>
        tpu.enqueue_indirect_dma source(%arg16 : memref<128x128xf32, #tpu.memory_space<vmem>>) target(%dma_start3A_207 : memref<10112x128xf32, #tpu.memory_space<vmem_shared>>) offsets(%arg14 : memref<128xi32, #tpu.memory_space<vmem>>) semaphore(%run_scoped3A : memref<!tpu.dma_semaphore, #tpu.memory_space<semaphore_mem>>) {add = true}
        %dma_wait3A_208 = arith.constant 0 : i32
        %dma_wait3A_209 = arith.constant 0 : i32
        %dma_wait3A_210 = tpu.memref_slice %arg19[%dma_wait3A_208, %dma_wait3A_209] : memref<10112x128xf32, #tpu.memory_space<vmem_shared>> -> memref<10112x128xf32, #tpu.memory_space<vmem_shared>>
        tpu.wait_indirect_dma semaphore(%run_scoped3A : memref<!tpu.dma_semaphore, #tpu.memory_space<semaphore_mem>>) src(%arg16 : memref<128x128xf32, #tpu.memory_space<vmem>>) dst(%dma_wait3A_210 : memref<10112x128xf32, #tpu.memory_space<vmem_shared>>)
        tpu.yield
      }) : () -> ()
      %dma_wait3A_198 = arith.constant 0 : i32
      %dma_wait3A_199 = arith.constant 0 : i32
      %dma_wait3A_200 = tpu.memref_slice %arg7[%dma_wait3A_198, %dma_wait3A_199] : memref<10112x128xf32, #tpu.memory_space<hbm>> -> memref<10112x128xf32, #tpu.memory_space<hbm>>
      tpu.wait_indirect_dma semaphore(%arg21 : memref<!tpu.dma_semaphore, #tpu.memory_space<semaphore_mem>>) src(%dma_wait3A_200 : memref<10112x128xf32, #tpu.memory_space<hbm>>) dst(%arg17 : memref<128x128xf32, #tpu.memory_space<vmem>>)
      %mul3A_201 = arith.constant 128 : i32
      %mul3A_202 = arith.muli %add3A_176, %mul3A_201 : i32
      %add3A_203 = arith.addi %mul3A_5, %mul3A_202 : i32
      "tpu.region"() ({
        %run_scoped3A = tpu.sem_alloc : memref<!tpu.dma_semaphore, #tpu.memory_space<semaphore_mem>>
        %dma_start3A_205 = tpu.memref_slice %arg3[%add3A_203] : memref<163840xi32, #tpu.memory_space<hbm>> -> memref<128xi32, #tpu.memory_space<hbm>>
        %dma_start3A_206 = tpu.memref_slice %arg3[%add3A_203] : memref<163840xi32, #tpu.memory_space<hbm>> -> memref<128xi32, #tpu.memory_space<hbm>>
        tpu.enqueue_dma source(%dma_start3A_206 : memref<128xi32, #tpu.memory_space<hbm>>) target(%arg15 : memref<128xi32, #tpu.memory_space<vmem>>) target_semaphore(%run_scoped3A : memref<!tpu.dma_semaphore, #tpu.memory_space<semaphore_mem>>)
        %dma_wait3A_207 = tpu.memref_slice %arg3[%add3A_203] : memref<163840xi32, #tpu.memory_space<hbm>> -> memref<128xi32, #tpu.memory_space<hbm>>
        %dma_wait3A_208 = tpu.memref_slice %arg3[%add3A_203] : memref<163840xi32, #tpu.memory_space<hbm>> -> memref<128xi32, #tpu.memory_space<hbm>>
        tpu.wait_dma2 semaphore(%run_scoped3A : memref<!tpu.dma_semaphore, #tpu.memory_space<semaphore_mem>>) src(%dma_wait3A_208 : memref<128xi32, #tpu.memory_space<hbm>>) dst(%arg15 : memref<128xi32, #tpu.memory_space<vmem>>)
        tpu.yield
      }) : () -> ()
      "tpu.region"() ({
        %run_scoped3A = tpu.sem_alloc : memref<!tpu.dma_semaphore, #tpu.memory_space<semaphore_mem>>
        %dma_start3A_205 = arith.constant 0 : i32
        %dma_start3A_206 = arith.constant 0 : i32
        %dma_start3A_207 = tpu.memref_slice %arg19[%dma_start3A_205, %dma_start3A_206] : memref<10112x128xf32, #tpu.memory_space<vmem_shared>> -> memref<10112x128xf32, #tpu.memory_space<vmem_shared>>
        tpu.enqueue_indirect_dma source(%arg17 : memref<128x128xf32, #tpu.memory_space<vmem>>) target(%dma_start3A_207 : memref<10112x128xf32, #tpu.memory_space<vmem_shared>>) offsets(%arg15 : memref<128xi32, #tpu.memory_space<vmem>>) semaphore(%run_scoped3A : memref<!tpu.dma_semaphore, #tpu.memory_space<semaphore_mem>>) {add = true}
        %dma_wait3A_208 = arith.constant 0 : i32
        %dma_wait3A_209 = arith.constant 0 : i32
        %dma_wait3A_210 = tpu.memref_slice %arg19[%dma_wait3A_208, %dma_wait3A_209] : memref<10112x128xf32, #tpu.memory_space<vmem_shared>> -> memref<10112x128xf32, #tpu.memory_space<vmem_shared>>
        tpu.wait_indirect_dma semaphore(%run_scoped3A : memref<!tpu.dma_semaphore, #tpu.memory_space<semaphore_mem>>) src(%arg17 : memref<128x128xf32, #tpu.memory_space<vmem>>) dst(%dma_wait3A_210 : memref<10112x128xf32, #tpu.memory_space<vmem_shared>>)
        tpu.yield
      }) : () -> ()
      %scan3A_204 = arith.constant 0 : i32
      scf.yield %scan3A_204 : i32
    }
    %scan3A_159 = arith.constant 20 : i32
    %dma_wait3A_160 = arith.constant 0 : i32
    %dma_wait3A_161 = arith.constant 0 : i32
    %dma_wait3A_162 = tpu.memref_slice %arg7[%dma_wait3A_160, %dma_wait3A_161] : memref<10112x128xf32, #tpu.memory_space<hbm>> -> memref<10112x128xf32, #tpu.memory_space<hbm>>
    tpu.wait_indirect_dma semaphore(%arg20 : memref<!tpu.dma_semaphore, #tpu.memory_space<semaphore_mem>>) src(%dma_wait3A_162 : memref<10112x128xf32, #tpu.memory_space<hbm>>) dst(%arg16 : memref<128x128xf32, #tpu.memory_space<vmem>>)
    %barrier3A_163 = arith.constant 0 : index
    tpu.barrier barrier_id(%barrier3A_163)
    %mul3A_164 = arith.constant 632 : i32
    %mul3A_165 = arith.muli %arg1, %mul3A_164 : i32
    %mul3A_166 = arith.constant 632 : i32
    %mul3A_167 = arith.muli %arg1, %mul3A_166 : i32
    "tpu.region"() ({
      %run_scoped3A = tpu.sem_alloc : memref<!tpu.dma_semaphore, #tpu.memory_space<semaphore_mem>>
      %dma_start3A_169 = arith.constant 0 : i32
      %dma_start3A_170 = tpu.memref_slice %arg11[%arg0, %mul3A_167, %dma_start3A_169] : memref<2x10112x128xf32, #tpu.memory_space<hbm>> -> memref<1x632x128xf32, #tpu.memory_space<hbm>>
      %dma_start3A_171 = tpu.memref_squeeze %dma_start3A_170 : memref<1x632x128xf32, #tpu.memory_space<hbm>> -> memref<632x128xf32, #tpu.memory_space<hbm>>
      %dma_start3A_172 = arith.constant 0 : i32
      %dma_start3A_173 = tpu.memref_slice %arg19[%mul3A_165, %dma_start3A_172] : memref<10112x128xf32, #tpu.memory_space<vmem_shared>> -> memref<632x128xf32, #tpu.memory_space<vmem_shared>>
      tpu.enqueue_dma source(%dma_start3A_173 : memref<632x128xf32, #tpu.memory_space<vmem_shared>>) target(%dma_start3A_171 : memref<632x128xf32, #tpu.memory_space<hbm>>) target_semaphore(%run_scoped3A : memref<!tpu.dma_semaphore, #tpu.memory_space<semaphore_mem>>)
      %dma_wait3A_174 = arith.constant 0 : i32
      %dma_wait3A_175 = tpu.memref_slice %arg11[%arg0, %mul3A_167, %dma_wait3A_174] : memref<2x10112x128xf32, #tpu.memory_space<hbm>> -> memref<1x632x128xf32, #tpu.memory_space<hbm>>
      %dma_wait3A_176 = tpu.memref_squeeze %dma_wait3A_175 : memref<1x632x128xf32, #tpu.memory_space<hbm>> -> memref<632x128xf32, #tpu.memory_space<hbm>>
      %dma_wait3A_177 = arith.constant 0 : i32
      %dma_wait3A_178 = tpu.memref_slice %arg19[%mul3A_165, %dma_wait3A_177] : memref<10112x128xf32, #tpu.memory_space<vmem_shared>> -> memref<632x128xf32, #tpu.memory_space<vmem_shared>>
      tpu.wait_dma2 semaphore(%run_scoped3A : memref<!tpu.dma_semaphore, #tpu.memory_space<semaphore_mem>>) src(%dma_wait3A_178 : memref<632x128xf32, #tpu.memory_space<vmem_shared>>) dst(%dma_wait3A_176 : memref<632x128xf32, #tpu.memory_space<hbm>>)
      tpu.yield
    }) : () -> ()
    %barrier3A_168 = arith.constant 0 : index
    tpu.barrier barrier_id(%barrier3A_168)
    return
  }
}

module attributes {stable_mosaic.version = 14 : i64} {
  func.func @_mm1_body(%arg0: i32, %arg1: memref<8x1000x128xf32, #tpu.memory_space<vmem>>, %arg2: memref<1000x8xf32, #tpu.memory_space<vmem>>, %arg3: memref<128x64xf32, #tpu.memory_space<vmem>>, %arg4: memref<1000x128xf32, #tpu.memory_space<vmem>>, %arg5: memref<1000x128xf32, #tpu.memory_space<vmem>>, %arg6: memref<1000x128xf32, #tpu.memory_space<vmem>>, %arg7: memref<1000x128xf32, #tpu.memory_space<vmem>>) attributes {dimension_semantics = [#tpu.dimension_semantics<arbitrary>], iteration_bounds = array<i64: 10>, scalar_prefetch = 0 : i64, scratch_operands = 0 : i64, tpu.core_type = #tpu.core_type<tc>, window_params = [{transform_indices = @transform_0, window_bounds = array<i64: 8, 1000, 128>}, {transform_indices = @transform_1, window_bounds = array<i64: 1000, 8>}, {pipeline_mode = #tpu.pipeline_mode<synchronous>, transform_indices = @transform_2, window_bounds = array<i64: 128, 64>}, {transform_indices = @transform_3, window_bounds = array<i64: 1000, 128>}, {transform_indices = @transform_4, window_bounds = array<i64: 1000, 128>}, {transform_indices = @transform_5, window_bounds = array<i64: 1000, 128>}, {transform_indices = @transform_6, window_bounds = array<i64: 1000, 128>}]} {
    %get3A = arith.constant 0 : index
    %get3A_0 = arith.constant 0 : index
    %get3A_1 = vector.load %arg2[%get3A, %get3A_0] : memref<1000x8xf32, #tpu.memory_space<vmem>>, vector<1000x1xf32>
    %get3A_2 = arith.constant 0 : index
    %get3A_3 = arith.constant 0 : index
    %get3A_4 = arith.constant 0 : index
    %get3A_5 = vector.load %arg1[%get3A_2, %get3A_3, %get3A_4] : memref<8x1000x128xf32, #tpu.memory_space<vmem>>, vector<1x1000x128xf32>
    %get3A_6 = vector.shape_cast %get3A_5 : vector<1x1000x128xf32> to vector<1000x128xf32>
    %get3A_7 = arith.constant 0 : index
    %get3A_8 = arith.constant 0 : index
    %get3A_9 = vector.load %arg3[%get3A_7, %get3A_8] : memref<128x64xf32, #tpu.memory_space<vmem>>, vector<128x64xf32>
    %dot_general3A = arith.constant dense<0.000000e+00> : vector<1000x64xf32>
    %dot_general3A_10 = tpu.matmul %get3A_6, %get3A_9, %dot_general3A {dimension_numbers = #tpu.dot_dimension_numbers<[1], [0], [0], [1], [0, 0, 1, 1], [], []>, transpose_lhs_hint = false} : vector<1000x128xf32>, vector<128x64xf32>, vector<1000x64xf32> -> vector<1000x64xf32>
    %mul3A = vector.broadcast %get3A_1 : vector<1000x1xf32> to vector<1000x64xf32>
    %mul3A_11 = arith.mulf %dot_general3A_10, %mul3A : vector<1000x64xf32>
    %swap3A = arith.constant 0 : index
    %swap3A_12 = arith.constant 0 : index
    %swap3A_13 = vector.load %arg4[%swap3A, %swap3A_12] : memref<1000x128xf32, #tpu.memory_space<vmem>>, vector<1000x64xf32>
    tpu.vector_store %arg4[%swap3A, %swap3A_12], %mul3A_11 {strides = array<i32>} : memref<1000x128xf32, #tpu.memory_space<vmem>>, vector<1000x64xf32>,
    %get3A_14 = arith.constant 1 : index
    %get3A_15 = arith.constant 0 : index
    %get3A_16 = arith.constant 0 : index
    %get3A_17 = vector.load %arg1[%get3A_14, %get3A_15, %get3A_16] : memref<8x1000x128xf32, #tpu.memory_space<vmem>>, vector<1x1000x128xf32>
    %get3A_18 = vector.shape_cast %get3A_17 : vector<1x1000x128xf32> to vector<1000x128xf32>
    %get3A_19 = arith.constant 0 : index
    %get3A_20 = arith.constant 0 : index
    %get3A_21 = vector.load %arg3[%get3A_19, %get3A_20] : memref<128x64xf32, #tpu.memory_space<vmem>>, vector<128x64xf32>
    %dot_general3A_22 = arith.constant dense<0.000000e+00> : vector<1000x64xf32>
    %dot_general3A_23 = tpu.matmul %get3A_18, %get3A_21, %dot_general3A_22 {dimension_numbers = #tpu.dot_dimension_numbers<[1], [0], [0], [1], [0, 0, 1, 1], [], []>, transpose_lhs_hint = false} : vector<1000x128xf32>, vector<128x64xf32>, vector<1000x64xf32> -> vector<1000x64xf32>
    %mul3A_24 = vector.broadcast %get3A_1 : vector<1000x1xf32> to vector<1000x64xf32>
    %mul3A_25 = arith.mulf %dot_general3A_23, %mul3A_24 : vector<1000x64xf32>
    %swap3A_26 = arith.constant 0 : index
    %swap3A_27 = arith.constant 64 : index
    %swap3A_28 = vector.load %arg4[%swap3A_26, %swap3A_27] : memref<1000x128xf32, #tpu.memory_space<vmem>>, vector<1000x64xf32>
    tpu.vector_store %arg4[%swap3A_26, %swap3A_27], %mul3A_25 {strides = array<i32>} : memref<1000x128xf32, #tpu.memory_space<vmem>>, vector<1000x64xf32>,
    %get3A_29 = arith.constant 2 : index
    %get3A_30 = arith.constant 0 : index
    %get3A_31 = arith.constant 0 : index
    %get3A_32 = vector.load %arg1[%get3A_29, %get3A_30, %get3A_31] : memref<8x1000x128xf32, #tpu.memory_space<vmem>>, vector<1x1000x128xf32>
    %get3A_33 = vector.shape_cast %get3A_32 : vector<1x1000x128xf32> to vector<1000x128xf32>
    %get3A_34 = arith.constant 0 : index
    %get3A_35 = arith.constant 0 : index
    %get3A_36 = vector.load %arg3[%get3A_34, %get3A_35] : memref<128x64xf32, #tpu.memory_space<vmem>>, vector<128x64xf32>
    %dot_general3A_37 = arith.constant dense<0.000000e+00> : vector<1000x64xf32>
    %dot_general3A_38 = tpu.matmul %get3A_33, %get3A_36, %dot_general3A_37 {dimension_numbers = #tpu.dot_dimension_numbers<[1], [0], [0], [1], [0, 0, 1, 1], [], []>, transpose_lhs_hint = false} : vector<1000x128xf32>, vector<128x64xf32>, vector<1000x64xf32> -> vector<1000x64xf32>
    %mul3A_39 = vector.broadcast %get3A_1 : vector<1000x1xf32> to vector<1000x64xf32>
    %mul3A_40 = arith.mulf %dot_general3A_38, %mul3A_39 : vector<1000x64xf32>
    %swap3A_41 = arith.constant 0 : index
    %swap3A_42 = arith.constant 0 : index
    %swap3A_43 = vector.load %arg5[%swap3A_41, %swap3A_42] : memref<1000x128xf32, #tpu.memory_space<vmem>>, vector<1000x64xf32>
    tpu.vector_store %arg5[%swap3A_41, %swap3A_42], %mul3A_40 {strides = array<i32>} : memref<1000x128xf32, #tpu.memory_space<vmem>>, vector<1000x64xf32>,
    %get3A_44 = arith.constant 3 : index
    %get3A_45 = arith.constant 0 : index
    %get3A_46 = arith.constant 0 : index
    %get3A_47 = vector.load %arg1[%get3A_44, %get3A_45, %get3A_46] : memref<8x1000x128xf32, #tpu.memory_space<vmem>>, vector<1x1000x128xf32>
    %get3A_48 = vector.shape_cast %get3A_47 : vector<1x1000x128xf32> to vector<1000x128xf32>
    %get3A_49 = arith.constant 0 : index
    %get3A_50 = arith.constant 0 : index
    %get3A_51 = vector.load %arg3[%get3A_49, %get3A_50] : memref<128x64xf32, #tpu.memory_space<vmem>>, vector<128x64xf32>
    %dot_general3A_52 = arith.constant dense<0.000000e+00> : vector<1000x64xf32>
    %dot_general3A_53 = tpu.matmul %get3A_48, %get3A_51, %dot_general3A_52 {dimension_numbers = #tpu.dot_dimension_numbers<[1], [0], [0], [1], [0, 0, 1, 1], [], []>, transpose_lhs_hint = false} : vector<1000x128xf32>, vector<128x64xf32>, vector<1000x64xf32> -> vector<1000x64xf32>
    %mul3A_54 = vector.broadcast %get3A_1 : vector<1000x1xf32> to vector<1000x64xf32>
    %mul3A_55 = arith.mulf %dot_general3A_53, %mul3A_54 : vector<1000x64xf32>
    %swap3A_56 = arith.constant 0 : index
    %swap3A_57 = arith.constant 64 : index
    %swap3A_58 = vector.load %arg5[%swap3A_56, %swap3A_57] : memref<1000x128xf32, #tpu.memory_space<vmem>>, vector<1000x64xf32>
    tpu.vector_store %arg5[%swap3A_56, %swap3A_57], %mul3A_55 {strides = array<i32>} : memref<1000x128xf32, #tpu.memory_space<vmem>>, vector<1000x64xf32>,
    %get3A_59 = arith.constant 4 : index
    %get3A_60 = arith.constant 0 : index
    %get3A_61 = arith.constant 0 : index
    %get3A_62 = vector.load %arg1[%get3A_59, %get3A_60, %get3A_61] : memref<8x1000x128xf32, #tpu.memory_space<vmem>>, vector<1x1000x128xf32>
    %get3A_63 = vector.shape_cast %get3A_62 : vector<1x1000x128xf32> to vector<1000x128xf32>
    %get3A_64 = arith.constant 0 : index
    %get3A_65 = arith.constant 0 : index
    %get3A_66 = vector.load %arg3[%get3A_64, %get3A_65] : memref<128x64xf32, #tpu.memory_space<vmem>>, vector<128x64xf32>
    %dot_general3A_67 = arith.constant dense<0.000000e+00> : vector<1000x64xf32>
    %dot_general3A_68 = tpu.matmul %get3A_63, %get3A_66, %dot_general3A_67 {dimension_numbers = #tpu.dot_dimension_numbers<[1], [0], [0], [1], [0, 0, 1, 1], [], []>, transpose_lhs_hint = false} : vector<1000x128xf32>, vector<128x64xf32>, vector<1000x64xf32> -> vector<1000x64xf32>
    %mul3A_69 = vector.broadcast %get3A_1 : vector<1000x1xf32> to vector<1000x64xf32>
    %mul3A_70 = arith.mulf %dot_general3A_68, %mul3A_69 : vector<1000x64xf32>
    %swap3A_71 = arith.constant 0 : index
    %swap3A_72 = arith.constant 0 : index
    %swap3A_73 = vector.load %arg6[%swap3A_71, %swap3A_72] : memref<1000x128xf32, #tpu.memory_space<vmem>>, vector<1000x64xf32>
    tpu.vector_store %arg6[%swap3A_71, %swap3A_72], %mul3A_70 {strides = array<i32>} : memref<1000x128xf32, #tpu.memory_space<vmem>>, vector<1000x64xf32>,
    %get3A_74 = arith.constant 5 : index
    %get3A_75 = arith.constant 0 : index
    %get3A_76 = arith.constant 0 : index
    %get3A_77 = vector.load %arg1[%get3A_74, %get3A_75, %get3A_76] : memref<8x1000x128xf32, #tpu.memory_space<vmem>>, vector<1x1000x128xf32>
    %get3A_78 = vector.shape_cast %get3A_77 : vector<1x1000x128xf32> to vector<1000x128xf32>
    %get3A_79 = arith.constant 0 : index
    %get3A_80 = arith.constant 0 : index
    %get3A_81 = vector.load %arg3[%get3A_79, %get3A_80] : memref<128x64xf32, #tpu.memory_space<vmem>>, vector<128x64xf32>
    %dot_general3A_82 = arith.constant dense<0.000000e+00> : vector<1000x64xf32>
    %dot_general3A_83 = tpu.matmul %get3A_78, %get3A_81, %dot_general3A_82 {dimension_numbers = #tpu.dot_dimension_numbers<[1], [0], [0], [1], [0, 0, 1, 1], [], []>, transpose_lhs_hint = false} : vector<1000x128xf32>, vector<128x64xf32>, vector<1000x64xf32> -> vector<1000x64xf32>
    %mul3A_84 = vector.broadcast %get3A_1 : vector<1000x1xf32> to vector<1000x64xf32>
    %mul3A_85 = arith.mulf %dot_general3A_83, %mul3A_84 : vector<1000x64xf32>
    %swap3A_86 = arith.constant 0 : index
    %swap3A_87 = arith.constant 64 : index
    %swap3A_88 = vector.load %arg6[%swap3A_86, %swap3A_87] : memref<1000x128xf32, #tpu.memory_space<vmem>>, vector<1000x64xf32>
    tpu.vector_store %arg6[%swap3A_86, %swap3A_87], %mul3A_85 {strides = array<i32>} : memref<1000x128xf32, #tpu.memory_space<vmem>>, vector<1000x64xf32>,
    %get3A_89 = arith.constant 6 : index
    %get3A_90 = arith.constant 0 : index
    %get3A_91 = arith.constant 0 : index
    %get3A_92 = vector.load %arg1[%get3A_89, %get3A_90, %get3A_91] : memref<8x1000x128xf32, #tpu.memory_space<vmem>>, vector<1x1000x128xf32>
    %get3A_93 = vector.shape_cast %get3A_92 : vector<1x1000x128xf32> to vector<1000x128xf32>
    %get3A_94 = arith.constant 0 : index
    %get3A_95 = arith.constant 0 : index
    %get3A_96 = vector.load %arg3[%get3A_94, %get3A_95] : memref<128x64xf32, #tpu.memory_space<vmem>>, vector<128x64xf32>
    %dot_general3A_97 = arith.constant dense<0.000000e+00> : vector<1000x64xf32>
    %dot_general3A_98 = tpu.matmul %get3A_93, %get3A_96, %dot_general3A_97 {dimension_numbers = #tpu.dot_dimension_numbers<[1], [0], [0], [1], [0, 0, 1, 1], [], []>, transpose_lhs_hint = false} : vector<1000x128xf32>, vector<128x64xf32>, vector<1000x64xf32> -> vector<1000x64xf32>
    %mul3A_99 = vector.broadcast %get3A_1 : vector<1000x1xf32> to vector<1000x64xf32>
    %mul3A_100 = arith.mulf %dot_general3A_98, %mul3A_99 : vector<1000x64xf32>
    %swap3A_101 = arith.constant 0 : index
    %swap3A_102 = arith.constant 0 : index
    %swap3A_103 = vector.load %arg7[%swap3A_101, %swap3A_102] : memref<1000x128xf32, #tpu.memory_space<vmem>>, vector<1000x64xf32>
    tpu.vector_store %arg7[%swap3A_101, %swap3A_102], %mul3A_100 {strides = array<i32>} : memref<1000x128xf32, #tpu.memory_space<vmem>>, vector<1000x64xf32>,
    %get3A_104 = arith.constant 7 : index
    %get3A_105 = arith.constant 0 : index
    %get3A_106 = arith.constant 0 : index
    %get3A_107 = vector.load %arg1[%get3A_104, %get3A_105, %get3A_106] : memref<8x1000x128xf32, #tpu.memory_space<vmem>>, vector<1x1000x128xf32>
    %get3A_108 = vector.shape_cast %get3A_107 : vector<1x1000x128xf32> to vector<1000x128xf32>
    %get3A_109 = arith.constant 0 : index
    %get3A_110 = arith.constant 0 : index
    %get3A_111 = vector.load %arg3[%get3A_109, %get3A_110] : memref<128x64xf32, #tpu.memory_space<vmem>>, vector<128x64xf32>
    %dot_general3A_112 = arith.constant dense<0.000000e+00> : vector<1000x64xf32>
    %dot_general3A_113 = tpu.matmul %get3A_108, %get3A_111, %dot_general3A_112 {dimension_numbers = #tpu.dot_dimension_numbers<[1], [0], [0], [1], [0, 0, 1, 1], [], []>, transpose_lhs_hint = false} : vector<1000x128xf32>, vector<128x64xf32>, vector<1000x64xf32> -> vector<1000x64xf32>
    %mul3A_114 = vector.broadcast %get3A_1 : vector<1000x1xf32> to vector<1000x64xf32>
    %mul3A_115 = arith.mulf %dot_general3A_113, %mul3A_114 : vector<1000x64xf32>
    %swap3A_116 = arith.constant 0 : index
    %swap3A_117 = arith.constant 64 : index
    %swap3A_118 = vector.load %arg7[%swap3A_116, %swap3A_117] : memref<1000x128xf32, #tpu.memory_space<vmem>>, vector<1000x64xf32>
    tpu.vector_store %arg7[%swap3A_116, %swap3A_117], %mul3A_115 {strides = array<i32>} : memref<1000x128xf32, #tpu.memory_space<vmem>>, vector<1000x64xf32>,
    return
  }
  func.func @transform_0(%arg0: i32) -> (i32, i32, i32) {
    %c0_i32 = arith.constant 0 : i32
    %c0_i32_0 = arith.constant 0 : i32
    %c0_i32_1 = arith.constant 0 : i32
    return %c0_i32, %arg0, %c0_i32_0 : i32, i32, i32
  }
  func.func @transform_1(%arg0: i32) -> (i32, i32) {
    %c0_i32 = arith.constant 0 : i32
    %c0_i32_0 = arith.constant 0 : i32
    return %arg0, %c0_i32 : i32, i32
  }
  func.func @transform_2(%arg0: i32) -> (i32, i32) {
    %c0_i32 = arith.constant 0 : i32
    %c0_i32_0 = arith.constant 0 : i32
    %c0_i32_1 = arith.constant 0 : i32
    return %c0_i32, %c0_i32_0 : i32, i32
  }
  func.func @transform_3(%arg0: i32) -> (i32, i32) {
    %c0_i32 = arith.constant 0 : i32
    %c0_i32_0 = arith.constant 0 : i32
    return %arg0, %c0_i32 : i32, i32
  }
  func.func @transform_4(%arg0: i32) -> (i32, i32) {
    %c0_i32 = arith.constant 0 : i32
    %c0_i32_0 = arith.constant 0 : i32
    return %arg0, %c0_i32 : i32, i32
  }
  func.func @transform_5(%arg0: i32) -> (i32, i32) {
    %c0_i32 = arith.constant 0 : i32
    %c0_i32_0 = arith.constant 0 : i32
    return %arg0, %c0_i32 : i32, i32
  }
  func.func @transform_6(%arg0: i32) -> (i32, i32) {
    %c0_i32 = arith.constant 0 : i32
    %c0_i32_0 = arith.constant 0 : i32
    return %arg0, %c0_i32 : i32, i32
  }
}

module attributes {stable_mosaic.version = 14 : i64} {
  func.func @_dred_body(%arg0: i32, %arg1: memref<2x1264x16xf32, #tpu.memory_space<vmem>>, %arg2: memref<1264x8xf32, #tpu.memory_space<vmem>>) attributes {dimension_semantics = [#tpu.dimension_semantics<arbitrary>], iteration_bounds = array<i64: 8>, scalar_prefetch = 0 : i64, scratch_operands = 0 : i64, tpu.core_type = #tpu.core_type<tc>, window_params = [{transform_indices = @transform_0, window_bounds = array<i64: 2, 1264, 16>}, {transform_indices = @transform_1, window_bounds = array<i64: 1264, 8>}]} {
    %get3A = arith.constant 0 : index
    %get3A_0 = arith.constant 0 : index
    %get3A_1 = arith.constant 0 : index
    %get3A_2 = vector.load %arg1[%get3A, %get3A_0, %get3A_1] : memref<2x1264x16xf32, #tpu.memory_space<vmem>>, vector<2x1264x16xf32>
    %reduce_sum3A = arith.constant dense<0.000000e+00> : vector<1264xf32>
    %reduce_sum3A_3 = vector.multi_reduction <add>, %get3A_2, %reduce_sum3A [0, 2] : vector<2x1264x16xf32> to vector<1264xf32>
    %add3A = arith.constant 1.000000e+00 : f32
    %add3A_4 = vector.broadcast %add3A : f32 to vector<1264xf32>
    %add3A_5 = arith.addf %reduce_sum3A_3, %add3A_4 : vector<1264xf32>
    %rsqrt3A = math.rsqrt %add3A_5 : vector<1264xf32>
    %reshape3A = vector.shape_cast %rsqrt3A : vector<1264xf32> to vector<1264x1xf32>
    %broadcast_in_dim3A = vector.shape_cast %reshape3A : vector<1264x1xf32> to vector<1264x1xf32>
    %broadcast_in_dim3A_6 = vector.broadcast %broadcast_in_dim3A : vector<1264x1xf32> to vector<1264x8xf32>
    %swap3A = arith.constant 0 : index
    %swap3A_7 = arith.constant 0 : index
    %swap3A_8 = vector.load %arg2[%swap3A, %swap3A_7] : memref<1264x8xf32, #tpu.memory_space<vmem>>, vector<1264x8xf32>
    tpu.vector_store %arg2[%swap3A, %swap3A_7], %broadcast_in_dim3A_6 {strides = array<i32>} : memref<1264x8xf32, #tpu.memory_space<vmem>>, vector<1264x8xf32>,
    return
  }
  func.func @transform_0(%arg0: i32) -> (i32, i32, i32) {
    %c0_i32 = arith.constant 0 : i32
    %c0_i32_0 = arith.constant 0 : i32
    %c0_i32_1 = arith.constant 0 : i32
    return %c0_i32, %arg0, %c0_i32_0 : i32, i32, i32
  }
  func.func @transform_1(%arg0: i32) -> (i32, i32) {
    %c0_i32 = arith.constant 0 : i32
    %c0_i32_0 = arith.constant 0 : i32
    return %arg0, %c0_i32 : i32, i32
  }
}

module attributes {stable_mosaic.version = 14 : i64} {
  func.func @_mm2_body(%arg0: i32, %arg1: memref<1000x8xf32, #tpu.memory_space<vmem>>, %arg2: memref<2x1000x128xf32, #tpu.memory_space<vmem>>, %arg3: memref<2x1000x128xf32, #tpu.memory_space<vmem>>, %arg4: memref<2x1000x128xf32, #tpu.memory_space<vmem>>, %arg5: memref<2x1000x128xf32, #tpu.memory_space<vmem>>, %arg6: memref<1000x128xf32, #tpu.memory_space<vmem>>, %arg7: memref<1000x128xf32, #tpu.memory_space<vmem>>, %arg8: memref<1000x128xf32, #tpu.memory_space<vmem>>, %arg9: memref<1000x128xf32, #tpu.memory_space<vmem>>, %arg10: memref<1x64xf32, #tpu.memory_space<vmem>>, %arg11: memref<64x64xf32, #tpu.memory_space<vmem>>, %arg12: memref<1000x128xf32, #tpu.memory_space<vmem>>, %arg13: memref<1000x128xf32, #tpu.memory_space<vmem>>, %arg14: memref<1000x128xf32, #tpu.memory_space<vmem>>, %arg15: memref<1000x128xf32, #tpu.memory_space<vmem>>) attributes {dimension_semantics = [#tpu.dimension_semantics<arbitrary>], iteration_bounds = array<i64: 10>, scalar_prefetch = 0 : i64, scratch_operands = 0 : i64, tpu.core_type = #tpu.core_type<tc>, window_params = [{transform_indices = @transform_0, window_bounds = array<i64: 1000, 8>}, {transform_indices = @transform_1, window_bounds = array<i64: 2, 1000, 128>}, {transform_indices = @transform_2, window_bounds = array<i64: 2, 1000, 128>}, {transform_indices = @transform_3, window_bounds = array<i64: 2, 1000, 128>}, {transform_indices = @transform_4, window_bounds = array<i64: 2, 1000, 128>}, {transform_indices = @transform_5, window_bounds = array<i64: 1000, 128>}, {transform_indices = @transform_6, window_bounds = array<i64: 1000, 128>}, {transform_indices = @transform_7, window_bounds = array<i64: 1000, 128>}, {transform_indices = @transform_8, window_bounds = array<i64: 1000, 128>}, {pipeline_mode = #tpu.pipeline_mode<synchronous>, transform_indices = @transform_9, window_bounds = array<i64: 1, 64>}, {pipeline_mode = #tpu.pipeline_mode<synchronous>, transform_indices = @transform_10, window_bounds = array<i64: 64, 64>}, {transform_indices = @transform_11, window_bounds = array<i64: 1000, 128>}, {transform_indices = @transform_12, window_bounds = array<i64: 1000, 128>}, {transform_indices = @transform_13, window_bounds = array<i64: 1000, 128>}, {transform_indices = @transform_14, window_bounds = array<i64: 1000, 128>}]} {
    %get3A = arith.constant 0 : index
    %get3A_0 = arith.constant 0 : index
    %get3A_1 = vector.load %arg1[%get3A, %get3A_0] : memref<1000x8xf32, #tpu.memory_space<vmem>>, vector<1000x1xf32>
    %get3A_2 = arith.constant 0 : index
    %get3A_3 = arith.constant 0 : index
    %get3A_4 = vector.load %arg10[%get3A_2, %get3A_3] : memref<1x64xf32, #tpu.memory_space<vmem>>, vector<1x64xf32>
    %get3A_5 = arith.constant 0 : index
    %get3A_6 = arith.constant 0 : index
    %get3A_7 = vector.load %arg10[%get3A_5, %get3A_6] : memref<1x64xf32, #tpu.memory_space<vmem>>, vector<1x64xf32>
    %concatenate3A = tpu.concatenate %get3A_4, %get3A_7 in 1 : vector<1x64xf32>, vector<1x64xf32> -> vector<1x128xf32>
    %get3A_8 = arith.constant 0 : index
    %get3A_9 = arith.constant 0 : index
    %get3A_10 = arith.constant 0 : index
    %get3A_11 = vector.load %arg2[%get3A_8, %get3A_9, %get3A_10] : memref<2x1000x128xf32, #tpu.memory_space<vmem>>, vector<1x1000x128xf32>
    %get3A_12 = vector.shape_cast %get3A_11 : vector<1x1000x128xf32> to vector<1000x128xf32>
    %get3A_13 = arith.constant 1 : index
    %get3A_14 = arith.constant 0 : index
    %get3A_15 = arith.constant 0 : index
    %get3A_16 = vector.load %arg2[%get3A_13, %get3A_14, %get3A_15] : memref<2x1000x128xf32, #tpu.memory_space<vmem>>, vector<1x1000x128xf32>
    %get3A_17 = vector.shape_cast %get3A_16 : vector<1x1000x128xf32> to vector<1000x128xf32>
    %add3A = arith.addf %get3A_12, %get3A_17 : vector<1000x128xf32>
    %get3A_18 = arith.constant 0 : index
    %get3A_19 = arith.constant 0 : index
    %get3A_20 = vector.load %arg6[%get3A_18, %get3A_19] : memref<1000x128xf32, #tpu.memory_space<vmem>>, vector<1000x128xf32>
    %add3A_21 = arith.addf %add3A, %get3A_20 : vector<1000x128xf32>
    %mul3A = vector.broadcast %get3A_1 : vector<1000x1xf32> to vector<1000x128xf32>
    %mul3A_22 = arith.mulf %add3A_21, %mul3A : vector<1000x128xf32>
    %add3A_23 = vector.broadcast %concatenate3A : vector<1x128xf32> to vector<1000x128xf32>
    %add3A_24 = arith.addf %mul3A_22, %add3A_23 : vector<1000x128xf32>
    %max3A = arith.constant 0.000000e+00 : f32
    %max3A_25 = vector.broadcast %max3A : f32 to vector<1000x128xf32>
    %max3A_26 = arith.maximumf %add3A_24, %max3A_25 : vector<1000x128xf32>
    %slice3A = vector.extract_strided_slice %max3A_26 {offsets = [0, 0], sizes = [1000, 64], strides = [1, 1]} : vector<1000x128xf32> to vector<1000x64xf32>
    %get3A_27 = arith.constant 0 : index
    %get3A_28 = arith.constant 0 : index
    %get3A_29 = vector.load %arg11[%get3A_27, %get3A_28] : memref<64x64xf32, #tpu.memory_space<vmem>>, vector<64x64xf32>
    %dot_general3A = arith.constant dense<0.000000e+00> : vector<1000x64xf32>
    %dot_general3A_30 = tpu.matmul %slice3A, %get3A_29, %dot_general3A {dimension_numbers = #tpu.dot_dimension_numbers<[1], [0], [0], [1], [0, 0, 1, 1], [], []>, transpose_lhs_hint = false} : vector<1000x64xf32>, vector<64x64xf32>, vector<1000x64xf32> -> vector<1000x64xf32>
    %mul3A_31 = vector.broadcast %get3A_1 : vector<1000x1xf32> to vector<1000x64xf32>
    %mul3A_32 = arith.mulf %dot_general3A_30, %mul3A_31 : vector<1000x64xf32>
    %swap3A = arith.constant 0 : index
    %swap3A_33 = arith.constant 0 : index
    %swap3A_34 = vector.load %arg12[%swap3A, %swap3A_33] : memref<1000x128xf32, #tpu.memory_space<vmem>>, vector<1000x64xf32>
    tpu.vector_store %arg12[%swap3A, %swap3A_33], %mul3A_32 {strides = array<i32>} : memref<1000x128xf32, #tpu.memory_space<vmem>>, vector<1000x64xf32>,
    %slice3A_35 = vector.extract_strided_slice %max3A_26 {offsets = [0, 64], sizes = [1000, 64], strides = [1, 1]} : vector<1000x128xf32> to vector<1000x64xf32>
    %get3A_36 = arith.constant 0 : index
    %get3A_37 = arith.constant 0 : index
    %get3A_38 = vector.load %arg11[%get3A_36, %get3A_37] : memref<64x64xf32, #tpu.memory_space<vmem>>, vector<64x64xf32>
    %dot_general3A_39 = arith.constant dense<0.000000e+00> : vector<1000x64xf32>
    %dot_general3A_40 = tpu.matmul %slice3A_35, %get3A_38, %dot_general3A_39 {dimension_numbers = #tpu.dot_dimension_numbers<[1], [0], [0], [1], [0, 0, 1, 1], [], []>, transpose_lhs_hint = false} : vector<1000x64xf32>, vector<64x64xf32>, vector<1000x64xf32> -> vector<1000x64xf32>
    %mul3A_41 = vector.broadcast %get3A_1 : vector<1000x1xf32> to vector<1000x64xf32>
    %mul3A_42 = arith.mulf %dot_general3A_40, %mul3A_41 : vector<1000x64xf32>
    %swap3A_43 = arith.constant 0 : index
    %swap3A_44 = arith.constant 64 : index
    %swap3A_45 = vector.load %arg12[%swap3A_43, %swap3A_44] : memref<1000x128xf32, #tpu.memory_space<vmem>>, vector<1000x64xf32>
    tpu.vector_store %arg12[%swap3A_43, %swap3A_44], %mul3A_42 {strides = array<i32>} : memref<1000x128xf32, #tpu.memory_space<vmem>>, vector<1000x64xf32>,
    %get3A_46 = arith.constant 0 : index
    %get3A_47 = arith.constant 0 : index
    %get3A_48 = arith.constant 0 : index
    %get3A_49 = vector.load %arg3[%get3A_46, %get3A_47, %get3A_48] : memref<2x1000x128xf32, #tpu.memory_space<vmem>>, vector<1x1000x128xf32>
    %get3A_50 = vector.shape_cast %get3A_49 : vector<1x1000x128xf32> to vector<1000x128xf32>
    %get3A_51 = arith.constant 1 : index
    %get3A_52 = arith.constant 0 : index
    %get3A_53 = arith.constant 0 : index
    %get3A_54 = vector.load %arg3[%get3A_51, %get3A_52, %get3A_53] : memref<2x1000x128xf32, #tpu.memory_space<vmem>>, vector<1x1000x128xf32>
    %get3A_55 = vector.shape_cast %get3A_54 : vector<1x1000x128xf32> to vector<1000x128xf32>
    %add3A_56 = arith.addf %get3A_50, %get3A_55 : vector<1000x128xf32>
    %get3A_57 = arith.constant 0 : index
    %get3A_58 = arith.constant 0 : index
    %get3A_59 = vector.load %arg7[%get3A_57, %get3A_58] : memref<1000x128xf32, #tpu.memory_space<vmem>>, vector<1000x128xf32>
    %add3A_60 = arith.addf %add3A_56, %get3A_59 : vector<1000x128xf32>
    %mul3A_61 = vector.broadcast %get3A_1 : vector<1000x1xf32> to vector<1000x128xf32>
    %mul3A_62 = arith.mulf %add3A_60, %mul3A_61 : vector<1000x128xf32>
    %add3A_63 = vector.broadcast %concatenate3A : vector<1x128xf32> to vector<1000x128xf32>
    %add3A_64 = arith.addf %mul3A_62, %add3A_63 : vector<1000x128xf32>
    %max3A_65 = arith.constant 0.000000e+00 : f32
    %max3A_66 = vector.broadcast %max3A_65 : f32 to vector<1000x128xf32>
    %max3A_67 = arith.maximumf %add3A_64, %max3A_66 : vector<1000x128xf32>
    %slice3A_68 = vector.extract_strided_slice %max3A_67 {offsets = [0, 0], sizes = [1000, 64], strides = [1, 1]} : vector<1000x128xf32> to vector<1000x64xf32>
    %get3A_69 = arith.constant 0 : index
    %get3A_70 = arith.constant 0 : index
    %get3A_71 = vector.load %arg11[%get3A_69, %get3A_70] : memref<64x64xf32, #tpu.memory_space<vmem>>, vector<64x64xf32>
    %dot_general3A_72 = arith.constant dense<0.000000e+00> : vector<1000x64xf32>
    %dot_general3A_73 = tpu.matmul %slice3A_68, %get3A_71, %dot_general3A_72 {dimension_numbers = #tpu.dot_dimension_numbers<[1], [0], [0], [1], [0, 0, 1, 1], [], []>, transpose_lhs_hint = false} : vector<1000x64xf32>, vector<64x64xf32>, vector<1000x64xf32> -> vector<1000x64xf32>
    %mul3A_74 = vector.broadcast %get3A_1 : vector<1000x1xf32> to vector<1000x64xf32>
    %mul3A_75 = arith.mulf %dot_general3A_73, %mul3A_74 : vector<1000x64xf32>
    %swap3A_76 = arith.constant 0 : index
    %swap3A_77 = arith.constant 0 : index
    %swap3A_78 = vector.load %arg13[%swap3A_76, %swap3A_77] : memref<1000x128xf32, #tpu.memory_space<vmem>>, vector<1000x64xf32>
    tpu.vector_store %arg13[%swap3A_76, %swap3A_77], %mul3A_75 {strides = array<i32>} : memref<1000x128xf32, #tpu.memory_space<vmem>>, vector<1000x64xf32>,
    %slice3A_79 = vector.extract_strided_slice %max3A_67 {offsets = [0, 64], sizes = [1000, 64], strides = [1, 1]} : vector<1000x128xf32> to vector<1000x64xf32>
    %get3A_80 = arith.constant 0 : index
    %get3A_81 = arith.constant 0 : index
    %get3A_82 = vector.load %arg11[%get3A_80, %get3A_81] : memref<64x64xf32, #tpu.memory_space<vmem>>, vector<64x64xf32>
    %dot_general3A_83 = arith.constant dense<0.000000e+00> : vector<1000x64xf32>
    %dot_general3A_84 = tpu.matmul %slice3A_79, %get3A_82, %dot_general3A_83 {dimension_numbers = #tpu.dot_dimension_numbers<[1], [0], [0], [1], [0, 0, 1, 1], [], []>, transpose_lhs_hint = false} : vector<1000x64xf32>, vector<64x64xf32>, vector<1000x64xf32> -> vector<1000x64xf32>
    %mul3A_85 = vector.broadcast %get3A_1 : vector<1000x1xf32> to vector<1000x64xf32>
    %mul3A_86 = arith.mulf %dot_general3A_84, %mul3A_85 : vector<1000x64xf32>
    %swap3A_87 = arith.constant 0 : index
    %swap3A_88 = arith.constant 64 : index
    %swap3A_89 = vector.load %arg13[%swap3A_87, %swap3A_88] : memref<1000x128xf32, #tpu.memory_space<vmem>>, vector<1000x64xf32>
    tpu.vector_store %arg13[%swap3A_87, %swap3A_88], %mul3A_86 {strides = array<i32>} : memref<1000x128xf32, #tpu.memory_space<vmem>>, vector<1000x64xf32>,
    %get3A_90 = arith.constant 0 : index
    %get3A_91 = arith.constant 0 : index
    %get3A_92 = arith.constant 0 : index
    %get3A_93 = vector.load %arg4[%get3A_90, %get3A_91, %get3A_92] : memref<2x1000x128xf32, #tpu.memory_space<vmem>>, vector<1x1000x128xf32>
    %get3A_94 = vector.shape_cast %get3A_93 : vector<1x1000x128xf32> to vector<1000x128xf32>
    %get3A_95 = arith.constant 1 : index
    %get3A_96 = arith.constant 0 : index
    %get3A_97 = arith.constant 0 : index
    %get3A_98 = vector.load %arg4[%get3A_95, %get3A_96, %get3A_97] : memref<2x1000x128xf32, #tpu.memory_space<vmem>>, vector<1x1000x128xf32>
    %get3A_99 = vector.shape_cast %get3A_98 : vector<1x1000x128xf32> to vector<1000x128xf32>
    %add3A_100 = arith.addf %get3A_94, %get3A_99 : vector<1000x128xf32>
    %get3A_101 = arith.constant 0 : index
    %get3A_102 = arith.constant 0 : index
    %get3A_103 = vector.load %arg8[%get3A_101, %get3A_102] : memref<1000x128xf32, #tpu.memory_space<vmem>>, vector<1000x128xf32>
    %add3A_104 = arith.addf %add3A_100, %get3A_103 : vector<1000x128xf32>
    %mul3A_105 = vector.broadcast %get3A_1 : vector<1000x1xf32> to vector<1000x128xf32>
    %mul3A_106 = arith.mulf %add3A_104, %mul3A_105 : vector<1000x128xf32>
    %add3A_107 = vector.broadcast %concatenate3A : vector<1x128xf32> to vector<1000x128xf32>
    %add3A_108 = arith.addf %mul3A_106, %add3A_107 : vector<1000x128xf32>
    %max3A_109 = arith.constant 0.000000e+00 : f32
    %max3A_110 = vector.broadcast %max3A_109 : f32 to vector<1000x128xf32>
    %max3A_111 = arith.maximumf %add3A_108, %max3A_110 : vector<1000x128xf32>
    %slice3A_112 = vector.extract_strided_slice %max3A_111 {offsets = [0, 0], sizes = [1000, 64], strides = [1, 1]} : vector<1000x128xf32> to vector<1000x64xf32>
    %get3A_113 = arith.constant 0 : index
    %get3A_114 = arith.constant 0 : index
    %get3A_115 = vector.load %arg11[%get3A_113, %get3A_114] : memref<64x64xf32, #tpu.memory_space<vmem>>, vector<64x64xf32>
    %dot_general3A_116 = arith.constant dense<0.000000e+00> : vector<1000x64xf32>
    %dot_general3A_117 = tpu.matmul %slice3A_112, %get3A_115, %dot_general3A_116 {dimension_numbers = #tpu.dot_dimension_numbers<[1], [0], [0], [1], [0, 0, 1, 1], [], []>, transpose_lhs_hint = false} : vector<1000x64xf32>, vector<64x64xf32>, vector<1000x64xf32> -> vector<1000x64xf32>
    %mul3A_118 = vector.broadcast %get3A_1 : vector<1000x1xf32> to vector<1000x64xf32>
    %mul3A_119 = arith.mulf %dot_general3A_117, %mul3A_118 : vector<1000x64xf32>
    %swap3A_120 = arith.constant 0 : index
    %swap3A_121 = arith.constant 0 : index
    %swap3A_122 = vector.load %arg14[%swap3A_120, %swap3A_121] : memref<1000x128xf32, #tpu.memory_space<vmem>>, vector<1000x64xf32>
    tpu.vector_store %arg14[%swap3A_120, %swap3A_121], %mul3A_119 {strides = array<i32>} : memref<1000x128xf32, #tpu.memory_space<vmem>>, vector<1000x64xf32>,
    %slice3A_123 = vector.extract_strided_slice %max3A_111 {offsets = [0, 64], sizes = [1000, 64], strides = [1, 1]} : vector<1000x128xf32> to vector<1000x64xf32>
    %get3A_124 = arith.constant 0 : index
    %get3A_125 = arith.constant 0 : index
    %get3A_126 = vector.load %arg11[%get3A_124, %get3A_125] : memref<64x64xf32, #tpu.memory_space<vmem>>, vector<64x64xf32>
    %dot_general3A_127 = arith.constant dense<0.000000e+00> : vector<1000x64xf32>
    %dot_general3A_128 = tpu.matmul %slice3A_123, %get3A_126, %dot_general3A_127 {dimension_numbers = #tpu.dot_dimension_numbers<[1], [0], [0], [1], [0, 0, 1, 1], [], []>, transpose_lhs_hint = false} : vector<1000x64xf32>, vector<64x64xf32>, vector<1000x64xf32> -> vector<1000x64xf32>
    %mul3A_129 = vector.broadcast %get3A_1 : vector<1000x1xf32> to vector<1000x64xf32>
    %mul3A_130 = arith.mulf %dot_general3A_128, %mul3A_129 : vector<1000x64xf32>
    %swap3A_131 = arith.constant 0 : index
    %swap3A_132 = arith.constant 64 : index
    %swap3A_133 = vector.load %arg14[%swap3A_131, %swap3A_132] : memref<1000x128xf32, #tpu.memory_space<vmem>>, vector<1000x64xf32>
    tpu.vector_store %arg14[%swap3A_131, %swap3A_132], %mul3A_130 {strides = array<i32>} : memref<1000x128xf32, #tpu.memory_space<vmem>>, vector<1000x64xf32>,
    %get3A_134 = arith.constant 0 : index
    %get3A_135 = arith.constant 0 : index
    %get3A_136 = arith.constant 0 : index
    %get3A_137 = vector.load %arg5[%get3A_134, %get3A_135, %get3A_136] : memref<2x1000x128xf32, #tpu.memory_space<vmem>>, vector<1x1000x128xf32>
    %get3A_138 = vector.shape_cast %get3A_137 : vector<1x1000x128xf32> to vector<1000x128xf32>
    %get3A_139 = arith.constant 1 : index
    %get3A_140 = arith.constant 0 : index
    %get3A_141 = arith.constant 0 : index
    %get3A_142 = vector.load %arg5[%get3A_139, %get3A_140, %get3A_141] : memref<2x1000x128xf32, #tpu.memory_space<vmem>>, vector<1x1000x128xf32>
    %get3A_143 = vector.shape_cast %get3A_142 : vector<1x1000x128xf32> to vector<1000x128xf32>
    %add3A_144 = arith.addf %get3A_138, %get3A_143 : vector<1000x128xf32>
    %get3A_145 = arith.constant 0 : index
    %get3A_146 = arith.constant 0 : index
    %get3A_147 = vector.load %arg9[%get3A_145, %get3A_146] : memref<1000x128xf32, #tpu.memory_space<vmem>>, vector<1000x128xf32>
    %add3A_148 = arith.addf %add3A_144, %get3A_147 : vector<1000x128xf32>
    %mul3A_149 = vector.broadcast %get3A_1 : vector<1000x1xf32> to vector<1000x128xf32>
    %mul3A_150 = arith.mulf %add3A_148, %mul3A_149 : vector<1000x128xf32>
    %add3A_151 = vector.broadcast %concatenate3A : vector<1x128xf32> to vector<1000x128xf32>
    %add3A_152 = arith.addf %mul3A_150, %add3A_151 : vector<1000x128xf32>
    %max3A_153 = arith.constant 0.000000e+00 : f32
    %max3A_154 = vector.broadcast %max3A_153 : f32 to vector<1000x128xf32>
    %max3A_155 = arith.maximumf %add3A_152, %max3A_154 : vector<1000x128xf32>
    %slice3A_156 = vector.extract_strided_slice %max3A_155 {offsets = [0, 0], sizes = [1000, 64], strides = [1, 1]} : vector<1000x128xf32> to vector<1000x64xf32>
    %get3A_157 = arith.constant 0 : index
    %get3A_158 = arith.constant 0 : index
    %get3A_159 = vector.load %arg11[%get3A_157, %get3A_158] : memref<64x64xf32, #tpu.memory_space<vmem>>, vector<64x64xf32>
    %dot_general3A_160 = arith.constant dense<0.000000e+00> : vector<1000x64xf32>
    %dot_general3A_161 = tpu.matmul %slice3A_156, %get3A_159, %dot_general3A_160 {dimension_numbers = #tpu.dot_dimension_numbers<[1], [0], [0], [1], [0, 0, 1, 1], [], []>, transpose_lhs_hint = false} : vector<1000x64xf32>, vector<64x64xf32>, vector<1000x64xf32> -> vector<1000x64xf32>
    %mul3A_162 = vector.broadcast %get3A_1 : vector<1000x1xf32> to vector<1000x64xf32>
    %mul3A_163 = arith.mulf %dot_general3A_161, %mul3A_162 : vector<1000x64xf32>
    %swap3A_164 = arith.constant 0 : index
    %swap3A_165 = arith.constant 0 : index
    %swap3A_166 = vector.load %arg15[%swap3A_164, %swap3A_165] : memref<1000x128xf32, #tpu.memory_space<vmem>>, vector<1000x64xf32>
    tpu.vector_store %arg15[%swap3A_164, %swap3A_165], %mul3A_163 {strides = array<i32>} : memref<1000x128xf32, #tpu.memory_space<vmem>>, vector<1000x64xf32>,
    %slice3A_167 = vector.extract_strided_slice %max3A_155 {offsets = [0, 64], sizes = [1000, 64], strides = [1, 1]} : vector<1000x128xf32> to vector<1000x64xf32>
    %get3A_168 = arith.constant 0 : index
    %get3A_169 = arith.constant 0 : index
    %get3A_170 = vector.load %arg11[%get3A_168, %get3A_169] : memref<64x64xf32, #tpu.memory_space<vmem>>, vector<64x64xf32>
    %dot_general3A_171 = arith.constant dense<0.000000e+00> : vector<1000x64xf32>
    %dot_general3A_172 = tpu.matmul %slice3A_167, %get3A_170, %dot_general3A_171 {dimension_numbers = #tpu.dot_dimension_numbers<[1], [0], [0], [1], [0, 0, 1, 1], [], []>, transpose_lhs_hint = false} : vector<1000x64xf32>, vector<64x64xf32>, vector<1000x64xf32> -> vector<1000x64xf32>
    %mul3A_173 = vector.broadcast %get3A_1 : vector<1000x1xf32> to vector<1000x64xf32>
    %mul3A_174 = arith.mulf %dot_general3A_172, %mul3A_173 : vector<1000x64xf32>
    %swap3A_175 = arith.constant 0 : index
    %swap3A_176 = arith.constant 64 : index
    %swap3A_177 = vector.load %arg15[%swap3A_175, %swap3A_176] : memref<1000x128xf32, #tpu.memory_space<vmem>>, vector<1000x64xf32>
    tpu.vector_store %arg15[%swap3A_175, %swap3A_176], %mul3A_174 {strides = array<i32>} : memref<1000x128xf32, #tpu.memory_space<vmem>>, vector<1000x64xf32>,
    return
  }
  func.func @transform_0(%arg0: i32) -> (i32, i32) {
    %c0_i32 = arith.constant 0 : i32
    %c0_i32_0 = arith.constant 0 : i32
    return %arg0, %c0_i32 : i32, i32
  }
  func.func @transform_1(%arg0: i32) -> (i32, i32, i32) {
    %c0_i32 = arith.constant 0 : i32
    %c0_i32_0 = arith.constant 0 : i32
    %c0_i32_1 = arith.constant 0 : i32
    return %c0_i32, %arg0, %c0_i32_0 : i32, i32, i32
  }
  func.func @transform_2(%arg0: i32) -> (i32, i32, i32) {
    %c0_i32 = arith.constant 0 : i32
    %c0_i32_0 = arith.constant 0 : i32
    %c0_i32_1 = arith.constant 0 : i32
    return %c0_i32, %arg0, %c0_i32_0 : i32, i32, i32
  }
  func.func @transform_3(%arg0: i32) -> (i32, i32, i32) {
    %c0_i32 = arith.constant 0 : i32
    %c0_i32_0 = arith.constant 0 : i32
    %c0_i32_1 = arith.constant 0 : i32
    return %c0_i32, %arg0, %c0_i32_0 : i32, i32, i32
  }
  func.func @transform_4(%arg0: i32) -> (i32, i32, i32) {
    %c0_i32 = arith.constant 0 : i32
    %c0_i32_0 = arith.constant 0 : i32
    %c0_i32_1 = arith.constant 0 : i32
    return %c0_i32, %arg0, %c0_i32_0 : i32, i32, i32
  }
  func.func @transform_5(%arg0: i32) -> (i32, i32) {
    %c0_i32 = arith.constant 0 : i32
    %c0_i32_0 = arith.constant 0 : i32
    return %arg0, %c0_i32 : i32, i32
  }
  func.func @transform_6(%arg0: i32) -> (i32, i32) {
    %c0_i32 = arith.constant 0 : i32
    %c0_i32_0 = arith.constant 0 : i32
    return %arg0, %c0_i32 : i32, i32
  }
  func.func @transform_7(%arg0: i32) -> (i32, i32) {
    %c0_i32 = arith.constant 0 : i32
    %c0_i32_0 = arith.constant 0 : i32
    return %arg0, %c0_i32 : i32, i32
  }
  func.func @transform_8(%arg0: i32) -> (i32, i32) {
    %c0_i32 = arith.constant 0 : i32
    %c0_i32_0 = arith.constant 0 : i32
    return %arg0, %c0_i32 : i32, i32
  }
  func.func @transform_9(%arg0: i32) -> (i32, i32) {
    %c0_i32 = arith.constant 0 : i32
    %c0_i32_0 = arith.constant 0 : i32
    %c0_i32_1 = arith.constant 0 : i32
    return %c0_i32, %c0_i32_0 : i32, i32
  }
  func.func @transform_10(%arg0: i32) -> (i32, i32) {
    %c0_i32 = arith.constant 0 : i32
    %c0_i32_0 = arith.constant 0 : i32
    %c0_i32_1 = arith.constant 0 : i32
    return %c0_i32, %c0_i32_0 : i32, i32
  }
  func.func @transform_11(%arg0: i32) -> (i32, i32) {
    %c0_i32 = arith.constant 0 : i32
    %c0_i32_0 = arith.constant 0 : i32
    return %arg0, %c0_i32 : i32, i32
  }
  func.func @transform_12(%arg0: i32) -> (i32, i32) {
    %c0_i32 = arith.constant 0 : i32
    %c0_i32_0 = arith.constant 0 : i32
    return %arg0, %c0_i32 : i32, i32
  }
  func.func @transform_13(%arg0: i32) -> (i32, i32) {
    %c0_i32 = arith.constant 0 : i32
    %c0_i32_0 = arith.constant 0 : i32
    return %arg0, %c0_i32 : i32, i32
  }
  func.func @transform_14(%arg0: i32) -> (i32, i32) {
    %c0_i32 = arith.constant 0 : i32
    %c0_i32_0 = arith.constant 0 : i32
    return %arg0, %c0_i32 : i32, i32
  }
}

module attributes {stable_mosaic.version = 14 : i64} {
  func.func @_lstm_body(%arg0: i32, %arg1: memref<1000x8xf32, #tpu.memory_space<vmem>>, %arg2: memref<2x1000x128xf32, #tpu.memory_space<vmem>>, %arg3: memref<2x1000x128xf32, #tpu.memory_space<vmem>>, %arg4: memref<2x1000x128xf32, #tpu.memory_space<vmem>>, %arg5: memref<2x1000x128xf32, #tpu.memory_space<vmem>>, %arg6: memref<1000x128xf32, #tpu.memory_space<vmem>>, %arg7: memref<1000x128xf32, #tpu.memory_space<vmem>>, %arg8: memref<1000x128xf32, #tpu.memory_space<vmem>>, %arg9: memref<1000x128xf32, #tpu.memory_space<vmem>>, %arg10: memref<1x64xf32, #tpu.memory_space<vmem>>, %arg11: memref<64x256xf32, #tpu.memory_space<vmem>>, %arg12: memref<64x256xf32, #tpu.memory_space<vmem>>, %arg13: memref<1x256xf32, #tpu.memory_space<vmem>>, %arg14: memref<64x128xf32, #tpu.memory_space<vmem>>, %arg15: memref<1x128xf32, #tpu.memory_space<vmem>>, %arg16: memref<2x1000x128xf32, #tpu.memory_space<vmem>>) attributes {dimension_semantics = [#tpu.dimension_semantics<arbitrary>], iteration_bounds = array<i64: 10>, scalar_prefetch = 0 : i64, scratch_operands = 0 : i64, tpu.core_type = #tpu.core_type<tc>, window_params = [{transform_indices = @transform_0, window_bounds = array<i64: 1000, 8>}, {transform_indices = @transform_1, window_bounds = array<i64: 2, 1000, 128>}, {transform_indices = @transform_2, window_bounds = array<i64: 2, 1000, 128>}, {transform_indices = @transform_3, window_bounds = array<i64: 2, 1000, 128>}, {transform_indices = @transform_4, window_bounds = array<i64: 2, 1000, 128>}, {transform_indices = @transform_5, window_bounds = array<i64: 1000, 128>}, {transform_indices = @transform_6, window_bounds = array<i64: 1000, 128>}, {transform_indices = @transform_7, window_bounds = array<i64: 1000, 128>}, {transform_indices = @transform_8, window_bounds = array<i64: 1000, 128>}, {pipeline_mode = #tpu.pipeline_mode<synchronous>, transform_indices = @transform_9, window_bounds = array<i64: 1, 64>}, {pipeline_mode = #tpu.pipeline_mode<synchronous>, transform_indices = @transform_10, window_bounds = array<i64: 64, 256>}, {pipeline_mode = #tpu.pipeline_mode<synchronous>, transform_indices = @transform_11, window_bounds = array<i64: 64, 256>}, {pipeline_mode = #tpu.pipeline_mode<synchronous>, transform_indices = @transform_12, window_bounds = array<i64: 1, 256>}, {pipeline_mode = #tpu.pipeline_mode<synchronous>, transform_indices = @transform_13, window_bounds = array<i64: 64, 128>}, {pipeline_mode = #tpu.pipeline_mode<synchronous>, transform_indices = @transform_14, window_bounds = array<i64: 1, 128>}, {transform_indices = @transform_15, window_bounds = array<i64: 2, 1000, 128>}]} {
    %get3A = arith.constant 0 : index
    %get3A_0 = arith.constant 0 : index
    %get3A_1 = vector.load %arg1[%get3A, %get3A_0] : memref<1000x8xf32, #tpu.memory_space<vmem>>, vector<1000x1xf32>
    %get3A_2 = arith.constant 0 : index
    %get3A_3 = arith.constant 0 : index
    %get3A_4 = vector.load %arg10[%get3A_2, %get3A_3] : memref<1x64xf32, #tpu.memory_space<vmem>>, vector<1x64xf32>
    %get3A_5 = arith.constant 0 : index
    %get3A_6 = arith.constant 0 : index
    %get3A_7 = vector.load %arg10[%get3A_5, %get3A_6] : memref<1x64xf32, #tpu.memory_space<vmem>>, vector<1x64xf32>
    %concatenate3A = tpu.concatenate %get3A_4, %get3A_7 in 1 : vector<1x64xf32>, vector<1x64xf32> -> vector<1x128xf32>
    %get3A_8 = arith.constant 0 : index
    %get3A_9 = arith.constant 0 : index
    %get3A_10 = arith.constant 0 : index
    %get3A_11 = vector.load %arg2[%get3A_8, %get3A_9, %get3A_10] : memref<2x1000x128xf32, #tpu.memory_space<vmem>>, vector<1x1000x128xf32>
    %get3A_12 = vector.shape_cast %get3A_11 : vector<1x1000x128xf32> to vector<1000x128xf32>
    %get3A_13 = arith.constant 1 : index
    %get3A_14 = arith.constant 0 : index
    %get3A_15 = arith.constant 0 : index
    %get3A_16 = vector.load %arg2[%get3A_13, %get3A_14, %get3A_15] : memref<2x1000x128xf32, #tpu.memory_space<vmem>>, vector<1x1000x128xf32>
    %get3A_17 = vector.shape_cast %get3A_16 : vector<1x1000x128xf32> to vector<1000x128xf32>
    %add3A = arith.addf %get3A_12, %get3A_17 : vector<1000x128xf32>
    %get3A_18 = arith.constant 0 : index
    %get3A_19 = arith.constant 0 : index
    %get3A_20 = vector.load %arg6[%get3A_18, %get3A_19] : memref<1000x128xf32, #tpu.memory_space<vmem>>, vector<1000x128xf32>
    %add3A_21 = arith.addf %add3A, %get3A_20 : vector<1000x128xf32>
    %mul3A = vector.broadcast %get3A_1 : vector<1000x1xf32> to vector<1000x128xf32>
    %mul3A_22 = arith.mulf %add3A_21, %mul3A : vector<1000x128xf32>
    %add3A_23 = vector.broadcast %concatenate3A : vector<1x128xf32> to vector<1000x128xf32>
    %add3A_24 = arith.addf %mul3A_22, %add3A_23 : vector<1000x128xf32>
    %slice3A = vector.extract_strided_slice %add3A_24 {offsets = [0, 0], sizes = [1000, 64], strides = [1, 1]} : vector<1000x128xf32> to vector<1000x64xf32>
    %slice3A_25 = vector.extract_strided_slice %add3A_24 {offsets = [0, 64], sizes = [1000, 64], strides = [1, 1]} : vector<1000x128xf32> to vector<1000x64xf32>
    %get3A_26 = arith.constant 0 : index
    %get3A_27 = arith.constant 0 : index
    %get3A_28 = arith.constant 0 : index
    %get3A_29 = vector.load %arg3[%get3A_26, %get3A_27, %get3A_28] : memref<2x1000x128xf32, #tpu.memory_space<vmem>>, vector<1x1000x128xf32>
    %get3A_30 = vector.shape_cast %get3A_29 : vector<1x1000x128xf32> to vector<1000x128xf32>
    %get3A_31 = arith.constant 1 : index
    %get3A_32 = arith.constant 0 : index
    %get3A_33 = arith.constant 0 : index
    %get3A_34 = vector.load %arg3[%get3A_31, %get3A_32, %get3A_33] : memref<2x1000x128xf32, #tpu.memory_space<vmem>>, vector<1x1000x128xf32>
    %get3A_35 = vector.shape_cast %get3A_34 : vector<1x1000x128xf32> to vector<1000x128xf32>
    %add3A_36 = arith.addf %get3A_30, %get3A_35 : vector<1000x128xf32>
    %get3A_37 = arith.constant 0 : index
    %get3A_38 = arith.constant 0 : index
    %get3A_39 = vector.load %arg7[%get3A_37, %get3A_38] : memref<1000x128xf32, #tpu.memory_space<vmem>>, vector<1000x128xf32>
    %add3A_40 = arith.addf %add3A_36, %get3A_39 : vector<1000x128xf32>
    %mul3A_41 = vector.broadcast %get3A_1 : vector<1000x1xf32> to vector<1000x128xf32>
    %mul3A_42 = arith.mulf %add3A_40, %mul3A_41 : vector<1000x128xf32>
    %add3A_43 = vector.broadcast %concatenate3A : vector<1x128xf32> to vector<1000x128xf32>
    %add3A_44 = arith.addf %mul3A_42, %add3A_43 : vector<1000x128xf32>
    %slice3A_45 = vector.extract_strided_slice %add3A_44 {offsets = [0, 0], sizes = [1000, 64], strides = [1, 1]} : vector<1000x128xf32> to vector<1000x64xf32>
    %slice3A_46 = vector.extract_strided_slice %add3A_44 {offsets = [0, 64], sizes = [1000, 64], strides = [1, 1]} : vector<1000x128xf32> to vector<1000x64xf32>
    %get3A_47 = arith.constant 0 : index
    %get3A_48 = arith.constant 0 : index
    %get3A_49 = arith.constant 0 : index
    %get3A_50 = vector.load %arg4[%get3A_47, %get3A_48, %get3A_49] : memref<2x1000x128xf32, #tpu.memory_space<vmem>>, vector<1x1000x128xf32>
    %get3A_51 = vector.shape_cast %get3A_50 : vector<1x1000x128xf32> to vector<1000x128xf32>
    %get3A_52 = arith.constant 1 : index
    %get3A_53 = arith.constant 0 : index
    %get3A_54 = arith.constant 0 : index
    %get3A_55 = vector.load %arg4[%get3A_52, %get3A_53, %get3A_54] : memref<2x1000x128xf32, #tpu.memory_space<vmem>>, vector<1x1000x128xf32>
    %get3A_56 = vector.shape_cast %get3A_55 : vector<1x1000x128xf32> to vector<1000x128xf32>
    %add3A_57 = arith.addf %get3A_51, %get3A_56 : vector<1000x128xf32>
    %get3A_58 = arith.constant 0 : index
    %get3A_59 = arith.constant 0 : index
    %get3A_60 = vector.load %arg8[%get3A_58, %get3A_59] : memref<1000x128xf32, #tpu.memory_space<vmem>>, vector<1000x128xf32>
    %add3A_61 = arith.addf %add3A_57, %get3A_60 : vector<1000x128xf32>
    %mul3A_62 = vector.broadcast %get3A_1 : vector<1000x1xf32> to vector<1000x128xf32>
    %mul3A_63 = arith.mulf %add3A_61, %mul3A_62 : vector<1000x128xf32>
    %add3A_64 = vector.broadcast %concatenate3A : vector<1x128xf32> to vector<1000x128xf32>
    %add3A_65 = arith.addf %mul3A_63, %add3A_64 : vector<1000x128xf32>
    %slice3A_66 = vector.extract_strided_slice %add3A_65 {offsets = [0, 0], sizes = [1000, 64], strides = [1, 1]} : vector<1000x128xf32> to vector<1000x64xf32>
    %slice3A_67 = vector.extract_strided_slice %add3A_65 {offsets = [0, 64], sizes = [1000, 64], strides = [1, 1]} : vector<1000x128xf32> to vector<1000x64xf32>
    %get3A_68 = arith.constant 0 : index
    %get3A_69 = arith.constant 0 : index
    %get3A_70 = arith.constant 0 : index
    %get3A_71 = vector.load %arg5[%get3A_68, %get3A_69, %get3A_70] : memref<2x1000x128xf32, #tpu.memory_space<vmem>>, vector<1x1000x128xf32>
    %get3A_72 = vector.shape_cast %get3A_71 : vector<1x1000x128xf32> to vector<1000x128xf32>
    %get3A_73 = arith.constant 1 : index
    %get3A_74 = arith.constant 0 : index
    %get3A_75 = arith.constant 0 : index
    %get3A_76 = vector.load %arg5[%get3A_73, %get3A_74, %get3A_75] : memref<2x1000x128xf32, #tpu.memory_space<vmem>>, vector<1x1000x128xf32>
    %get3A_77 = vector.shape_cast %get3A_76 : vector<1x1000x128xf32> to vector<1000x128xf32>
    %add3A_78 = arith.addf %get3A_72, %get3A_77 : vector<1000x128xf32>
    %get3A_79 = arith.constant 0 : index
    %get3A_80 = arith.constant 0 : index
    %get3A_81 = vector.load %arg9[%get3A_79, %get3A_80] : memref<1000x128xf32, #tpu.memory_space<vmem>>, vector<1000x128xf32>
    %add3A_82 = arith.addf %add3A_78, %get3A_81 : vector<1000x128xf32>
    %mul3A_83 = vector.broadcast %get3A_1 : vector<1000x1xf32> to vector<1000x128xf32>
    %mul3A_84 = arith.mulf %add3A_82, %mul3A_83 : vector<1000x128xf32>
    %add3A_85 = vector.broadcast %concatenate3A : vector<1x128xf32> to vector<1000x128xf32>
    %add3A_86 = arith.addf %mul3A_84, %add3A_85 : vector<1000x128xf32>
    %slice3A_87 = vector.extract_strided_slice %add3A_86 {offsets = [0, 0], sizes = [1000, 64], strides = [1, 1]} : vector<1000x128xf32> to vector<1000x64xf32>
    %slice3A_88 = vector.extract_strided_slice %add3A_86 {offsets = [0, 64], sizes = [1000, 64], strides = [1, 1]} : vector<1000x128xf32> to vector<1000x64xf32>
    %broadcast_in_dim3A = arith.constant 0.000000e+00 : f32
    %broadcast_in_dim3A_89 = vector.broadcast %broadcast_in_dim3A : f32 to vector<2000x64xf32>
    %broadcast_in_dim3A_90 = arith.constant 0.000000e+00 : f32
    %broadcast_in_dim3A_91 = vector.broadcast %broadcast_in_dim3A_90 : f32 to vector<2000x64xf32>
    %get3A_92 = arith.constant 0 : index
    %get3A_93 = arith.constant 0 : index
    %get3A_94 = vector.load %arg11[%get3A_92, %get3A_93] : memref<64x256xf32, #tpu.memory_space<vmem>>, vector<64x256xf32>
    %get3A_95 = arith.constant 0 : index
    %get3A_96 = arith.constant 0 : index
    %get3A_97 = vector.load %arg12[%get3A_95, %get3A_96] : memref<64x256xf32, #tpu.memory_space<vmem>>, vector<64x256xf32>
    %get3A_98 = arith.constant 0 : index
    %get3A_99 = arith.constant 0 : index
    %get3A_100 = vector.load %arg13[%get3A_98, %get3A_99] : memref<1x256xf32, #tpu.memory_space<vmem>>, vector<1x256xf32>
    %concatenate3A_101 = tpu.concatenate %slice3A, %slice3A_66 in 0 : vector<1000x64xf32>, vector<1000x64xf32> -> vector<2000x64xf32>
    %dot_general3A = arith.constant dense<0.000000e+00> : vector<2000x256xf32>
    %dot_general3A_102 = tpu.matmul %concatenate3A_101, %get3A_94, %dot_general3A {dimension_numbers = #tpu.dot_dimension_numbers<[1], [0], [0], [1], [0, 0, 1, 1], [], []>, transpose_lhs_hint = false} : vector<2000x64xf32>, vector<64x256xf32>, vector<2000x256xf32> -> vector<2000x256xf32>
    %dot_general3A_103 = arith.constant dense<0.000000e+00> : vector<2000x256xf32>
    %dot_general3A_104 = tpu.matmul %broadcast_in_dim3A_89, %get3A_97, %dot_general3A_103 {dimension_numbers = #tpu.dot_dimension_numbers<[1], [0], [0], [1], [0, 0, 1, 1], [], []>, transpose_lhs_hint = false} : vector<2000x64xf32>, vector<64x256xf32>, vector<2000x256xf32> -> vector<2000x256xf32>
    %add3A_105 = arith.addf %dot_general3A_102, %dot_general3A_104 : vector<2000x256xf32>
    %add3A_106 = vector.broadcast %get3A_100 : vector<1x256xf32> to vector<2000x256xf32>
    %add3A_107 = arith.addf %add3A_105, %add3A_106 : vector<2000x256xf32>
    %slice3A_108 = vector.extract_strided_slice %add3A_107 {offsets = [0, 0], sizes = [2000, 64], strides = [1, 1]} : vector<2000x256xf32> to vector<2000x64xf32>
    %logistic3A = arith.negf %slice3A_108 : vector<2000x64xf32>
    %logistic3A_109 = math.exp %logistic3A : vector<2000x64xf32>
    %logistic3A_110 = arith.constant 1.000000e+00 : f32
    %logistic3A_111 = vector.broadcast %logistic3A_110 : f32 to vector<2000x64xf32>
    %logistic3A_112 = arith.addf %logistic3A_111, %logistic3A_109 : vector<2000x64xf32>
    %logistic3A_113 = arith.divf %logistic3A_111, %logistic3A_112 : vector<2000x64xf32>
    %slice3A_114 = vector.extract_strided_slice %add3A_107 {offsets = [0, 64], sizes = [2000, 64], strides = [1, 1]} : vector<2000x256xf32> to vector<2000x64xf32>
    %logistic3A_115 = arith.negf %slice3A_114 : vector<2000x64xf32>
    %logistic3A_116 = math.exp %logistic3A_115 : vector<2000x64xf32>
    %logistic3A_117 = arith.constant 1.000000e+00 : f32
    %logistic3A_118 = vector.broadcast %logistic3A_117 : f32 to vector<2000x64xf32>
    %logistic3A_119 = arith.addf %logistic3A_118, %logistic3A_116 : vector<2000x64xf32>
    %logistic3A_120 = arith.divf %logistic3A_118, %logistic3A_119 : vector<2000x64xf32>
    %slice3A_121 = vector.extract_strided_slice %add3A_107 {offsets = [0, 128], sizes = [2000, 64], strides = [1, 1]} : vector<2000x256xf32> to vector<2000x64xf32>
    %tanh3A = math.tanh %slice3A_121 : vector<2000x64xf32>
    %slice3A_122 = vector.extract_strided_slice %add3A_107 {offsets = [0, 192], sizes = [2000, 64], strides = [1, 1]} : vector<2000x256xf32> to vector<2000x64xf32>
    %logistic3A_123 = arith.negf %slice3A_122 : vector<2000x64xf32>
    %logistic3A_124 = math.exp %logistic3A_123 : vector<2000x64xf32>
    %logistic3A_125 = arith.constant 1.000000e+00 : f32
    %logistic3A_126 = vector.broadcast %logistic3A_125 : f32 to vector<2000x64xf32>
    %logistic3A_127 = arith.addf %logistic3A_126, %logistic3A_124 : vector<2000x64xf32>
    %logistic3A_128 = arith.divf %logistic3A_126, %logistic3A_127 : vector<2000x64xf32>
    %mul3A_129 = arith.mulf %logistic3A_120, %broadcast_in_dim3A_91 : vector<2000x64xf32>
    %mul3A_130 = arith.mulf %logistic3A_113, %tanh3A : vector<2000x64xf32>
    %add3A_131 = arith.addf %mul3A_129, %mul3A_130 : vector<2000x64xf32>
    %tanh3A_132 = math.tanh %add3A_131 : vector<2000x64xf32>
    %mul3A_133 = arith.mulf %logistic3A_128, %tanh3A_132 : vector<2000x64xf32>
    %concatenate3A_134 = tpu.concatenate %slice3A_25, %slice3A_67 in 0 : vector<1000x64xf32>, vector<1000x64xf32> -> vector<2000x64xf32>
    %dot_general3A_135 = arith.constant dense<0.000000e+00> : vector<2000x256xf32>
    %dot_general3A_136 = tpu.matmul %concatenate3A_134, %get3A_94, %dot_general3A_135 {dimension_numbers = #tpu.dot_dimension_numbers<[1], [0], [0], [1], [0, 0, 1, 1], [], []>, transpose_lhs_hint = false} : vector<2000x64xf32>, vector<64x256xf32>, vector<2000x256xf32> -> vector<2000x256xf32>
    %dot_general3A_137 = arith.constant dense<0.000000e+00> : vector<2000x256xf32>
    %dot_general3A_138 = tpu.matmul %mul3A_133, %get3A_97, %dot_general3A_137 {dimension_numbers = #tpu.dot_dimension_numbers<[1], [0], [0], [1], [0, 0, 1, 1], [], []>, transpose_lhs_hint = false} : vector<2000x64xf32>, vector<64x256xf32>, vector<2000x256xf32> -> vector<2000x256xf32>
    %add3A_139 = arith.addf %dot_general3A_136, %dot_general3A_138 : vector<2000x256xf32>
    %add3A_140 = vector.broadcast %get3A_100 : vector<1x256xf32> to vector<2000x256xf32>
    %add3A_141 = arith.addf %add3A_139, %add3A_140 : vector<2000x256xf32>
    %slice3A_142 = vector.extract_strided_slice %add3A_141 {offsets = [0, 0], sizes = [2000, 64], strides = [1, 1]} : vector<2000x256xf32> to vector<2000x64xf32>
    %logistic3A_143 = arith.negf %slice3A_142 : vector<2000x64xf32>
    %logistic3A_144 = math.exp %logistic3A_143 : vector<2000x64xf32>
    %logistic3A_145 = arith.constant 1.000000e+00 : f32
    %logistic3A_146 = vector.broadcast %logistic3A_145 : f32 to vector<2000x64xf32>
    %logistic3A_147 = arith.addf %logistic3A_146, %logistic3A_144 : vector<2000x64xf32>
    %logistic3A_148 = arith.divf %logistic3A_146, %logistic3A_147 : vector<2000x64xf32>
    %slice3A_149 = vector.extract_strided_slice %add3A_141 {offsets = [0, 64], sizes = [2000, 64], strides = [1, 1]} : vector<2000x256xf32> to vector<2000x64xf32>
    %logistic3A_150 = arith.negf %slice3A_149 : vector<2000x64xf32>
    %logistic3A_151 = math.exp %logistic3A_150 : vector<2000x64xf32>
    %logistic3A_152 = arith.constant 1.000000e+00 : f32
    %logistic3A_153 = vector.broadcast %logistic3A_152 : f32 to vector<2000x64xf32>
    %logistic3A_154 = arith.addf %logistic3A_153, %logistic3A_151 : vector<2000x64xf32>
    %logistic3A_155 = arith.divf %logistic3A_153, %logistic3A_154 : vector<2000x64xf32>
    %slice3A_156 = vector.extract_strided_slice %add3A_141 {offsets = [0, 128], sizes = [2000, 64], strides = [1, 1]} : vector<2000x256xf32> to vector<2000x64xf32>
    %tanh3A_157 = math.tanh %slice3A_156 : vector<2000x64xf32>
    %slice3A_158 = vector.extract_strided_slice %add3A_141 {offsets = [0, 192], sizes = [2000, 64], strides = [1, 1]} : vector<2000x256xf32> to vector<2000x64xf32>
    %logistic3A_159 = arith.negf %slice3A_158 : vector<2000x64xf32>
    %logistic3A_160 = math.exp %logistic3A_159 : vector<2000x64xf32>
    %logistic3A_161 = arith.constant 1.000000e+00 : f32
    %logistic3A_162 = vector.broadcast %logistic3A_161 : f32 to vector<2000x64xf32>
    %logistic3A_163 = arith.addf %logistic3A_162, %logistic3A_160 : vector<2000x64xf32>
    %logistic3A_164 = arith.divf %logistic3A_162, %logistic3A_163 : vector<2000x64xf32>
    %mul3A_165 = arith.mulf %logistic3A_155, %add3A_131 : vector<2000x64xf32>
    %mul3A_166 = arith.mulf %logistic3A_148, %tanh3A_157 : vector<2000x64xf32>
    %add3A_167 = arith.addf %mul3A_165, %mul3A_166 : vector<2000x64xf32>
    %tanh3A_168 = math.tanh %add3A_167 : vector<2000x64xf32>
    %mul3A_169 = arith.mulf %logistic3A_164, %tanh3A_168 : vector<2000x64xf32>
    %concatenate3A_170 = tpu.concatenate %slice3A_45, %slice3A_87 in 0 : vector<1000x64xf32>, vector<1000x64xf32> -> vector<2000x64xf32>
    %dot_general3A_171 = arith.constant dense<0.000000e+00> : vector<2000x256xf32>
    %dot_general3A_172 = tpu.matmul %concatenate3A_170, %get3A_94, %dot_general3A_171 {dimension_numbers = #tpu.dot_dimension_numbers<[1], [0], [0], [1], [0, 0, 1, 1], [], []>, transpose_lhs_hint = false} : vector<2000x64xf32>, vector<64x256xf32>, vector<2000x256xf32> -> vector<2000x256xf32>
    %dot_general3A_173 = arith.constant dense<0.000000e+00> : vector<2000x256xf32>
    %dot_general3A_174 = tpu.matmul %mul3A_169, %get3A_97, %dot_general3A_173 {dimension_numbers = #tpu.dot_dimension_numbers<[1], [0], [0], [1], [0, 0, 1, 1], [], []>, transpose_lhs_hint = false} : vector<2000x64xf32>, vector<64x256xf32>, vector<2000x256xf32> -> vector<2000x256xf32>
    %add3A_175 = arith.addf %dot_general3A_172, %dot_general3A_174 : vector<2000x256xf32>
    %add3A_176 = vector.broadcast %get3A_100 : vector<1x256xf32> to vector<2000x256xf32>
    %add3A_177 = arith.addf %add3A_175, %add3A_176 : vector<2000x256xf32>
    %slice3A_178 = vector.extract_strided_slice %add3A_177 {offsets = [0, 0], sizes = [2000, 64], strides = [1, 1]} : vector<2000x256xf32> to vector<2000x64xf32>
    %logistic3A_179 = arith.negf %slice3A_178 : vector<2000x64xf32>
    %logistic3A_180 = math.exp %logistic3A_179 : vector<2000x64xf32>
    %logistic3A_181 = arith.constant 1.000000e+00 : f32
    %logistic3A_182 = vector.broadcast %logistic3A_181 : f32 to vector<2000x64xf32>
    %logistic3A_183 = arith.addf %logistic3A_182, %logistic3A_180 : vector<2000x64xf32>
    %logistic3A_184 = arith.divf %logistic3A_182, %logistic3A_183 : vector<2000x64xf32>
    %slice3A_185 = vector.extract_strided_slice %add3A_177 {offsets = [0, 64], sizes = [2000, 64], strides = [1, 1]} : vector<2000x256xf32> to vector<2000x64xf32>
    %logistic3A_186 = arith.negf %slice3A_185 : vector<2000x64xf32>
    %logistic3A_187 = math.exp %logistic3A_186 : vector<2000x64xf32>
    %logistic3A_188 = arith.constant 1.000000e+00 : f32
    %logistic3A_189 = vector.broadcast %logistic3A_188 : f32 to vector<2000x64xf32>
    %logistic3A_190 = arith.addf %logistic3A_189, %logistic3A_187 : vector<2000x64xf32>
    %logistic3A_191 = arith.divf %logistic3A_189, %logistic3A_190 : vector<2000x64xf32>
    %slice3A_192 = vector.extract_strided_slice %add3A_177 {offsets = [0, 128], sizes = [2000, 64], strides = [1, 1]} : vector<2000x256xf32> to vector<2000x64xf32>
    %tanh3A_193 = math.tanh %slice3A_192 : vector<2000x64xf32>
    %slice3A_194 = vector.extract_strided_slice %add3A_177 {offsets = [0, 192], sizes = [2000, 64], strides = [1, 1]} : vector<2000x256xf32> to vector<2000x64xf32>
    %logistic3A_195 = arith.negf %slice3A_194 : vector<2000x64xf32>
    %logistic3A_196 = math.exp %logistic3A_195 : vector<2000x64xf32>
    %logistic3A_197 = arith.constant 1.000000e+00 : f32
    %logistic3A_198 = vector.broadcast %logistic3A_197 : f32 to vector<2000x64xf32>
    %logistic3A_199 = arith.addf %logistic3A_198, %logistic3A_196 : vector<2000x64xf32>
    %logistic3A_200 = arith.divf %logistic3A_198, %logistic3A_199 : vector<2000x64xf32>
    %mul3A_201 = arith.mulf %logistic3A_191, %add3A_167 : vector<2000x64xf32>
    %mul3A_202 = arith.mulf %logistic3A_184, %tanh3A_193 : vector<2000x64xf32>
    %add3A_203 = arith.addf %mul3A_201, %mul3A_202 : vector<2000x64xf32>
    %tanh3A_204 = math.tanh %add3A_203 : vector<2000x64xf32>
    %mul3A_205 = arith.mulf %logistic3A_200, %tanh3A_204 : vector<2000x64xf32>
    %concatenate3A_206 = tpu.concatenate %slice3A_46, %slice3A_88 in 0 : vector<1000x64xf32>, vector<1000x64xf32> -> vector<2000x64xf32>
    %dot_general3A_207 = arith.constant dense<0.000000e+00> : vector<2000x256xf32>
    %dot_general3A_208 = tpu.matmul %concatenate3A_206, %get3A_94, %dot_general3A_207 {dimension_numbers = #tpu.dot_dimension_numbers<[1], [0], [0], [1], [0, 0, 1, 1], [], []>, transpose_lhs_hint = false} : vector<2000x64xf32>, vector<64x256xf32>, vector<2000x256xf32> -> vector<2000x256xf32>
    %dot_general3A_209 = arith.constant dense<0.000000e+00> : vector<2000x256xf32>
    %dot_general3A_210 = tpu.matmul %mul3A_205, %get3A_97, %dot_general3A_209 {dimension_numbers = #tpu.dot_dimension_numbers<[1], [0], [0], [1], [0, 0, 1, 1], [], []>, transpose_lhs_hint = false} : vector<2000x64xf32>, vector<64x256xf32>, vector<2000x256xf32> -> vector<2000x256xf32>
    %add3A_211 = arith.addf %dot_general3A_208, %dot_general3A_210 : vector<2000x256xf32>
    %add3A_212 = vector.broadcast %get3A_100 : vector<1x256xf32> to vector<2000x256xf32>
    %add3A_213 = arith.addf %add3A_211, %add3A_212 : vector<2000x256xf32>
    %slice3A_214 = vector.extract_strided_slice %add3A_213 {offsets = [0, 0], sizes = [2000, 64], strides = [1, 1]} : vector<2000x256xf32> to vector<2000x64xf32>
    %logistic3A_215 = arith.negf %slice3A_214 : vector<2000x64xf32>
    %logistic3A_216 = math.exp %logistic3A_215 : vector<2000x64xf32>
    %logistic3A_217 = arith.constant 1.000000e+00 : f32
    %logistic3A_218 = vector.broadcast %logistic3A_217 : f32 to vector<2000x64xf32>
    %logistic3A_219 = arith.addf %logistic3A_218, %logistic3A_216 : vector<2000x64xf32>
    %logistic3A_220 = arith.divf %logistic3A_218, %logistic3A_219 : vector<2000x64xf32>
    %slice3A_221 = vector.extract_strided_slice %add3A_213 {offsets = [0, 64], sizes = [2000, 64], strides = [1, 1]} : vector<2000x256xf32> to vector<2000x64xf32>
    %logistic3A_222 = arith.negf %slice3A_221 : vector<2000x64xf32>
    %logistic3A_223 = math.exp %logistic3A_222 : vector<2000x64xf32>
    %logistic3A_224 = arith.constant 1.000000e+00 : f32
    %logistic3A_225 = vector.broadcast %logistic3A_224 : f32 to vector<2000x64xf32>
    %logistic3A_226 = arith.addf %logistic3A_225, %logistic3A_223 : vector<2000x64xf32>
    %logistic3A_227 = arith.divf %logistic3A_225, %logistic3A_226 : vector<2000x64xf32>
    %slice3A_228 = vector.extract_strided_slice %add3A_213 {offsets = [0, 128], sizes = [2000, 64], strides = [1, 1]} : vector<2000x256xf32> to vector<2000x64xf32>
    %tanh3A_229 = math.tanh %slice3A_228 : vector<2000x64xf32>
    %slice3A_230 = vector.extract_strided_slice %add3A_213 {offsets = [0, 192], sizes = [2000, 64], strides = [1, 1]} : vector<2000x256xf32> to vector<2000x64xf32>
    %logistic3A_231 = arith.negf %slice3A_230 : vector<2000x64xf32>
    %logistic3A_232 = math.exp %logistic3A_231 : vector<2000x64xf32>
    %logistic3A_233 = arith.constant 1.000000e+00 : f32
    %logistic3A_234 = vector.broadcast %logistic3A_233 : f32 to vector<2000x64xf32>
    %logistic3A_235 = arith.addf %logistic3A_234, %logistic3A_232 : vector<2000x64xf32>
    %logistic3A_236 = arith.divf %logistic3A_234, %logistic3A_235 : vector<2000x64xf32>
    %mul3A_237 = arith.mulf %logistic3A_227, %add3A_203 : vector<2000x64xf32>
    %mul3A_238 = arith.mulf %logistic3A_220, %tanh3A_229 : vector<2000x64xf32>
    %add3A_239 = arith.addf %mul3A_237, %mul3A_238 : vector<2000x64xf32>
    %tanh3A_240 = math.tanh %add3A_239 : vector<2000x64xf32>
    %mul3A_241 = arith.mulf %logistic3A_236, %tanh3A_240 : vector<2000x64xf32>
    %get3A_242 = arith.constant 0 : index
    %get3A_243 = arith.constant 0 : index
    %get3A_244 = vector.load %arg14[%get3A_242, %get3A_243] : memref<64x128xf32, #tpu.memory_space<vmem>>, vector<64x128xf32>
    %dot_general3A_245 = arith.constant dense<0.000000e+00> : vector<2000x128xf32>
    %dot_general3A_246 = tpu.matmul %mul3A_241, %get3A_244, %dot_general3A_245 {dimension_numbers = #tpu.dot_dimension_numbers<[1], [0], [0], [1], [0, 0, 1, 1], [], []>, transpose_lhs_hint = false} : vector<2000x64xf32>, vector<64x128xf32>, vector<2000x128xf32> -> vector<2000x128xf32>
    %get3A_247 = arith.constant 0 : index
    %get3A_248 = arith.constant 0 : index
    %get3A_249 = vector.load %arg15[%get3A_247, %get3A_248] : memref<1x128xf32, #tpu.memory_space<vmem>>, vector<1x128xf32>
    %add3A_250 = vector.broadcast %get3A_249 : vector<1x128xf32> to vector<2000x128xf32>
    %add3A_251 = arith.addf %dot_general3A_246, %add3A_250 : vector<2000x128xf32>
    %reshape3A = vector.shape_cast %add3A_251 : vector<2000x128xf32> to vector<2x1000x128xf32>
    %swap3A = arith.constant 0 : index
    %swap3A_252 = arith.constant 0 : index
    %swap3A_253 = arith.constant 0 : index
    %swap3A_254 = vector.load %arg16[%swap3A, %swap3A_252, %swap3A_253] : memref<2x1000x128xf32, #tpu.memory_space<vmem>>, vector<2x1000x128xf32>
    tpu.vector_store %arg16[%swap3A, %swap3A_252, %swap3A_253], %reshape3A {strides = array<i32>} : memref<2x1000x128xf32, #tpu.memory_space<vmem>>, vector<2x1000x128xf32>,
    return
  }
  func.func @transform_0(%arg0: i32) -> (i32, i32) {
    %c0_i32 = arith.constant 0 : i32
    %c0_i32_0 = arith.constant 0 : i32
    return %arg0, %c0_i32 : i32, i32
  }
  func.func @transform_1(%arg0: i32) -> (i32, i32, i32) {
    %c0_i32 = arith.constant 0 : i32
    %c0_i32_0 = arith.constant 0 : i32
    %c0_i32_1 = arith.constant 0 : i32
    return %c0_i32, %arg0, %c0_i32_0 : i32, i32, i32
  }
  func.func @transform_2(%arg0: i32) -> (i32, i32, i32) {
    %c0_i32 = arith.constant 0 : i32
    %c0_i32_0 = arith.constant 0 : i32
    %c0_i32_1 = arith.constant 0 : i32
    return %c0_i32, %arg0, %c0_i32_0 : i32, i32, i32
  }
  func.func @transform_3(%arg0: i32) -> (i32, i32, i32) {
    %c0_i32 = arith.constant 0 : i32
    %c0_i32_0 = arith.constant 0 : i32
    %c0_i32_1 = arith.constant 0 : i32
    return %c0_i32, %arg0, %c0_i32_0 : i32, i32, i32
  }
  func.func @transform_4(%arg0: i32) -> (i32, i32, i32) {
    %c0_i32 = arith.constant 0 : i32
    %c0_i32_0 = arith.constant 0 : i32
    %c0_i32_1 = arith.constant 0 : i32
    return %c0_i32, %arg0, %c0_i32_0 : i32, i32, i32
  }
  func.func @transform_5(%arg0: i32) -> (i32, i32) {
    %c0_i32 = arith.constant 0 : i32
    %c0_i32_0 = arith.constant 0 : i32
    return %arg0, %c0_i32 : i32, i32
  }
  func.func @transform_6(%arg0: i32) -> (i32, i32) {
    %c0_i32 = arith.constant 0 : i32
    %c0_i32_0 = arith.constant 0 : i32
    return %arg0, %c0_i32 : i32, i32
  }
  func.func @transform_7(%arg0: i32) -> (i32, i32) {
    %c0_i32 = arith.constant 0 : i32
    %c0_i32_0 = arith.constant 0 : i32
    return %arg0, %c0_i32 : i32, i32
  }
  func.func @transform_8(%arg0: i32) -> (i32, i32) {
    %c0_i32 = arith.constant 0 : i32
    %c0_i32_0 = arith.constant 0 : i32
    return %arg0, %c0_i32 : i32, i32
  }
  func.func @transform_9(%arg0: i32) -> (i32, i32) {
    %c0_i32 = arith.constant 0 : i32
    %c0_i32_0 = arith.constant 0 : i32
    %c0_i32_1 = arith.constant 0 : i32
    return %c0_i32, %c0_i32_0 : i32, i32
  }
  func.func @transform_10(%arg0: i32) -> (i32, i32) {
    %c0_i32 = arith.constant 0 : i32
    %c0_i32_0 = arith.constant 0 : i32
    %c0_i32_1 = arith.constant 0 : i32
    return %c0_i32, %c0_i32_0 : i32, i32
  }
  func.func @transform_11(%arg0: i32) -> (i32, i32) {
    %c0_i32 = arith.constant 0 : i32
    %c0_i32_0 = arith.constant 0 : i32
    %c0_i32_1 = arith.constant 0 : i32
    return %c0_i32, %c0_i32_0 : i32, i32
  }
  func.func @transform_12(%arg0: i32) -> (i32, i32) {
    %c0_i32 = arith.constant 0 : i32
    %c0_i32_0 = arith.constant 0 : i32
    %c0_i32_1 = arith.constant 0 : i32
    return %c0_i32, %c0_i32_0 : i32, i32
  }
  func.func @transform_13(%arg0: i32) -> (i32, i32) {
    %c0_i32 = arith.constant 0 : i32
    %c0_i32_0 = arith.constant 0 : i32
    %c0_i32_1 = arith.constant 0 : i32
    return %c0_i32, %c0_i32_0 : i32, i32
  }
  func.func @transform_14(%arg0: i32) -> (i32, i32) {
    %c0_i32 = arith.constant 0 : i32
    %c0_i32_0 = arith.constant 0 : i32
    %c0_i32_1 = arith.constant 0 : i32
    return %c0_i32, %c0_i32_0 : i32, i32
  }
  func.func @transform_15(%arg0: i32) -> (i32, i32, i32) {
    %c0_i32 = arith.constant 0 : i32
    %c0_i32_0 = arith.constant 0 : i32
    %c0_i32_1 = arith.constant 0 : i32
    return %c0_i32, %arg0, %c0_i32_0 : i32, i32, i32
  }
}

</mosaic_0001>

<sc_bundles>
// kernel: kernel.12.cloned.1.call-start
scs
__scs_entry_jumppad:
0x0: {  	(pc) =	sbr.rel $0x88, $3  }
0x1: {  	(tag) =	ssettag $0x0;
	lr =	simm.s32 $0x1  }
0x2: {  	[smem:$0x3F95] =	sst lr;
	_ =	strace $0xD0000000  }
0x3: {  	_ = 	snop  }
0x4: {  	_ = 	snop  }
0x5: {  	_ = 	snop  }
0x6: {  	_ = 	snop  }
0x7: {  	_ = 	snop  }
__scs_overlays_trampoline_lowered:
0x8: {  	[smem:$0x3FA4] =	sst s0  }
0x9: {  	[smem:$0x3FA5] =	sst s1  }
0xa: {  	[smem:$0x3FA6] =	sst s2  }
0xb: {  	[smem:$0x3FA7] =	sst s3  }
0xc: {  	[smem:$0x3FA8] =	sst s4  }
0xd: {  	[smem:$0x3FA9] =	sst s5  }
0xe: {  	[smem:$0x3FAA] =	sst s6  }
0xf: {  	[smem:$0x3FAB] =	sst s7  }
0x10: {  	[smem:$0x3FAC] =	sst s8  }
0x11: {  	[smem:$0x3FAD] =	sst s9;
	s0 =	simm.s32 @!p0 $0x0  }
0x12: {  	s1 =	sld [smem:$0x3F93];
	s0 =	simm.s32 @p0 $0x1  }
0x13: {  	[smem:$0x3FAE] =	sst s0;
	s0 =	simm.s32 @!p1 $0x0  }
0x14: {  	s2 =	sld [smem:$0x3F92];
	s0 =	simm.s32 @p1 $0x1  }
0x15: {  	[smem:$0x3FAF] =	sst s0;
	s0 =	simm.s32 @!p2 $0x0  }
0x16: {  	s3 =	sld [smem:$0x3FDB];
	s0 =	simm.s32 @p2 $0x1  }
0x17: {  	s4 =	simm.s32 $0x1BF5;
	[smem:$0x3FB1] =	sst s0  }
0x18: {  	s0 =	sld [smem:$0x3F94];
	_ =	swait.ge [sflag:s4], $0x0  }
0x19: {  	s7 =	sld [smem:$0x3F95]  }
0x1a: {  	s8 =	sadd.s32 $0xFFFFE003, lr  }
0x1b: {  	s9 =	sadd.s32 $0xFFFFFEF7, lr;
	s5 =	simm.s32 $0xFFFFFFFF;
	p2 =	slt.u32 s8, $0xFFFFF086  }
0x1c: {  	p1 =	slt.u32 s9, $0xF7A;
	s5 =	simm.s32 @!p2 $0x0  }
0x1d: {  	s5 =	simm.s32 @p1 $0x1;
	p0 =	seq.s32 s7, s2  }
0x1e: {  	s7 =	smul.u32 @!p0 $0xF7A, s2;
	p2 =	seq.s32 @!p0 s5, $0x0  }
0x1f: {  	s9 =	smul.u32 $0xF7A, s1;
	s8 =	simm.s32 @!p0 $0x1BF5;
	p2 =	por !p2, p0  }
0x20: {  	[sflag:s8] =	ssyncset.s32 @!p0 $0xFFFFF086;
	s6 =	sadd.s32 @!p0 s3, s7;
	s7 =	simm.s32 @!p0 $0x108  }
0x21: {  	s3 =	sadd.s32 s3, s9;
	s6 =	sadd.s32 @!p0 $0x88, s6;
	s7 =	simm.s32 @p2 $0x1082  }
0x22: {  	[simem:s7], [sflag:s8] =	dma.local @!p0 [hbm:s6], $0xF7A  }
0x23: {  	s9 =	sor.u32 $0xD0000000, s2;
	s6 =	simm.s32 $0x108;
	_ =	swait.ge @!p0 [sflag:s8], $0x0  }
0x24: {  	s3 =	sadd.s32 $0x88, s3;
	s6 =	simm.s32 @!p1 $0x1082;
	[sflag:s4] =	ssyncset.s32 $0xFFFFF086  }
0x25: {  	[simem:s6], [sflag:s4] =	dma.local [hbm:s3], $0xF7A  }
0x26: {  	[smem:$0x3F95] =	sst s1;
	(tag) =	ssettag s2;
	_ =	strace s9  }
0x27: {  	s1 =	sld [smem:$0x3FA5]  }
0x28: {  	s2 =	sld [smem:$0x3FA6]  }
0x29: {  	s4 =	sld [smem:$0x3FA8]  }
0x2a: {  	p0 =	seq.s32 s5, $0x0;
	s5 =	sld [smem:$0x3FA9]  }
0x2b: {  	s6 =	sld [smem:$0x3FAA]  }
0x2c: {  	s7 =	sld [smem:$0x3FAB]  }
0x2d: {  	s3 =	simm.s32 $0x108;
	s8 =	sld [smem:$0x3FAC]  }
0x2e: {  	s3 =	simm.s32 @!p0 $0x1082;
	s9 =	sld [smem:$0x3FAD]  }
0x2f: {  	lr =	sadd.s32 s0, s3;
	s0 =	sld [smem:$0x3FA4]  }
0x30: {  	s3 =	sld [smem:$0x3FA7]  }
0x31: {  	[smem:$0x3FB0] =	sst s10  }
0x32: {  	s10 =	sld [smem:$0x3FAE];
	_ =	sdelay $0x3  }
0x33: {  	p0 =	seq.s32 s10, $0x1;
	s10 =	sld [smem:$0x3FB0];
	_ =	sdelay $0x3  }
0x34: {  	[smem:$0x3FB0] =	sst s10  }
0x35: {  	s10 =	sld [smem:$0x3FAF];
	_ =	sdelay $0x3  }
0x36: {  	p1 =	seq.s32 s10, $0x1;
	s10 =	sld [smem:$0x3FB0];
	_ =	sdelay $0x3  }
0x37: {  	[smem:$0x3FB0] =	sst s10  }
0x38: {  	s10 =	sld [smem:$0x3FB1]  }
0x39: {  	_ = 	snop;
	(pc) =	sbr.ind lr, $3  }
0x3a: {  	_ = 	snop  }
0x3b: {  	_ = 	snop  }
0x3c: {  	p2 =	seq.s32 s10, $0x1;
	s10 =	sld [smem:$0x3FB0]  }
0x3d: {  	_ =	shalt  }
0x3e: {  	_ =	shalt  }
0x3f: {  	_ =	shalt  }
0x40: {  	_ =	shalt  }
0x41: {  	_ =	shalt  }
0x42: {  	_ =	shalt  }
0x43: {  	_ =	shalt  }
0x44: {  	_ =	shalt  }
0x45: {  	_ =	shalt  }
0x46: {  	_ =	shalt  }
0x47: {  	_ =	shalt  }
0x48: {  	_ =	shalt  }
0x49: {  	_ =	shalt  }
0x4a: {  	_ =	shalt  }
0x4b: {  	_ =	shalt  }
0x4c: {  	_ =	shalt  }
0x4d: {  	_ =	shalt  }
0x4e: {  	_ =	shalt  }
0x4f: {  	_ =	shalt  }
0x50: {  	_ =	shalt  }
0x51: {  	_ =	shalt  }
0x52: {  	_ =	shalt  }
0x53: {  	_ =	shalt  }
0x54: {  	_ =	shalt  }
0x55: {  	_ =	shalt  }
0x56: {  	_ =	shalt  }
0x57: {  	_ =	shalt  }
0x58: {  	_ =	shalt  }
0x59: {  	_ =	shalt  }
0x5a: {  	_ =	shalt  }
0x5b: {  	_ =	shalt  }
0x5c: {  	_ =	shalt  }
0x5d: {  	_ =	shalt  }
0x5e: {  	_ =	shalt  }
0x5f: {  	_ =	shalt  }
0x60: {  	_ =	shalt  }
0x61: {  	_ =	shalt  }
0x62: {  	_ =	shalt  }
0x63: {  	_ =	shalt  }
0x64: {  	_ =	shalt  }
0x65: {  	_ =	shalt  }
0x66: {  	_ =	shalt  }
0x67: {  	_ =	shalt  }
0x68: {  	_ =	shalt  }
0x69: {  	_ =	shalt  }
0x6a: {  	_ =	shalt  }
0x6b: {  	_ =	shalt  }
0x6c: {  	_ =	shalt  }
0x6d: {  	_ =	shalt  }
0x6e: {  	_ =	shalt  }
0x6f: {  	_ =	shalt  }
0x70: {  	_ =	shalt  }
0x71: {  	_ =	shalt  }
0x72: {  	_ =	shalt  }
0x73: {  	_ =	shalt  }
0x74: {  	_ =	shalt  }
0x75: {  	_ =	shalt  }
0x76: {  	_ =	shalt  }
0x77: {  	_ =	shalt  }
0x78: {  	_ =	shalt  }
0x79: {  	_ =	shalt  }
0x7a: {  	_ =	shalt  }
0x7b: {  	_ =	shalt  }
0x7c: {  	_ =	shalt  }
0x7d: {  	_ =	shalt  }
0x7e: {  	_ =	shalt  }
0x7f: {  	_ =	shalt  }
0x80: {  	_ =	shalt  }
0x81: {  	_ =	shalt  }
0x82: {  	_ =	shalt  }
0x83: {  	_ =	shalt  }
0x84: {  	_ =	shalt  }
0x85: {  	_ =	shalt  }
0x86: {  	_ =	shalt  }
0x87: {  	_ =	shalt  }
.Lfunc_end0:
.L_simem_size_0:
called_computation.1_lowered:
.L_overlay_start_0:
0x88: {  	s2 =	sld [smem:$0x3FD9]  }
0x89: {  	s3 =	sld [smem:$0x3FFE];
	_ =	sdelay $0x1  }
0x8a: {  	s1 =	srdreg.scid  }
0x8b: {  	s0 =	sand.u32 $0x1, s1  }
0x8c: {  	s16 =	sshll.u32 s0, $0xA;
	s2 =	sadd.s32 s3, s2  }
0x8d: {  	s2 =	sadd.s32 s2, s16  }
0x8e: {  	[smem:$0x3FBC] =	sst s2  }
0x8f: {  	_ = 	snop  }
0x90: {  	(tm) =	ssettm $0x1  }
0x91: {  	s17 =	sld [smem:$0x3FFB];
	_ =	sdelay $0x3  }
0x92: {  	_ =	strace s17  }
0x93: {  	s2 =	sld [smem:$0x3FFC];
	_ =	sdelay $0x3  }
0x94: {  	_ =	strace s2  }
0x95: {  	s2 =	sld [smem:$0x3FFD];
	_ =	sdelay $0x3  }
0x96: {  	_ =	strace s2  }
0x97: {  	_ =	strace $0x8FFFFFFF  }
0x98: {  	s18 =	sld [smem:$0x3FDB];
	_ =	sdelay $0x1  }
0x99: {  	s19 =	simm.s32 $_scs_section_size  }
0x9a: {  	s4 =	simm.s32 $_size__tile_overlayer_lowered;
	s5 =	simm.s32 $_tile_overlayer_lowered  }
0x9b: {  	s22 =	simm.s32 $0x1BFF;
	s21 =	sshll.u32 s5, $0x1;
	s2 =	sadd.s32 s19, s18  }
0x9c: {  	s6 =	simm.s32 $0x0;
	s20 =	sshll.u32 s4, $0x1;
	s4 =	sadd.s32 s21, s2  }
0x9d: {  	[timem:s6], [sflag:s22] =	dma.local [hbm:s4], s20  }
0x9e: {  	_ =	swait.ge [sflag:s22], s20  }
0x9f: {  	s3 =	ssub.s32 $0x0, s20;
	[sflag:s22] =	ssyncset.done $0x0  }
0xa0: {  	[sflag:s22] =	ssyncadd.s32 s3;
	_ =	sdelay $0x1  }
0xa1: {  	s23 =	simm.s32 $0x1B8B  }
0xa2: {  	_ =	swait.ge [sflag:s23], $0x1  }
0xa3: {  	[sflag:s23] =	ssyncset.done $0x0  }
0xa4: {  	s25 =	simm.s32 $0x1B8E;
	s24 =	sld [smem:$0x3FFE];
	[sflag:s23] =	ssyncadd.s32 $0xFFFFFFFF  }
0xa5: {  	s26 =	simm.s32 $execute0_lowered;
	[smem:$0x3FD2] =	sst s25  }
0xa6: {  	s4 =	sshll.u32 s26, $0x1;
	_ =	strace $0x80000049;
	[dreg:$0x1] =	wrdreg $0xFFFFFFFF  }
0xa7: {  	s28 =	simm.s32 $_size_execute0_lowered;
	s2 =	sadd.s32 s2, s4;
	[dreg:$0x0] =	wrdreg $0x0  }
0xa8: {  	s4 =	sshll.u32 s28, $0x1;
	[dreg:$0x2] =	wrdreg s2  }
0xa9: {  	[dreg:$0x3] =	wrdreg s4  }
0xaa: {  	[dreg:$0x4] =	wrdreg $0xC0  }
0xab: {  	_ =	task [dreg:s6], $0x5FFFF  }
0xac: {  	[dreg:$0x1] =	wrdreg $0xFFFFFFFF  }
0xad: {  	[dreg:$0x0] =	wrdreg $0x60  }
0xae: {  	[dreg:$0x2] =	wrdreg s24  }
0xaf: {  	[dreg:$0x3] =	wrdreg $0xC2000  }
0xb0: {  	[dreg:$0x4] =	wrdreg $0x9  }
0xb1: {  	_ =	task.clear_ibuf [dreg:s6], $0x5FFFF;
	_ =	strace $0x90000049  }
0xb2: {  	s29 =	simm.s32 $0x9;
	_ =	strace $0x8000004B  }
0xb3: {  	_ =	swait.ge [sflag:s29], $0x1  }
0xb4: {  	[sflag:s29] =	ssyncadd.s32 $0xFFFFFFFF  }
0xb5: {  	_ =	strace $0x9000004B  }
0xb6: {  	_ =	sfence  }
0xb7: {  	s30 =	sld [smem:$0x0];
	_ =	sdelay $0x2  }
0xb8: {  	s31 =	sshll.u32 s1, $0xD;
	s1 =	sshrl.u32 s1, $0x2  }
0xb9: {  	s3 =	sand.u32 $0x4000, s31;
	s1 =	sadd.s32 s1, s30  }
0xba: {  	s0 =	sor.u32 s3, s0;
	s1 =	sshll.u32 s1, $0x11  }
0xbb: {  	s0 =	sor.u32 s1, s0  }
0xbc: {  	s0 =	sadd.s32 $0x8F2B, s0  }
0xbd: {  	[sflag:s0] =	ssyncadd.remote.s32 $0x1  }
0xbe: {  	_ =	sfence.sel $0xFFFF  }
0xbf: {  	[dreg:$0x0] =	wrdreg $0xFFFFFFFF;
	(pc) =	sbr.abs _section_cstart, $3  }
0xc0: {  	[dreg:$0x1] =	wrdreg $0xFFFFFFFF  }
0xc1: {  	_ =	task.clear_ibuf [dreg:s6], $0x2FFFF;
	_ =	strace $0x9FFFFFFF  }
0xc2: {  	(tm) =	ssettm $0x7FFFFFFF  }
0xc3: {  	_ =	shalt  }
tec
execute0_lowered:
.L_overlay_start_1:
0x0: {  	(tag) =	ssettag $0x1  }
0x1: {  	s0 =	rddreg [dreg:$0x0]  }
0x2: {  	s1 =	rddreg [dreg:$0x1];
	s2 =	srdreg.scid;
	s3 =	simm.s32 $0x0  }
0x3: {  	s15 =	stileid.u32;
	s28 =	simm.s32 $0x3;
	s29 =	simm.s32 $0x80  }
0x4: {  	s30 =	simm.s32 $0x200;
	s31 =	simm.s32 $0x4200;
	s2 =	sand.u32 $0x1, s2  }
0x5: {  	[smem:$0x7FF] =	sst s3;
	s7 =	smul.u32 $0x13C00, s15;
	s9 =	sadd.s32 $0x58400, s0  }
0x6: {  	s10 =	sadd.s32 $0x4400, s0;
	s4 =	sadd.s32 $0x30C00, s0;
	s11 =	smul.u32 $0x4F000, s15  }
0x7: {  	s5 =	sadd.s32 $0x5D400, s0;
	s6 =	smul.u32 $0x13C000, s2;
	_ =	strace $0x8000004A  }
0x8: {  	s26 =	sshll.u32 s2, $0x4;
	s12 =	ssub.s32 $0x2, s2;
	s2 =	smul.u32 $0x14000, s2  }
0x9: {  	s13 =	sshrl.u32 s12, $0x1;
	s7 =	sadd.s32 s7, s6;
	s6 =	sadd.s32 $0x84C00, s0  }
0xa: {  	s13 =	ssub.s32 s12, s13;
	s8 =	sshrl.u32 s7, $0x3;
	s7 =	sadd.s32 $0xAC400, s0  }
0xb: {  	s0 =	sadd.s32 s8, s0;
	s8 =	sor.u32 s15, s26;
	s26 =	smax.u32 s13, $0x1  }
0xc: {  	s11 =	sshrl.u32 s11, $0x2;
	s23 =	sadd.s32 $0xD3C00, s0;
	[dreg:$0xc] =	wrdreg s26  }
0xd: {  	s15 =	smul.u32 $0x1400, s15;
	s24 =	sadd.s32 $0x122C00, s0;
	[dreg:$0x8] =	wrdreg s23  }
0xe: {  	s14 =	smul.u32 $0x1400, s8;
	s25 =	sadd.s32 $0x171C00, s0;
	[dreg:$0x9] =	wrdreg s24  }
0xf: {  	s8 =	sadd.s32 s11, s1;
	s0 =	sadd.s32 $0x1C0C00, s0;
	[dreg:$0xa] =	wrdreg s25  }
0x10: {  	s26 =	simm.s32 $0x8200;
	s18 =	sadd.s32 $0x4000, s8;
	[dreg:$0xb] =	wrdreg s0  }
0x11: {  	s19 =	sadd.s32 $0x8000, s8;
	s20 =	sadd.s32 $0xC000, s8;
	[dreg:$0x3] =	wrdreg s18  }
0x12: {  	s21 =	sadd.s32 $0x10000, s8;
	s2 =	sadd.s32 s15, s2;
	[dreg:$0x4] =	wrdreg s19  }
0x13: {  	s0 =	simm.s32 $0x1;
	[dreg:$0x5] =	wrdreg s20;
	s14 =	sshrl.u32 s14, $0x3  }
0x14: {  	[dreg:$0x6] =	wrdreg s21;
	s15 =	sor.u32 $0x80, s2;
	s18 =	sshrl.u32 s2, $0x3  }
0x15: {  	s2 =	sor.u32 $0x100, s2;
	s22 =	sadd.s32 s9, s14;
	s17 =	sadd.s32 $0x270, s14  }
0x16: {  	s14 =	sadd.s32 s10, s14;
	s15 =	sshrl.u32 s15, $0x3;
	s18 =	sadd.s32 s18, s10  }
0x17: {  	s2 =	sshrl.u32 s2, $0x3;
	[dreg:$0x7] =	wrdreg s22;
	s16 =	sadd.s32 s9, s17  }
0x18: {  	s17 =	sadd.s32 s10, s17;
	s19 =	sadd.s32 s15, s10;
	s20 =	sadd.s32 s15, s9  }
0x19: {  	s21 =	sadd.s32 s2, s9;
	s25 =	sadd.s32 $0x260, s14;
	s2 =	simm.s32 $0x100  }
0x1a: {  	v0 =	vimm.f32 $0.0e+00;
	s14 =	simm.s32 $0x2;
	s15 =	simm.s32 $0x180;
	s22 =	simm.s32 $0x0  }
.LBB2_1:
0x1b: {  	s9 =	simm.s32 $0x0;
	s10 =	simm.s32 $0x200  }
.LBB2_2:
0x1c: {  	p0 =	sne.s32 s10, $0xFE00;
	[tilespmem:s9+$0x8270] =	vst v0  }
0x1d: {  	[tilespmem:s9+$0x8200] =	vst v0  }
0x1e: {  	[tilespmem:s9+$0x8210] =	vst v0  }
.Ltmp0:
0x1f: {  	[tilespmem:s9+$0x8220] =	vst v0;
	(pc) =	sbr.rel @p0 .LBB2_2-.Ltmp0, $4  }
0x20: {  	[tilespmem:s9+$0x8230] =	vst v0  }
0x21: {  	[tilespmem:s9+$0x8240] =	vst v0  }
0x22: {  	[tilespmem:s9+$0x8250] =	vst v0  }
0x23: {  	[tilespmem:s9+$0x8260] =	vst v0;
	s9 =	sshra.s32 s10, $0x2;
	s10 =	sadd.s32 $0x200, s10  }
0x24: {  	[tilespmem:s9+$0x8270] =	vst v0  }
0x25: {  	[tilespmem:s9+$0x8200] =	vst v0  }
0x26: {  	[tilespmem:s9+$0x8210] =	vst v0  }
0x27: {  	[tilespmem:s9+$0x8220] =	vst v0  }
0x28: {  	[tilespmem:s9+$0x8230] =	vst v0  }
0x29: {  	[tilespmem:s9+$0x8240] =	vst v0  }
0x2a: {  	[tilespmem:s9+$0x8250] =	vst v0  }
0x2b: {  	[tilespmem:s9+$0x8260] =	vst v0  }
0x2c: {  	[spmem:s8] =	stream.linear.scatter [tilespmem:s26], [sflag:$0x3], $0x4000, $0x38;
	[tilespmem:$0x1FE00] =	vst v63  }
0x2d: {  	_ =	swait.ge [sflag:s28], $0x4000  }
0x2e: {  	[sflag:s28] =	ssyncset.done $0x0  }
0x2f: {  	s13 =	rddreg [dreg:$0x3];
	[sflag:s28] =	ssyncadd.s32 $0xFFFFC000  }
0x30: {  	[spmem:s13] =	stream.linear.scatter [tilespmem:s26], [sflag:$0x3], $0x4000, $0x38;
	[tilespmem:$0x1FE00] =	vst v63  }
0x31: {  	_ =	swait.ge [sflag:s28], $0x4000  }
0x32: {  	[sflag:s28] =	ssyncset.done $0x0  }
0x33: {  	s23 =	rddreg [dreg:$0x4];
	[sflag:s28] =	ssyncadd.s32 $0xFFFFC000  }
0x34: {  	[spmem:s23] =	stream.linear.scatter [tilespmem:s26], [sflag:$0x3], $0x4000, $0x38;
	[tilespmem:$0x1FE00] =	vst v63  }
0x35: {  	_ =	swait.ge [sflag:s28], $0x4000  }
0x36: {  	[sflag:s28] =	ssyncset.done $0x0  }
0x37: {  	s24 =	rddreg [dreg:$0x5];
	[sflag:s28] =	ssyncadd.s32 $0xFFFFC000  }
0x38: {  	[spmem:s24] =	stream.linear.scatter [tilespmem:s26], [sflag:$0x3], $0x4000, $0x38;
	[tilespmem:$0x1FE00] =	vst v63  }
0x39: {  	_ =	swait.ge [sflag:s28], $0x4000  }
0x3a: {  	[sflag:s28] =	ssyncset.done $0x0  }
0x3b: {  	s10 =	rddreg [dreg:$0x6];
	[sflag:s28] =	ssyncadd.s32 $0xFFFFC000  }
0x3c: {  	[spmem:s10] =	stream.linear.scatter [tilespmem:s26], [sflag:$0x3], $0x3C00, $0x38;
	[tilespmem:$0x1FE00] =	vst v63  }
0x3d: {  	_ =	swait.ge [sflag:s28], $0x3C00  }
0x3e: {  	[sflag:s28] =	ssyncset.done $0x0  }
0x3f: {  	[sflag:s28] =	ssyncadd.s32 $0xFFFFC400  }
0x40: {  	[bflag:$0x0] =	sbarrier.arrive $0xFFFF  }
0x41: {  	s11 =	simm.s32 $0x0;
	s10 =	rddreg [dreg:$0x7]  }
0x42: {  	[tilespmem:s11], [sflag:$0x3] =	stream.linear.gather [hbm4b:s10+s11], $0x80, $0x38;
	[tilespmem:$0x1FE00] =	vst v63  }
0x43: {  	_ =	swait.ge [sflag:s28], $0x80  }
0x44: {  	[sflag:s28] =	ssyncset.done $0x0  }
0x45: {  	[sflag:s28] =	ssyncadd.s32 $0xFFFFFF80  }
0x46: {  	[tilespmem:s30], [sflag:$0x1] =	stream.indirect.gather [hbm4b:s4+s29], $0x80, s11, s29, $0xb8;
	[tilespmem:$0x1FE00] =	vst v63  }
0x47: {  	s12 =	sadd.s32 $0x0, s20  }
0x48: {  	[tilespmem:s29], [sflag:$0x3] =	stream.linear.gather [hbm4b:s12+s3], $0x80, $0x38;
	[tilespmem:$0x1FE00] =	vst v63  }
0x49: {  	_ =	swait.ge [sflag:s28], $0x80  }
0x4a: {  	[sflag:s28] =	ssyncset.done $0x0  }
0x4b: {  	[sflag:s28] =	ssyncadd.s32 $0xFFFFFF80  }
0x4c: {  	[tilespmem:s31], [sflag:$0x2] =	stream.indirect.gather [hbm4b:s4+s29], $0x80, s29, s29, $0xb8;
	[tilespmem:$0x1FE00] =	vst v63  }
0x4d: {  	_ =	swait.ge [sflag:s0], $0x4000  }
0x4e: {  	[sflag:s0] =	ssyncset.done $0x0  }
0x4f: {  	s13 =	sadd.s32 $0x0, s18;
	[sflag:s0] =	ssyncadd.s32 $0xFFFFC000  }
0x50: {  	[tilespmem:s2], [sflag:$0x3] =	stream.linear.gather [hbm4b:s13+s3], $0x80, $0x38;
	[tilespmem:$0x1FE00] =	vst v63  }
0x51: {  	_ =	swait.ge [sflag:s28], $0x80  }
0x52: {  	[sflag:s28] =	ssyncset.done $0x0  }
0x53: {  	s23 =	sadd.s32 $0x0, s21;
	[sflag:s28] =	ssyncadd.s32 $0xFFFFFF80  }
0x54: {  	[tilespmem:s3], [sflag:$0x3] =	stream.linear.gather [hbm4b:s23+s3], $0x80, $0x38;
	[tilespmem:$0x1FE00] =	vst v63  }
0x55: {  	_ =	swait.ge [sflag:s28], $0x80  }
0x56: {  	[sflag:s28] =	ssyncset.done $0x0  }
0x57: {  	[sflag:s28] =	ssyncadd.s32 $0xFFFFFF80  }
0x58: {  	[tilespmem:s30], [sflag:$0x1] =	stream.indirect.gather [hbm4b:s4+s29], $0x80, s3, s29, $0xb8;
	[tilespmem:$0x1FE00] =	vst v63  }
0x59: {  	_ = 	snop  }
0x5a: {  	[spmem:s1] =	stream.indirect.scatter.add.f32 [tilespmem:s30], [sflag:$0x3], $0x80, s2, s29, $0xb8;
	[tilespmem:$0x1FE00] =	vst v63  }
0x5b: {  	_ =	swait.ge [sflag:s28], $0x4000  }
0x5c: {  	[sflag:s28] =	ssyncset.done $0x0  }
0x5d: {  	[sflag:s28] =	ssyncadd.s32 $0xFFFFC000  }
0x5e: {  	_ =	swait.ge [sflag:s14], $0x4000  }
0x5f: {  	[sflag:s14] =	ssyncset.done $0x0  }
0x60: {  	s24 =	sadd.s32 $0x0, s19;
	[sflag:s14] =	ssyncadd.s32 $0xFFFFC000  }
0x61: {  	[tilespmem:s15], [sflag:$0x3] =	stream.linear.gather [hbm4b:s24+s3], $0x80, $0x38;
	[tilespmem:$0x1FE00] =	vst v63  }
0x62: {  	_ =	swait.ge [sflag:s28], $0x80  }
0x63: {  	[sflag:s28] =	ssyncset.done $0x0  }
0x64: {  	[sflag:s28] =	ssyncadd.s32 $0xFFFFFF80  }
0x65: {  	[spmem:s1] =	stream.indirect.scatter.add.f32 [tilespmem:s31], [sflag:$0x3], $0x80, s15, s29, $0xb8;
	[tilespmem:$0x1FE00] =	vst v63  }
0x66: {  	_ =	swait.ge [sflag:s28], $0x4000  }
0x67: {  	s10 =	simm.s32 $0x40;
	s23 =	simm.s32 $0x20;
	[sflag:s28] =	ssyncset.done $0x0  }
.LBB2_4:
0x68: {  	s11 =	sadd.s32 s23, s20  }
0x69: {  	[sflag:s28] =	ssyncadd.s32 $0xFFFFC000;
	s24 =	smov.u32 s10;
	s9 =	sadd.s32 $0x20, s10  }
0x6a: {  	[tilespmem:s29], [sflag:$0x3] =	stream.linear.gather [hbm4b:s11+s3], $0x80, $0x38;
	[tilespmem:$0x1FE00] =	vst v63  }
0x6b: {  	p0 =	sne.s32 s10, $0x240;
	_ =	swait.ge [sflag:s28], $0x80  }
0x6c: {  	[sflag:s28] =	ssyncset.done $0x0  }
0x6d: {  	[sflag:s28] =	ssyncadd.s32 $0xFFFFFF80  }
0x6e: {  	[tilespmem:s31], [sflag:$0x2] =	stream.indirect.gather [hbm4b:s4+s29], $0x80, s29, s29, $0xb8;
	[tilespmem:$0x1FE00] =	vst v63  }
0x6f: {  	_ =	swait.ge [sflag:s0], $0x4000  }
0x70: {  	[sflag:s0] =	ssyncset.done $0x0  }
0x71: {  	s10 =	sadd.s32 s23, s18;
	[sflag:s0] =	ssyncadd.s32 $0xFFFFC000  }
0x72: {  	[tilespmem:s2], [sflag:$0x3] =	stream.linear.gather [hbm4b:s10+s3], $0x80, $0x38;
	[tilespmem:$0x1FE00] =	vst v63  }
0x73: {  	_ =	swait.ge [sflag:s28], $0x80  }
0x74: {  	[sflag:s28] =	ssyncset.done $0x0  }
0x75: {  	s10 =	sadd.s32 s23, s21;
	[sflag:s28] =	ssyncadd.s32 $0xFFFFFF80  }
0x76: {  	[tilespmem:s3], [sflag:$0x3] =	stream.linear.gather [hbm4b:s10+s3], $0x80, $0x38;
	[tilespmem:$0x1FE00] =	vst v63  }
0x77: {  	_ =	swait.ge [sflag:s28], $0x80  }
0x78: {  	[sflag:s28] =	ssyncset.done $0x0  }
0x79: {  	[sflag:s28] =	ssyncadd.s32 $0xFFFFFF80  }
0x7a: {  	[tilespmem:s30], [sflag:$0x1] =	stream.indirect.gather [hbm4b:s4+s29], $0x80, s3, s29, $0xb8;
	[tilespmem:$0x1FE00] =	vst v63  }
0x7b: {  	_ = 	snop  }
0x7c: {  	[spmem:s1] =	stream.indirect.scatter.add.f32 [tilespmem:s30], [sflag:$0x3], $0x80, s2, s29, $0xb8;
	[tilespmem:$0x1FE00] =	vst v63  }
0x7d: {  	_ =	swait.ge [sflag:s28], $0x4000  }
0x7e: {  	[sflag:s28] =	ssyncset.done $0x0  }
0x7f: {  	[sflag:s28] =	ssyncadd.s32 $0xFFFFC000  }
0x80: {  	_ =	swait.ge [sflag:s14], $0x4000  }
0x81: {  	[sflag:s14] =	ssyncset.done $0x0  }
0x82: {  	s10 =	sadd.s32 s23, s19;
	s23 =	smov.u32 s24;
	[sflag:s14] =	ssyncadd.s32 $0xFFFFC000  }
0x83: {  	[tilespmem:s15], [sflag:$0x3] =	stream.linear.gather [hbm4b:s10+s3], $0x80, $0x38;
	[tilespmem:$0x1FE00] =	vst v63  }
0x84: {  	_ =	swait.ge [sflag:s28], $0x80  }
.Ltmp1:
0x85: {  	[sflag:s28] =	ssyncset.done $0x0;
	(pc) =	sbr.rel @p0 .LBB2_4-.Ltmp1, $4  }
0x86: {  	[sflag:s28] =	ssyncadd.s32 $0xFFFFFF80  }
0x87: {  	[spmem:s1] =	stream.indirect.scatter.add.f32 [tilespmem:s31], [sflag:$0x3], $0x80, s15, s29, $0xb8;
	[tilespmem:$0x1FE00] =	vst v63  }
0x88: {  	_ =	swait.ge [sflag:s28], $0x4000  }
0x89: {  	s10 =	smov.u32 s9;
	[sflag:s28] =	ssyncset.done $0x0  }
0x8a: {  	s9 =	sadd.s32 s23, s20;
	[sflag:s28] =	ssyncadd.s32 $0xFFFFC000  }
0x8b: {  	[tilespmem:s29], [sflag:$0x3] =	stream.linear.gather [hbm4b:s9+s3], $0x80, $0x38;
	[tilespmem:$0x1FE00] =	vst v63  }
0x8c: {  	_ =	swait.ge [sflag:s28], $0x80  }
0x8d: {  	[sflag:s28] =	ssyncset.done $0x0  }
0x8e: {  	[sflag:s28] =	ssyncadd.s32 $0xFFFFFF80  }
0x8f: {  	[tilespmem:s31], [sflag:$0x2] =	stream.indirect.gather [hbm4b:s4+s29], $0x80, s29, s29, $0xb8;
	[tilespmem:$0x1FE00] =	vst v63  }
0x90: {  	_ =	swait.ge [sflag:s0], $0x4000  }
0x91: {  	[sflag:s0] =	ssyncset.done $0x0  }
0x92: {  	s13 =	sadd.s32 s23, s18;
	[sflag:s0] =	ssyncadd.s32 $0xFFFFC000  }
0x93: {  	[tilespmem:s2], [sflag:$0x3] =	stream.linear.gather [hbm4b:s13+s3], $0x80, $0x38;
	[tilespmem:$0x1FE00] =	vst v63  }
0x94: {  	_ =	swait.ge [sflag:s28], $0x80  }
0x95: {  	[sflag:s28] =	ssyncset.done $0x0  }
0x96: {  	s24 =	sadd.s32 s23, s21;
	[sflag:s28] =	ssyncadd.s32 $0xFFFFFF80  }
0x97: {  	[tilespmem:s3], [sflag:$0x3] =	stream.linear.gather [hbm4b:s24+s3], $0x80, $0x38;
	[tilespmem:$0x1FE00] =	vst v63  }
0x98: {  	_ =	swait.ge [sflag:s28], $0x80  }
0x99: {  	[sflag:s28] =	ssyncset.done $0x0  }
0x9a: {  	[sflag:s28] =	ssyncadd.s32 $0xFFFFFF80  }
0x9b: {  	[tilespmem:s30], [sflag:$0x1] =	stream.indirect.gather [hbm4b:s4+s29], $0x80, s3, s29, $0xb8;
	[tilespmem:$0x1FE00] =	vst v63  }
0x9c: {  	_ = 	snop  }
0x9d: {  	[spmem:s1] =	stream.indirect.scatter.add.f32 [tilespmem:s30], [sflag:$0x3], $0x80, s2, s29, $0xb8;
	[tilespmem:$0x1FE00] =	vst v63  }
0x9e: {  	_ =	swait.ge [sflag:s28], $0x4000  }
0x9f: {  	[sflag:s28] =	ssyncset.done $0x0  }
0xa0: {  	[sflag:s28] =	ssyncadd.s32 $0xFFFFC000  }
0xa1: {  	_ =	swait.ge [sflag:s14], $0x4000  }
0xa2: {  	[sflag:s14] =	ssyncset.done $0x0  }
0xa3: {  	s10 =	sadd.s32 s23, s19;
	[sflag:s14] =	ssyncadd.s32 $0xFFFFC000  }
0xa4: {  	[tilespmem:s15], [sflag:$0x3] =	stream.linear.gather [hbm4b:s10+s3], $0x80, $0x38;
	[tilespmem:$0x1FE00] =	vst v63  }
0xa5: {  	_ =	swait.ge [sflag:s28], $0x80  }
0xa6: {  	[sflag:s28] =	ssyncset.done $0x0  }
0xa7: {  	[sflag:s28] =	ssyncadd.s32 $0xFFFFFF80  }
0xa8: {  	[spmem:s1] =	stream.indirect.scatter.add.f32 [tilespmem:s31], [sflag:$0x3], $0x80, s15, s29, $0xb8;
	[tilespmem:$0x1FE00] =	vst v63  }
0xa9: {  	_ =	swait.ge [sflag:s28], $0x4000  }
0xaa: {  	[sflag:s28] =	ssyncset.done $0x0  }
0xab: {  	s9 =	simm.s32 $0x0;
	[sflag:s28] =	ssyncadd.s32 $0xFFFFC000  }
0xac: {  	[tilespmem:s29], [sflag:$0x3] =	stream.linear.gather [hbm4b:s16+s9], $0x80, $0x38;
	[tilespmem:$0x1FE00] =	vst v63  }
0xad: {  	_ =	swait.ge [sflag:s28], $0x80  }
0xae: {  	[sflag:s28] =	ssyncset.done $0x0  }
0xaf: {  	[sflag:s28] =	ssyncadd.s32 $0xFFFFFF80  }
0xb0: {  	[tilespmem:s31], [sflag:$0x2] =	stream.indirect.gather [hbm4b:s4+s29], $0x80, s29, s29, $0xb8;
	[tilespmem:$0x1FE00] =	vst v63  }
0xb1: {  	_ =	swait.ge [sflag:s0], $0x4000  }
0xb2: {  	[sflag:s0] =	ssyncset.done $0x0  }
0xb3: {  	[sflag:s0] =	ssyncadd.s32 $0xFFFFC000  }
0xb4: {  	[tilespmem:s2], [sflag:$0x3] =	stream.linear.gather [hbm4b:s25+s9], $0x80, $0x38;
	[tilespmem:$0x1FE00] =	vst v63  }
0xb5: {  	_ =	swait.ge [sflag:s28], $0x80  }
0xb6: {  	[sflag:s28] =	ssyncset.done $0x0  }
0xb7: {  	[sflag:s28] =	ssyncadd.s32 $0xFFFFFF80  }
0xb8: {  	[tilespmem:s9], [sflag:$0x3] =	stream.linear.gather [hbm4b:s16+s9], $0x80, $0x38;
	[tilespmem:$0x1FE00] =	vst v63  }
0xb9: {  	_ =	swait.ge [sflag:s28], $0x80  }
0xba: {  	[sflag:s28] =	ssyncset.done $0x0  }
0xbb: {  	[sflag:s28] =	ssyncadd.s32 $0xFFFFFF80  }
0xbc: {  	[tilespmem:s30], [sflag:$0x1] =	stream.indirect.gather [hbm4b:s4+s29], $0x80, s9, s29, $0xb8;
	[tilespmem:$0x1FE00] =	vst v63  }
0xbd: {  	_ = 	snop  }
0xbe: {  	[spmem:s1] =	stream.indirect.scatter.add.f32 [tilespmem:s30], [sflag:$0x3], $0x80, s2, s29, $0xb8;
	[tilespmem:$0x1FE00] =	vst v63  }
0xbf: {  	_ =	swait.ge [sflag:s28], $0x4000  }
0xc0: {  	[sflag:s28] =	ssyncset.done $0x0  }
0xc1: {  	[sflag:s28] =	ssyncadd.s32 $0xFFFFC000  }
0xc2: {  	_ =	swait.ge [sflag:s14], $0x4000  }
0xc3: {  	[sflag:s14] =	ssyncset.done $0x0  }
0xc4: {  	[sflag:s14] =	ssyncadd.s32 $0xFFFFC000  }
0xc5: {  	[tilespmem:s15], [sflag:$0x3] =	stream.linear.gather [hbm4b:s17+s9], $0x80, $0x38;
	[tilespmem:$0x1FE00] =	vst v63  }
0xc6: {  	_ =	swait.ge [sflag:s28], $0x80  }
0xc7: {  	[sflag:s28] =	ssyncset.done $0x0  }
0xc8: {  	[sflag:s28] =	ssyncadd.s32 $0xFFFFFF80  }
0xc9: {  	[spmem:s1] =	stream.indirect.scatter.add.f32 [tilespmem:s31], [sflag:$0x3], $0x80, s15, s29, $0xb8;
	[tilespmem:$0x1FE00] =	vst v63  }
0xca: {  	_ =	swait.ge [sflag:s28], $0x4000  }
0xcb: {  	[sflag:s28] =	ssyncset.done $0x0  }
0xcc: {  	[sflag:s28] =	ssyncadd.s32 $0xFFFFC000  }
0xcd: {  	_ =	swait.ge [sflag:s0], $0x4000  }
0xce: {  	[sflag:s0] =	ssyncset.done $0x0  }
0xcf: {  	s10 =	stileid.u32;
	[sflag:s0] =	ssyncadd.s32 $0xFFFFC000  }
0xd0: {  	s10 =	sshll.u32 s10, $0x6;
	[bflag:$0x0] =	sbarrier.arrive $0xFFFF  }
0xd1: {  	s24 =	sshrl.u32 s8, $0x3;
	s23 =	sor.u32 $0x1C03, s10;
	s11 =	rddreg [dreg:$0x8]  }
0xd2: {  	[hbm:s11], [sflag:s23] =	dma.local [spmem:s24], $0x2780  }
0xd3: {  	_ =	swait.ge [sflag:s28], $0x2780  }
0xd4: {  	[sflag:s28] =	ssyncset.done $0x0  }
0xd5: {  	[sflag:s28] =	ssyncadd.s32 $0xFFFFD880  }
0xd6: {  	[bflag:$0x0] =	sbarrier.arrive $0xFFFF  }
0xd7: {  	[spmem:s8] =	stream.linear.scatter [tilespmem:s26], [sflag:$0x3], $0x4000, $0x38;
	[tilespmem:$0x1FE00] =	vst v63  }
0xd8: {  	_ =	swait.ge [sflag:s28], $0x4000  }
0xd9: {  	[sflag:s28] =	ssyncset.done $0x0  }
0xda: {  	s12 =	rddreg [dreg:$0x3];
	[sflag:s28] =	ssyncadd.s32 $0xFFFFC000  }
0xdb: {  	[spmem:s12] =	stream.linear.scatter [tilespmem:s26], [sflag:$0x3], $0x4000, $0x38;
	[tilespmem:$0x1FE00] =	vst v63  }
0xdc: {  	_ =	swait.ge [sflag:s28], $0x4000  }
0xdd: {  	[sflag:s28] =	ssyncset.done $0x0  }
0xde: {  	s13 =	rddreg [dreg:$0x4];
	[sflag:s28] =	ssyncadd.s32 $0xFFFFC000  }
0xdf: {  	[spmem:s13] =	stream.linear.scatter [tilespmem:s26], [sflag:$0x3], $0x4000, $0x38;
	[tilespmem:$0x1FE00] =	vst v63  }
0xe0: {  	_ =	swait.ge [sflag:s28], $0x4000  }
0xe1: {  	[sflag:s28] =	ssyncset.done $0x0  }
0xe2: {  	s11 =	rddreg [dreg:$0x5];
	[sflag:s28] =	ssyncadd.s32 $0xFFFFC000  }
0xe3: {  	[spmem:s11] =	stream.linear.scatter [tilespmem:s26], [sflag:$0x3], $0x4000, $0x38;
	[tilespmem:$0x1FE00] =	vst v63  }
0xe4: {  	_ =	swait.ge [sflag:s28], $0x4000  }
0xe5: {  	[sflag:s28] =	ssyncset.done $0x0  }
0xe6: {  	s12 =	rddreg [dreg:$0x6];
	[sflag:s28] =	ssyncadd.s32 $0xFFFFC000  }
0xe7: {  	[spmem:s12] =	stream.linear.scatter [tilespmem:s26], [sflag:$0x3], $0x3C00, $0x38;
	[tilespmem:$0x1FE00] =	vst v63  }
0xe8: {  	_ =	swait.ge [sflag:s28], $0x3C00  }
0xe9: {  	[sflag:s28] =	ssyncset.done $0x0  }
0xea: {  	[sflag:s28] =	ssyncadd.s32 $0xFFFFC400  }
0xeb: {  	[bflag:$0x0] =	sbarrier.arrive $0xFFFF  }
0xec: {  	s13 =	rddreg [dreg:$0x7]  }
0xed: {  	[tilespmem:s9], [sflag:$0x3] =	stream.linear.gather [hbm4b:s13+s9], $0x80, $0x38;
	[tilespmem:$0x1FE00] =	vst v63  }
0xee: {  	_ =	swait.ge [sflag:s28], $0x80  }
0xef: {  	[sflag:s28] =	ssyncset.done $0x0  }
0xf0: {  	[sflag:s28] =	ssyncadd.s32 $0xFFFFFF80  }
0xf1: {  	[tilespmem:s30], [sflag:$0x1] =	stream.indirect.gather [hbm4b:s5+s29], $0x80, s9, s29, $0xb8;
	[tilespmem:$0x1FE00] =	vst v63  }
0xf2: {  	s10 =	sadd.s32 $0x0, s20  }
0xf3: {  	[tilespmem:s29], [sflag:$0x3] =	stream.linear.gather [hbm4b:s10+s3], $0x80, $0x38;
	[tilespmem:$0x1FE00] =	vst v63  }
0xf4: {  	_ =	swait.ge [sflag:s28], $0x80  }
0xf5: {  	[sflag:s28] =	ssyncset.done $0x0  }
0xf6: {  	[sflag:s28] =	ssyncadd.s32 $0xFFFFFF80  }
0xf7: {  	[tilespmem:s31], [sflag:$0x2] =	stream.indirect.gather [hbm4b:s5+s29], $0x80, s29, s29, $0xb8;
	[tilespmem:$0x1FE00] =	vst v63  }
0xf8: {  	_ =	swait.ge [sflag:s0], $0x4000  }
0xf9: {  	[sflag:s0] =	ssyncset.done $0x0  }
0xfa: {  	s11 =	sadd.s32 $0x0, s18;
	[sflag:s0] =	ssyncadd.s32 $0xFFFFC000  }
0xfb: {  	[tilespmem:s2], [sflag:$0x3] =	stream.linear.gather [hbm4b:s11+s3], $0x80, $0x38;
	[tilespmem:$0x1FE00] =	vst v63  }
0xfc: {  	_ =	swait.ge [sflag:s28], $0x80  }
0xfd: {  	[sflag:s28] =	ssyncset.done $0x0  }
0xfe: {  	s12 =	sadd.s32 $0x0, s21;
	[sflag:s28] =	ssyncadd.s32 $0xFFFFFF80  }
0xff: {  	[tilespmem:s3], [sflag:$0x3] =	stream.linear.gather [hbm4b:s12+s3], $0x80, $0x38;
	[tilespmem:$0x1FE00] =	vst v63  }
0x100: {  	_ =	swait.ge [sflag:s28], $0x80  }
0x101: {  	[sflag:s28] =	ssyncset.done $0x0  }
0x102: {  	[sflag:s28] =	ssyncadd.s32 $0xFFFFFF80  }
0x103: {  	[tilespmem:s30], [sflag:$0x1] =	stream.indirect.gather [hbm4b:s5+s29], $0x80, s3, s29, $0xb8;
	[tilespmem:$0x1FE00] =	vst v63  }
0x104: {  	_ = 	snop  }
0x105: {  	[spmem:s1] =	stream.indirect.scatter.add.f32 [tilespmem:s30], [sflag:$0x3], $0x80, s2, s29, $0xb8;
	[tilespmem:$0x1FE00] =	vst v63  }
0x106: {  	_ =	swait.ge [sflag:s28], $0x4000  }
0x107: {  	[sflag:s28] =	ssyncset.done $0x0  }
0x108: {  	[sflag:s28] =	ssyncadd.s32 $0xFFFFC000  }
0x109: {  	_ =	swait.ge [sflag:s14], $0x4000  }
0x10a: {  	[sflag:s14] =	ssyncset.done $0x0  }
0x10b: {  	s13 =	sadd.s32 $0x0, s19;
	[sflag:s14] =	ssyncadd.s32 $0xFFFFC000  }
0x10c: {  	[tilespmem:s15], [sflag:$0x3] =	stream.linear.gather [hbm4b:s13+s3], $0x80, $0x38;
	[tilespmem:$0x1FE00] =	vst v63  }
0x10d: {  	_ =	swait.ge [sflag:s28], $0x80  }
0x10e: {  	[sflag:s28] =	ssyncset.done $0x0  }
0x10f: {  	[sflag:s28] =	ssyncadd.s32 $0xFFFFFF80  }
0x110: {  	[spmem:s1] =	stream.indirect.scatter.add.f32 [tilespmem:s31], [sflag:$0x3], $0x80, s15, s29, $0xb8;
	[tilespmem:$0x1FE00] =	vst v63  }
0x111: {  	_ =	swait.ge [sflag:s28], $0x4000  }
0x112: {  	s9 =	simm.s32 $0x20;
	s10 =	simm.s32 $0x40;
	[sflag:s28] =	ssyncset.done $0x0  }
.LBB2_6:
0x113: {  	s12 =	sadd.s32 s9, s20  }
0x114: {  	[sflag:s28] =	ssyncadd.s32 $0xFFFFC000;
	s13 =	smov.u32 s10;
	s11 =	sadd.s32 $0x20, s10  }
0x115: {  	[tilespmem:s29], [sflag:$0x3] =	stream.linear.gather [hbm4b:s12+s3], $0x80, $0x38;
	[tilespmem:$0x1FE00] =	vst v63  }
0x116: {  	p0 =	sne.s32 s10, $0x240;
	_ =	swait.ge [sflag:s28], $0x80  }
0x117: {  	[sflag:s28] =	ssyncset.done $0x0  }
0x118: {  	[sflag:s28] =	ssyncadd.s32 $0xFFFFFF80  }
0x119: {  	[tilespmem:s31], [sflag:$0x2] =	stream.indirect.gather [hbm4b:s5+s29], $0x80, s29, s29, $0xb8;
	[tilespmem:$0x1FE00] =	vst v63  }
0x11a: {  	_ =	swait.ge [sflag:s0], $0x4000  }
0x11b: {  	[sflag:s0] =	ssyncset.done $0x0  }
0x11c: {  	s10 =	sadd.s32 s9, s18;
	[sflag:s0] =	ssyncadd.s32 $0xFFFFC000  }
0x11d: {  	[tilespmem:s2], [sflag:$0x3] =	stream.linear.gather [hbm4b:s10+s3], $0x80, $0x38;
	[tilespmem:$0x1FE00] =	vst v63  }
0x11e: {  	_ =	swait.ge [sflag:s28], $0x80  }
0x11f: {  	[sflag:s28] =	ssyncset.done $0x0  }
0x120: {  	s10 =	sadd.s32 s9, s21;
	[sflag:s28] =	ssyncadd.s32 $0xFFFFFF80  }
0x121: {  	[tilespmem:s3], [sflag:$0x3] =	stream.linear.gather [hbm4b:s10+s3], $0x80, $0x38;
	[tilespmem:$0x1FE00] =	vst v63  }
0x122: {  	_ =	swait.ge [sflag:s28], $0x80  }
0x123: {  	[sflag:s28] =	ssyncset.done $0x0  }
0x124: {  	[sflag:s28] =	ssyncadd.s32 $0xFFFFFF80  }
0x125: {  	[tilespmem:s30], [sflag:$0x1] =	stream.indirect.gather [hbm4b:s5+s29], $0x80, s3, s29, $0xb8;
	[tilespmem:$0x1FE00] =	vst v63  }
0x126: {  	_ = 	snop  }
0x127: {  	[spmem:s1] =	stream.indirect.scatter.add.f32 [tilespmem:s30], [sflag:$0x3], $0x80, s2, s29, $0xb8;
	[tilespmem:$0x1FE00] =	vst v63  }
0x128: {  	_ =	swait.ge [sflag:s28], $0x4000  }
0x129: {  	[sflag:s28] =	ssyncset.done $0x0  }
0x12a: {  	[sflag:s28] =	ssyncadd.s32 $0xFFFFC000  }
0x12b: {  	_ =	swait.ge [sflag:s14], $0x4000  }
0x12c: {  	[sflag:s14] =	ssyncset.done $0x0  }
0x12d: {  	s10 =	sadd.s32 s9, s19;
	s9 =	smov.u32 s13;
	[sflag:s14] =	ssyncadd.s32 $0xFFFFC000  }
0x12e: {  	[tilespmem:s15], [sflag:$0x3] =	stream.linear.gather [hbm4b:s10+s3], $0x80, $0x38;
	[tilespmem:$0x1FE00] =	vst v63  }
0x12f: {  	_ =	swait.ge [sflag:s28], $0x80  }
.Ltmp2:
0x130: {  	[sflag:s28] =	ssyncset.done $0x0;
	(pc) =	sbr.rel @p0 .LBB2_6-.Ltmp2, $4  }
0x131: {  	[sflag:s28] =	ssyncadd.s32 $0xFFFFFF80  }
0x132: {  	[spmem:s1] =	stream.indirect.scatter.add.f32 [tilespmem:s31], [sflag:$0x3], $0x80, s15, s29, $0xb8;
	[tilespmem:$0x1FE00] =	vst v63  }
0x133: {  	_ =	swait.ge [sflag:s28], $0x4000  }
0x134: {  	s10 =	smov.u32 s11;
	[sflag:s28] =	ssyncset.done $0x0  }
0x135: {  	s10 =	sadd.s32 s9, s20;
	[sflag:s28] =	ssyncadd.s32 $0xFFFFC000  }
0x136: {  	[tilespmem:s29], [sflag:$0x3] =	stream.linear.gather [hbm4b:s10+s3], $0x80, $0x38;
	[tilespmem:$0x1FE00] =	vst v63  }
0x137: {  	_ =	swait.ge [sflag:s28], $0x80  }
0x138: {  	[sflag:s28] =	ssyncset.done $0x0  }
0x139: {  	[sflag:s28] =	ssyncadd.s32 $0xFFFFFF80  }
0x13a: {  	[tilespmem:s31], [sflag:$0x2] =	stream.indirect.gather [hbm4b:s5+s29], $0x80, s29, s29, $0xb8;
	[tilespmem:$0x1FE00] =	vst v63  }
0x13b: {  	_ =	swait.ge [sflag:s0], $0x4000  }
0x13c: {  	[sflag:s0] =	ssyncset.done $0x0  }
0x13d: {  	s12 =	sadd.s32 s9, s18;
	[sflag:s0] =	ssyncadd.s32 $0xFFFFC000  }
0x13e: {  	[tilespmem:s2], [sflag:$0x3] =	stream.linear.gather [hbm4b:s12+s3], $0x80, $0x38;
	[tilespmem:$0x1FE00] =	vst v63  }
0x13f: {  	_ =	swait.ge [sflag:s28], $0x80  }
0x140: {  	[sflag:s28] =	ssyncset.done $0x0  }
0x141: {  	s13 =	sadd.s32 s9, s21;
	[sflag:s28] =	ssyncadd.s32 $0xFFFFFF80  }
0x142: {  	[tilespmem:s3], [sflag:$0x3] =	stream.linear.gather [hbm4b:s13+s3], $0x80, $0x38;
	[tilespmem:$0x1FE00] =	vst v63  }
0x143: {  	_ =	swait.ge [sflag:s28], $0x80  }
0x144: {  	[sflag:s28] =	ssyncset.done $0x0  }
0x145: {  	[sflag:s28] =	ssyncadd.s32 $0xFFFFFF80  }
0x146: {  	[tilespmem:s30], [sflag:$0x1] =	stream.indirect.gather [hbm4b:s5+s29], $0x80, s3, s29, $0xb8;
	[tilespmem:$0x1FE00] =	vst v63  }
0x147: {  	_ = 	snop  }
0x148: {  	[spmem:s1] =	stream.indirect.scatter.add.f32 [tilespmem:s30], [sflag:$0x3], $0x80, s2, s29, $0xb8;
	[tilespmem:$0x1FE00] =	vst v63  }
0x149: {  	_ =	swait.ge [sflag:s28], $0x4000  }
0x14a: {  	[sflag:s28] =	ssyncset.done $0x0  }
0x14b: {  	[sflag:s28] =	ssyncadd.s32 $0xFFFFC000  }
0x14c: {  	_ =	swait.ge [sflag:s14], $0x4000  }
0x14d: {  	[sflag:s14] =	ssyncset.done $0x0  }
0x14e: {  	s10 =	sadd.s32 s9, s19;
	[sflag:s14] =	ssyncadd.s32 $0xFFFFC000  }
0x14f: {  	[tilespmem:s15], [sflag:$0x3] =	stream.linear.gather [hbm4b:s10+s3], $0x80, $0x38;
	[tilespmem:$0x1FE00] =	vst v63  }
0x150: {  	_ =	swait.ge [sflag:s28], $0x80  }
0x151: {  	[sflag:s28] =	ssyncset.done $0x0  }
0x152: {  	[sflag:s28] =	ssyncadd.s32 $0xFFFFFF80  }
0x153: {  	[spmem:s1] =	stream.indirect.scatter.add.f32 [tilespmem:s31], [sflag:$0x3], $0x80, s15, s29, $0xb8;
	[tilespmem:$0x1FE00] =	vst v63  }
0x154: {  	_ =	swait.ge [sflag:s28], $0x4000  }
0x155: {  	[sflag:s28] =	ssyncset.done $0x0  }
0x156: {  	s9 =	simm.s32 $0x0;
	[sflag:s28] =	ssyncadd.s32 $0xFFFFC000  }
0x157: {  	[tilespmem:s29], [sflag:$0x3] =	stream.linear.gather [hbm4b:s16+s9], $0x80, $0x38;
	[tilespmem:$0x1FE00] =	vst v63  }
0x158: {  	_ =	swait.ge [sflag:s28], $0x80  }
0x159: {  	[sflag:s28] =	ssyncset.done $0x0  }
0x15a: {  	[sflag:s28] =	ssyncadd.s32 $0xFFFFFF80  }
0x15b: {  	[tilespmem:s31], [sflag:$0x2] =	stream.indirect.gather [hbm4b:s5+s29], $0x80, s29, s29, $0xb8;
	[tilespmem:$0x1FE00] =	vst v63  }
0x15c: {  	_ =	swait.ge [sflag:s0], $0x4000  }
0x15d: {  	[sflag:s0] =	ssyncset.done $0x0  }
0x15e: {  	[sflag:s0] =	ssyncadd.s32 $0xFFFFC000  }
0x15f: {  	[tilespmem:s2], [sflag:$0x3] =	stream.linear.gather [hbm4b:s25+s9], $0x80, $0x38;
	[tilespmem:$0x1FE00] =	vst v63  }
0x160: {  	_ =	swait.ge [sflag:s28], $0x80  }
0x161: {  	[sflag:s28] =	ssyncset.done $0x0  }
0x162: {  	[sflag:s28] =	ssyncadd.s32 $0xFFFFFF80  }
0x163: {  	[tilespmem:s9], [sflag:$0x3] =	stream.linear.gather [hbm4b:s16+s9], $0x80, $0x38;
	[tilespmem:$0x1FE00] =	vst v63  }
0x164: {  	_ =	swait.ge [sflag:s28], $0x80  }
0x165: {  	[sflag:s28] =	ssyncset.done $0x0  }
0x166: {  	[sflag:s28] =	ssyncadd.s32 $0xFFFFFF80  }
0x167: {  	[tilespmem:s30], [sflag:$0x1] =	stream.indirect.gather [hbm4b:s5+s29], $0x80, s9, s29, $0xb8;
	[tilespmem:$0x1FE00] =	vst v63  }
0x168: {  	_ = 	snop  }
0x169: {  	[spmem:s1] =	stream.indirect.scatter.add.f32 [tilespmem:s30], [sflag:$0x3], $0x80, s2, s29, $0xb8;
	[tilespmem:$0x1FE00] =	vst v63  }
0x16a: {  	_ =	swait.ge [sflag:s28], $0x4000  }
0x16b: {  	[sflag:s28] =	ssyncset.done $0x0  }
0x16c: {  	[sflag:s28] =	ssyncadd.s32 $0xFFFFC000  }
0x16d: {  	_ =	swait.ge [sflag:s14], $0x4000  }
0x16e: {  	[sflag:s14] =	ssyncset.done $0x0  }
0x16f: {  	[sflag:s14] =	ssyncadd.s32 $0xFFFFC000  }
0x170: {  	[tilespmem:s15], [sflag:$0x3] =	stream.linear.gather [hbm4b:s17+s9], $0x80, $0x38;
	[tilespmem:$0x1FE00] =	vst v63  }
0x171: {  	_ =	swait.ge [sflag:s28], $0x80  }
0x172: {  	[sflag:s28] =	ssyncset.done $0x0  }
0x173: {  	[sflag:s28] =	ssyncadd.s32 $0xFFFFFF80  }
0x174: {  	[spmem:s1] =	stream.indirect.scatter.add.f32 [tilespmem:s31], [sflag:$0x3], $0x80, s15, s29, $0xb8;
	[tilespmem:$0x1FE00] =	vst v63  }
0x175: {  	_ =	swait.ge [sflag:s28], $0x4000  }
0x176: {  	[sflag:s28] =	ssyncset.done $0x0  }
0x177: {  	[sflag:s28] =	ssyncadd.s32 $0xFFFFC000  }
0x178: {  	_ =	swait.ge [sflag:s0], $0x4000  }
0x179: {  	[sflag:s0] =	ssyncset.done $0x0  }
0x17a: {  	[sflag:s0] =	ssyncadd.s32 $0xFFFFC000  }
0x17b: {  	[bflag:$0x0] =	sbarrier.arrive $0xFFFF  }
0x17c: {  	s11 =	rddreg [dreg:$0x9]  }
0x17d: {  	[hbm:s11], [sflag:s23] =	dma.local [spmem:s24], $0x2780  }
0x17e: {  	_ =	swait.ge [sflag:s28], $0x2780  }
0x17f: {  	[sflag:s28] =	ssyncset.done $0x0  }
0x180: {  	[sflag:s28] =	ssyncadd.s32 $0xFFFFD880  }
0x181: {  	[bflag:$0x0] =	sbarrier.arrive $0xFFFF  }
0x182: {  	[spmem:s8] =	stream.linear.scatter [tilespmem:s26], [sflag:$0x3], $0x4000, $0x38;
	[tilespmem:$0x1FE00] =	vst v63  }
0x183: {  	_ =	swait.ge [sflag:s28], $0x4000  }
0x184: {  	[sflag:s28] =	ssyncset.done $0x0  }
0x185: {  	s12 =	rddreg [dreg:$0x3];
	[sflag:s28] =	ssyncadd.s32 $0xFFFFC000  }
0x186: {  	[spmem:s12] =	stream.linear.scatter [tilespmem:s26], [sflag:$0x3], $0x4000, $0x38;
	[tilespmem:$0x1FE00] =	vst v63  }
0x187: {  	_ =	swait.ge [sflag:s28], $0x4000  }
0x188: {  	[sflag:s28] =	ssyncset.done $0x0  }
0x189: {  	s13 =	rddreg [dreg:$0x4];
	[sflag:s28] =	ssyncadd.s32 $0xFFFFC000  }
0x18a: {  	[spmem:s13] =	stream.linear.scatter [tilespmem:s26], [sflag:$0x3], $0x4000, $0x38;
	[tilespmem:$0x1FE00] =	vst v63  }
0x18b: {  	_ =	swait.ge [sflag:s28], $0x4000  }
0x18c: {  	[sflag:s28] =	ssyncset.done $0x0  }
0x18d: {  	s11 =	rddreg [dreg:$0x5];
	[sflag:s28] =	ssyncadd.s32 $0xFFFFC000  }
0x18e: {  	[spmem:s11] =	stream.linear.scatter [tilespmem:s26], [sflag:$0x3], $0x4000, $0x38;
	[tilespmem:$0x1FE00] =	vst v63  }
0x18f: {  	_ =	swait.ge [sflag:s28], $0x4000  }
0x190: {  	[sflag:s28] =	ssyncset.done $0x0  }
0x191: {  	s12 =	rddreg [dreg:$0x6];
	[sflag:s28] =	ssyncadd.s32 $0xFFFFC000  }
0x192: {  	[spmem:s12] =	stream.linear.scatter [tilespmem:s26], [sflag:$0x3], $0x3C00, $0x38;
	[tilespmem:$0x1FE00] =	vst v63  }
0x193: {  	_ =	swait.ge [sflag:s28], $0x3C00  }
0x194: {  	[sflag:s28] =	ssyncset.done $0x0  }
0x195: {  	[sflag:s28] =	ssyncadd.s32 $0xFFFFC400  }
0x196: {  	[bflag:$0x0] =	sbarrier.arrive $0xFFFF  }
0x197: {  	s13 =	rddreg [dreg:$0x7]  }
0x198: {  	[tilespmem:s9], [sflag:$0x3] =	stream.linear.gather [hbm4b:s13+s9], $0x80, $0x38;
	[tilespmem:$0x1FE00] =	vst v63  }
0x199: {  	_ =	swait.ge [sflag:s28], $0x80  }
0x19a: {  	[sflag:s28] =	ssyncset.done $0x0  }
0x19b: {  	[sflag:s28] =	ssyncadd.s32 $0xFFFFFF80  }
0x19c: {  	[tilespmem:s30], [sflag:$0x1] =	stream.indirect.gather [hbm4b:s6+s29], $0x80, s9, s29, $0xb8;
	[tilespmem:$0x1FE00] =	vst v63  }
0x19d: {  	s10 =	sadd.s32 $0x0, s20  }
0x19e: {  	[tilespmem:s29], [sflag:$0x3] =	stream.linear.gather [hbm4b:s10+s3], $0x80, $0x38;
	[tilespmem:$0x1FE00] =	vst v63  }
0x19f: {  	_ =	swait.ge [sflag:s28], $0x80  }
0x1a0: {  	[sflag:s28] =	ssyncset.done $0x0  }
0x1a1: {  	[sflag:s28] =	ssyncadd.s32 $0xFFFFFF80  }
0x1a2: {  	[tilespmem:s31], [sflag:$0x2] =	stream.indirect.gather [hbm4b:s6+s29], $0x80, s29, s29, $0xb8;
	[tilespmem:$0x1FE00] =	vst v63  }
0x1a3: {  	_ =	swait.ge [sflag:s0], $0x4000  }
0x1a4: {  	[sflag:s0] =	ssyncset.done $0x0  }
0x1a5: {  	s11 =	sadd.s32 $0x0, s18;
	[sflag:s0] =	ssyncadd.s32 $0xFFFFC000  }
0x1a6: {  	[tilespmem:s2], [sflag:$0x3] =	stream.linear.gather [hbm4b:s11+s3], $0x80, $0x38;
	[tilespmem:$0x1FE00] =	vst v63  }
0x1a7: {  	_ =	swait.ge [sflag:s28], $0x80  }
0x1a8: {  	[sflag:s28] =	ssyncset.done $0x0  }
0x1a9: {  	s12 =	sadd.s32 $0x0, s21;
	[sflag:s28] =	ssyncadd.s32 $0xFFFFFF80  }
0x1aa: {  	[tilespmem:s3], [sflag:$0x3] =	stream.linear.gather [hbm4b:s12+s3], $0x80, $0x38;
	[tilespmem:$0x1FE00] =	vst v63  }
0x1ab: {  	_ =	swait.ge [sflag:s28], $0x80  }
0x1ac: {  	[sflag:s28] =	ssyncset.done $0x0  }
0x1ad: {  	[sflag:s28] =	ssyncadd.s32 $0xFFFFFF80  }
0x1ae: {  	[tilespmem:s30], [sflag:$0x1] =	stream.indirect.gather [hbm4b:s6+s29], $0x80, s3, s29, $0xb8;
	[tilespmem:$0x1FE00] =	vst v63  }
0x1af: {  	_ = 	snop  }
0x1b0: {  	[spmem:s1] =	stream.indirect.scatter.add.f32 [tilespmem:s30], [sflag:$0x3], $0x80, s2, s29, $0xb8;
	[tilespmem:$0x1FE00] =	vst v63  }
0x1b1: {  	_ =	swait.ge [sflag:s28], $0x4000  }
0x1b2: {  	[sflag:s28] =	ssyncset.done $0x0  }
0x1b3: {  	[sflag:s28] =	ssyncadd.s32 $0xFFFFC000  }
0x1b4: {  	_ =	swait.ge [sflag:s14], $0x4000  }
0x1b5: {  	[sflag:s14] =	ssyncset.done $0x0  }
0x1b6: {  	s13 =	sadd.s32 $0x0, s19;
	[sflag:s14] =	ssyncadd.s32 $0xFFFFC000  }
0x1b7: {  	[tilespmem:s15], [sflag:$0x3] =	stream.linear.gather [hbm4b:s13+s3], $0x80, $0x38;
	[tilespmem:$0x1FE00] =	vst v63  }
0x1b8: {  	_ =	swait.ge [sflag:s28], $0x80  }
0x1b9: {  	[sflag:s28] =	ssyncset.done $0x0  }
0x1ba: {  	[sflag:s28] =	ssyncadd.s32 $0xFFFFFF80  }
0x1bb: {  	[spmem:s1] =	stream.indirect.scatter.add.f32 [tilespmem:s31], [sflag:$0x3], $0x80, s15, s29, $0xb8;
	[tilespmem:$0x1FE00] =	vst v63  }
0x1bc: {  	_ =	swait.ge [sflag:s28], $0x4000  }
0x1bd: {  	s9 =	simm.s32 $0x20;
	s11 =	simm.s32 $0x40;
	[sflag:s28] =	ssyncset.done $0x0  }
.LBB2_8:
0x1be: {  	s12 =	sadd.s32 s9, s20  }
0x1bf: {  	[sflag:s28] =	ssyncadd.s32 $0xFFFFC000;
	s13 =	smov.u32 s11;
	s10 =	sadd.s32 $0x20, s11  }
0x1c0: {  	[tilespmem:s29], [sflag:$0x3] =	stream.linear.gather [hbm4b:s12+s3], $0x80, $0x38;
	[tilespmem:$0x1FE00] =	vst v63  }
0x1c1: {  	p0 =	sne.s32 s11, $0x240;
	_ =	swait.ge [sflag:s28], $0x80  }
0x1c2: {  	[sflag:s28] =	ssyncset.done $0x0  }
0x1c3: {  	[sflag:s28] =	ssyncadd.s32 $0xFFFFFF80  }
0x1c4: {  	[tilespmem:s31], [sflag:$0x2] =	stream.indirect.gather [hbm4b:s6+s29], $0x80, s29, s29, $0xb8;
	[tilespmem:$0x1FE00] =	vst v63  }
0x1c5: {  	_ =	swait.ge [sflag:s0], $0x4000  }
0x1c6: {  	[sflag:s0] =	ssyncset.done $0x0  }
0x1c7: {  	s11 =	sadd.s32 s9, s18;
	[sflag:s0] =	ssyncadd.s32 $0xFFFFC000  }
0x1c8: {  	[tilespmem:s2], [sflag:$0x3] =	stream.linear.gather [hbm4b:s11+s3], $0x80, $0x38;
	[tilespmem:$0x1FE00] =	vst v63  }
0x1c9: {  	_ =	swait.ge [sflag:s28], $0x80  }
0x1ca: {  	[sflag:s28] =	ssyncset.done $0x0  }
0x1cb: {  	s11 =	sadd.s32 s9, s21;
	[sflag:s28] =	ssyncadd.s32 $0xFFFFFF80  }
0x1cc: {  	[tilespmem:s3], [sflag:$0x3] =	stream.linear.gather [hbm4b:s11+s3], $0x80, $0x38;
	[tilespmem:$0x1FE00] =	vst v63  }
0x1cd: {  	_ =	swait.ge [sflag:s28], $0x80  }
0x1ce: {  	[sflag:s28] =	ssyncset.done $0x0  }
0x1cf: {  	[sflag:s28] =	ssyncadd.s32 $0xFFFFFF80  }
0x1d0: {  	[tilespmem:s30], [sflag:$0x1] =	stream.indirect.gather [hbm4b:s6+s29], $0x80, s3, s29, $0xb8;
	[tilespmem:$0x1FE00] =	vst v63  }
0x1d1: {  	_ = 	snop  }
0x1d2: {  	[spmem:s1] =	stream.indirect.scatter.add.f32 [tilespmem:s30], [sflag:$0x3], $0x80, s2, s29, $0xb8;
	[tilespmem:$0x1FE00] =	vst v63  }
0x1d3: {  	_ =	swait.ge [sflag:s28], $0x4000  }
0x1d4: {  	[sflag:s28] =	ssyncset.done $0x0  }
0x1d5: {  	[sflag:s28] =	ssyncadd.s32 $0xFFFFC000  }
0x1d6: {  	_ =	swait.ge [sflag:s14], $0x4000  }
0x1d7: {  	[sflag:s14] =	ssyncset.done $0x0  }
0x1d8: {  	s11 =	sadd.s32 s9, s19;
	s9 =	smov.u32 s13;
	[sflag:s14] =	ssyncadd.s32 $0xFFFFC000  }
0x1d9: {  	[tilespmem:s15], [sflag:$0x3] =	stream.linear.gather [hbm4b:s11+s3], $0x80, $0x38;
	[tilespmem:$0x1FE00] =	vst v63  }
0x1da: {  	_ =	swait.ge [sflag:s28], $0x80  }
.Ltmp3:
0x1db: {  	[sflag:s28] =	ssyncset.done $0x0;
	(pc) =	sbr.rel @p0 .LBB2_8-.Ltmp3, $4  }
0x1dc: {  	[sflag:s28] =	ssyncadd.s32 $0xFFFFFF80  }
0x1dd: {  	[spmem:s1] =	stream.indirect.scatter.add.f32 [tilespmem:s31], [sflag:$0x3], $0x80, s15, s29, $0xb8;
	[tilespmem:$0x1FE00] =	vst v63  }
0x1de: {  	_ =	swait.ge [sflag:s28], $0x4000  }
0x1df: {  	s11 =	smov.u32 s10;
	[sflag:s28] =	ssyncset.done $0x0  }
0x1e0: {  	s10 =	sadd.s32 s9, s20;
	[sflag:s28] =	ssyncadd.s32 $0xFFFFC000  }
0x1e1: {  	[tilespmem:s29], [sflag:$0x3] =	stream.linear.gather [hbm4b:s10+s3], $0x80, $0x38;
	[tilespmem:$0x1FE00] =	vst v63  }
0x1e2: {  	_ =	swait.ge [sflag:s28], $0x80  }
0x1e3: {  	[sflag:s28] =	ssyncset.done $0x0  }
0x1e4: {  	[sflag:s28] =	ssyncadd.s32 $0xFFFFFF80  }
0x1e5: {  	[tilespmem:s31], [sflag:$0x2] =	stream.indirect.gather [hbm4b:s6+s29], $0x80, s29, s29, $0xb8;
	[tilespmem:$0x1FE00] =	vst v63  }
0x1e6: {  	_ =	swait.ge [sflag:s0], $0x4000  }
0x1e7: {  	[sflag:s0] =	ssyncset.done $0x0  }
0x1e8: {  	s12 =	sadd.s32 s9, s18;
	[sflag:s0] =	ssyncadd.s32 $0xFFFFC000  }
0x1e9: {  	[tilespmem:s2], [sflag:$0x3] =	stream.linear.gather [hbm4b:s12+s3], $0x80, $0x38;
	[tilespmem:$0x1FE00] =	vst v63  }
0x1ea: {  	_ =	swait.ge [sflag:s28], $0x80  }
0x1eb: {  	[sflag:s28] =	ssyncset.done $0x0  }
0x1ec: {  	s13 =	sadd.s32 s9, s21;
	[sflag:s28] =	ssyncadd.s32 $0xFFFFFF80  }
0x1ed: {  	[tilespmem:s3], [sflag:$0x3] =	stream.linear.gather [hbm4b:s13+s3], $0x80, $0x38;
	[tilespmem:$0x1FE00] =	vst v63  }
0x1ee: {  	_ =	swait.ge [sflag:s28], $0x80  }
0x1ef: {  	[sflag:s28] =	ssyncset.done $0x0  }
0x1f0: {  	[sflag:s28] =	ssyncadd.s32 $0xFFFFFF80  }
0x1f1: {  	[tilespmem:s30], [sflag:$0x1] =	stream.indirect.gather [hbm4b:s6+s29], $0x80, s3, s29, $0xb8;
	[tilespmem:$0x1FE00] =	vst v63  }
0x1f2: {  	_ = 	snop  }
0x1f3: {  	[spmem:s1] =	stream.indirect.scatter.add.f32 [tilespmem:s30], [sflag:$0x3], $0x80, s2, s29, $0xb8;
	[tilespmem:$0x1FE00] =	vst v63  }
0x1f4: {  	_ =	swait.ge [sflag:s28], $0x4000  }
0x1f5: {  	[sflag:s28] =	ssyncset.done $0x0  }
0x1f6: {  	[sflag:s28] =	ssyncadd.s32 $0xFFFFC000  }
0x1f7: {  	_ =	swait.ge [sflag:s14], $0x4000  }
0x1f8: {  	[sflag:s14] =	ssyncset.done $0x0  }
0x1f9: {  	s10 =	sadd.s32 s9, s19;
	[sflag:s14] =	ssyncadd.s32 $0xFFFFC000  }
0x1fa: {  	[tilespmem:s15], [sflag:$0x3] =	stream.linear.gather [hbm4b:s10+s3], $0x80, $0x38;
	[tilespmem:$0x1FE00] =	vst v63  }
0x1fb: {  	_ =	swait.ge [sflag:s28], $0x80  }
0x1fc: {  	[sflag:s28] =	ssyncset.done $0x0  }
0x1fd: {  	[sflag:s28] =	ssyncadd.s32 $0xFFFFFF80  }
0x1fe: {  	[spmem:s1] =	stream.indirect.scatter.add.f32 [tilespmem:s31], [sflag:$0x3], $0x80, s15, s29, $0xb8;
	[tilespmem:$0x1FE00] =	vst v63  }
0x1ff: {  	_ =	swait.ge [sflag:s28], $0x4000  }
0x200: {  	[sflag:s28] =	ssyncset.done $0x0  }
0x201: {  	s9 =	simm.s32 $0x0;
	[sflag:s28] =	ssyncadd.s32 $0xFFFFC000  }
0x202: {  	[tilespmem:s29], [sflag:$0x3] =	stream.linear.gather [hbm4b:s16+s9], $0x80, $0x38;
	[tilespmem:$0x1FE00] =	vst v63  }
0x203: {  	_ =	swait.ge [sflag:s28], $0x80  }
0x204: {  	[sflag:s28] =	ssyncset.done $0x0  }
0x205: {  	[sflag:s28] =	ssyncadd.s32 $0xFFFFFF80  }
0x206: {  	[tilespmem:s31], [sflag:$0x2] =	stream.indirect.gather [hbm4b:s6+s29], $0x80, s29, s29, $0xb8;
	[tilespmem:$0x1FE00] =	vst v63  }
0x207: {  	_ =	swait.ge [sflag:s0], $0x4000  }
0x208: {  	[sflag:s0] =	ssyncset.done $0x0  }
0x209: {  	[sflag:s0] =	ssyncadd.s32 $0xFFFFC000  }
0x20a: {  	[tilespmem:s2], [sflag:$0x3] =	stream.linear.gather [hbm4b:s25+s9], $0x80, $0x38;
	[tilespmem:$0x1FE00] =	vst v63  }
0x20b: {  	_ =	swait.ge [sflag:s28], $0x80  }
0x20c: {  	[sflag:s28] =	ssyncset.done $0x0  }
0x20d: {  	[sflag:s28] =	ssyncadd.s32 $0xFFFFFF80  }
0x20e: {  	[tilespmem:s9], [sflag:$0x3] =	stream.linear.gather [hbm4b:s16+s9], $0x80, $0x38;
	[tilespmem:$0x1FE00] =	vst v63  }
0x20f: {  	_ =	swait.ge [sflag:s28], $0x80  }
0x210: {  	[sflag:s28] =	ssyncset.done $0x0  }
0x211: {  	[sflag:s28] =	ssyncadd.s32 $0xFFFFFF80  }
0x212: {  	[tilespmem:s30], [sflag:$0x1] =	stream.indirect.gather [hbm4b:s6+s29], $0x80, s9, s29, $0xb8;
	[tilespmem:$0x1FE00] =	vst v63  }
0x213: {  	_ = 	snop  }
0x214: {  	[spmem:s1] =	stream.indirect.scatter.add.f32 [tilespmem:s30], [sflag:$0x3], $0x80, s2, s29, $0xb8;
	[tilespmem:$0x1FE00] =	vst v63  }
0x215: {  	_ =	swait.ge [sflag:s28], $0x4000  }
0x216: {  	[sflag:s28] =	ssyncset.done $0x0  }
0x217: {  	[sflag:s28] =	ssyncadd.s32 $0xFFFFC000  }
0x218: {  	_ =	swait.ge [sflag:s14], $0x4000  }
0x219: {  	[sflag:s14] =	ssyncset.done $0x0  }
0x21a: {  	[sflag:s14] =	ssyncadd.s32 $0xFFFFC000  }
0x21b: {  	[tilespmem:s15], [sflag:$0x3] =	stream.linear.gather [hbm4b:s17+s9], $0x80, $0x38;
	[tilespmem:$0x1FE00] =	vst v63  }
0x21c: {  	_ =	swait.ge [sflag:s28], $0x80  }
0x21d: {  	[sflag:s28] =	ssyncset.done $0x0  }
0x21e: {  	[sflag:s28] =	ssyncadd.s32 $0xFFFFFF80  }
0x21f: {  	[spmem:s1] =	stream.indirect.scatter.add.f32 [tilespmem:s31], [sflag:$0x3], $0x80, s15, s29, $0xb8;
	[tilespmem:$0x1FE00] =	vst v63  }
0x220: {  	_ =	swait.ge [sflag:s28], $0x4000  }
0x221: {  	[sflag:s28] =	ssyncset.done $0x0  }
0x222: {  	[sflag:s28] =	ssyncadd.s32 $0xFFFFC000  }
0x223: {  	_ =	swait.ge [sflag:s0], $0x4000  }
0x224: {  	[sflag:s0] =	ssyncset.done $0x0  }
0x225: {  	[sflag:s0] =	ssyncadd.s32 $0xFFFFC000  }
0x226: {  	[bflag:$0x0] =	sbarrier.arrive $0xFFFF  }
0x227: {  	s11 =	rddreg [dreg:$0xa]  }
0x228: {  	[hbm:s11], [sflag:s23] =	dma.local [spmem:s24], $0x2780  }
0x229: {  	_ =	swait.ge [sflag:s28], $0x2780  }
0x22a: {  	[sflag:s28] =	ssyncset.done $0x0  }
0x22b: {  	[sflag:s28] =	ssyncadd.s32 $0xFFFFD880  }
0x22c: {  	[bflag:$0x0] =	sbarrier.arrive $0xFFFF  }
0x22d: {  	[spmem:s8] =	stream.linear.scatter [tilespmem:s26], [sflag:$0x3], $0x4000, $0x38;
	[tilespmem:$0x1FE00] =	vst v63  }
0x22e: {  	_ =	swait.ge [sflag:s28], $0x4000  }
0x22f: {  	[sflag:s28] =	ssyncset.done $0x0  }
0x230: {  	s12 =	rddreg [dreg:$0x3];
	[sflag:s28] =	ssyncadd.s32 $0xFFFFC000  }
0x231: {  	[spmem:s12] =	stream.linear.scatter [tilespmem:s26], [sflag:$0x3], $0x4000, $0x38;
	[tilespmem:$0x1FE00] =	vst v63  }
0x232: {  	_ =	swait.ge [sflag:s28], $0x4000  }
0x233: {  	[sflag:s28] =	ssyncset.done $0x0  }
0x234: {  	s13 =	rddreg [dreg:$0x4];
	[sflag:s28] =	ssyncadd.s32 $0xFFFFC000  }
0x235: {  	[spmem:s13] =	stream.linear.scatter [tilespmem:s26], [sflag:$0x3], $0x4000, $0x38;
	[tilespmem:$0x1FE00] =	vst v63  }
0x236: {  	_ =	swait.ge [sflag:s28], $0x4000  }
0x237: {  	[sflag:s28] =	ssyncset.done $0x0  }
0x238: {  	s11 =	rddreg [dreg:$0x5];
	[sflag:s28] =	ssyncadd.s32 $0xFFFFC000  }
0x239: {  	[spmem:s11] =	stream.linear.scatter [tilespmem:s26], [sflag:$0x3], $0x4000, $0x38;
	[tilespmem:$0x1FE00] =	vst v63  }
0x23a: {  	_ =	swait.ge [sflag:s28], $0x4000  }
0x23b: {  	[sflag:s28] =	ssyncset.done $0x0  }
0x23c: {  	s12 =	rddreg [dreg:$0x6];
	[sflag:s28] =	ssyncadd.s32 $0xFFFFC000  }
0x23d: {  	[spmem:s12] =	stream.linear.scatter [tilespmem:s26], [sflag:$0x3], $0x3C00, $0x38;
	[tilespmem:$0x1FE00] =	vst v63  }
0x23e: {  	_ =	swait.ge [sflag:s28], $0x3C00  }
0x23f: {  	[sflag:s28] =	ssyncset.done $0x0  }
0x240: {  	[sflag:s28] =	ssyncadd.s32 $0xFFFFC400  }
0x241: {  	[bflag:$0x0] =	sbarrier.arrive $0xFFFF  }
0x242: {  	s13 =	rddreg [dreg:$0x7]  }
0x243: {  	[tilespmem:s9], [sflag:$0x3] =	stream.linear.gather [hbm4b:s13+s9], $0x80, $0x38;
	[tilespmem:$0x1FE00] =	vst v63  }
0x244: {  	_ =	swait.ge [sflag:s28], $0x80  }
0x245: {  	[sflag:s28] =	ssyncset.done $0x0  }
0x246: {  	[sflag:s28] =	ssyncadd.s32 $0xFFFFFF80  }
0x247: {  	[tilespmem:s30], [sflag:$0x1] =	stream.indirect.gather [hbm4b:s7+s29], $0x80, s9, s29, $0xb8;
	[tilespmem:$0x1FE00] =	vst v63  }
0x248: {  	s10 =	sadd.s32 $0x0, s20  }
0x249: {  	[tilespmem:s29], [sflag:$0x3] =	stream.linear.gather [hbm4b:s10+s3], $0x80, $0x38;
	[tilespmem:$0x1FE00] =	vst v63  }
0x24a: {  	_ =	swait.ge [sflag:s28], $0x80  }
0x24b: {  	[sflag:s28] =	ssyncset.done $0x0  }
0x24c: {  	[sflag:s28] =	ssyncadd.s32 $0xFFFFFF80  }
0x24d: {  	[tilespmem:s31], [sflag:$0x2] =	stream.indirect.gather [hbm4b:s7+s29], $0x80, s29, s29, $0xb8;
	[tilespmem:$0x1FE00] =	vst v63  }
0x24e: {  	_ =	swait.ge [sflag:s0], $0x4000  }
0x24f: {  	[sflag:s0] =	ssyncset.done $0x0  }
0x250: {  	s11 =	sadd.s32 $0x0, s18;
	[sflag:s0] =	ssyncadd.s32 $0xFFFFC000  }
0x251: {  	[tilespmem:s2], [sflag:$0x3] =	stream.linear.gather [hbm4b:s11+s3], $0x80, $0x38;
	[tilespmem:$0x1FE00] =	vst v63  }
0x252: {  	_ =	swait.ge [sflag:s28], $0x80  }
0x253: {  	[sflag:s28] =	ssyncset.done $0x0  }
0x254: {  	s12 =	sadd.s32 $0x0, s21;
	[sflag:s28] =	ssyncadd.s32 $0xFFFFFF80  }
0x255: {  	[tilespmem:s3], [sflag:$0x3] =	stream.linear.gather [hbm4b:s12+s3], $0x80, $0x38;
	[tilespmem:$0x1FE00] =	vst v63  }
0x256: {  	_ =	swait.ge [sflag:s28], $0x80  }
0x257: {  	[sflag:s28] =	ssyncset.done $0x0  }
0x258: {  	[sflag:s28] =	ssyncadd.s32 $0xFFFFFF80  }
0x259: {  	[tilespmem:s30], [sflag:$0x1] =	stream.indirect.gather [hbm4b:s7+s29], $0x80, s3, s29, $0xb8;
	[tilespmem:$0x1FE00] =	vst v63  }
0x25a: {  	_ = 	snop  }
0x25b: {  	[spmem:s1] =	stream.indirect.scatter.add.f32 [tilespmem:s30], [sflag:$0x3], $0x80, s2, s29, $0xb8;
	[tilespmem:$0x1FE00] =	vst v63  }
0x25c: {  	_ =	swait.ge [sflag:s28], $0x4000  }
0x25d: {  	[sflag:s28] =	ssyncset.done $0x0  }
0x25e: {  	[sflag:s28] =	ssyncadd.s32 $0xFFFFC000  }
0x25f: {  	_ =	swait.ge [sflag:s14], $0x4000  }
0x260: {  	[sflag:s14] =	ssyncset.done $0x0  }
0x261: {  	s13 =	sadd.s32 $0x0, s19;
	[sflag:s14] =	ssyncadd.s32 $0xFFFFC000  }
0x262: {  	[tilespmem:s15], [sflag:$0x3] =	stream.linear.gather [hbm4b:s13+s3], $0x80, $0x38;
	[tilespmem:$0x1FE00] =	vst v63  }
0x263: {  	_ =	swait.ge [sflag:s28], $0x80  }
0x264: {  	[sflag:s28] =	ssyncset.done $0x0  }
0x265: {  	[sflag:s28] =	ssyncadd.s32 $0xFFFFFF80  }
0x266: {  	[spmem:s1] =	stream.indirect.scatter.add.f32 [tilespmem:s31], [sflag:$0x3], $0x80, s15, s29, $0xb8;
	[tilespmem:$0x1FE00] =	vst v63  }
0x267: {  	_ =	swait.ge [sflag:s28], $0x4000  }
0x268: {  	s9 =	simm.s32 $0x20;
	s11 =	simm.s32 $0x40;
	[sflag:s28] =	ssyncset.done $0x0  }
.LBB2_10:
0x269: {  	s12 =	sadd.s32 s9, s20  }
0x26a: {  	[sflag:s28] =	ssyncadd.s32 $0xFFFFC000;
	s13 =	smov.u32 s11;
	s10 =	sadd.s32 $0x20, s11  }
0x26b: {  	[tilespmem:s29], [sflag:$0x3] =	stream.linear.gather [hbm4b:s12+s3], $0x80, $0x38;
	[tilespmem:$0x1FE00] =	vst v63  }
0x26c: {  	p0 =	sne.s32 s11, $0x240;
	_ =	swait.ge [sflag:s28], $0x80  }
0x26d: {  	[sflag:s28] =	ssyncset.done $0x0  }
0x26e: {  	[sflag:s28] =	ssyncadd.s32 $0xFFFFFF80  }
0x26f: {  	[tilespmem:s31], [sflag:$0x2] =	stream.indirect.gather [hbm4b:s7+s29], $0x80, s29, s29, $0xb8;
	[tilespmem:$0x1FE00] =	vst v63  }
0x270: {  	_ =	swait.ge [sflag:s0], $0x4000  }
0x271: {  	[sflag:s0] =	ssyncset.done $0x0  }
0x272: {  	s11 =	sadd.s32 s9, s18;
	[sflag:s0] =	ssyncadd.s32 $0xFFFFC000  }
0x273: {  	[tilespmem:s2], [sflag:$0x3] =	stream.linear.gather [hbm4b:s11+s3], $0x80, $0x38;
	[tilespmem:$0x1FE00] =	vst v63  }
0x274: {  	_ =	swait.ge [sflag:s28], $0x80  }
0x275: {  	[sflag:s28] =	ssyncset.done $0x0  }
0x276: {  	s11 =	sadd.s32 s9, s21;
	[sflag:s28] =	ssyncadd.s32 $0xFFFFFF80  }
0x277: {  	[tilespmem:s3], [sflag:$0x3] =	stream.linear.gather [hbm4b:s11+s3], $0x80, $0x38;
	[tilespmem:$0x1FE00] =	vst v63  }
0x278: {  	_ =	swait.ge [sflag:s28], $0x80  }
0x279: {  	[sflag:s28] =	ssyncset.done $0x0  }
0x27a: {  	[sflag:s28] =	ssyncadd.s32 $0xFFFFFF80  }
0x27b: {  	[tilespmem:s30], [sflag:$0x1] =	stream.indirect.gather [hbm4b:s7+s29], $0x80, s3, s29, $0xb8;
	[tilespmem:$0x1FE00] =	vst v63  }
0x27c: {  	_ = 	snop  }
0x27d: {  	[spmem:s1] =	stream.indirect.scatter.add.f32 [tilespmem:s30], [sflag:$0x3], $0x80, s2, s29, $0xb8;
	[tilespmem:$0x1FE00] =	vst v63  }
0x27e: {  	_ =	swait.ge [sflag:s28], $0x4000  }
0x27f: {  	[sflag:s28] =	ssyncset.done $0x0  }
0x280: {  	[sflag:s28] =	ssyncadd.s32 $0xFFFFC000  }
0x281: {  	_ =	swait.ge [sflag:s14], $0x4000  }
0x282: {  	[sflag:s14] =	ssyncset.done $0x0  }
0x283: {  	s11 =	sadd.s32 s9, s19;
	s9 =	smov.u32 s13;
	[sflag:s14] =	ssyncadd.s32 $0xFFFFC000  }
0x284: {  	[tilespmem:s15], [sflag:$0x3] =	stream.linear.gather [hbm4b:s11+s3], $0x80, $0x38;
	[tilespmem:$0x1FE00] =	vst v63  }
0x285: {  	_ =	swait.ge [sflag:s28], $0x80  }
.Ltmp4:
0x286: {  	[sflag:s28] =	ssyncset.done $0x0;
	(pc) =	sbr.rel @p0 .LBB2_10-.Ltmp4, $4  }
0x287: {  	[sflag:s28] =	ssyncadd.s32 $0xFFFFFF80  }
0x288: {  	[spmem:s1] =	stream.indirect.scatter.add.f32 [tilespmem:s31], [sflag:$0x3], $0x80, s15, s29, $0xb8;
	[tilespmem:$0x1FE00] =	vst v63  }
0x289: {  	_ =	swait.ge [sflag:s28], $0x4000  }
0x28a: {  	s11 =	smov.u32 s10;
	[sflag:s28] =	ssyncset.done $0x0  }
0x28b: {  	s10 =	sadd.s32 s9, s20;
	[sflag:s28] =	ssyncadd.s32 $0xFFFFC000  }
0x28c: {  	[tilespmem:s29], [sflag:$0x3] =	stream.linear.gather [hbm4b:s10+s3], $0x80, $0x38;
	[tilespmem:$0x1FE00] =	vst v63  }
0x28d: {  	_ =	swait.ge [sflag:s28], $0x80  }
0x28e: {  	[sflag:s28] =	ssyncset.done $0x0  }
0x28f: {  	[sflag:s28] =	ssyncadd.s32 $0xFFFFFF80  }
0x290: {  	[tilespmem:s31], [sflag:$0x2] =	stream.indirect.gather [hbm4b:s7+s29], $0x80, s29, s29, $0xb8;
	[tilespmem:$0x1FE00] =	vst v63  }
0x291: {  	_ =	swait.ge [sflag:s0], $0x4000  }
0x292: {  	[sflag:s0] =	ssyncset.done $0x0  }
0x293: {  	s13 =	sadd.s32 s9, s18;
	[sflag:s0] =	ssyncadd.s32 $0xFFFFC000  }
0x294: {  	[tilespmem:s2], [sflag:$0x3] =	stream.linear.gather [hbm4b:s13+s3], $0x80, $0x38;
	[tilespmem:$0x1FE00] =	vst v63  }
0x295: {  	_ =	swait.ge [sflag:s28], $0x80  }
0x296: {  	[sflag:s28] =	ssyncset.done $0x0  }
0x297: {  	s11 =	sadd.s32 s9, s21;
	[sflag:s28] =	ssyncadd.s32 $0xFFFFFF80  }
0x298: {  	[tilespmem:s3], [sflag:$0x3] =	stream.linear.gather [hbm4b:s11+s3], $0x80, $0x38;
	[tilespmem:$0x1FE00] =	vst v63  }
0x299: {  	_ =	swait.ge [sflag:s28], $0x80  }
0x29a: {  	[sflag:s28] =	ssyncset.done $0x0  }
0x29b: {  	[sflag:s28] =	ssyncadd.s32 $0xFFFFFF80  }
0x29c: {  	[tilespmem:s30], [sflag:$0x1] =	stream.indirect.gather [hbm4b:s7+s29], $0x80, s3, s29, $0xb8;
	[tilespmem:$0x1FE00] =	vst v63  }
0x29d: {  	_ = 	snop  }
0x29e: {  	[spmem:s1] =	stream.indirect.scatter.add.f32 [tilespmem:s30], [sflag:$0x3], $0x80, s2, s29, $0xb8;
	[tilespmem:$0x1FE00] =	vst v63  }
0x29f: {  	_ =	swait.ge [sflag:s28], $0x4000  }
0x2a0: {  	[sflag:s28] =	ssyncset.done $0x0  }
0x2a1: {  	[sflag:s28] =	ssyncadd.s32 $0xFFFFC000  }
0x2a2: {  	_ =	swait.ge [sflag:s14], $0x4000  }
0x2a3: {  	[sflag:s14] =	ssyncset.done $0x0  }
0x2a4: {  	s12 =	sadd.s32 s9, s19;
	[sflag:s14] =	ssyncadd.s32 $0xFFFFC000  }
0x2a5: {  	[tilespmem:s15], [sflag:$0x3] =	stream.linear.gather [hbm4b:s12+s3], $0x80, $0x38;
	[tilespmem:$0x1FE00] =	vst v63  }
0x2a6: {  	_ =	swait.ge [sflag:s28], $0x80  }
0x2a7: {  	[sflag:s28] =	ssyncset.done $0x0  }
0x2a8: {  	[sflag:s28] =	ssyncadd.s32 $0xFFFFFF80  }
0x2a9: {  	[spmem:s1] =	stream.indirect.scatter.add.f32 [tilespmem:s31], [sflag:$0x3], $0x80, s15, s29, $0xb8;
	[tilespmem:$0x1FE00] =	vst v63  }
0x2aa: {  	_ =	swait.ge [sflag:s28], $0x4000  }
0x2ab: {  	[sflag:s28] =	ssyncset.done $0x0  }
0x2ac: {  	[sflag:s28] =	ssyncadd.s32 $0xFFFFC000  }
0x2ad: {  	[tilespmem:s29], [sflag:$0x3] =	stream.linear.gather [hbm4b:s16+s3], $0x80, $0x38;
	[tilespmem:$0x1FE00] =	vst v63  }
0x2ae: {  	_ =	swait.ge [sflag:s28], $0x80  }
0x2af: {  	[sflag:s28] =	ssyncset.done $0x0  }
0x2b0: {  	[sflag:s28] =	ssyncadd.s32 $0xFFFFFF80  }
0x2b1: {  	[tilespmem:s31], [sflag:$0x2] =	stream.indirect.gather [hbm4b:s7+s29], $0x80, s29, s29, $0xb8;
	[tilespmem:$0x1FE00] =	vst v63  }
0x2b2: {  	_ =	swait.ge [sflag:s0], $0x4000  }
0x2b3: {  	[sflag:s0] =	ssyncset.done $0x0  }
0x2b4: {  	[sflag:s0] =	ssyncadd.s32 $0xFFFFC000  }
0x2b5: {  	[tilespmem:s2], [sflag:$0x3] =	stream.linear.gather [hbm4b:s25+s3], $0x80, $0x38;
	[tilespmem:$0x1FE00] =	vst v63  }
0x2b6: {  	_ =	swait.ge [sflag:s28], $0x80  }
0x2b7: {  	[sflag:s28] =	ssyncset.done $0x0  }
0x2b8: {  	[sflag:s28] =	ssyncadd.s32 $0xFFFFFF80  }
0x2b9: {  	[tilespmem:s3], [sflag:$0x3] =	stream.linear.gather [hbm4b:s16+s3], $0x80, $0x38;
	[tilespmem:$0x1FE00] =	vst v63  }
0x2ba: {  	_ =	swait.ge [sflag:s28], $0x80  }
0x2bb: {  	[sflag:s28] =	ssyncset.done $0x0  }
0x2bc: {  	[sflag:s28] =	ssyncadd.s32 $0xFFFFFF80  }
0x2bd: {  	[tilespmem:s30], [sflag:$0x1] =	stream.indirect.gather [hbm4b:s7+s29], $0x80, s3, s29, $0xb8;
	[tilespmem:$0x1FE00] =	vst v63  }
0x2be: {  	_ = 	snop  }
0x2bf: {  	[spmem:s1] =	stream.indirect.scatter.add.f32 [tilespmem:s30], [sflag:$0x3], $0x80, s2, s29, $0xb8;
	[tilespmem:$0x1FE00] =	vst v63  }
0x2c0: {  	_ =	swait.ge [sflag:s28], $0x4000  }
0x2c1: {  	[sflag:s28] =	ssyncset.done $0x0  }
0x2c2: {  	[sflag:s28] =	ssyncadd.s32 $0xFFFFC000  }
0x2c3: {  	_ =	swait.ge [sflag:s14], $0x4000  }
0x2c4: {  	[sflag:s14] =	ssyncset.done $0x0  }
0x2c5: {  	[sflag:s14] =	ssyncadd.s32 $0xFFFFC000  }
0x2c6: {  	[tilespmem:s15], [sflag:$0x3] =	stream.linear.gather [hbm4b:s17+s3], $0x80, $0x38;
	[tilespmem:$0x1FE00] =	vst v63  }
0x2c7: {  	_ =	swait.ge [sflag:s28], $0x80  }
0x2c8: {  	[sflag:s28] =	ssyncset.done $0x0  }
0x2c9: {  	[sflag:s28] =	ssyncadd.s32 $0xFFFFFF80  }
0x2ca: {  	[spmem:s1] =	stream.indirect.scatter.add.f32 [tilespmem:s31], [sflag:$0x3], $0x80, s15, s29, $0xb8;
	[tilespmem:$0x1FE00] =	vst v63  }
0x2cb: {  	_ =	swait.ge [sflag:s28], $0x4000  }
0x2cc: {  	[sflag:s28] =	ssyncset.done $0x0  }
0x2cd: {  	[sflag:s28] =	ssyncadd.s32 $0xFFFFC000  }
0x2ce: {  	_ =	swait.ge [sflag:s0], $0x4000  }
0x2cf: {  	[sflag:s0] =	ssyncset.done $0x0  }
0x2d0: {  	[sflag:s0] =	ssyncadd.s32 $0xFFFFC000  }
0x2d1: {  	[bflag:$0x0] =	sbarrier.arrive $0xFFFF  }
0x2d2: {  	s13 =	rddreg [dreg:$0xb]  }
0x2d3: {  	[hbm:s13], [sflag:s23] =	dma.local [spmem:s24], $0x2780  }
0x2d4: {  	_ =	swait.ge [sflag:s28], $0x2780  }
0x2d5: {  	s22 =	sadd.s32 $0x1, s22;
	s24 =	rddreg [dreg:$0xc]  }
0x2d6: {  	p0 =	sne.s32 s22, s24  }
.Ltmp5:
0x2d7: {  	_ = 	snop;
	(pc) =	sbr.rel @p0 .LBB2_1-.Ltmp5, $3  }
0x2d8: {  	[sflag:s28] =	ssyncset.done $0x0  }
0x2d9: {  	[sflag:s28] =	ssyncadd.s32 $0xFFFFD880  }
0x2da: {  	[bflag:$0x0] =	sbarrier.arrive $0xFFFF;
	_ =	sdelay $0x1  }
0x2db: {  	_ =	sfence.sel $0x180000  }
0x2dc: {  	[bflag:$0x0] =	sbarrier.arrive $0xFFFF  }
0x2dd: {  	_ =	strace $0x9000004A  }
0x2de: {  	s0 =	stileid.u32;
	[bflag:$0x2] =	sbarrier.arrive $0xFFFF  }
0x2df: {  	p0 =	sne.s32 s0, $0x0;
	s0 =	rddreg [dreg:$0x2]  }
0x2e0: {  	s0 =	sadd.s32 @!p0 $0x100000, s0  }
0x2e1: {  	[sflag:s0] =	ssyncadd.tile.s32 @!p0 $0x1;
	_ =	shalt  }
.Lfunc_end2:
_tile_overlayer_lowered:
.L_overlay_start_2:
0x2e2: {  	(tag) =	ssettag $0x2  }
0x2e3: {  	s0 =	rddreg [dreg:$0x0];
	s2 =	stileid.u32  }
0x2e4: {  	s1 =	rddreg [dreg:$0x1];
	p0 =	sne.s32 s2, $0x0  }
0x2e5: {  	s3 =	rddreg [dreg:$0x2];
	[bflag:$0x3] =	sbarrier.arrive $0xFFFF;
	s2 =	simm.s32 @!p0 $0x1C03  }
0x2e6: {  	[timem:s3], [sflag:s2] =	dma.local @!p0 [hbm:s0], s1  }
0x2e7: {  	s0 =	simm.s32 @!p0 $0x3  }
0x2e8: {  	_ =	swait.ge @!p0 [sflag:s0], s1  }
0x2e9: {  	s1 =	ssub.s32 @!p0 $0x0, s1;
	[sflag:s0] =	ssyncset.done @!p0 $0x0  }
0x2ea: {  	[sflag:s0] =	ssyncadd.s32 @!p0 s1  }
0x2eb: {  	[bflag:$0x3] =	sbarrier.arrive $0xFFFF  }
0x2ec: {  	_ =	shalt  }

// kernel: kernel.15.cloned.1.call-start
scs
__scs_entry_jumppad:
0x0: {  	(pc) =	sbr.rel $0x88, $3  }
0x1: {  	(tag) =	ssettag $0x0;
	lr =	simm.s32 $0x1  }
0x2: {  	[smem:$0x3F95] =	sst lr;
	_ =	strace $0xD0000000  }
0x3: {  	_ = 	snop  }
0x4: {  	_ = 	snop  }
0x5: {  	_ = 	snop  }
0x6: {  	_ = 	snop  }
0x7: {  	_ = 	snop  }
__scs_overlays_trampoline_lowered:
0x8: {  	[smem:$0x3FA4] =	sst s0  }
0x9: {  	[smem:$0x3FA5] =	sst s1  }
0xa: {  	[smem:$0x3FA6] =	sst s2  }
0xb: {  	[smem:$0x3FA7] =	sst s3  }
0xc: {  	[smem:$0x3FA8] =	sst s4  }
0xd: {  	[smem:$0x3FA9] =	sst s5  }
0xe: {  	[smem:$0x3FAA] =	sst s6  }
0xf: {  	[smem:$0x3FAB] =	sst s7  }
0x10: {  	[smem:$0x3FAC] =	sst s8  }
0x11: {  	[smem:$0x3FAD] =	sst s9;
	s0 =	simm.s32 @!p0 $0x0  }
0x12: {  	s1 =	sld [smem:$0x3F93];
	s0 =	simm.s32 @p0 $0x1  }
0x13: {  	[smem:$0x3FAE] =	sst s0;
	s0 =	simm.s32 @!p1 $0x0  }
0x14: {  	s2 =	sld [smem:$0x3F92];
	s0 =	simm.s32 @p1 $0x1  }
0x15: {  	[smem:$0x3FAF] =	sst s0;
	s0 =	simm.s32 @!p2 $0x0  }
0x16: {  	s3 =	sld [smem:$0x3FDB];
	s0 =	simm.s32 @p2 $0x1  }
0x17: {  	s4 =	simm.s32 $0x1BF5;
	[smem:$0x3FB1] =	sst s0  }
0x18: {  	s0 =	sld [smem:$0x3F94];
	_ =	swait.ge [sflag:s4], $0x0  }
0x19: {  	s7 =	sld [smem:$0x3F95]  }
0x1a: {  	s8 =	sadd.s32 $0xFFFFE003, lr  }
0x1b: {  	s9 =	sadd.s32 $0xFFFFFEF7, lr;
	s5 =	simm.s32 $0xFFFFFFFF;
	p2 =	slt.u32 s8, $0xFFFFF086  }
0x1c: {  	p1 =	slt.u32 s9, $0xF7A;
	s5 =	simm.s32 @!p2 $0x0  }
0x1d: {  	s5 =	simm.s32 @p1 $0x1;
	p0 =	seq.s32 s7, s2  }
0x1e: {  	s7 =	smul.u32 @!p0 $0xF7A, s2;
	p2 =	seq.s32 @!p0 s5, $0x0  }
0x1f: {  	s9 =	smul.u32 $0xF7A, s1;
	s8 =	simm.s32 @!p0 $0x1BF5;
	p2 =	por !p2, p0  }
0x20: {  	[sflag:s8] =	ssyncset.s32 @!p0 $0xFFFFF086;
	s6 =	sadd.s32 @!p0 s3, s7;
	s7 =	simm.s32 @!p0 $0x108  }
0x21: {  	s3 =	sadd.s32 s3, s9;
	s6 =	sadd.s32 @!p0 $0x88, s6;
	s7 =	simm.s32 @p2 $0x1082  }
0x22: {  	[simem:s7], [sflag:s8] =	dma.local @!p0 [hbm:s6], $0xF7A  }
0x23: {  	s9 =	sor.u32 $0xD0000000, s2;
	s6 =	simm.s32 $0x108;
	_ =	swait.ge @!p0 [sflag:s8], $0x0  }
0x24: {  	s3 =	sadd.s32 $0x88, s3;
	s6 =	simm.s32 @!p1 $0x1082;
	[sflag:s4] =	ssyncset.s32 $0xFFFFF086  }
0x25: {  	[simem:s6], [sflag:s4] =	dma.local [hbm:s3], $0xF7A  }
0x26: {  	[smem:$0x3F95] =	sst s1;
	(tag) =	ssettag s2;
	_ =	strace s9  }
0x27: {  	s1 =	sld [smem:$0x3FA5]  }
0x28: {  	s2 =	sld [smem:$0x3FA6]  }
0x29: {  	s4 =	sld [smem:$0x3FA8]  }
0x2a: {  	p0 =	seq.s32 s5, $0x0;
	s5 =	sld [smem:$0x3FA9]  }
0x2b: {  	s6 =	sld [smem:$0x3FAA]  }
0x2c: {  	s7 =	sld [smem:$0x3FAB]  }
0x2d: {  	s3 =	simm.s32 $0x108;
	s8 =	sld [smem:$0x3FAC]  }
0x2e: {  	s3 =	simm.s32 @!p0 $0x1082;
	s9 =	sld [smem:$0x3FAD]  }
0x2f: {  	lr =	sadd.s32 s0, s3;
	s0 =	sld [smem:$0x3FA4]  }
0x30: {  	s3 =	sld [smem:$0x3FA7]  }
0x31: {  	[smem:$0x3FB0] =	sst s10  }
0x32: {  	s10 =	sld [smem:$0x3FAE];
	_ =	sdelay $0x3  }
0x33: {  	p0 =	seq.s32 s10, $0x1;
	s10 =	sld [smem:$0x3FB0];
	_ =	sdelay $0x3  }
0x34: {  	[smem:$0x3FB0] =	sst s10  }
0x35: {  	s10 =	sld [smem:$0x3FAF];
	_ =	sdelay $0x3  }
0x36: {  	p1 =	seq.s32 s10, $0x1;
	s10 =	sld [smem:$0x3FB0];
	_ =	sdelay $0x3  }
0x37: {  	[smem:$0x3FB0] =	sst s10  }
0x38: {  	s10 =	sld [smem:$0x3FB1]  }
0x39: {  	_ = 	snop;
	(pc) =	sbr.ind lr, $3  }
0x3a: {  	_ = 	snop  }
0x3b: {  	_ = 	snop  }
0x3c: {  	p2 =	seq.s32 s10, $0x1;
	s10 =	sld [smem:$0x3FB0]  }
0x3d: {  	_ =	shalt  }
0x3e: {  	_ =	shalt  }
0x3f: {  	_ =	shalt  }
0x40: {  	_ =	shalt  }
0x41: {  	_ =	shalt  }
0x42: {  	_ =	shalt  }
0x43: {  	_ =	shalt  }
0x44: {  	_ =	shalt  }
0x45: {  	_ =	shalt  }
0x46: {  	_ =	shalt  }
0x47: {  	_ =	shalt  }
0x48: {  	_ =	shalt  }
0x49: {  	_ =	shalt  }
0x4a: {  	_ =	shalt  }
0x4b: {  	_ =	shalt  }
0x4c: {  	_ =	shalt  }
0x4d: {  	_ =	shalt  }
0x4e: {  	_ =	shalt  }
0x4f: {  	_ =	shalt  }
0x50: {  	_ =	shalt  }
0x51: {  	_ =	shalt  }
0x52: {  	_ =	shalt  }
0x53: {  	_ =	shalt  }
0x54: {  	_ =	shalt  }
0x55: {  	_ =	shalt  }
0x56: {  	_ =	shalt  }
0x57: {  	_ =	shalt  }
0x58: {  	_ =	shalt  }
0x59: {  	_ =	shalt  }
0x5a: {  	_ =	shalt  }
0x5b: {  	_ =	shalt  }
0x5c: {  	_ =	shalt  }
0x5d: {  	_ =	shalt  }
0x5e: {  	_ =	shalt  }
0x5f: {  	_ =	shalt  }
0x60: {  	_ =	shalt  }
0x61: {  	_ =	shalt  }
0x62: {  	_ =	shalt  }
0x63: {  	_ =	shalt  }
0x64: {  	_ =	shalt  }
0x65: {  	_ =	shalt  }
0x66: {  	_ =	shalt  }
0x67: {  	_ =	shalt  }
0x68: {  	_ =	shalt  }
0x69: {  	_ =	shalt  }
0x6a: {  	_ =	shalt  }
0x6b: {  	_ =	shalt  }
0x6c: {  	_ =	shalt  }
0x6d: {  	_ =	shalt  }
0x6e: {  	_ =	shalt  }
0x6f: {  	_ =	shalt  }
0x70: {  	_ =	shalt  }
0x71: {  	_ =	shalt  }
0x72: {  	_ =	shalt  }
0x73: {  	_ =	shalt  }
0x74: {  	_ =	shalt  }
0x75: {  	_ =	shalt  }
0x76: {  	_ =	shalt  }
0x77: {  	_ =	shalt  }
0x78: {  	_ =	shalt  }
0x79: {  	_ =	shalt  }
0x7a: {  	_ =	shalt  }
0x7b: {  	_ =	shalt  }
0x7c: {  	_ =	shalt  }
0x7d: {  	_ =	shalt  }
0x7e: {  	_ =	shalt  }
0x7f: {  	_ =	shalt  }
0x80: {  	_ =	shalt  }
0x81: {  	_ =	shalt  }
0x82: {  	_ =	shalt  }
0x83: {  	_ =	shalt  }
0x84: {  	_ =	shalt  }
0x85: {  	_ =	shalt  }
0x86: {  	_ =	shalt  }
0x87: {  	_ =	shalt  }
.Lfunc_end0:
.L_simem_size_0:
called_computation.2_lowered:
.L_overlay_start_0:
0x88: {  	s2 =	sld [smem:$0x3FD9]  }
0x89: {  	s3 =	sld [smem:$0x3FFE];
	_ =	sdelay $0x1  }
0x8a: {  	s1 =	srdreg.scid  }
0x8b: {  	s0 =	sand.u32 $0x1, s1  }
0x8c: {  	s16 =	sshll.u32 s0, $0xA;
	s2 =	sadd.s32 s3, s2  }
0x8d: {  	s2 =	sadd.s32 s2, s16  }
0x8e: {  	[smem:$0x3FBC] =	sst s2  }
0x8f: {  	_ = 	snop  }
0x90: {  	(tm) =	ssettm $0x1  }
0x91: {  	s17 =	sld [smem:$0x3FFB];
	_ =	sdelay $0x3  }
0x92: {  	_ =	strace s17  }
0x93: {  	s2 =	sld [smem:$0x3FFC];
	_ =	sdelay $0x3  }
0x94: {  	_ =	strace s2  }
0x95: {  	s2 =	sld [smem:$0x3FFD];
	_ =	sdelay $0x3  }
0x96: {  	_ =	strace s2  }
0x97: {  	_ =	strace $0x8FFFFFFF  }
0x98: {  	s18 =	sld [smem:$0x3FDB];
	_ =	sdelay $0x1  }
0x99: {  	s19 =	simm.s32 $_scs_section_size  }
0x9a: {  	s4 =	simm.s32 $_size__tile_overlayer_lowered;
	s5 =	simm.s32 $_tile_overlayer_lowered  }
0x9b: {  	s22 =	simm.s32 $0x1BFF;
	s21 =	sshll.u32 s5, $0x1;
	s2 =	sadd.s32 s19, s18  }
0x9c: {  	s6 =	simm.s32 $0x0;
	s20 =	sshll.u32 s4, $0x1;
	s4 =	sadd.s32 s21, s2  }
0x9d: {  	[timem:s6], [sflag:s22] =	dma.local [hbm:s4], s20  }
0x9e: {  	_ =	swait.ge [sflag:s22], s20  }
0x9f: {  	s3 =	ssub.s32 $0x0, s20;
	[sflag:s22] =	ssyncset.done $0x0  }
0xa0: {  	[sflag:s22] =	ssyncadd.s32 s3;
	_ =	sdelay $0x1  }
0xa1: {  	s23 =	simm.s32 $0x1B8B  }
0xa2: {  	_ =	swait.ge [sflag:s23], $0x1  }
0xa3: {  	[sflag:s23] =	ssyncset.done $0x0  }
0xa4: {  	s25 =	simm.s32 $0x1B8E;
	s24 =	sld [smem:$0x3FFE];
	[sflag:s23] =	ssyncadd.s32 $0xFFFFFFFF  }
0xa5: {  	s26 =	simm.s32 $execute0_lowered;
	[smem:$0x3FD2] =	sst s25  }
0xa6: {  	s4 =	sshll.u32 s26, $0x1;
	_ =	strace $0x8000004C;
	[dreg:$0x1] =	wrdreg $0xFFFFFFFF  }
0xa7: {  	s28 =	simm.s32 $_size_execute0_lowered;
	s2 =	sadd.s32 s2, s4;
	[dreg:$0x0] =	wrdreg $0x0  }
0xa8: {  	s4 =	sshll.u32 s28, $0x1;
	[dreg:$0x2] =	wrdreg s2  }
0xa9: {  	[dreg:$0x3] =	wrdreg s4  }
0xaa: {  	[dreg:$0x4] =	wrdreg $0xC0  }
0xab: {  	_ =	task [dreg:s6], $0x5FFFF  }
0xac: {  	[dreg:$0x1] =	wrdreg $0xFFFFFFFF  }
0xad: {  	[dreg:$0x0] =	wrdreg $0x60  }
0xae: {  	[dreg:$0x2] =	wrdreg s24  }
0xaf: {  	[dreg:$0x3] =	wrdreg $0xC2000  }
0xb0: {  	[dreg:$0x4] =	wrdreg $0x9  }
0xb1: {  	_ =	task.clear_ibuf [dreg:s6], $0x5FFFF;
	_ =	strace $0x9000004C  }
0xb2: {  	s29 =	simm.s32 $0x9;
	_ =	strace $0x8000004E  }
0xb3: {  	_ =	swait.ge [sflag:s29], $0x1  }
0xb4: {  	[sflag:s29] =	ssyncadd.s32 $0xFFFFFFFF  }
0xb5: {  	_ =	strace $0x9000004E  }
0xb6: {  	_ =	sfence  }
0xb7: {  	s30 =	sld [smem:$0x0];
	_ =	sdelay $0x2  }
0xb8: {  	s31 =	sshll.u32 s1, $0xD;
	s1 =	sshrl.u32 s1, $0x2  }
0xb9: {  	s3 =	sand.u32 $0x4000, s31;
	s1 =	sadd.s32 s1, s30  }
0xba: {  	s0 =	sor.u32 s3, s0;
	s1 =	sshll.u32 s1, $0x11  }
0xbb: {  	s0 =	sor.u32 s1, s0  }
0xbc: {  	s0 =	sadd.s32 $0x8F2B, s0  }
0xbd: {  	[sflag:s0] =	ssyncadd.remote.s32 $0x1  }
0xbe: {  	_ =	sfence.sel $0xFFFF  }
0xbf: {  	[dreg:$0x0] =	wrdreg $0xFFFFFFFF;
	(pc) =	sbr.abs _section_cstart, $3  }
0xc0: {  	[dreg:$0x1] =	wrdreg $0xFFFFFFFF  }
0xc1: {  	_ =	task.clear_ibuf [dreg:s6], $0x2FFFF;
	_ =	strace $0x9FFFFFFF  }
0xc2: {  	(tm) =	ssettm $0x7FFFFFFF  }
0xc3: {  	_ =	shalt  }
tec
execute0_lowered:
.L_overlay_start_1:
0x0: {  	(tag) =	ssettag $0x1  }
0x1: {  	s0 =	rddreg [dreg:$0x0]  }
0x2: {  	s1 =	rddreg [dreg:$0x1];
	s2 =	srdreg.scid;
	s3 =	simm.s32 $0x0  }
0x3: {  	s15 =	stileid.u32;
	s28 =	simm.s32 $0x3;
	s29 =	simm.s32 $0x80  }
0x4: {  	s30 =	simm.s32 $0x200;
	s31 =	simm.s32 $0x4200;
	s2 =	sand.u32 $0x1, s2  }
0x5: {  	[smem:$0x7FF] =	sst s3;
	s7 =	smul.u32 $0x13C00, s15;
	s9 =	sadd.s32 $0x58400, s0  }
0x6: {  	s10 =	sadd.s32 $0x4400, s0;
	s4 =	sadd.s32 $0x30C00, s0;
	s11 =	smul.u32 $0x4F000, s15  }
0x7: {  	s5 =	sadd.s32 $0x5D400, s0;
	s6 =	smul.u32 $0x13C000, s2;
	_ =	strace $0x8000004D  }
0x8: {  	s26 =	sshll.u32 s2, $0x4;
	s12 =	ssub.s32 $0x2, s2;
	s2 =	smul.u32 $0x14000, s2  }
0x9: {  	s13 =	sshrl.u32 s12, $0x1;
	s7 =	sadd.s32 s7, s6;
	s6 =	sadd.s32 $0x84C00, s0  }
0xa: {  	s13 =	ssub.s32 s12, s13;
	s8 =	sshrl.u32 s7, $0x3;
	s7 =	sadd.s32 $0xAC400, s0  }
0xb: {  	s0 =	sadd.s32 s8, s0;
	s8 =	sor.u32 s15, s26;
	s26 =	smax.u32 s13, $0x1  }
0xc: {  	s11 =	sshrl.u32 s11, $0x2;
	s23 =	sadd.s32 $0xD3C00, s0;
	[dreg:$0xc] =	wrdreg s26  }
0xd: {  	s15 =	smul.u32 $0x1400, s15;
	s24 =	sadd.s32 $0x122C00, s0;
	[dreg:$0x8] =	wrdreg s23  }
0xe: {  	s14 =	smul.u32 $0x1400, s8;
	s25 =	sadd.s32 $0x171C00, s0;
	[dreg:$0x9] =	wrdreg s24  }
0xf: {  	s8 =	sadd.s32 s11, s1;
	s0 =	sadd.s32 $0x1C0C00, s0;
	[dreg:$0xa] =	wrdreg s25  }
0x10: {  	s26 =	simm.s32 $0x8200;
	s18 =	sadd.s32 $0x4000, s8;
	[dreg:$0xb] =	wrdreg s0  }
0x11: {  	s19 =	sadd.s32 $0x8000, s8;
	s20 =	sadd.s32 $0xC000, s8;
	[dreg:$0x3] =	wrdreg s18  }
0x12: {  	s21 =	sadd.s32 $0x10000, s8;
	s2 =	sadd.s32 s15, s2;
	[dreg:$0x4] =	wrdreg s19  }
0x13: {  	s0 =	simm.s32 $0x1;
	[dreg:$0x5] =	wrdreg s20;
	s14 =	sshrl.u32 s14, $0x3  }
0x14: {  	[dreg:$0x6] =	wrdreg s21;
	s15 =	sor.u32 $0x80, s2;
	s18 =	sshrl.u32 s2, $0x3  }
0x15: {  	s2 =	sor.u32 $0x100, s2;
	s22 =	sadd.s32 s9, s14;
	s17 =	sadd.s32 $0x270, s14  }
0x16: {  	s14 =	sadd.s32 s10, s14;
	s15 =	sshrl.u32 s15, $0x3;
	s18 =	sadd.s32 s18, s10  }
0x17: {  	s2 =	sshrl.u32 s2, $0x3;
	[dreg:$0x7] =	wrdreg s22;
	s16 =	sadd.s32 s9, s17  }
0x18: {  	s17 =	sadd.s32 s10, s17;
	s19 =	sadd.s32 s15, s10;
	s20 =	sadd.s32 s15, s9  }
0x19: {  	s21 =	sadd.s32 s2, s9;
	s25 =	sadd.s32 $0x260, s14;
	s2 =	simm.s32 $0x100  }
0x1a: {  	v0 =	vimm.f32 $0.0e+00;
	s14 =	simm.s32 $0x2;
	s15 =	simm.s32 $0x180;
	s22 =	simm.s32 $0x0  }
.LBB2_1:
0x1b: {  	s9 =	simm.s32 $0x0;
	s10 =	simm.s32 $0x200  }
.LBB2_2:
0x1c: {  	p0 =	sne.s32 s10, $0xFE00;
	[tilespmem:s9+$0x8270] =	vst v0  }
0x1d: {  	[tilespmem:s9+$0x8200] =	vst v0  }
0x1e: {  	[tilespmem:s9+$0x8210] =	vst v0  }
.Ltmp0:
0x1f: {  	[tilespmem:s9+$0x8220] =	vst v0;
	(pc) =	sbr.rel @p0 .LBB2_2-.Ltmp0, $4  }
0x20: {  	[tilespmem:s9+$0x8230] =	vst v0  }
0x21: {  	[tilespmem:s9+$0x8240] =	vst v0  }
0x22: {  	[tilespmem:s9+$0x8250] =	vst v0  }
0x23: {  	[tilespmem:s9+$0x8260] =	vst v0;
	s9 =	sshra.s32 s10, $0x2;
	s10 =	sadd.s32 $0x200, s10  }
0x24: {  	[tilespmem:s9+$0x8270] =	vst v0  }
0x25: {  	[tilespmem:s9+$0x8200] =	vst v0  }
0x26: {  	[tilespmem:s9+$0x8210] =	vst v0  }
0x27: {  	[tilespmem:s9+$0x8220] =	vst v0  }
0x28: {  	[tilespmem:s9+$0x8230] =	vst v0  }
0x29: {  	[tilespmem:s9+$0x8240] =	vst v0  }
0x2a: {  	[tilespmem:s9+$0x8250] =	vst v0  }
0x2b: {  	[tilespmem:s9+$0x8260] =	vst v0  }
0x2c: {  	[spmem:s8] =	stream.linear.scatter [tilespmem:s26], [sflag:$0x3], $0x4000, $0x38;
	[tilespmem:$0x1FE00] =	vst v63  }
0x2d: {  	_ =	swait.ge [sflag:s28], $0x4000  }
0x2e: {  	[sflag:s28] =	ssyncset.done $0x0  }
0x2f: {  	s13 =	rddreg [dreg:$0x3];
	[sflag:s28] =	ssyncadd.s32 $0xFFFFC000  }
0x30: {  	[spmem:s13] =	stream.linear.scatter [tilespmem:s26], [sflag:$0x3], $0x4000, $0x38;
	[tilespmem:$0x1FE00] =	vst v63  }
0x31: {  	_ =	swait.ge [sflag:s28], $0x4000  }
0x32: {  	[sflag:s28] =	ssyncset.done $0x0  }
0x33: {  	s23 =	rddreg [dreg:$0x4];
	[sflag:s28] =	ssyncadd.s32 $0xFFFFC000  }
0x34: {  	[spmem:s23] =	stream.linear.scatter [tilespmem:s26], [sflag:$0x3], $0x4000, $0x38;
	[tilespmem:$0x1FE00] =	vst v63  }
0x35: {  	_ =	swait.ge [sflag:s28], $0x4000  }
0x36: {  	[sflag:s28] =	ssyncset.done $0x0  }
0x37: {  	s24 =	rddreg [dreg:$0x5];
	[sflag:s28] =	ssyncadd.s32 $0xFFFFC000  }
0x38: {  	[spmem:s24] =	stream.linear.scatter [tilespmem:s26], [sflag:$0x3], $0x4000, $0x38;
	[tilespmem:$0x1FE00] =	vst v63  }
0x39: {  	_ =	swait.ge [sflag:s28], $0x4000  }
0x3a: {  	[sflag:s28] =	ssyncset.done $0x0  }
0x3b: {  	s10 =	rddreg [dreg:$0x6];
	[sflag:s28] =	ssyncadd.s32 $0xFFFFC000  }
0x3c: {  	[spmem:s10] =	stream.linear.scatter [tilespmem:s26], [sflag:$0x3], $0x3C00, $0x38;
	[tilespmem:$0x1FE00] =	vst v63  }
0x3d: {  	_ =	swait.ge [sflag:s28], $0x3C00  }
0x3e: {  	[sflag:s28] =	ssyncset.done $0x0  }
0x3f: {  	[sflag:s28] =	ssyncadd.s32 $0xFFFFC400  }
0x40: {  	[bflag:$0x0] =	sbarrier.arrive $0xFFFF  }
0x41: {  	s11 =	simm.s32 $0x0;
	s10 =	rddreg [dreg:$0x7]  }
0x42: {  	[tilespmem:s11], [sflag:$0x3] =	stream.linear.gather [hbm4b:s10+s11], $0x80, $0x38;
	[tilespmem:$0x1FE00] =	vst v63  }
0x43: {  	_ =	swait.ge [sflag:s28], $0x80  }
0x44: {  	[sflag:s28] =	ssyncset.done $0x0  }
0x45: {  	[sflag:s28] =	ssyncadd.s32 $0xFFFFFF80  }
0x46: {  	[tilespmem:s30], [sflag:$0x1] =	stream.indirect.gather [hbm4b:s4+s29], $0x80, s11, s29, $0xb8;
	[tilespmem:$0x1FE00] =	vst v63  }
0x47: {  	s12 =	sadd.s32 $0x0, s20  }
0x48: {  	[tilespmem:s29], [sflag:$0x3] =	stream.linear.gather [hbm4b:s12+s3], $0x80, $0x38;
	[tilespmem:$0x1FE00] =	vst v63  }
0x49: {  	_ =	swait.ge [sflag:s28], $0x80  }
0x4a: {  	[sflag:s28] =	ssyncset.done $0x0  }
0x4b: {  	[sflag:s28] =	ssyncadd.s32 $0xFFFFFF80  }
0x4c: {  	[tilespmem:s31], [sflag:$0x2] =	stream.indirect.gather [hbm4b:s4+s29], $0x80, s29, s29, $0xb8;
	[tilespmem:$0x1FE00] =	vst v63  }
0x4d: {  	_ =	swait.ge [sflag:s0], $0x4000  }
0x4e: {  	[sflag:s0] =	ssyncset.done $0x0  }
0x4f: {  	s13 =	sadd.s32 $0x0, s18;
	[sflag:s0] =	ssyncadd.s32 $0xFFFFC000  }
0x50: {  	[tilespmem:s2], [sflag:$0x3] =	stream.linear.gather [hbm4b:s13+s3], $0x80, $0x38;
	[tilespmem:$0x1FE00] =	vst v63  }
0x51: {  	_ =	swait.ge [sflag:s28], $0x80  }
0x52: {  	[sflag:s28] =	ssyncset.done $0x0  }
0x53: {  	s23 =	sadd.s32 $0x0, s21;
	[sflag:s28] =	ssyncadd.s32 $0xFFFFFF80  }
0x54: {  	[tilespmem:s3], [sflag:$0x3] =	stream.linear.gather [hbm4b:s23+s3], $0x80, $0x38;
	[tilespmem:$0x1FE00] =	vst v63  }
0x55: {  	_ =	swait.ge [sflag:s28], $0x80  }
0x56: {  	[sflag:s28] =	ssyncset.done $0x0  }
0x57: {  	[sflag:s28] =	ssyncadd.s32 $0xFFFFFF80  }
0x58: {  	[tilespmem:s30], [sflag:$0x1] =	stream.indirect.gather [hbm4b:s4+s29], $0x80, s3, s29, $0xb8;
	[tilespmem:$0x1FE00] =	vst v63  }
0x59: {  	_ = 	snop  }
0x5a: {  	[spmem:s1] =	stream.indirect.scatter.add.f32 [tilespmem:s30], [sflag:$0x3], $0x80, s2, s29, $0xb8;
	[tilespmem:$0x1FE00] =	vst v63  }
0x5b: {  	_ =	swait.ge [sflag:s28], $0x4000  }
0x5c: {  	[sflag:s28] =	ssyncset.done $0x0  }
0x5d: {  	[sflag:s28] =	ssyncadd.s32 $0xFFFFC000  }
0x5e: {  	_ =	swait.ge [sflag:s14], $0x4000  }
0x5f: {  	[sflag:s14] =	ssyncset.done $0x0  }
0x60: {  	s24 =	sadd.s32 $0x0, s19;
	[sflag:s14] =	ssyncadd.s32 $0xFFFFC000  }
0x61: {  	[tilespmem:s15], [sflag:$0x3] =	stream.linear.gather [hbm4b:s24+s3], $0x80, $0x38;
	[tilespmem:$0x1FE00] =	vst v63  }
0x62: {  	_ =	swait.ge [sflag:s28], $0x80  }
0x63: {  	[sflag:s28] =	ssyncset.done $0x0  }
0x64: {  	[sflag:s28] =	ssyncadd.s32 $0xFFFFFF80  }
0x65: {  	[spmem:s1] =	stream.indirect.scatter.add.f32 [tilespmem:s31], [sflag:$0x3], $0x80, s15, s29, $0xb8;
	[tilespmem:$0x1FE00] =	vst v63  }
0x66: {  	_ =	swait.ge [sflag:s28], $0x4000  }
0x67: {  	s10 =	simm.s32 $0x40;
	s23 =	simm.s32 $0x20;
	[sflag:s28] =	ssyncset.done $0x0  }
.LBB2_4:
0x68: {  	s11 =	sadd.s32 s23, s20  }
0x69: {  	[sflag:s28] =	ssyncadd.s32 $0xFFFFC000;
	s24 =	smov.u32 s10;
	s9 =	sadd.s32 $0x20, s10  }
0x6a: {  	[tilespmem:s29], [sflag:$0x3] =	stream.linear.gather [hbm4b:s11+s3], $0x80, $0x38;
	[tilespmem:$0x1FE00] =	vst v63  }
0x6b: {  	p0 =	sne.s32 s10, $0x240;
	_ =	swait.ge [sflag:s28], $0x80  }
0x6c: {  	[sflag:s28] =	ssyncset.done $0x0  }
0x6d: {  	[sflag:s28] =	ssyncadd.s32 $0xFFFFFF80  }
0x6e: {  	[tilespmem:s31], [sflag:$0x2] =	stream.indirect.gather [hbm4b:s4+s29], $0x80, s29, s29, $0xb8;
	[tilespmem:$0x1FE00] =	vst v63  }
0x6f: {  	_ =	swait.ge [sflag:s0], $0x4000  }
0x70: {  	[sflag:s0] =	ssyncset.done $0x0  }
0x71: {  	s10 =	sadd.s32 s23, s18;
	[sflag:s0] =	ssyncadd.s32 $0xFFFFC000  }
0x72: {  	[tilespmem:s2], [sflag:$0x3] =	stream.linear.gather [hbm4b:s10+s3], $0x80, $0x38;
	[tilespmem:$0x1FE00] =	vst v63  }
0x73: {  	_ =	swait.ge [sflag:s28], $0x80  }
0x74: {  	[sflag:s28] =	ssyncset.done $0x0  }
0x75: {  	s10 =	sadd.s32 s23, s21;
	[sflag:s28] =	ssyncadd.s32 $0xFFFFFF80  }
0x76: {  	[tilespmem:s3], [sflag:$0x3] =	stream.linear.gather [hbm4b:s10+s3], $0x80, $0x38;
	[tilespmem:$0x1FE00] =	vst v63  }
0x77: {  	_ =	swait.ge [sflag:s28], $0x80  }
0x78: {  	[sflag:s28] =	ssyncset.done $0x0  }
0x79: {  	[sflag:s28] =	ssyncadd.s32 $0xFFFFFF80  }
0x7a: {  	[tilespmem:s30], [sflag:$0x1] =	stream.indirect.gather [hbm4b:s4+s29], $0x80, s3, s29, $0xb8;
	[tilespmem:$0x1FE00] =	vst v63  }
0x7b: {  	_ = 	snop  }
0x7c: {  	[spmem:s1] =	stream.indirect.scatter.add.f32 [tilespmem:s30], [sflag:$0x3], $0x80, s2, s29, $0xb8;
	[tilespmem:$0x1FE00] =	vst v63  }
0x7d: {  	_ =	swait.ge [sflag:s28], $0x4000  }
0x7e: {  	[sflag:s28] =	ssyncset.done $0x0  }
0x7f: {  	[sflag:s28] =	ssyncadd.s32 $0xFFFFC000  }
0x80: {  	_ =	swait.ge [sflag:s14], $0x4000  }
0x81: {  	[sflag:s14] =	ssyncset.done $0x0  }
0x82: {  	s10 =	sadd.s32 s23, s19;
	s23 =	smov.u32 s24;
	[sflag:s14] =	ssyncadd.s32 $0xFFFFC000  }
0x83: {  	[tilespmem:s15], [sflag:$0x3] =	stream.linear.gather [hbm4b:s10+s3], $0x80, $0x38;
	[tilespmem:$0x1FE00] =	vst v63  }
0x84: {  	_ =	swait.ge [sflag:s28], $0x80  }
.Ltmp1:
0x85: {  	[sflag:s28] =	ssyncset.done $0x0;
	(pc) =	sbr.rel @p0 .LBB2_4-.Ltmp1, $4  }
0x86: {  	[sflag:s28] =	ssyncadd.s32 $0xFFFFFF80  }
0x87: {  	[spmem:s1] =	stream.indirect.scatter.add.f32 [tilespmem:s31], [sflag:$0x3], $0x80, s15, s29, $0xb8;
	[tilespmem:$0x1FE00] =	vst v63  }
0x88: {  	_ =	swait.ge [sflag:s28], $0x4000  }
0x89: {  	s10 =	smov.u32 s9;
	[sflag:s28] =	ssyncset.done $0x0  }
0x8a: {  	s9 =	sadd.s32 s23, s20;
	[sflag:s28] =	ssyncadd.s32 $0xFFFFC000  }
0x8b: {  	[tilespmem:s29], [sflag:$0x3] =	stream.linear.gather [hbm4b:s9+s3], $0x80, $0x38;
	[tilespmem:$0x1FE00] =	vst v63  }
0x8c: {  	_ =	swait.ge [sflag:s28], $0x80  }
0x8d: {  	[sflag:s28] =	ssyncset.done $0x0  }
0x8e: {  	[sflag:s28] =	ssyncadd.s32 $0xFFFFFF80  }
0x8f: {  	[tilespmem:s31], [sflag:$0x2] =	stream.indirect.gather [hbm4b:s4+s29], $0x80, s29, s29, $0xb8;
	[tilespmem:$0x1FE00] =	vst v63  }
0x90: {  	_ =	swait.ge [sflag:s0], $0x4000  }
0x91: {  	[sflag:s0] =	ssyncset.done $0x0  }
0x92: {  	s13 =	sadd.s32 s23, s18;
	[sflag:s0] =	ssyncadd.s32 $0xFFFFC000  }
0x93: {  	[tilespmem:s2], [sflag:$0x3] =	stream.linear.gather [hbm4b:s13+s3], $0x80, $0x38;
	[tilespmem:$0x1FE00] =	vst v63  }
0x94: {  	_ =	swait.ge [sflag:s28], $0x80  }
0x95: {  	[sflag:s28] =	ssyncset.done $0x0  }
0x96: {  	s24 =	sadd.s32 s23, s21;
	[sflag:s28] =	ssyncadd.s32 $0xFFFFFF80  }
0x97: {  	[tilespmem:s3], [sflag:$0x3] =	stream.linear.gather [hbm4b:s24+s3], $0x80, $0x38;
	[tilespmem:$0x1FE00] =	vst v63  }
0x98: {  	_ =	swait.ge [sflag:s28], $0x80  }
0x99: {  	[sflag:s28] =	ssyncset.done $0x0  }
0x9a: {  	[sflag:s28] =	ssyncadd.s32 $0xFFFFFF80  }
0x9b: {  	[tilespmem:s30], [sflag:$0x1] =	stream.indirect.gather [hbm4b:s4+s29], $0x80, s3, s29, $0xb8;
	[tilespmem:$0x1FE00] =	vst v63  }
0x9c: {  	_ = 	snop  }
0x9d: {  	[spmem:s1] =	stream.indirect.scatter.add.f32 [tilespmem:s30], [sflag:$0x3], $0x80, s2, s29, $0xb8;
	[tilespmem:$0x1FE00] =	vst v63  }
0x9e: {  	_ =	swait.ge [sflag:s28], $0x4000  }
0x9f: {  	[sflag:s28] =	ssyncset.done $0x0  }
0xa0: {  	[sflag:s28] =	ssyncadd.s32 $0xFFFFC000  }
0xa1: {  	_ =	swait.ge [sflag:s14], $0x4000  }
0xa2: {  	[sflag:s14] =	ssyncset.done $0x0  }
0xa3: {  	s10 =	sadd.s32 s23, s19;
	[sflag:s14] =	ssyncadd.s32 $0xFFFFC000  }
0xa4: {  	[tilespmem:s15], [sflag:$0x3] =	stream.linear.gather [hbm4b:s10+s3], $0x80, $0x38;
	[tilespmem:$0x1FE00] =	vst v63  }
0xa5: {  	_ =	swait.ge [sflag:s28], $0x80  }
0xa6: {  	[sflag:s28] =	ssyncset.done $0x0  }
0xa7: {  	[sflag:s28] =	ssyncadd.s32 $0xFFFFFF80  }
0xa8: {  	[spmem:s1] =	stream.indirect.scatter.add.f32 [tilespmem:s31], [sflag:$0x3], $0x80, s15, s29, $0xb8;
	[tilespmem:$0x1FE00] =	vst v63  }
0xa9: {  	_ =	swait.ge [sflag:s28], $0x4000  }
0xaa: {  	[sflag:s28] =	ssyncset.done $0x0  }
0xab: {  	s9 =	simm.s32 $0x0;
	[sflag:s28] =	ssyncadd.s32 $0xFFFFC000  }
0xac: {  	[tilespmem:s29], [sflag:$0x3] =	stream.linear.gather [hbm4b:s16+s9], $0x80, $0x38;
	[tilespmem:$0x1FE00] =	vst v63  }
0xad: {  	_ =	swait.ge [sflag:s28], $0x80  }
0xae: {  	[sflag:s28] =	ssyncset.done $0x0  }
0xaf: {  	[sflag:s28] =	ssyncadd.s32 $0xFFFFFF80  }
0xb0: {  	[tilespmem:s31], [sflag:$0x2] =	stream.indirect.gather [hbm4b:s4+s29], $0x80, s29, s29, $0xb8;
	[tilespmem:$0x1FE00] =	vst v63  }
0xb1: {  	_ =	swait.ge [sflag:s0], $0x4000  }
0xb2: {  	[sflag:s0] =	ssyncset.done $0x0  }
0xb3: {  	[sflag:s0] =	ssyncadd.s32 $0xFFFFC000  }
0xb4: {  	[tilespmem:s2], [sflag:$0x3] =	stream.linear.gather [hbm4b:s25+s9], $0x80, $0x38;
	[tilespmem:$0x1FE00] =	vst v63  }
0xb5: {  	_ =	swait.ge [sflag:s28], $0x80  }
0xb6: {  	[sflag:s28] =	ssyncset.done $0x0  }
0xb7: {  	[sflag:s28] =	ssyncadd.s32 $0xFFFFFF80  }
0xb8: {  	[tilespmem:s9], [sflag:$0x3] =	stream.linear.gather [hbm4b:s16+s9], $0x80, $0x38;
	[tilespmem:$0x1FE00] =	vst v63  }
0xb9: {  	_ =	swait.ge [sflag:s28], $0x80  }
0xba: {  	[sflag:s28] =	ssyncset.done $0x0  }
0xbb: {  	[sflag:s28] =	ssyncadd.s32 $0xFFFFFF80  }
0xbc: {  	[tilespmem:s30], [sflag:$0x1] =	stream.indirect.gather [hbm4b:s4+s29], $0x80, s9, s29, $0xb8;
	[tilespmem:$0x1FE00] =	vst v63  }
0xbd: {  	_ = 	snop  }
0xbe: {  	[spmem:s1] =	stream.indirect.scatter.add.f32 [tilespmem:s30], [sflag:$0x3], $0x80, s2, s29, $0xb8;
	[tilespmem:$0x1FE00] =	vst v63  }
0xbf: {  	_ =	swait.ge [sflag:s28], $0x4000  }
0xc0: {  	[sflag:s28] =	ssyncset.done $0x0  }
0xc1: {  	[sflag:s28] =	ssyncadd.s32 $0xFFFFC000  }
0xc2: {  	_ =	swait.ge [sflag:s14], $0x4000  }
0xc3: {  	[sflag:s14] =	ssyncset.done $0x0  }
0xc4: {  	[sflag:s14] =	ssyncadd.s32 $0xFFFFC000  }
0xc5: {  	[tilespmem:s15], [sflag:$0x3] =	stream.linear.gather [hbm4b:s17+s9], $0x80, $0x38;
	[tilespmem:$0x1FE00] =	vst v63  }
0xc6: {  	_ =	swait.ge [sflag:s28], $0x80  }
0xc7: {  	[sflag:s28] =	ssyncset.done $0x0  }
0xc8: {  	[sflag:s28] =	ssyncadd.s32 $0xFFFFFF80  }
0xc9: {  	[spmem:s1] =	stream.indirect.scatter.add.f32 [tilespmem:s31], [sflag:$0x3], $0x80, s15, s29, $0xb8;
	[tilespmem:$0x1FE00] =	vst v63  }
0xca: {  	_ =	swait.ge [sflag:s28], $0x4000  }
0xcb: {  	[sflag:s28] =	ssyncset.done $0x0  }
0xcc: {  	[sflag:s28] =	ssyncadd.s32 $0xFFFFC000  }
0xcd: {  	_ =	swait.ge [sflag:s0], $0x4000  }
0xce: {  	[sflag:s0] =	ssyncset.done $0x0  }
0xcf: {  	s10 =	stileid.u32;
	[sflag:s0] =	ssyncadd.s32 $0xFFFFC000  }
0xd0: {  	s10 =	sshll.u32 s10, $0x6;
	[bflag:$0x0] =	sbarrier.arrive $0xFFFF  }
0xd1: {  	s24 =	sshrl.u32 s8, $0x3;
	s23 =	sor.u32 $0x1C03, s10;
	s11 =	rddreg [dreg:$0x8]  }
0xd2: {  	[hbm:s11], [sflag:s23] =	dma.local [spmem:s24], $0x2780  }
0xd3: {  	_ =	swait.ge [sflag:s28], $0x2780  }
0xd4: {  	[sflag:s28] =	ssyncset.done $0x0  }
0xd5: {  	[sflag:s28] =	ssyncadd.s32 $0xFFFFD880  }
0xd6: {  	[bflag:$0x0] =	sbarrier.arrive $0xFFFF  }
0xd7: {  	[spmem:s8] =	stream.linear.scatter [tilespmem:s26], [sflag:$0x3], $0x4000, $0x38;
	[tilespmem:$0x1FE00] =	vst v63  }
0xd8: {  	_ =	swait.ge [sflag:s28], $0x4000  }
0xd9: {  	[sflag:s28] =	ssyncset.done $0x0  }
0xda: {  	s12 =	rddreg [dreg:$0x3];
	[sflag:s28] =	ssyncadd.s32 $0xFFFFC000  }
0xdb: {  	[spmem:s12] =	stream.linear.scatter [tilespmem:s26], [sflag:$0x3], $0x4000, $0x38;
	[tilespmem:$0x1FE00] =	vst v63  }
0xdc: {  	_ =	swait.ge [sflag:s28], $0x4000  }
0xdd: {  	[sflag:s28] =	ssyncset.done $0x0  }
0xde: {  	s13 =	rddreg [dreg:$0x4];
	[sflag:s28] =	ssyncadd.s32 $0xFFFFC000  }
0xdf: {  	[spmem:s13] =	stream.linear.scatter [tilespmem:s26], [sflag:$0x3], $0x4000, $0x38;
	[tilespmem:$0x1FE00] =	vst v63  }
0xe0: {  	_ =	swait.ge [sflag:s28], $0x4000  }
0xe1: {  	[sflag:s28] =	ssyncset.done $0x0  }
0xe2: {  	s11 =	rddreg [dreg:$0x5];
	[sflag:s28] =	ssyncadd.s32 $0xFFFFC000  }
0xe3: {  	[spmem:s11] =	stream.linear.scatter [tilespmem:s26], [sflag:$0x3], $0x4000, $0x38;
	[tilespmem:$0x1FE00] =	vst v63  }
0xe4: {  	_ =	swait.ge [sflag:s28], $0x4000  }
0xe5: {  	[sflag:s28] =	ssyncset.done $0x0  }
0xe6: {  	s12 =	rddreg [dreg:$0x6];
	[sflag:s28] =	ssyncadd.s32 $0xFFFFC000  }
0xe7: {  	[spmem:s12] =	stream.linear.scatter [tilespmem:s26], [sflag:$0x3], $0x3C00, $0x38;
	[tilespmem:$0x1FE00] =	vst v63  }
0xe8: {  	_ =	swait.ge [sflag:s28], $0x3C00  }
0xe9: {  	[sflag:s28] =	ssyncset.done $0x0  }
0xea: {  	[sflag:s28] =	ssyncadd.s32 $0xFFFFC400  }
0xeb: {  	[bflag:$0x0] =	sbarrier.arrive $0xFFFF  }
0xec: {  	s13 =	rddreg [dreg:$0x7]  }
0xed: {  	[tilespmem:s9], [sflag:$0x3] =	stream.linear.gather [hbm4b:s13+s9], $0x80, $0x38;
	[tilespmem:$0x1FE00] =	vst v63  }
0xee: {  	_ =	swait.ge [sflag:s28], $0x80  }
0xef: {  	[sflag:s28] =	ssyncset.done $0x0  }
0xf0: {  	[sflag:s28] =	ssyncadd.s32 $0xFFFFFF80  }
0xf1: {  	[tilespmem:s30], [sflag:$0x1] =	stream.indirect.gather [hbm4b:s5+s29], $0x80, s9, s29, $0xb8;
	[tilespmem:$0x1FE00] =	vst v63  }
0xf2: {  	s10 =	sadd.s32 $0x0, s20  }
0xf3: {  	[tilespmem:s29], [sflag:$0x3] =	stream.linear.gather [hbm4b:s10+s3], $0x80, $0x38;
	[tilespmem:$0x1FE00] =	vst v63  }
0xf4: {  	_ =	swait.ge [sflag:s28], $0x80  }
0xf5: {  	[sflag:s28] =	ssyncset.done $0x0  }
0xf6: {  	[sflag:s28] =	ssyncadd.s32 $0xFFFFFF80  }
0xf7: {  	[tilespmem:s31], [sflag:$0x2] =	stream.indirect.gather [hbm4b:s5+s29], $0x80, s29, s29, $0xb8;
	[tilespmem:$0x1FE00] =	vst v63  }
0xf8: {  	_ =	swait.ge [sflag:s0], $0x4000  }
0xf9: {  	[sflag:s0] =	ssyncset.done $0x0  }
0xfa: {  	s11 =	sadd.s32 $0x0, s18;
	[sflag:s0] =	ssyncadd.s32 $0xFFFFC000  }
0xfb: {  	[tilespmem:s2], [sflag:$0x3] =	stream.linear.gather [hbm4b:s11+s3], $0x80, $0x38;
	[tilespmem:$0x1FE00] =	vst v63  }
0xfc: {  	_ =	swait.ge [sflag:s28], $0x80  }
0xfd: {  	[sflag:s28] =	ssyncset.done $0x0  }
0xfe: {  	s12 =	sadd.s32 $0x0, s21;
	[sflag:s28] =	ssyncadd.s32 $0xFFFFFF80  }
0xff: {  	[tilespmem:s3], [sflag:$0x3] =	stream.linear.gather [hbm4b:s12+s3], $0x80, $0x38;
	[tilespmem:$0x1FE00] =	vst v63  }
0x100: {  	_ =	swait.ge [sflag:s28], $0x80  }
0x101: {  	[sflag:s28] =	ssyncset.done $0x0  }
0x102: {  	[sflag:s28] =	ssyncadd.s32 $0xFFFFFF80  }
0x103: {  	[tilespmem:s30], [sflag:$0x1] =	stream.indirect.gather [hbm4b:s5+s29], $0x80, s3, s29, $0xb8;
	[tilespmem:$0x1FE00] =	vst v63  }
0x104: {  	_ = 	snop  }
0x105: {  	[spmem:s1] =	stream.indirect.scatter.add.f32 [tilespmem:s30], [sflag:$0x3], $0x80, s2, s29, $0xb8;
	[tilespmem:$0x1FE00] =	vst v63  }
0x106: {  	_ =	swait.ge [sflag:s28], $0x4000  }
0x107: {  	[sflag:s28] =	ssyncset.done $0x0  }
0x108: {  	[sflag:s28] =	ssyncadd.s32 $0xFFFFC000  }
0x109: {  	_ =	swait.ge [sflag:s14], $0x4000  }
0x10a: {  	[sflag:s14] =	ssyncset.done $0x0  }
0x10b: {  	s13 =	sadd.s32 $0x0, s19;
	[sflag:s14] =	ssyncadd.s32 $0xFFFFC000  }
0x10c: {  	[tilespmem:s15], [sflag:$0x3] =	stream.linear.gather [hbm4b:s13+s3], $0x80, $0x38;
	[tilespmem:$0x1FE00] =	vst v63  }
0x10d: {  	_ =	swait.ge [sflag:s28], $0x80  }
0x10e: {  	[sflag:s28] =	ssyncset.done $0x0  }
0x10f: {  	[sflag:s28] =	ssyncadd.s32 $0xFFFFFF80  }
0x110: {  	[spmem:s1] =	stream.indirect.scatter.add.f32 [tilespmem:s31], [sflag:$0x3], $0x80, s15, s29, $0xb8;
	[tilespmem:$0x1FE00] =	vst v63  }
0x111: {  	_ =	swait.ge [sflag:s28], $0x4000  }
0x112: {  	s9 =	simm.s32 $0x20;
	s10 =	simm.s32 $0x40;
	[sflag:s28] =	ssyncset.done $0x0  }
.LBB2_6:
0x113: {  	s12 =	sadd.s32 s9, s20  }
0x114: {  	[sflag:s28] =	ssyncadd.s32 $0xFFFFC000;
	s13 =	smov.u32 s10;
	s11 =	sadd.s32 $0x20, s10  }
0x115: {  	[tilespmem:s29], [sflag:$0x3] =	stream.linear.gather [hbm4b:s12+s3], $0x80, $0x38;
	[tilespmem:$0x1FE00] =	vst v63  }
0x116: {  	p0 =	sne.s32 s10, $0x240;
	_ =	swait.ge [sflag:s28], $0x80  }
0x117: {  	[sflag:s28] =	ssyncset.done $0x0  }
0x118: {  	[sflag:s28] =	ssyncadd.s32 $0xFFFFFF80  }
0x119: {  	[tilespmem:s31], [sflag:$0x2] =	stream.indirect.gather [hbm4b:s5+s29], $0x80, s29, s29, $0xb8;
	[tilespmem:$0x1FE00] =	vst v63  }
0x11a: {  	_ =	swait.ge [sflag:s0], $0x4000  }
0x11b: {  	[sflag:s0] =	ssyncset.done $0x0  }
0x11c: {  	s10 =	sadd.s32 s9, s18;
	[sflag:s0] =	ssyncadd.s32 $0xFFFFC000  }
0x11d: {  	[tilespmem:s2], [sflag:$0x3] =	stream.linear.gather [hbm4b:s10+s3], $0x80, $0x38;
	[tilespmem:$0x1FE00] =	vst v63  }
0x11e: {  	_ =	swait.ge [sflag:s28], $0x80  }
0x11f: {  	[sflag:s28] =	ssyncset.done $0x0  }
0x120: {  	s10 =	sadd.s32 s9, s21;
	[sflag:s28] =	ssyncadd.s32 $0xFFFFFF80  }
0x121: {  	[tilespmem:s3], [sflag:$0x3] =	stream.linear.gather [hbm4b:s10+s3], $0x80, $0x38;
	[tilespmem:$0x1FE00] =	vst v63  }
0x122: {  	_ =	swait.ge [sflag:s28], $0x80  }
0x123: {  	[sflag:s28] =	ssyncset.done $0x0  }
0x124: {  	[sflag:s28] =	ssyncadd.s32 $0xFFFFFF80  }
0x125: {  	[tilespmem:s30], [sflag:$0x1] =	stream.indirect.gather [hbm4b:s5+s29], $0x80, s3, s29, $0xb8;
	[tilespmem:$0x1FE00] =	vst v63  }
0x126: {  	_ = 	snop  }
0x127: {  	[spmem:s1] =	stream.indirect.scatter.add.f32 [tilespmem:s30], [sflag:$0x3], $0x80, s2, s29, $0xb8;
	[tilespmem:$0x1FE00] =	vst v63  }
0x128: {  	_ =	swait.ge [sflag:s28], $0x4000  }
0x129: {  	[sflag:s28] =	ssyncset.done $0x0  }
0x12a: {  	[sflag:s28] =	ssyncadd.s32 $0xFFFFC000  }
0x12b: {  	_ =	swait.ge [sflag:s14], $0x4000  }
0x12c: {  	[sflag:s14] =	ssyncset.done $0x0  }
0x12d: {  	s10 =	sadd.s32 s9, s19;
	s9 =	smov.u32 s13;
	[sflag:s14] =	ssyncadd.s32 $0xFFFFC000  }
0x12e: {  	[tilespmem:s15], [sflag:$0x3] =	stream.linear.gather [hbm4b:s10+s3], $0x80, $0x38;
	[tilespmem:$0x1FE00] =	vst v63  }
0x12f: {  	_ =	swait.ge [sflag:s28], $0x80  }
.Ltmp2:
0x130: {  	[sflag:s28] =	ssyncset.done $0x0;
	(pc) =	sbr.rel @p0 .LBB2_6-.Ltmp2, $4  }
0x131: {  	[sflag:s28] =	ssyncadd.s32 $0xFFFFFF80  }
0x132: {  	[spmem:s1] =	stream.indirect.scatter.add.f32 [tilespmem:s31], [sflag:$0x3], $0x80, s15, s29, $0xb8;
	[tilespmem:$0x1FE00] =	vst v63  }
0x133: {  	_ =	swait.ge [sflag:s28], $0x4000  }
0x134: {  	s10 =	smov.u32 s11;
	[sflag:s28] =	ssyncset.done $0x0  }
0x135: {  	s10 =	sadd.s32 s9, s20;
	[sflag:s28] =	ssyncadd.s32 $0xFFFFC000  }
0x136: {  	[tilespmem:s29], [sflag:$0x3] =	stream.linear.gather [hbm4b:s10+s3], $0x80, $0x38;
	[tilespmem:$0x1FE00] =	vst v63  }
0x137: {  	_ =	swait.ge [sflag:s28], $0x80  }
0x138: {  	[sflag:s28] =	ssyncset.done $0x0  }
0x139: {  	[sflag:s28] =	ssyncadd.s32 $0xFFFFFF80  }
0x13a: {  	[tilespmem:s31], [sflag:$0x2] =	stream.indirect.gather [hbm4b:s5+s29], $0x80, s29, s29, $0xb8;
	[tilespmem:$0x1FE00] =	vst v63  }
0x13b: {  	_ =	swait.ge [sflag:s0], $0x4000  }
0x13c: {  	[sflag:s0] =	ssyncset.done $0x0  }
0x13d: {  	s12 =	sadd.s32 s9, s18;
	[sflag:s0] =	ssyncadd.s32 $0xFFFFC000  }
0x13e: {  	[tilespmem:s2], [sflag:$0x3] =	stream.linear.gather [hbm4b:s12+s3], $0x80, $0x38;
	[tilespmem:$0x1FE00] =	vst v63  }
0x13f: {  	_ =	swait.ge [sflag:s28], $0x80  }
0x140: {  	[sflag:s28] =	ssyncset.done $0x0  }
0x141: {  	s13 =	sadd.s32 s9, s21;
	[sflag:s28] =	ssyncadd.s32 $0xFFFFFF80  }
0x142: {  	[tilespmem:s3], [sflag:$0x3] =	stream.linear.gather [hbm4b:s13+s3], $0x80, $0x38;
	[tilespmem:$0x1FE00] =	vst v63  }
0x143: {  	_ =	swait.ge [sflag:s28], $0x80  }
0x144: {  	[sflag:s28] =	ssyncset.done $0x0  }
0x145: {  	[sflag:s28] =	ssyncadd.s32 $0xFFFFFF80  }
0x146: {  	[tilespmem:s30], [sflag:$0x1] =	stream.indirect.gather [hbm4b:s5+s29], $0x80, s3, s29, $0xb8;
	[tilespmem:$0x1FE00] =	vst v63  }
0x147: {  	_ = 	snop  }
0x148: {  	[spmem:s1] =	stream.indirect.scatter.add.f32 [tilespmem:s30], [sflag:$0x3], $0x80, s2, s29, $0xb8;
	[tilespmem:$0x1FE00] =	vst v63  }
0x149: {  	_ =	swait.ge [sflag:s28], $0x4000  }
0x14a: {  	[sflag:s28] =	ssyncset.done $0x0  }
0x14b: {  	[sflag:s28] =	ssyncadd.s32 $0xFFFFC000  }
0x14c: {  	_ =	swait.ge [sflag:s14], $0x4000  }
0x14d: {  	[sflag:s14] =	ssyncset.done $0x0  }
0x14e: {  	s10 =	sadd.s32 s9, s19;
	[sflag:s14] =	ssyncadd.s32 $0xFFFFC000  }
0x14f: {  	[tilespmem:s15], [sflag:$0x3] =	stream.linear.gather [hbm4b:s10+s3], $0x80, $0x38;
	[tilespmem:$0x1FE00] =	vst v63  }
0x150: {  	_ =	swait.ge [sflag:s28], $0x80  }
0x151: {  	[sflag:s28] =	ssyncset.done $0x0  }
0x152: {  	[sflag:s28] =	ssyncadd.s32 $0xFFFFFF80  }
0x153: {  	[spmem:s1] =	stream.indirect.scatter.add.f32 [tilespmem:s31], [sflag:$0x3], $0x80, s15, s29, $0xb8;
	[tilespmem:$0x1FE00] =	vst v63  }
0x154: {  	_ =	swait.ge [sflag:s28], $0x4000  }
0x155: {  	[sflag:s28] =	ssyncset.done $0x0  }
0x156: {  	s9 =	simm.s32 $0x0;
	[sflag:s28] =	ssyncadd.s32 $0xFFFFC000  }
0x157: {  	[tilespmem:s29], [sflag:$0x3] =	stream.linear.gather [hbm4b:s16+s9], $0x80, $0x38;
	[tilespmem:$0x1FE00] =	vst v63  }
0x158: {  	_ =	swait.ge [sflag:s28], $0x80  }
0x159: {  	[sflag:s28] =	ssyncset.done $0x0  }
0x15a: {  	[sflag:s28] =	ssyncadd.s32 $0xFFFFFF80  }
0x15b: {  	[tilespmem:s31], [sflag:$0x2] =	stream.indirect.gather [hbm4b:s5+s29], $0x80, s29, s29, $0xb8;
	[tilespmem:$0x1FE00] =	vst v63  }
0x15c: {  	_ =	swait.ge [sflag:s0], $0x4000  }
0x15d: {  	[sflag:s0] =	ssyncset.done $0x0  }
0x15e: {  	[sflag:s0] =	ssyncadd.s32 $0xFFFFC000  }
0x15f: {  	[tilespmem:s2], [sflag:$0x3] =	stream.linear.gather [hbm4b:s25+s9], $0x80, $0x38;
	[tilespmem:$0x1FE00] =	vst v63  }
0x160: {  	_ =	swait.ge [sflag:s28], $0x80  }
0x161: {  	[sflag:s28] =	ssyncset.done $0x0  }
0x162: {  	[sflag:s28] =	ssyncadd.s32 $0xFFFFFF80  }
0x163: {  	[tilespmem:s9], [sflag:$0x3] =	stream.linear.gather [hbm4b:s16+s9], $0x80, $0x38;
	[tilespmem:$0x1FE00] =	vst v63  }
0x164: {  	_ =	swait.ge [sflag:s28], $0x80  }
0x165: {  	[sflag:s28] =	ssyncset.done $0x0  }
0x166: {  	[sflag:s28] =	ssyncadd.s32 $0xFFFFFF80  }
0x167: {  	[tilespmem:s30], [sflag:$0x1] =	stream.indirect.gather [hbm4b:s5+s29], $0x80, s9, s29, $0xb8;
	[tilespmem:$0x1FE00] =	vst v63  }
0x168: {  	_ = 	snop  }
0x169: {  	[spmem:s1] =	stream.indirect.scatter.add.f32 [tilespmem:s30], [sflag:$0x3], $0x80, s2, s29, $0xb8;
	[tilespmem:$0x1FE00] =	vst v63  }
0x16a: {  	_ =	swait.ge [sflag:s28], $0x4000  }
0x16b: {  	[sflag:s28] =	ssyncset.done $0x0  }
0x16c: {  	[sflag:s28] =	ssyncadd.s32 $0xFFFFC000  }
0x16d: {  	_ =	swait.ge [sflag:s14], $0x4000  }
0x16e: {  	[sflag:s14] =	ssyncset.done $0x0  }
0x16f: {  	[sflag:s14] =	ssyncadd.s32 $0xFFFFC000  }
0x170: {  	[tilespmem:s15], [sflag:$0x3] =	stream.linear.gather [hbm4b:s17+s9], $0x80, $0x38;
	[tilespmem:$0x1FE00] =	vst v63  }
0x171: {  	_ =	swait.ge [sflag:s28], $0x80  }
0x172: {  	[sflag:s28] =	ssyncset.done $0x0  }
0x173: {  	[sflag:s28] =	ssyncadd.s32 $0xFFFFFF80  }
0x174: {  	[spmem:s1] =	stream.indirect.scatter.add.f32 [tilespmem:s31], [sflag:$0x3], $0x80, s15, s29, $0xb8;
	[tilespmem:$0x1FE00] =	vst v63  }
0x175: {  	_ =	swait.ge [sflag:s28], $0x4000  }
0x176: {  	[sflag:s28] =	ssyncset.done $0x0  }
0x177: {  	[sflag:s28] =	ssyncadd.s32 $0xFFFFC000  }
0x178: {  	_ =	swait.ge [sflag:s0], $0x4000  }
0x179: {  	[sflag:s0] =	ssyncset.done $0x0  }
0x17a: {  	[sflag:s0] =	ssyncadd.s32 $0xFFFFC000  }
0x17b: {  	[bflag:$0x0] =	sbarrier.arrive $0xFFFF  }
0x17c: {  	s11 =	rddreg [dreg:$0x9]  }
0x17d: {  	[hbm:s11], [sflag:s23] =	dma.local [spmem:s24], $0x2780  }
0x17e: {  	_ =	swait.ge [sflag:s28], $0x2780  }
0x17f: {  	[sflag:s28] =	ssyncset.done $0x0  }
0x180: {  	[sflag:s28] =	ssyncadd.s32 $0xFFFFD880  }
0x181: {  	[bflag:$0x0] =	sbarrier.arrive $0xFFFF  }
0x182: {  	[spmem:s8] =	stream.linear.scatter [tilespmem:s26], [sflag:$0x3], $0x4000, $0x38;
	[tilespmem:$0x1FE00] =	vst v63  }
0x183: {  	_ =	swait.ge [sflag:s28], $0x4000  }
0x184: {  	[sflag:s28] =	ssyncset.done $0x0  }
0x185: {  	s12 =	rddreg [dreg:$0x3];
	[sflag:s28] =	ssyncadd.s32 $0xFFFFC000  }
0x186: {  	[spmem:s12] =	stream.linear.scatter [tilespmem:s26], [sflag:$0x3], $0x4000, $0x38;
	[tilespmem:$0x1FE00] =	vst v63  }
0x187: {  	_ =	swait.ge [sflag:s28], $0x4000  }
0x188: {  	[sflag:s28] =	ssyncset.done $0x0  }
0x189: {  	s13 =	rddreg [dreg:$0x4];
	[sflag:s28] =	ssyncadd.s32 $0xFFFFC000  }
0x18a: {  	[spmem:s13] =	stream.linear.scatter [tilespmem:s26], [sflag:$0x3], $0x4000, $0x38;
	[tilespmem:$0x1FE00] =	vst v63  }
0x18b: {  	_ =	swait.ge [sflag:s28], $0x4000  }
0x18c: {  	[sflag:s28] =	ssyncset.done $0x0  }
0x18d: {  	s11 =	rddreg [dreg:$0x5];
	[sflag:s28] =	ssyncadd.s32 $0xFFFFC000  }
0x18e: {  	[spmem:s11] =	stream.linear.scatter [tilespmem:s26], [sflag:$0x3], $0x4000, $0x38;
	[tilespmem:$0x1FE00] =	vst v63  }
0x18f: {  	_ =	swait.ge [sflag:s28], $0x4000  }
0x190: {  	[sflag:s28] =	ssyncset.done $0x0  }
0x191: {  	s12 =	rddreg [dreg:$0x6];
	[sflag:s28] =	ssyncadd.s32 $0xFFFFC000  }
0x192: {  	[spmem:s12] =	stream.linear.scatter [tilespmem:s26], [sflag:$0x3], $0x3C00, $0x38;
	[tilespmem:$0x1FE00] =	vst v63  }
0x193: {  	_ =	swait.ge [sflag:s28], $0x3C00  }
0x194: {  	[sflag:s28] =	ssyncset.done $0x0  }
0x195: {  	[sflag:s28] =	ssyncadd.s32 $0xFFFFC400  }
0x196: {  	[bflag:$0x0] =	sbarrier.arrive $0xFFFF  }
0x197: {  	s13 =	rddreg [dreg:$0x7]  }
0x198: {  	[tilespmem:s9], [sflag:$0x3] =	stream.linear.gather [hbm4b:s13+s9], $0x80, $0x38;
	[tilespmem:$0x1FE00] =	vst v63  }
0x199: {  	_ =	swait.ge [sflag:s28], $0x80  }
0x19a: {  	[sflag:s28] =	ssyncset.done $0x0  }
0x19b: {  	[sflag:s28] =	ssyncadd.s32 $0xFFFFFF80  }
0x19c: {  	[tilespmem:s30], [sflag:$0x1] =	stream.indirect.gather [hbm4b:s6+s29], $0x80, s9, s29, $0xb8;
	[tilespmem:$0x1FE00] =	vst v63  }
0x19d: {  	s10 =	sadd.s32 $0x0, s20  }
0x19e: {  	[tilespmem:s29], [sflag:$0x3] =	stream.linear.gather [hbm4b:s10+s3], $0x80, $0x38;
	[tilespmem:$0x1FE00] =	vst v63  }
0x19f: {  	_ =	swait.ge [sflag:s28], $0x80  }
0x1a0: {  	[sflag:s28] =	ssyncset.done $0x0  }
0x1a1: {  	[sflag:s28] =	ssyncadd.s32 $0xFFFFFF80  }
0x1a2: {  	[tilespmem:s31], [sflag:$0x2] =	stream.indirect.gather [hbm4b:s6+s29], $0x80, s29, s29, $0xb8;
	[tilespmem:$0x1FE00] =	vst v63  }
0x1a3: {  	_ =	swait.ge [sflag:s0], $0x4000  }
0x1a4: {  	[sflag:s0] =	ssyncset.done $0x0  }
0x1a5: {  	s11 =	sadd.s32 $0x0, s18;
	[sflag:s0] =	ssyncadd.s32 $0xFFFFC000  }
0x1a6: {  	[tilespmem:s2], [sflag:$0x3] =	stream.linear.gather [hbm4b:s11+s3], $0x80, $0x38;
	[tilespmem:$0x1FE00] =	vst v63  }
0x1a7: {  	_ =	swait.ge [sflag:s28], $0x80  }
0x1a8: {  	[sflag:s28] =	ssyncset.done $0x0  }
0x1a9: {  	s12 =	sadd.s32 $0x0, s21;
	[sflag:s28] =	ssyncadd.s32 $0xFFFFFF80  }
0x1aa: {  	[tilespmem:s3], [sflag:$0x3] =	stream.linear.gather [hbm4b:s12+s3], $0x80, $0x38;
	[tilespmem:$0x1FE00] =	vst v63  }
0x1ab: {  	_ =	swait.ge [sflag:s28], $0x80  }
0x1ac: {  	[sflag:s28] =	ssyncset.done $0x0  }
0x1ad: {  	[sflag:s28] =	ssyncadd.s32 $0xFFFFFF80  }
0x1ae: {  	[tilespmem:s30], [sflag:$0x1] =	stream.indirect.gather [hbm4b:s6+s29], $0x80, s3, s29, $0xb8;
	[tilespmem:$0x1FE00] =	vst v63  }
0x1af: {  	_ = 	snop  }
0x1b0: {  	[spmem:s1] =	stream.indirect.scatter.add.f32 [tilespmem:s30], [sflag:$0x3], $0x80, s2, s29, $0xb8;
	[tilespmem:$0x1FE00] =	vst v63  }
0x1b1: {  	_ =	swait.ge [sflag:s28], $0x4000  }
0x1b2: {  	[sflag:s28] =	ssyncset.done $0x0  }
0x1b3: {  	[sflag:s28] =	ssyncadd.s32 $0xFFFFC000  }
0x1b4: {  	_ =	swait.ge [sflag:s14], $0x4000  }
0x1b5: {  	[sflag:s14] =	ssyncset.done $0x0  }
0x1b6: {  	s13 =	sadd.s32 $0x0, s19;
	[sflag:s14] =	ssyncadd.s32 $0xFFFFC000  }
0x1b7: {  	[tilespmem:s15], [sflag:$0x3] =	stream.linear.gather [hbm4b:s13+s3], $0x80, $0x38;
	[tilespmem:$0x1FE00] =	vst v63  }
0x1b8: {  	_ =	swait.ge [sflag:s28], $0x80  }
0x1b9: {  	[sflag:s28] =	ssyncset.done $0x0  }
0x1ba: {  	[sflag:s28] =	ssyncadd.s32 $0xFFFFFF80  }
0x1bb: {  	[spmem:s1] =	stream.indirect.scatter.add.f32 [tilespmem:s31], [sflag:$0x3], $0x80, s15, s29, $0xb8;
	[tilespmem:$0x1FE00] =	vst v63  }
0x1bc: {  	_ =	swait.ge [sflag:s28], $0x4000  }
0x1bd: {  	s9 =	simm.s32 $0x20;
	s11 =	simm.s32 $0x40;
	[sflag:s28] =	ssyncset.done $0x0  }
.LBB2_8:
0x1be: {  	s12 =	sadd.s32 s9, s20  }
0x1bf: {  	[sflag:s28] =	ssyncadd.s32 $0xFFFFC000;
	s13 =	smov.u32 s11;
	s10 =	sadd.s32 $0x20, s11  }
0x1c0: {  	[tilespmem:s29], [sflag:$0x3] =	stream.linear.gather [hbm4b:s12+s3], $0x80, $0x38;
	[tilespmem:$0x1FE00] =	vst v63  }
0x1c1: {  	p0 =	sne.s32 s11, $0x240;
	_ =	swait.ge [sflag:s28], $0x80  }
0x1c2: {  	[sflag:s28] =	ssyncset.done $0x0  }
0x1c3: {  	[sflag:s28] =	ssyncadd.s32 $0xFFFFFF80  }
0x1c4: {  	[tilespmem:s31], [sflag:$0x2] =	stream.indirect.gather [hbm4b:s6+s29], $0x80, s29, s29, $0xb8;
	[tilespmem:$0x1FE00] =	vst v63  }
0x1c5: {  	_ =	swait.ge [sflag:s0], $0x4000  }
0x1c6: {  	[sflag:s0] =	ssyncset.done $0x0  }
0x1c7: {  	s11 =	sadd.s32 s9, s18;
	[sflag:s0] =	ssyncadd.s32 $0xFFFFC000  }
0x1c8: {  	[tilespmem:s2], [sflag:$0x3] =	stream.linear.gather [hbm4b:s11+s3], $0x80, $0x38;
	[tilespmem:$0x1FE00] =	vst v63  }
0x1c9: {  	_ =	swait.ge [sflag:s28], $0x80  }
0x1ca: {  	[sflag:s28] =	ssyncset.done $0x0  }
0x1cb: {  	s11 =	sadd.s32 s9, s21;
	[sflag:s28] =	ssyncadd.s32 $0xFFFFFF80  }
0x1cc: {  	[tilespmem:s3], [sflag:$0x3] =	stream.linear.gather [hbm4b:s11+s3], $0x80, $0x38;
	[tilespmem:$0x1FE00] =	vst v63  }
0x1cd: {  	_ =	swait.ge [sflag:s28], $0x80  }
0x1ce: {  	[sflag:s28] =	ssyncset.done $0x0  }
0x1cf: {  	[sflag:s28] =	ssyncadd.s32 $0xFFFFFF80  }
0x1d0: {  	[tilespmem:s30], [sflag:$0x1] =	stream.indirect.gather [hbm4b:s6+s29], $0x80, s3, s29, $0xb8;
	[tilespmem:$0x1FE00] =	vst v63  }
0x1d1: {  	_ = 	snop  }
0x1d2: {  	[spmem:s1] =	stream.indirect.scatter.add.f32 [tilespmem:s30], [sflag:$0x3], $0x80, s2, s29, $0xb8;
	[tilespmem:$0x1FE00] =	vst v63  }
0x1d3: {  	_ =	swait.ge [sflag:s28], $0x4000  }
0x1d4: {  	[sflag:s28] =	ssyncset.done $0x0  }
0x1d5: {  	[sflag:s28] =	ssyncadd.s32 $0xFFFFC000  }
0x1d6: {  	_ =	swait.ge [sflag:s14], $0x4000  }
0x1d7: {  	[sflag:s14] =	ssyncset.done $0x0  }
0x1d8: {  	s11 =	sadd.s32 s9, s19;
	s9 =	smov.u32 s13;
	[sflag:s14] =	ssyncadd.s32 $0xFFFFC000  }
0x1d9: {  	[tilespmem:s15], [sflag:$0x3] =	stream.linear.gather [hbm4b:s11+s3], $0x80, $0x38;
	[tilespmem:$0x1FE00] =	vst v63  }
0x1da: {  	_ =	swait.ge [sflag:s28], $0x80  }
.Ltmp3:
0x1db: {  	[sflag:s28] =	ssyncset.done $0x0;
	(pc) =	sbr.rel @p0 .LBB2_8-.Ltmp3, $4  }
0x1dc: {  	[sflag:s28] =	ssyncadd.s32 $0xFFFFFF80  }
0x1dd: {  	[spmem:s1] =	stream.indirect.scatter.add.f32 [tilespmem:s31], [sflag:$0x3], $0x80, s15, s29, $0xb8;
	[tilespmem:$0x1FE00] =	vst v63  }
0x1de: {  	_ =	swait.ge [sflag:s28], $0x4000  }
0x1df: {  	s11 =	smov.u32 s10;
	[sflag:s28] =	ssyncset.done $0x0  }
0x1e0: {  	s10 =	sadd.s32 s9, s20;
	[sflag:s28] =	ssyncadd.s32 $0xFFFFC000  }
0x1e1: {  	[tilespmem:s29], [sflag:$0x3] =	stream.linear.gather [hbm4b:s10+s3], $0x80, $0x38;
	[tilespmem:$0x1FE00] =	vst v63  }
0x1e2: {  	_ =	swait.ge [sflag:s28], $0x80  }
0x1e3: {  	[sflag:s28] =	ssyncset.done $0x0  }
0x1e4: {  	[sflag:s28] =	ssyncadd.s32 $0xFFFFFF80  }
0x1e5: {  	[tilespmem:s31], [sflag:$0x2] =	stream.indirect.gather [hbm4b:s6+s29], $0x80, s29, s29, $0xb8;
	[tilespmem:$0x1FE00] =	vst v63  }
0x1e6: {  	_ =	swait.ge [sflag:s0], $0x4000  }
0x1e7: {  	[sflag:s0] =	ssyncset.done $0x0  }
0x1e8: {  	s12 =	sadd.s32 s9, s18;
	[sflag:s0] =	ssyncadd.s32 $0xFFFFC000  }
0x1e9: {  	[tilespmem:s2], [sflag:$0x3] =	stream.linear.gather [hbm4b:s12+s3], $0x80, $0x38;
	[tilespmem:$0x1FE00] =	vst v63  }
0x1ea: {  	_ =	swait.ge [sflag:s28], $0x80  }
0x1eb: {  	[sflag:s28] =	ssyncset.done $0x0  }
0x1ec: {  	s13 =	sadd.s32 s9, s21;
	[sflag:s28] =	ssyncadd.s32 $0xFFFFFF80  }
0x1ed: {  	[tilespmem:s3], [sflag:$0x3] =	stream.linear.gather [hbm4b:s13+s3], $0x80, $0x38;
	[tilespmem:$0x1FE00] =	vst v63  }
0x1ee: {  	_ =	swait.ge [sflag:s28], $0x80  }
0x1ef: {  	[sflag:s28] =	ssyncset.done $0x0  }
0x1f0: {  	[sflag:s28] =	ssyncadd.s32 $0xFFFFFF80  }
0x1f1: {  	[tilespmem:s30], [sflag:$0x1] =	stream.indirect.gather [hbm4b:s6+s29], $0x80, s3, s29, $0xb8;
	[tilespmem:$0x1FE00] =	vst v63  }
0x1f2: {  	_ = 	snop  }
0x1f3: {  	[spmem:s1] =	stream.indirect.scatter.add.f32 [tilespmem:s30], [sflag:$0x3], $0x80, s2, s29, $0xb8;
	[tilespmem:$0x1FE00] =	vst v63  }
0x1f4: {  	_ =	swait.ge [sflag:s28], $0x4000  }
0x1f5: {  	[sflag:s28] =	ssyncset.done $0x0  }
0x1f6: {  	[sflag:s28] =	ssyncadd.s32 $0xFFFFC000  }
0x1f7: {  	_ =	swait.ge [sflag:s14], $0x4000  }
0x1f8: {  	[sflag:s14] =	ssyncset.done $0x0  }
0x1f9: {  	s10 =	sadd.s32 s9, s19;
	[sflag:s14] =	ssyncadd.s32 $0xFFFFC000  }
0x1fa: {  	[tilespmem:s15], [sflag:$0x3] =	stream.linear.gather [hbm4b:s10+s3], $0x80, $0x38;
	[tilespmem:$0x1FE00] =	vst v63  }
0x1fb: {  	_ =	swait.ge [sflag:s28], $0x80  }
0x1fc: {  	[sflag:s28] =	ssyncset.done $0x0  }
0x1fd: {  	[sflag:s28] =	ssyncadd.s32 $0xFFFFFF80  }
0x1fe: {  	[spmem:s1] =	stream.indirect.scatter.add.f32 [tilespmem:s31], [sflag:$0x3], $0x80, s15, s29, $0xb8;
	[tilespmem:$0x1FE00] =	vst v63  }
0x1ff: {  	_ =	swait.ge [sflag:s28], $0x4000  }
0x200: {  	[sflag:s28] =	ssyncset.done $0x0  }
0x201: {  	s9 =	simm.s32 $0x0;
	[sflag:s28] =	ssyncadd.s32 $0xFFFFC000  }
0x202: {  	[tilespmem:s29], [sflag:$0x3] =	stream.linear.gather [hbm4b:s16+s9], $0x80, $0x38;
	[tilespmem:$0x1FE00] =	vst v63  }
0x203: {  	_ =	swait.ge [sflag:s28], $0x80  }
0x204: {  	[sflag:s28] =	ssyncset.done $0x0  }
0x205: {  	[sflag:s28] =	ssyncadd.s32 $0xFFFFFF80  }
0x206: {  	[tilespmem:s31], [sflag:$0x2] =	stream.indirect.gather [hbm4b:s6+s29], $0x80, s29, s29, $0xb8;
	[tilespmem:$0x1FE00] =	vst v63  }
0x207: {  	_ =	swait.ge [sflag:s0], $0x4000  }
0x208: {  	[sflag:s0] =	ssyncset.done $0x0  }
0x209: {  	[sflag:s0] =	ssyncadd.s32 $0xFFFFC000  }
0x20a: {  	[tilespmem:s2], [sflag:$0x3] =	stream.linear.gather [hbm4b:s25+s9], $0x80, $0x38;
	[tilespmem:$0x1FE00] =	vst v63  }
0x20b: {  	_ =	swait.ge [sflag:s28], $0x80  }
0x20c: {  	[sflag:s28] =	ssyncset.done $0x0  }
0x20d: {  	[sflag:s28] =	ssyncadd.s32 $0xFFFFFF80  }
0x20e: {  	[tilespmem:s9], [sflag:$0x3] =	stream.linear.gather [hbm4b:s16+s9], $0x80, $0x38;
	[tilespmem:$0x1FE00] =	vst v63  }
0x20f: {  	_ =	swait.ge [sflag:s28], $0x80  }
0x210: {  	[sflag:s28] =	ssyncset.done $0x0  }
0x211: {  	[sflag:s28] =	ssyncadd.s32 $0xFFFFFF80  }
0x212: {  	[tilespmem:s30], [sflag:$0x1] =	stream.indirect.gather [hbm4b:s6+s29], $0x80, s9, s29, $0xb8;
	[tilespmem:$0x1FE00] =	vst v63  }
0x213: {  	_ = 	snop  }
0x214: {  	[spmem:s1] =	stream.indirect.scatter.add.f32 [tilespmem:s30], [sflag:$0x3], $0x80, s2, s29, $0xb8;
	[tilespmem:$0x1FE00] =	vst v63  }
0x215: {  	_ =	swait.ge [sflag:s28], $0x4000  }
0x216: {  	[sflag:s28] =	ssyncset.done $0x0  }
0x217: {  	[sflag:s28] =	ssyncadd.s32 $0xFFFFC000  }
0x218: {  	_ =	swait.ge [sflag:s14], $0x4000  }
0x219: {  	[sflag:s14] =	ssyncset.done $0x0  }
0x21a: {  	[sflag:s14] =	ssyncadd.s32 $0xFFFFC000  }
0x21b: {  	[tilespmem:s15], [sflag:$0x3] =	stream.linear.gather [hbm4b:s17+s9], $0x80, $0x38;
	[tilespmem:$0x1FE00] =	vst v63  }
0x21c: {  	_ =	swait.ge [sflag:s28], $0x80  }
0x21d: {  	[sflag:s28] =	ssyncset.done $0x0  }
0x21e: {  	[sflag:s28] =	ssyncadd.s32 $0xFFFFFF80  }
0x21f: {  	[spmem:s1] =	stream.indirect.scatter.add.f32 [tilespmem:s31], [sflag:$0x3], $0x80, s15, s29, $0xb8;
	[tilespmem:$0x1FE00] =	vst v63  }
0x220: {  	_ =	swait.ge [sflag:s28], $0x4000  }
0x221: {  	[sflag:s28] =	ssyncset.done $0x0  }
0x222: {  	[sflag:s28] =	ssyncadd.s32 $0xFFFFC000  }
0x223: {  	_ =	swait.ge [sflag:s0], $0x4000  }
0x224: {  	[sflag:s0] =	ssyncset.done $0x0  }
0x225: {  	[sflag:s0] =	ssyncadd.s32 $0xFFFFC000  }
0x226: {  	[bflag:$0x0] =	sbarrier.arrive $0xFFFF  }
0x227: {  	s11 =	rddreg [dreg:$0xa]  }
0x228: {  	[hbm:s11], [sflag:s23] =	dma.local [spmem:s24], $0x2780  }
0x229: {  	_ =	swait.ge [sflag:s28], $0x2780  }
0x22a: {  	[sflag:s28] =	ssyncset.done $0x0  }
0x22b: {  	[sflag:s28] =	ssyncadd.s32 $0xFFFFD880  }
0x22c: {  	[bflag:$0x0] =	sbarrier.arrive $0xFFFF  }
0x22d: {  	[spmem:s8] =	stream.linear.scatter [tilespmem:s26], [sflag:$0x3], $0x4000, $0x38;
	[tilespmem:$0x1FE00] =	vst v63  }
0x22e: {  	_ =	swait.ge [sflag:s28], $0x4000  }
0x22f: {  	[sflag:s28] =	ssyncset.done $0x0  }
0x230: {  	s12 =	rddreg [dreg:$0x3];
	[sflag:s28] =	ssyncadd.s32 $0xFFFFC000  }
0x231: {  	[spmem:s12] =	stream.linear.scatter [tilespmem:s26], [sflag:$0x3], $0x4000, $0x38;
	[tilespmem:$0x1FE00] =	vst v63  }
0x232: {  	_ =	swait.ge [sflag:s28], $0x4000  }
0x233: {  	[sflag:s28] =	ssyncset.done $0x0  }
0x234: {  	s13 =	rddreg [dreg:$0x4];
	[sflag:s28] =	ssyncadd.s32 $0xFFFFC000  }
0x235: {  	[spmem:s13] =	stream.linear.scatter [tilespmem:s26], [sflag:$0x3], $0x4000, $0x38;
	[tilespmem:$0x1FE00] =	vst v63  }
0x236: {  	_ =	swait.ge [sflag:s28], $0x4000  }
0x237: {  	[sflag:s28] =	ssyncset.done $0x0  }
0x238: {  	s11 =	rddreg [dreg:$0x5];
	[sflag:s28] =	ssyncadd.s32 $0xFFFFC000  }
0x239: {  	[spmem:s11] =	stream.linear.scatter [tilespmem:s26], [sflag:$0x3], $0x4000, $0x38;
	[tilespmem:$0x1FE00] =	vst v63  }
0x23a: {  	_ =	swait.ge [sflag:s28], $0x4000  }
0x23b: {  	[sflag:s28] =	ssyncset.done $0x0  }
0x23c: {  	s12 =	rddreg [dreg:$0x6];
	[sflag:s28] =	ssyncadd.s32 $0xFFFFC000  }
0x23d: {  	[spmem:s12] =	stream.linear.scatter [tilespmem:s26], [sflag:$0x3], $0x3C00, $0x38;
	[tilespmem:$0x1FE00] =	vst v63  }
0x23e: {  	_ =	swait.ge [sflag:s28], $0x3C00  }
0x23f: {  	[sflag:s28] =	ssyncset.done $0x0  }
0x240: {  	[sflag:s28] =	ssyncadd.s32 $0xFFFFC400  }
0x241: {  	[bflag:$0x0] =	sbarrier.arrive $0xFFFF  }
0x242: {  	s13 =	rddreg [dreg:$0x7]  }
0x243: {  	[tilespmem:s9], [sflag:$0x3] =	stream.linear.gather [hbm4b:s13+s9], $0x80, $0x38;
	[tilespmem:$0x1FE00] =	vst v63  }
0x244: {  	_ =	swait.ge [sflag:s28], $0x80  }
0x245: {  	[sflag:s28] =	ssyncset.done $0x0  }
0x246: {  	[sflag:s28] =	ssyncadd.s32 $0xFFFFFF80  }
0x247: {  	[tilespmem:s30], [sflag:$0x1] =	stream.indirect.gather [hbm4b:s7+s29], $0x80, s9, s29, $0xb8;
	[tilespmem:$0x1FE00] =	vst v63  }
0x248: {  	s10 =	sadd.s32 $0x0, s20  }
0x249: {  	[tilespmem:s29], [sflag:$0x3] =	stream.linear.gather [hbm4b:s10+s3], $0x80, $0x38;
	[tilespmem:$0x1FE00] =	vst v63  }
0x24a: {  	_ =	swait.ge [sflag:s28], $0x80  }
0x24b: {  	[sflag:s28] =	ssyncset.done $0x0  }
0x24c: {  	[sflag:s28] =	ssyncadd.s32 $0xFFFFFF80  }
0x24d: {  	[tilespmem:s31], [sflag:$0x2] =	stream.indirect.gather [hbm4b:s7+s29], $0x80, s29, s29, $0xb8;
	[tilespmem:$0x1FE00] =	vst v63  }
0x24e: {  	_ =	swait.ge [sflag:s0], $0x4000  }
0x24f: {  	[sflag:s0] =	ssyncset.done $0x0  }
0x250: {  	s11 =	sadd.s32 $0x0, s18;
	[sflag:s0] =	ssyncadd.s32 $0xFFFFC000  }
0x251: {  	[tilespmem:s2], [sflag:$0x3] =	stream.linear.gather [hbm4b:s11+s3], $0x80, $0x38;
	[tilespmem:$0x1FE00] =	vst v63  }
0x252: {  	_ =	swait.ge [sflag:s28], $0x80  }
0x253: {  	[sflag:s28] =	ssyncset.done $0x0  }
0x254: {  	s12 =	sadd.s32 $0x0, s21;
	[sflag:s28] =	ssyncadd.s32 $0xFFFFFF80  }
0x255: {  	[tilespmem:s3], [sflag:$0x3] =	stream.linear.gather [hbm4b:s12+s3], $0x80, $0x38;
	[tilespmem:$0x1FE00] =	vst v63  }
0x256: {  	_ =	swait.ge [sflag:s28], $0x80  }
0x257: {  	[sflag:s28] =	ssyncset.done $0x0  }
0x258: {  	[sflag:s28] =	ssyncadd.s32 $0xFFFFFF80  }
0x259: {  	[tilespmem:s30], [sflag:$0x1] =	stream.indirect.gather [hbm4b:s7+s29], $0x80, s3, s29, $0xb8;
	[tilespmem:$0x1FE00] =	vst v63  }
0x25a: {  	_ = 	snop  }
0x25b: {  	[spmem:s1] =	stream.indirect.scatter.add.f32 [tilespmem:s30], [sflag:$0x3], $0x80, s2, s29, $0xb8;
	[tilespmem:$0x1FE00] =	vst v63  }
0x25c: {  	_ =	swait.ge [sflag:s28], $0x4000  }
0x25d: {  	[sflag:s28] =	ssyncset.done $0x0  }
0x25e: {  	[sflag:s28] =	ssyncadd.s32 $0xFFFFC000  }
0x25f: {  	_ =	swait.ge [sflag:s14], $0x4000  }
0x260: {  	[sflag:s14] =	ssyncset.done $0x0  }
0x261: {  	s13 =	sadd.s32 $0x0, s19;
	[sflag:s14] =	ssyncadd.s32 $0xFFFFC000  }
0x262: {  	[tilespmem:s15], [sflag:$0x3] =	stream.linear.gather [hbm4b:s13+s3], $0x80, $0x38;
	[tilespmem:$0x1FE00] =	vst v63  }
0x263: {  	_ =	swait.ge [sflag:s28], $0x80  }
0x264: {  	[sflag:s28] =	ssyncset.done $0x0  }
0x265: {  	[sflag:s28] =	ssyncadd.s32 $0xFFFFFF80  }
0x266: {  	[spmem:s1] =	stream.indirect.scatter.add.f32 [tilespmem:s31], [sflag:$0x3], $0x80, s15, s29, $0xb8;
	[tilespmem:$0x1FE00] =	vst v63  }
0x267: {  	_ =	swait.ge [sflag:s28], $0x4000  }
0x268: {  	s9 =	simm.s32 $0x20;
	s11 =	simm.s32 $0x40;
	[sflag:s28] =	ssyncset.done $0x0  }
.LBB2_10:
0x269: {  	s12 =	sadd.s32 s9, s20  }
0x26a: {  	[sflag:s28] =	ssyncadd.s32 $0xFFFFC000;
	s13 =	smov.u32 s11;
	s10 =	sadd.s32 $0x20, s11  }
0x26b: {  	[tilespmem:s29], [sflag:$0x3] =	stream.linear.gather [hbm4b:s12+s3], $0x80, $0x38;
	[tilespmem:$0x1FE00] =	vst v63  }
0x26c: {  	p0 =	sne.s32 s11, $0x240;
	_ =	swait.ge [sflag:s28], $0x80  }
0x26d: {  	[sflag:s28] =	ssyncset.done $0x0  }
0x26e: {  	[sflag:s28] =	ssyncadd.s32 $0xFFFFFF80  }
0x26f: {  	[tilespmem:s31], [sflag:$0x2] =	stream.indirect.gather [hbm4b:s7+s29], $0x80, s29, s29, $0xb8;
	[tilespmem:$0x1FE00] =	vst v63  }
0x270: {  	_ =	swait.ge [sflag:s0], $0x4000  }
0x271: {  	[sflag:s0] =	ssyncset.done $0x0  }
0x272: {  	s11 =	sadd.s32 s9, s18;
	[sflag:s0] =	ssyncadd.s32 $0xFFFFC000  }
0x273: {  	[tilespmem:s2], [sflag:$0x3] =	stream.linear.gather [hbm4b:s11+s3], $0x80, $0x38;
	[tilespmem:$0x1FE00] =	vst v63  }
0x274: {  	_ =	swait.ge [sflag:s28], $0x80  }
0x275: {  	[sflag:s28] =	ssyncset.done $0x0  }
0x276: {  	s11 =	sadd.s32 s9, s21;
	[sflag:s28] =	ssyncadd.s32 $0xFFFFFF80  }
0x277: {  	[tilespmem:s3], [sflag:$0x3] =	stream.linear.gather [hbm4b:s11+s3], $0x80, $0x38;
	[tilespmem:$0x1FE00] =	vst v63  }
0x278: {  	_ =	swait.ge [sflag:s28], $0x80  }
0x279: {  	[sflag:s28] =	ssyncset.done $0x0  }
0x27a: {  	[sflag:s28] =	ssyncadd.s32 $0xFFFFFF80  }
0x27b: {  	[tilespmem:s30], [sflag:$0x1] =	stream.indirect.gather [hbm4b:s7+s29], $0x80, s3, s29, $0xb8;
	[tilespmem:$0x1FE00] =	vst v63  }
0x27c: {  	_ = 	snop  }
0x27d: {  	[spmem:s1] =	stream.indirect.scatter.add.f32 [tilespmem:s30], [sflag:$0x3], $0x80, s2, s29, $0xb8;
	[tilespmem:$0x1FE00] =	vst v63  }
0x27e: {  	_ =	swait.ge [sflag:s28], $0x4000  }
0x27f: {  	[sflag:s28] =	ssyncset.done $0x0  }
0x280: {  	[sflag:s28] =	ssyncadd.s32 $0xFFFFC000  }
0x281: {  	_ =	swait.ge [sflag:s14], $0x4000  }
0x282: {  	[sflag:s14] =	ssyncset.done $0x0  }
0x283: {  	s11 =	sadd.s32 s9, s19;
	s9 =	smov.u32 s13;
	[sflag:s14] =	ssyncadd.s32 $0xFFFFC000  }
0x284: {  	[tilespmem:s15], [sflag:$0x3] =	stream.linear.gather [hbm4b:s11+s3], $0x80, $0x38;
	[tilespmem:$0x1FE00] =	vst v63  }
0x285: {  	_ =	swait.ge [sflag:s28], $0x80  }
.Ltmp4:
0x286: {  	[sflag:s28] =	ssyncset.done $0x0;
	(pc) =	sbr.rel @p0 .LBB2_10-.Ltmp4, $4  }
0x287: {  	[sflag:s28] =	ssyncadd.s32 $0xFFFFFF80  }
0x288: {  	[spmem:s1] =	stream.indirect.scatter.add.f32 [tilespmem:s31], [sflag:$0x3], $0x80, s15, s29, $0xb8;
	[tilespmem:$0x1FE00] =	vst v63  }
0x289: {  	_ =	swait.ge [sflag:s28], $0x4000  }
0x28a: {  	s11 =	smov.u32 s10;
	[sflag:s28] =	ssyncset.done $0x0  }
0x28b: {  	s10 =	sadd.s32 s9, s20;
	[sflag:s28] =	ssyncadd.s32 $0xFFFFC000  }
0x28c: {  	[tilespmem:s29], [sflag:$0x3] =	stream.linear.gather [hbm4b:s10+s3], $0x80, $0x38;
	[tilespmem:$0x1FE00] =	vst v63  }
0x28d: {  	_ =	swait.ge [sflag:s28], $0x80  }
0x28e: {  	[sflag:s28] =	ssyncset.done $0x0  }
0x28f: {  	[sflag:s28] =	ssyncadd.s32 $0xFFFFFF80  }
0x290: {  	[tilespmem:s31], [sflag:$0x2] =	stream.indirect.gather [hbm4b:s7+s29], $0x80, s29, s29, $0xb8;
	[tilespmem:$0x1FE00] =	vst v63  }
0x291: {  	_ =	swait.ge [sflag:s0], $0x4000  }
0x292: {  	[sflag:s0] =	ssyncset.done $0x0  }
0x293: {  	s13 =	sadd.s32 s9, s18;
	[sflag:s0] =	ssyncadd.s32 $0xFFFFC000  }
0x294: {  	[tilespmem:s2], [sflag:$0x3] =	stream.linear.gather [hbm4b:s13+s3], $0x80, $0x38;
	[tilespmem:$0x1FE00] =	vst v63  }
0x295: {  	_ =	swait.ge [sflag:s28], $0x80  }
0x296: {  	[sflag:s28] =	ssyncset.done $0x0  }
0x297: {  	s11 =	sadd.s32 s9, s21;
	[sflag:s28] =	ssyncadd.s32 $0xFFFFFF80  }
0x298: {  	[tilespmem:s3], [sflag:$0x3] =	stream.linear.gather [hbm4b:s11+s3], $0x80, $0x38;
	[tilespmem:$0x1FE00] =	vst v63  }
0x299: {  	_ =	swait.ge [sflag:s28], $0x80  }
0x29a: {  	[sflag:s28] =	ssyncset.done $0x0  }
0x29b: {  	[sflag:s28] =	ssyncadd.s32 $0xFFFFFF80  }
0x29c: {  	[tilespmem:s30], [sflag:$0x1] =	stream.indirect.gather [hbm4b:s7+s29], $0x80, s3, s29, $0xb8;
	[tilespmem:$0x1FE00] =	vst v63  }
0x29d: {  	_ = 	snop  }
0x29e: {  	[spmem:s1] =	stream.indirect.scatter.add.f32 [tilespmem:s30], [sflag:$0x3], $0x80, s2, s29, $0xb8;
	[tilespmem:$0x1FE00] =	vst v63  }
0x29f: {  	_ =	swait.ge [sflag:s28], $0x4000  }
0x2a0: {  	[sflag:s28] =	ssyncset.done $0x0  }
0x2a1: {  	[sflag:s28] =	ssyncadd.s32 $0xFFFFC000  }
0x2a2: {  	_ =	swait.ge [sflag:s14], $0x4000  }
0x2a3: {  	[sflag:s14] =	ssyncset.done $0x0  }
0x2a4: {  	s12 =	sadd.s32 s9, s19;
	[sflag:s14] =	ssyncadd.s32 $0xFFFFC000  }
0x2a5: {  	[tilespmem:s15], [sflag:$0x3] =	stream.linear.gather [hbm4b:s12+s3], $0x80, $0x38;
	[tilespmem:$0x1FE00] =	vst v63  }
0x2a6: {  	_ =	swait.ge [sflag:s28], $0x80  }
0x2a7: {  	[sflag:s28] =	ssyncset.done $0x0  }
0x2a8: {  	[sflag:s28] =	ssyncadd.s32 $0xFFFFFF80  }
0x2a9: {  	[spmem:s1] =	stream.indirect.scatter.add.f32 [tilespmem:s31], [sflag:$0x3], $0x80, s15, s29, $0xb8;
	[tilespmem:$0x1FE00] =	vst v63  }
0x2aa: {  	_ =	swait.ge [sflag:s28], $0x4000  }
0x2ab: {  	[sflag:s28] =	ssyncset.done $0x0  }
0x2ac: {  	[sflag:s28] =	ssyncadd.s32 $0xFFFFC000  }
0x2ad: {  	[tilespmem:s29], [sflag:$0x3] =	stream.linear.gather [hbm4b:s16+s3], $0x80, $0x38;
	[tilespmem:$0x1FE00] =	vst v63  }
0x2ae: {  	_ =	swait.ge [sflag:s28], $0x80  }
0x2af: {  	[sflag:s28] =	ssyncset.done $0x0  }
0x2b0: {  	[sflag:s28] =	ssyncadd.s32 $0xFFFFFF80  }
0x2b1: {  	[tilespmem:s31], [sflag:$0x2] =	stream.indirect.gather [hbm4b:s7+s29], $0x80, s29, s29, $0xb8;
	[tilespmem:$0x1FE00] =	vst v63  }
0x2b2: {  	_ =	swait.ge [sflag:s0], $0x4000  }
0x2b3: {  	[sflag:s0] =	ssyncset.done $0x0  }
0x2b4: {  	[sflag:s0] =	ssyncadd.s32 $0xFFFFC000  }
0x2b5: {  	[tilespmem:s2], [sflag:$0x3] =	stream.linear.gather [hbm4b:s25+s3], $0x80, $0x38;
	[tilespmem:$0x1FE00] =	vst v63  }
0x2b6: {  	_ =	swait.ge [sflag:s28], $0x80  }
0x2b7: {  	[sflag:s28] =	ssyncset.done $0x0  }
0x2b8: {  	[sflag:s28] =	ssyncadd.s32 $0xFFFFFF80  }
0x2b9: {  	[tilespmem:s3], [sflag:$0x3] =	stream.linear.gather [hbm4b:s16+s3], $0x80, $0x38;
	[tilespmem:$0x1FE00] =	vst v63  }
0x2ba: {  	_ =	swait.ge [sflag:s28], $0x80  }
0x2bb: {  	[sflag:s28] =	ssyncset.done $0x0  }
0x2bc: {  	[sflag:s28] =	ssyncadd.s32 $0xFFFFFF80  }
0x2bd: {  	[tilespmem:s30], [sflag:$0x1] =	stream.indirect.gather [hbm4b:s7+s29], $0x80, s3, s29, $0xb8;
	[tilespmem:$0x1FE00] =	vst v63  }
0x2be: {  	_ = 	snop  }
0x2bf: {  	[spmem:s1] =	stream.indirect.scatter.add.f32 [tilespmem:s30], [sflag:$0x3], $0x80, s2, s29, $0xb8;
	[tilespmem:$0x1FE00] =	vst v63  }
0x2c0: {  	_ =	swait.ge [sflag:s28], $0x4000  }
0x2c1: {  	[sflag:s28] =	ssyncset.done $0x0  }
0x2c2: {  	[sflag:s28] =	ssyncadd.s32 $0xFFFFC000  }
0x2c3: {  	_ =	swait.ge [sflag:s14], $0x4000  }
0x2c4: {  	[sflag:s14] =	ssyncset.done $0x0  }
0x2c5: {  	[sflag:s14] =	ssyncadd.s32 $0xFFFFC000  }
0x2c6: {  	[tilespmem:s15], [sflag:$0x3] =	stream.linear.gather [hbm4b:s17+s3], $0x80, $0x38;
	[tilespmem:$0x1FE00] =	vst v63  }
0x2c7: {  	_ =	swait.ge [sflag:s28], $0x80  }
0x2c8: {  	[sflag:s28] =	ssyncset.done $0x0  }
0x2c9: {  	[sflag:s28] =	ssyncadd.s32 $0xFFFFFF80  }
0x2ca: {  	[spmem:s1] =	stream.indirect.scatter.add.f32 [tilespmem:s31], [sflag:$0x3], $0x80, s15, s29, $0xb8;
	[tilespmem:$0x1FE00] =	vst v63  }
0x2cb: {  	_ =	swait.ge [sflag:s28], $0x4000  }
0x2cc: {  	[sflag:s28] =	ssyncset.done $0x0  }
0x2cd: {  	[sflag:s28] =	ssyncadd.s32 $0xFFFFC000  }
0x2ce: {  	_ =	swait.ge [sflag:s0], $0x4000  }
0x2cf: {  	[sflag:s0] =	ssyncset.done $0x0  }
0x2d0: {  	[sflag:s0] =	ssyncadd.s32 $0xFFFFC000  }
0x2d1: {  	[bflag:$0x0] =	sbarrier.arrive $0xFFFF  }
0x2d2: {  	s13 =	rddreg [dreg:$0xb]  }
0x2d3: {  	[hbm:s13], [sflag:s23] =	dma.local [spmem:s24], $0x2780  }
0x2d4: {  	_ =	swait.ge [sflag:s28], $0x2780  }
0x2d5: {  	s22 =	sadd.s32 $0x1, s22;
	s24 =	rddreg [dreg:$0xc]  }
0x2d6: {  	p0 =	sne.s32 s22, s24  }
.Ltmp5:
0x2d7: {  	_ = 	snop;
	(pc) =	sbr.rel @p0 .LBB2_1-.Ltmp5, $3  }
0x2d8: {  	[sflag:s28] =	ssyncset.done $0x0  }
0x2d9: {  	[sflag:s28] =	ssyncadd.s32 $0xFFFFD880  }
0x2da: {  	[bflag:$0x0] =	sbarrier.arrive $0xFFFF;
	_ =	sdelay $0x1  }
0x2db: {  	_ =	sfence.sel $0x180000  }
0x2dc: {  	[bflag:$0x0] =	sbarrier.arrive $0xFFFF  }
0x2dd: {  	_ =	strace $0x9000004D  }
0x2de: {  	s0 =	stileid.u32;
	[bflag:$0x2] =	sbarrier.arrive $0xFFFF  }
0x2df: {  	p0 =	sne.s32 s0, $0x0;
	s0 =	rddreg [dreg:$0x2]  }
0x2e0: {  	s0 =	sadd.s32 @!p0 $0x100000, s0  }
0x2e1: {  	[sflag:s0] =	ssyncadd.tile.s32 @!p0 $0x1;
	_ =	shalt  }
.Lfunc_end2:
_tile_overlayer_lowered:
.L_overlay_start_2:
0x2e2: {  	(tag) =	ssettag $0x2  }
0x2e3: {  	s0 =	rddreg [dreg:$0x0];
	s2 =	stileid.u32  }
0x2e4: {  	s1 =	rddreg [dreg:$0x1];
	p0 =	sne.s32 s2, $0x0  }
0x2e5: {  	s3 =	rddreg [dreg:$0x2];
	[bflag:$0x3] =	sbarrier.arrive $0xFFFF;
	s2 =	simm.s32 @!p0 $0x1C03  }
0x2e6: {  	[timem:s3], [sflag:s2] =	dma.local @!p0 [hbm:s0], s1  }
0x2e7: {  	s0 =	simm.s32 @!p0 $0x3  }
0x2e8: {  	_ =	swait.ge @!p0 [sflag:s0], s1  }
0x2e9: {  	s1 =	ssub.s32 @!p0 $0x0, s1;
	[sflag:s0] =	ssyncset.done @!p0 $0x0  }
0x2ea: {  	[sflag:s0] =	ssyncadd.s32 @!p0 s1  }
0x2eb: {  	[bflag:$0x3] =	sbarrier.arrive $0xFFFF  }
0x2ec: {  	_ =	shalt  }

// kernel: kernel.9.cloned.1.call-start
scs
__scs_entry_jumppad:
0x0: {  	(pc) =	sbr.rel $0x88, $3  }
0x1: {  	(tag) =	ssettag $0x0;
	lr =	simm.s32 $0x1  }
0x2: {  	[smem:$0x3F95] =	sst lr;
	_ =	strace $0xD0000000  }
0x3: {  	_ = 	snop  }
0x4: {  	_ = 	snop  }
0x5: {  	_ = 	snop  }
0x6: {  	_ = 	snop  }
0x7: {  	_ = 	snop  }
__scs_overlays_trampoline_lowered:
0x8: {  	[smem:$0x3FA4] =	sst s0  }
0x9: {  	[smem:$0x3FA5] =	sst s1  }
0xa: {  	[smem:$0x3FA6] =	sst s2  }
0xb: {  	[smem:$0x3FA7] =	sst s3  }
0xc: {  	[smem:$0x3FA8] =	sst s4  }
0xd: {  	[smem:$0x3FA9] =	sst s5  }
0xe: {  	[smem:$0x3FAA] =	sst s6  }
0xf: {  	[smem:$0x3FAB] =	sst s7  }
0x10: {  	[smem:$0x3FAC] =	sst s8  }
0x11: {  	[smem:$0x3FAD] =	sst s9;
	s0 =	simm.s32 @!p0 $0x0  }
0x12: {  	s1 =	sld [smem:$0x3F93];
	s0 =	simm.s32 @p0 $0x1  }
0x13: {  	[smem:$0x3FAE] =	sst s0;
	s0 =	simm.s32 @!p1 $0x0  }
0x14: {  	s2 =	sld [smem:$0x3F92];
	s0 =	simm.s32 @p1 $0x1  }
0x15: {  	[smem:$0x3FAF] =	sst s0;
	s0 =	simm.s32 @!p2 $0x0  }
0x16: {  	s3 =	sld [smem:$0x3FDB];
	s0 =	simm.s32 @p2 $0x1  }
0x17: {  	s4 =	simm.s32 $0x1BF5;
	[smem:$0x3FB1] =	sst s0  }
0x18: {  	s0 =	sld [smem:$0x3F94];
	_ =	swait.ge [sflag:s4], $0x0  }
0x19: {  	s7 =	sld [smem:$0x3F95]  }
0x1a: {  	s8 =	sadd.s32 $0xFFFFE003, lr  }
0x1b: {  	s9 =	sadd.s32 $0xFFFFFEF7, lr;
	s5 =	simm.s32 $0xFFFFFFFF;
	p2 =	slt.u32 s8, $0xFFFFF086  }
0x1c: {  	p1 =	slt.u32 s9, $0xF7A;
	s5 =	simm.s32 @!p2 $0x0  }
0x1d: {  	s5 =	simm.s32 @p1 $0x1;
	p0 =	seq.s32 s7, s2  }
0x1e: {  	s7 =	smul.u32 @!p0 $0xF7A, s2;
	p2 =	seq.s32 @!p0 s5, $0x0  }
0x1f: {  	s9 =	smul.u32 $0xF7A, s1;
	s8 =	simm.s32 @!p0 $0x1BF5;
	p2 =	por !p2, p0  }
0x20: {  	[sflag:s8] =	ssyncset.s32 @!p0 $0xFFFFF086;
	s6 =	sadd.s32 @!p0 s3, s7;
	s7 =	simm.s32 @!p0 $0x108  }
0x21: {  	s3 =	sadd.s32 s3, s9;
	s6 =	sadd.s32 @!p0 $0x88, s6;
	s7 =	simm.s32 @p2 $0x1082  }
0x22: {  	[simem:s7], [sflag:s8] =	dma.local @!p0 [hbm:s6], $0xF7A  }
0x23: {  	s9 =	sor.u32 $0xD0000000, s2;
	s6 =	simm.s32 $0x108;
	_ =	swait.ge @!p0 [sflag:s8], $0x0  }
0x24: {  	s3 =	sadd.s32 $0x88, s3;
	s6 =	simm.s32 @!p1 $0x1082;
	[sflag:s4] =	ssyncset.s32 $0xFFFFF086  }
0x25: {  	[simem:s6], [sflag:s4] =	dma.local [hbm:s3], $0xF7A  }
0x26: {  	[smem:$0x3F95] =	sst s1;
	(tag) =	ssettag s2;
	_ =	strace s9  }
0x27: {  	s1 =	sld [smem:$0x3FA5]  }
0x28: {  	s2 =	sld [smem:$0x3FA6]  }
0x29: {  	s4 =	sld [smem:$0x3FA8]  }
0x2a: {  	p0 =	seq.s32 s5, $0x0;
	s5 =	sld [smem:$0x3FA9]  }
0x2b: {  	s6 =	sld [smem:$0x3FAA]  }
0x2c: {  	s7 =	sld [smem:$0x3FAB]  }
0x2d: {  	s3 =	simm.s32 $0x108;
	s8 =	sld [smem:$0x3FAC]  }
0x2e: {  	s3 =	simm.s32 @!p0 $0x1082;
	s9 =	sld [smem:$0x3FAD]  }
0x2f: {  	lr =	sadd.s32 s0, s3;
	s0 =	sld [smem:$0x3FA4]  }
0x30: {  	s3 =	sld [smem:$0x3FA7]  }
0x31: {  	[smem:$0x3FB0] =	sst s10  }
0x32: {  	s10 =	sld [smem:$0x3FAE];
	_ =	sdelay $0x3  }
0x33: {  	p0 =	seq.s32 s10, $0x1;
	s10 =	sld [smem:$0x3FB0];
	_ =	sdelay $0x3  }
0x34: {  	[smem:$0x3FB0] =	sst s10  }
0x35: {  	s10 =	sld [smem:$0x3FAF];
	_ =	sdelay $0x3  }
0x36: {  	p1 =	seq.s32 s10, $0x1;
	s10 =	sld [smem:$0x3FB0];
	_ =	sdelay $0x3  }
0x37: {  	[smem:$0x3FB0] =	sst s10  }
0x38: {  	s10 =	sld [smem:$0x3FB1]  }
0x39: {  	_ = 	snop;
	(pc) =	sbr.ind lr, $3  }
0x3a: {  	_ = 	snop  }
0x3b: {  	_ = 	snop  }
0x3c: {  	p2 =	seq.s32 s10, $0x1;
	s10 =	sld [smem:$0x3FB0]  }
0x3d: {  	_ =	shalt  }
0x3e: {  	_ =	shalt  }
0x3f: {  	_ =	shalt  }
0x40: {  	_ =	shalt  }
0x41: {  	_ =	shalt  }
0x42: {  	_ =	shalt  }
0x43: {  	_ =	shalt  }
0x44: {  	_ =	shalt  }
0x45: {  	_ =	shalt  }
0x46: {  	_ =	shalt  }
0x47: {  	_ =	shalt  }
0x48: {  	_ =	shalt  }
0x49: {  	_ =	shalt  }
0x4a: {  	_ =	shalt  }
0x4b: {  	_ =	shalt  }
0x4c: {  	_ =	shalt  }
0x4d: {  	_ =	shalt  }
0x4e: {  	_ =	shalt  }
0x4f: {  	_ =	shalt  }
0x50: {  	_ =	shalt  }
0x51: {  	_ =	shalt  }
0x52: {  	_ =	shalt  }
0x53: {  	_ =	shalt  }
0x54: {  	_ =	shalt  }
0x55: {  	_ =	shalt  }
0x56: {  	_ =	shalt  }
0x57: {  	_ =	shalt  }
0x58: {  	_ =	shalt  }
0x59: {  	_ =	shalt  }
0x5a: {  	_ =	shalt  }
0x5b: {  	_ =	shalt  }
0x5c: {  	_ =	shalt  }
0x5d: {  	_ =	shalt  }
0x5e: {  	_ =	shalt  }
0x5f: {  	_ =	shalt  }
0x60: {  	_ =	shalt  }
0x61: {  	_ =	shalt  }
0x62: {  	_ =	shalt  }
0x63: {  	_ =	shalt  }
0x64: {  	_ =	shalt  }
0x65: {  	_ =	shalt  }
0x66: {  	_ =	shalt  }
0x67: {  	_ =	shalt  }
0x68: {  	_ =	shalt  }
0x69: {  	_ =	shalt  }
0x6a: {  	_ =	shalt  }
0x6b: {  	_ =	shalt  }
0x6c: {  	_ =	shalt  }
0x6d: {  	_ =	shalt  }
0x6e: {  	_ =	shalt  }
0x6f: {  	_ =	shalt  }
0x70: {  	_ =	shalt  }
0x71: {  	_ =	shalt  }
0x72: {  	_ =	shalt  }
0x73: {  	_ =	shalt  }
0x74: {  	_ =	shalt  }
0x75: {  	_ =	shalt  }
0x76: {  	_ =	shalt  }
0x77: {  	_ =	shalt  }
0x78: {  	_ =	shalt  }
0x79: {  	_ =	shalt  }
0x7a: {  	_ =	shalt  }
0x7b: {  	_ =	shalt  }
0x7c: {  	_ =	shalt  }
0x7d: {  	_ =	shalt  }
0x7e: {  	_ =	shalt  }
0x7f: {  	_ =	shalt  }
0x80: {  	_ =	shalt  }
0x81: {  	_ =	shalt  }
0x82: {  	_ =	shalt  }
0x83: {  	_ =	shalt  }
0x84: {  	_ =	shalt  }
0x85: {  	_ =	shalt  }
0x86: {  	_ =	shalt  }
0x87: {  	_ =	shalt  }
.Lfunc_end0:
.L_simem_size_0:
called_computation_lowered:
.L_overlay_start_0:
0x88: {  	s2 =	sld [smem:$0x3FD9]  }
0x89: {  	s3 =	sld [smem:$0x3FFE];
	_ =	sdelay $0x1  }
0x8a: {  	s1 =	srdreg.scid  }
0x8b: {  	s0 =	sand.u32 $0x1, s1  }
0x8c: {  	s16 =	sshll.u32 s0, $0xA;
	s2 =	sadd.s32 s3, s2  }
0x8d: {  	s2 =	sadd.s32 s2, s16  }
0x8e: {  	[smem:$0x3FBC] =	sst s2  }
0x8f: {  	_ = 	snop  }
0x90: {  	(tm) =	ssettm $0x1  }
0x91: {  	s17 =	sld [smem:$0x3FFB];
	_ =	sdelay $0x3  }
0x92: {  	_ =	strace s17  }
0x93: {  	s2 =	sld [smem:$0x3FFC];
	_ =	sdelay $0x3  }
0x94: {  	_ =	strace s2  }
0x95: {  	s2 =	sld [smem:$0x3FFD];
	_ =	sdelay $0x3  }
0x96: {  	_ =	strace s2  }
0x97: {  	_ =	strace $0x8FFFFFFF  }
0x98: {  	s18 =	sld [smem:$0x3FDB];
	_ =	sdelay $0x1  }
0x99: {  	s19 =	simm.s32 $_scs_section_size  }
0x9a: {  	s4 =	simm.s32 $_size__tile_overlayer_lowered;
	s5 =	simm.s32 $_tile_overlayer_lowered  }
0x9b: {  	s22 =	simm.s32 $0x1BFF;
	s21 =	sshll.u32 s5, $0x1;
	s2 =	sadd.s32 s19, s18  }
0x9c: {  	s6 =	simm.s32 $0x0;
	s20 =	sshll.u32 s4, $0x1;
	s4 =	sadd.s32 s21, s2  }
0x9d: {  	[timem:s6], [sflag:s22] =	dma.local [hbm:s4], s20  }
0x9e: {  	_ =	swait.ge [sflag:s22], s20  }
0x9f: {  	s3 =	ssub.s32 $0x0, s20;
	[sflag:s22] =	ssyncset.done $0x0  }
0xa0: {  	[sflag:s22] =	ssyncadd.s32 s3;
	_ =	sdelay $0x1  }
0xa1: {  	s23 =	simm.s32 $0x1B8B  }
0xa2: {  	_ =	swait.ge [sflag:s23], $0x1  }
0xa3: {  	[sflag:s23] =	ssyncset.done $0x0  }
0xa4: {  	s25 =	simm.s32 $0x1B8E;
	s24 =	sld [smem:$0x3FFE];
	[sflag:s23] =	ssyncadd.s32 $0xFFFFFFFF  }
0xa5: {  	s26 =	simm.s32 $execute0_lowered;
	[smem:$0x3FD2] =	sst s25  }
0xa6: {  	s4 =	sshll.u32 s26, $0x1;
	_ =	strace $0x80000046;
	[dreg:$0x1] =	wrdreg $0xFFFFFFFF  }
0xa7: {  	s28 =	simm.s32 $_size_execute0_lowered;
	s2 =	sadd.s32 s2, s4;
	[dreg:$0x0] =	wrdreg $0x0  }
0xa8: {  	s4 =	sshll.u32 s28, $0x1;
	[dreg:$0x2] =	wrdreg s2  }
0xa9: {  	[dreg:$0x3] =	wrdreg s4  }
0xaa: {  	[dreg:$0x4] =	wrdreg $0xC0  }
0xab: {  	_ =	task [dreg:s6], $0x5FFFF  }
0xac: {  	[dreg:$0x1] =	wrdreg $0xFFFFFFFF  }
0xad: {  	[dreg:$0x0] =	wrdreg $0x60  }
0xae: {  	[dreg:$0x2] =	wrdreg s24  }
0xaf: {  	[dreg:$0x3] =	wrdreg $0x9  }
0xb0: {  	_ =	task.clear_ibuf [dreg:s6], $0x4FFFF;
	_ =	strace $0x90000046  }
0xb1: {  	s29 =	simm.s32 $0x9;
	_ =	strace $0x80000048  }
0xb2: {  	_ =	swait.ge [sflag:s29], $0x1  }
0xb3: {  	[sflag:s29] =	ssyncadd.s32 $0xFFFFFFFF  }
0xb4: {  	_ =	strace $0x90000048  }
0xb5: {  	_ =	sfence  }
0xb6: {  	s30 =	sld [smem:$0x0];
	_ =	sdelay $0x2  }
0xb7: {  	s31 =	sshll.u32 s1, $0xD;
	s1 =	sshrl.u32 s1, $0x2  }
0xb8: {  	s3 =	sand.u32 $0x4000, s31;
	s1 =	sadd.s32 s1, s30  }
0xb9: {  	s0 =	sor.u32 s3, s0;
	s1 =	sshll.u32 s1, $0x11  }
0xba: {  	s0 =	sor.u32 s1, s0  }
0xbb: {  	s0 =	sadd.s32 $0x8F2B, s0  }
0xbc: {  	[sflag:s0] =	ssyncadd.remote.s32 $0x1  }
0xbd: {  	_ =	sfence.sel $0xFFFF  }
0xbe: {  	[dreg:$0x0] =	wrdreg $0xFFFFFFFF;
	(pc) =	sbr.abs _section_cstart, $3  }
0xbf: {  	[dreg:$0x1] =	wrdreg $0xFFFFFFFF  }
0xc0: {  	_ =	task.clear_ibuf [dreg:s6], $0x2FFFF;
	_ =	strace $0x9FFFFFFF  }
0xc1: {  	(tm) =	ssettm $0x7FFFFFFF  }
tec
execute0_lowered:
.L_overlay_start_1:
0x0: {  	(tag) =	ssettag $0x1  }
0x1: {  	s0 =	srdreg.scid;
	s1 =	stileid.u32  }
0x2: {  	s4 =	rddreg [dreg:$0x0];
	s6 =	smul.u32 $0x13C00, s1  }
0x3: {  	s2 =	simm.s32 $0x0;
	s5 =	sand.u32 $0x1, s0;
	s9 =	smul.u32 $0xFFFFFD88, s1  }
0x4: {  	[smem:$0x7FF] =	sst s2;
	s3 =	smul.u32 $0x13C000, s5  }
0x5: {  	s0 =	rddreg [dreg:$0x1];
	_ =	strace $0x80000047;
	s31 =	ssub.s32 $0x2, s5  }
0x6: {  	s8 =	sshrl.u32 s31, $0x1;
	v0 =	vmov s9;
	s9 =	simm.s32 $0x0;
	s3 =	sadd.s32 s6, s3  }
0x7: {  	s6 =	ssub.s32 s31, s8;
	s8 =	simm.s32 $0x400;
	s7 =	sshrl.u32 s3, $0x3  }
0x8: {  	s3 =	sadd.s32 $0x4400, s4;
	s6 =	smax.u32 s6, $0x1;
	s7 =	sadd.s32 s7, s4  }
0x9: {  	v1 =	vimm.f32 $0.0e+00;
	v2 =	vlaneseq.u32;
	v3 =	vimm.f32 $1.000000000e+00;
	s4 =	smul.u32 $0x14000, s5;
	s5 =	sadd.s32 $0x9400, s7;
	s7 =	simm.s32 $0x1  }
.LBB2_1:
0xa: {  	s10 =	simm.s32 $0x200;
	s11 =	simm.s32 $0x0  }
.LBB2_2:
0xb: {  	p0 =	sne.s32 s10, $0x4EE00;
	[tilespmem:s11+$0x400] =	vst v1;
	s11 =	smov.u32 s10;
	s10 =	sadd.s32 $0x200, s10  }
.Ltmp0:
0xc: {  	(pc) =	sbr.rel @p0 .LBB2_2-.Ltmp0, $2  }
0xd: {  	_ =	sdelay $0x2  }
0xe: {  	s11 =	sshra.s32 s11, $0x2  }
0xf: {  	[tilespmem:s11+$0x400] =	vst v1;
	s10 =	simm.s32 $0x0;
	s11 =	simm.s32 $0x0  }
.LBB2_4:
0x10: {  	s12 =	sshll.u32 s11, $0xA  }
0x11: {  	s12 =	sadd.s32 s4, s12  }
0x12: {  	s12 =	sshrl.u32 s12, $0x3  }
0x13: {  	s12 =	sadd.s32 s3, s12  }
0x14: {  	[tilespmem:s10], [sflag:$0x1] =	stream.linear.gather [hbm4b:s12+s10], $0x400, $0x38;
	[tilespmem:$0x14000] =	vst v63  }
0x15: {  	_ =	swait.ge [sflag:s7], $0x400  }
0x16: {  	[sflag:s7] =	ssyncset.done $0x0  }
0x17: {  	s13 =	simm.s32 $0x0;
	s12 =	simm.s32 $0x40;
	[sflag:s7] =	ssyncadd.s32 $0xFFFFFC00  }
.LBB2_5:
0x18: {  	p0 =	sne.s32 s12, $0xFC0;
	v4 =	vld [tilespmem:s13+$0x0];
	_ =	sdelay $0x4  }
0x19: {  	v4 =	vadd.s32 v0, v4  }
0x1a: {  	v5 =	vshll.u32 v4, $0x7  }
0x1b: {  	vm0 =	vlt.u32 v4, $0x278;
	v4 =	vor.u32 v2, v5  }
0x1c: {  	v4 =	vsel vm0, v4, v2  }
.Ltmp1:
0x1d: {  	(pc) =	sbr.rel @p0 .LBB2_5-.Ltmp1, $2  }
0x1e: {  	_ =	sdelay $0x2  }
0x1f: {  	s13 =	sshra.s32 s12, $0x2;
	s12 =	sadd.s32 $0x40, s12;
	[tilespmem:v4+s8+$0x0] =	vst.idx.add.f32.msk vm0, v3  }
0x20: {  	v4 =	vld [tilespmem:s13+$0x0];
	_ =	sdelay $0x4  }
0x21: {  	v4 =	vadd.s32 v0, v4  }
0x22: {  	v5 =	vshll.u32 v4, $0x7  }
0x23: {  	s11 =	sadd.s32 $0x1, s11;
	vm0 =	vlt.u32 v4, $0x278;
	v4 =	vor.u32 v2, v5  }
0x24: {  	p0 =	sne.s32 s11, $0x50;
	v4 =	vsel vm0, v4, v2  }
.Ltmp2:
0x25: {  	_ = 	snop;
	(pc) =	sbr.rel @p0 .LBB2_4-.Ltmp2, $2  }
0x26: {  	_ =	sdelay $0x2  }
0x27: {  	[tilespmem:v4+s8+$0x0] =	vst.idx.add.f32.msk vm0, v3  }
0x28: {  	s9 =	sadd.s32 $0x1, s9  }
0x29: {  	p0 =	sne.s32 s9, s6  }
.Ltmp3:
0x2a: {  	_ = 	snop;
	(pc) =	sbr.rel @p0 .LBB2_1-.Ltmp3, $4  }
0x2b: {  	[hbm4b:s5+s2] =	stream.linear.scatter [tilespmem:s8], [sflag:$0x1], $0x13C00, $0x38;
	[tilespmem:$0x14000] =	vst v63  }
0x2c: {  	_ =	swait.ge [sflag:s7], $0x13C00  }
0x2d: {  	[sflag:s7] =	ssyncset.done $0x0  }
0x2e: {  	[sflag:s7] =	ssyncadd.s32 $0xFFFEC400  }
0x2f: {  	_ =	sfence.sel $0x180000  }
0x30: {  	[bflag:$0x0] =	sbarrier.arrive $0xFFFF  }
0x31: {  	p0 =	sne.s32 s1, $0x0;
	_ =	strace $0x90000047  }
0x32: {  	s0 =	sadd.s32 @!p0 $0x100000, s0;
	[bflag:$0x2] =	sbarrier.arrive $0xFFFF  }
0x33: {  	[sflag:s0] =	ssyncadd.tile.s32 @!p0 $0x1;
	_ =	shalt  }
.Lfunc_end2:
_tile_overlayer_lowered:
.L_overlay_start_2:
0x34: {  	(tag) =	ssettag $0x2  }
0x35: {  	s0 =	rddreg [dreg:$0x0];
	s2 =	stileid.u32  }
0x36: {  	s1 =	rddreg [dreg:$0x1];
	p0 =	sne.s32 s2, $0x0  }
0x37: {  	s3 =	rddreg [dreg:$0x2];
	[bflag:$0x3] =	sbarrier.arrive $0xFFFF;
	s2 =	simm.s32 @!p0 $0x1C01  }
0x38: {  	[timem:s3], [sflag:s2] =	dma.local @!p0 [hbm:s0], s1  }
0x39: {  	s0 =	simm.s32 @!p0 $0x1  }
0x3a: {  	_ =	swait.ge @!p0 [sflag:s0], s1  }
0x3b: {  	s1 =	ssub.s32 @!p0 $0x0, s1;
	[sflag:s0] =	ssyncset.done @!p0 $0x0  }
0x3c: {  	[sflag:s0] =	ssyncadd.s32 @!p0 s1  }
0x3d: {  	[bflag:$0x3] =	sbarrier.arrive $0xFFFF  }
0x3e: {  	_ =	shalt  }

</sc_bundles>
